<compile_context>
chip_gen: v7x
topology: tpu7x:2x2x1
jax: 0.10.2.dev20260603
libtpu: 0.0.44.dev20260713+nightly
codegen_flags: <defaults>
</compile_context>

<pallas_src>
import functools

import jax
import jax.numpy as jnp
from jax import lax
from jax.experimental import pallas as pl
from jax.experimental.pallas import tpu as pltpu
from jax.experimental.pallas import tpu_sc as plsc

_NW = 32
_NBUF = 11


def _sc_gather_cols(tableT, idx_2d, b_per_w):
    D, V = tableT.shape
    max_start = ((V - 128) // 128) * 128
    mesh = plsc.VectorSubcoreMesh(core_axis_name="c", subcore_axis_name="s")

    @functools.partial(
        pl.kernel,
        mesh=mesh,
        out_type=jax.ShapeDtypeStruct((D, _NW * b_per_w), jnp.float32),
        scratch_types=[
            pltpu.VMEM((b_per_w // 16, 16), jnp.int32),
            pltpu.VMEM((_NBUF, D, 128), jnp.float32),
            pltpu.VMEM((D, b_per_w), jnp.float32),
        ] + [pltpu.SemaphoreType.DMA] * _NBUF,
        compiler_params=pltpu.CompilerParams(needs_layout_passes=False),
    )
    def gather_kernel(idx_hbm, table_hbm, out_hbm, idx_v, fetch_v, cols_v,
                      *sems):
        wid = lax.axis_index("s") * 2 + lax.axis_index("c")
        pltpu.sync_copy(idx_hbm.at[wid], idx_v)
        rows = [jnp.arange(p * 16, p * 16 + 16, dtype=jnp.int32)
                for p in range(D // 16)]
        idx2 = idx_v

        def getid(i):
            g = lax.shift_right_logical(i, 4)
            lane = lax.bitwise_and(i, 15)
            v = plsc.load_gather(idx2, [jnp.zeros((16,), jnp.int32) + g,
                                        jnp.zeros((16,), jnp.int32) + lane])
            return v[0]

        def colstart(r):
            jt = lax.shift_right_logical(r, 7) * 128
            return jnp.minimum(jt, max_start)

        def fire(i, q):
            start = colstart(getid(i))
            pltpu.async_copy(
                table_hbm.at[:, pl.ds(pl.multiple_of(start, 128), 128)],
                fetch_v.at[q], sems[q])

        for q in range(_NBUF):
            fire(jnp.int32(q), q)

        def make_step(q):
          pq = (q - 1) % _NBUF

          def step(i, carry):
            pltpu.make_async_copy(
                table_hbm.at[:, pl.ds(0, 128)],
                fetch_v.at[q], sems[q]).wait()

            @pl.when((i >= 1) & (i - 1 + _NBUF < b_per_w))
            def _():
                fire(i - 1 + _NBUF, pq)

            r = getid(i)
            loff = jnp.minimum(r - colstart(r), 127)
            cvec = jnp.zeros((16,), jnp.int32) + loff
            ovec = jnp.zeros((16,), jnp.int32) + i
            for p in range(D // 16):
                vals = plsc.load_gather(fetch_v.at[q], [rows[p], cvec])
                plsc.store_scatter(cols_v, [rows[p], ovec], vals)
            return carry

          return step

        steps = [make_step(q) for q in range(_NBUF)]

        def macro_step(m, carry):
            base = m * _NBUF
            for q in range(_NBUF):
                steps[q](base + q, carry)
            return carry

        n_macro = b_per_w // _NBUF
        lax.fori_loop(0, n_macro, macro_step, 0)
        for i in range(n_macro * _NBUF, b_per_w):
            steps[i % _NBUF](jnp.int32(i), 0)
        obase = pl.multiple_of(wid * b_per_w, 128)
        pltpu.sync_copy(cols_v, out_hbm.at[:, pl.ds(obase, b_per_w)])

    return gather_kernel(idx_2d, tableT)


def _tc_mlp_t(embT, idx_2d, tail, Wcat, ccat, w2cat, b2, L, t0, BB):
    D, B = embT.shape
    n_tail = tail.shape[0]

    def body(e_ref, i_ref, tl_ref, wc_ref, cc_ref, w2_ref, b2_ref, out_ref):
        x = e_ref[...]
        toff = i_ref[0] - t0
        sub = jax.lax.broadcasted_iota(jnp.int32, (n_tail, BB), 0)
        onehot = jnp.where(sub == toff[None, :], 1.0, 0.0)
        fix = lax.dot_general(tl_ref[...], onehot, (((0,), (0,)), ((), ())),
                              preferred_element_type=jnp.float32)
        x = jnp.where((toff >= 0)[None, :], fix, x)
        mu = jnp.mean(x, axis=0, keepdims=True)
        xc = x - mu
        var = jnp.mean(xc * xc, axis=0, keepdims=True)
        base = xc * lax.rsqrt(var + 1e-5)
        h = lax.dot_general(wc_ref[...], base, (((0,), (0,)), ((), ())),
                            preferred_element_type=jnp.float32)
        h = jnp.maximum(h + cc_ref[0][:, None], 0.0)
        h4 = h.reshape(L, D, BB)
        m = jnp.sum(h4 * w2_ref[...][:, :, None], axis=1)
        out_ref[...] = jax.nn.sigmoid(m + b2_ref[...])

    grid = (B // BB,)
    return pl.pallas_call(
        body,
        grid=grid,
        in_specs=[
            pl.BlockSpec((D, BB), lambda w: (0, w)),
            pl.BlockSpec((1, BB), lambda w: (0, w)),
            pl.BlockSpec((n_tail, D), lambda w: (0, 0)),
            pl.BlockSpec((D, L * D), lambda w: (0, 0)),
            pl.BlockSpec((1, L * D), lambda w: (0, 0)),
            pl.BlockSpec((L, D), lambda w: (0, 0)),
            pl.BlockSpec((L, 1), lambda w: (0, 0)),
        ],
        out_specs=pl.BlockSpec((L, BB), lambda w: (0, w)),
        out_shape=jax.ShapeDtypeStruct((L, B), jnp.float32),
    )(embT, idx_2d, tail, Wcat, ccat, w2cat, b2)


def kernel(task_id, table, gammas, betas, W1, b1, W2, b2):
    B = task_id.shape[0]
    V, D = table.shape
    L = gammas.shape[0]
    tableT = table.T
    t0 = ((V - 128) // 128) * 128 + 128
    tail = table[t0:, :]
    b_per_w = B // _NW
    tid = task_id.astype(jnp.int32)
    Wcat = (W1 * gammas[:, :, None]).transpose(1, 0, 2).reshape(D, L * D)
    ccat = (jnp.einsum("lk,lkn->ln", betas, W1) + b1).reshape(1, L * D)
    embT = _sc_gather_cols(tableT, tid.reshape(_NW, b_per_w // 16, 16),
                           b_per_w)
    masks = _tc_mlp_t(embT, tid.reshape(1, B), tail, Wcat, ccat,
                      W2.reshape(L, D), b2, L, t0, BB=4096)
    return masks.reshape(L, B, 1)

# --- scband reference (transcript-rebuilt; emitter-appended) ---
"""Pipeline reference for scband-task-embedding-56573309223960 (READ-ONLY COPY).

The authoritative reference and input builder live on the scoring server;
editing this copy changes nothing except your own understanding.
"""

import jax, jax.numpy as jnp
import numpy as np

NUM_TASKS = 1000000
DIM = 64
NUM_LAYERS = 4
BATCH = 16384


def setup_inputs(seed: int = 0) -> dict:
    key = jax.random.key(seed)
    ks = jax.random.split(key, 6)
    task_id = jax.random.randint(ks[0], (BATCH,), 0, NUM_TASKS, dtype=jnp.int64 if jax.config.jax_enable_x64 else jnp.int32)
    table = jax.random.normal(ks[1], (NUM_TASKS, DIM), dtype=jnp.float32)
    gammas = jnp.ones((NUM_LAYERS, DIM), dtype=jnp.float32)
    betas = jnp.zeros((NUM_LAYERS, DIM), dtype=jnp.float32)
    W1 = jax.random.normal(ks[2], (NUM_LAYERS, DIM, DIM), dtype=jnp.float32) * 0.05
    b1 = jnp.zeros((NUM_LAYERS, DIM), dtype=jnp.float32)
    W2 = jax.random.normal(ks[3], (NUM_LAYERS, DIM, 1), dtype=jnp.float32) * 0.05
    b2 = jnp.zeros((NUM_LAYERS, 1), dtype=jnp.float32)
    return {"task_id": task_id, "table": table, "gammas": gammas, "betas": betas, "W1": W1, "b1": b1, "W2": W2, "b2": b2}


def reference(task_id, table, gammas, betas, W1, b1, W2, b2):
    # Embedding lookup (SparseCore gather)
    emb = jnp.take(table, task_id, axis=0)  # [B, DIM]
    masks = []
    for i in range(NUM_LAYERS):
        # LayerNorm over last dim (eps=1e-5, elementwise affine)
        mu = jnp.mean(emb, axis=-1, keepdims=True)
        var = jnp.var(emb, axis=-1, keepdims=True)
        normed = (emb - mu) / jnp.sqrt(var + 1e-5) * gammas[i] + betas[i]
        # mask predictor: Linear -> ReLU -> Linear -> sigmoid
        h = jax.nn.relu(normed @ W1[i] + b1[i])
        mask = jax.nn.sigmoid(h @ W2[i] + b2[i])  # [B, 1]
        masks.append(mask)
    # Original returns a Python list; stack for a single array output [L, B, 1]
    return jnp.stack(masks, axis=0)

if __name__ == "__main__":
    import jax
    _d = setup_inputs()
    print(jax.jit(kernel)(*tuple(_d.values())))

</pallas_src>

<mosaic_0001>
#map = affine_map<(d0, d1) -> (0, 0, 0)>
#map1 = affine_map<(d0, d1) -> (0, 0)>
module attributes {stable_mosaic.version = 14 : i64} {
  func.func @gather_kernel(%arg0: i32, %arg1: i32, %arg2: memref<32x32x16xi32, #tpu.memory_space<hbm>>, %arg3: memref<64x1000000xf32, #tpu.memory_space<hbm>>, %arg4: memref<64x16384xf32, #tpu.memory_space<hbm>>, %arg5: memref<32x16xi32, #tpu.memory_space<vmem>>, %arg6: memref<11x64x128xf32, #tpu.memory_space<vmem>>, %arg7: memref<64x512xf32, #tpu.memory_space<vmem>>, %arg8: memref<!tpu.dma_semaphore, #tpu.memory_space<semaphore_mem>>, %arg9: memref<!tpu.dma_semaphore, #tpu.memory_space<semaphore_mem>>, %arg10: memref<!tpu.dma_semaphore, #tpu.memory_space<semaphore_mem>>, %arg11: memref<!tpu.dma_semaphore, #tpu.memory_space<semaphore_mem>>, %arg12: memref<!tpu.dma_semaphore, #tpu.memory_space<semaphore_mem>>, %arg13: memref<!tpu.dma_semaphore, #tpu.memory_space<semaphore_mem>>, %arg14: memref<!tpu.dma_semaphore, #tpu.memory_space<semaphore_mem>>, %arg15: memref<!tpu.dma_semaphore, #tpu.memory_space<semaphore_mem>>, %arg16: memref<!tpu.dma_semaphore, #tpu.memory_space<semaphore_mem>>, %arg17: memref<!tpu.dma_semaphore, #tpu.memory_space<semaphore_mem>>, %arg18: memref<!tpu.dma_semaphore, #tpu.memory_space<semaphore_mem>>) attributes {dimension_semantics = [#tpu.dimension_semantics<core_parallel>, #tpu.dimension_semantics<subcore_parallel>], iteration_bounds = array<i64: 2, 16>, scalar_prefetch = 0 : i64, scratch_operands = 14 : i64, tpu.core_type = #tpu.core_type<sc_vector_subcore>, window_params = [{transform_indices = #map}, {transform_indices = #map1}, {transform_indices = #map1}]} {
    %mul3A = arith.constant 2 : i32
    %mul3A_0 = arith.muli %arg1, %mul3A : i32
    %add3A = arith.addi %mul3A_0, %arg0 : i32
    "tpu.region"() ({
      %run_scoped3A = tpu.sem_alloc : memref<!tpu.dma_semaphore, #tpu.memory_space<semaphore_mem>>
      %dma_start3A_947 = arith.constant 0 : i32
      %dma_start3A_948 = arith.constant 0 : i32
      %dma_start3A_949 = tpu.memref_slice %arg2[%add3A, %dma_start3A_947, %dma_start3A_948] : memref<32x32x16xi32, #tpu.memory_space<hbm>> -> memref<1x32x16xi32, #tpu.memory_space<hbm>>
      %dma_start3A_950 = tpu.memref_squeeze %dma_start3A_949 : memref<1x32x16xi32, #tpu.memory_space<hbm>> -> memref<32x16xi32, #tpu.memory_space<hbm>>
      %dma_start3A_951 = arith.constant 0 : i32
      %dma_start3A_952 = arith.constant 0 : i32
      %dma_start3A_953 = tpu.memref_slice %arg2[%add3A, %dma_start3A_951, %dma_start3A_952] : memref<32x32x16xi32, #tpu.memory_space<hbm>> -> memref<1x32x16xi32, #tpu.memory_space<hbm>>
      %dma_start3A_954 = tpu.memref_squeeze %dma_start3A_953 : memref<1x32x16xi32, #tpu.memory_space<hbm>> -> memref<32x16xi32, #tpu.memory_space<hbm>>
      tpu.enqueue_dma source(%dma_start3A_954 : memref<32x16xi32, #tpu.memory_space<hbm>>) target(%arg5 : memref<32x16xi32, #tpu.memory_space<vmem>>) target_semaphore(%run_scoped3A : memref<!tpu.dma_semaphore, #tpu.memory_space<semaphore_mem>>)
      %dma_wait3A_955 = arith.constant 0 : i32
      %dma_wait3A_956 = arith.constant 0 : i32
      %dma_wait3A_957 = tpu.memref_slice %arg2[%add3A, %dma_wait3A_955, %dma_wait3A_956] : memref<32x32x16xi32, #tpu.memory_space<hbm>> -> memref<1x32x16xi32, #tpu.memory_space<hbm>>
      %dma_wait3A_958 = tpu.memref_squeeze %dma_wait3A_957 : memref<1x32x16xi32, #tpu.memory_space<hbm>> -> memref<32x16xi32, #tpu.memory_space<hbm>>
      %dma_wait3A_959 = arith.constant 0 : i32
      %dma_wait3A_960 = arith.constant 0 : i32
      %dma_wait3A_961 = tpu.memref_slice %arg2[%add3A, %dma_wait3A_959, %dma_wait3A_960] : memref<32x32x16xi32, #tpu.memory_space<hbm>> -> memref<1x32x16xi32, #tpu.memory_space<hbm>>
      %dma_wait3A_962 = tpu.memref_squeeze %dma_wait3A_961 : memref<1x32x16xi32, #tpu.memory_space<hbm>> -> memref<32x16xi32, #tpu.memory_space<hbm>>
      tpu.wait_dma2 semaphore(%run_scoped3A : memref<!tpu.dma_semaphore, #tpu.memory_space<semaphore_mem>>) src(%dma_wait3A_962 : memref<32x16xi32, #tpu.memory_space<hbm>>) dst(%arg5 : memref<32x16xi32, #tpu.memory_space<vmem>>)
      tpu.yield
    }) : () -> ()
    %iota3A = tpu.iota {dimensions = array<i32: 0>} : vector<16xi32>
    %iota3A_1 = tpu.iota {dimensions = array<i32: 0>} : vector<16xi32>
    %add3A_2 = arith.constant 16 : i32
    %add3A_3 = vector.broadcast %add3A_2 : i32 to vector<16xi32>
    %add3A_4 = arith.addi %add3A_3, %iota3A_1 : vector<16xi32>
    %iota3A_5 = tpu.iota {dimensions = array<i32: 0>} : vector<16xi32>
    %add3A_6 = arith.constant 32 : i32
    %add3A_7 = vector.broadcast %add3A_6 : i32 to vector<16xi32>
    %add3A_8 = arith.addi %add3A_7, %iota3A_5 : vector<16xi32>
    %iota3A_9 = tpu.iota {dimensions = array<i32: 0>} : vector<16xi32>
    %add3A_10 = arith.constant 48 : i32
    %add3A_11 = vector.broadcast %add3A_10 : i32 to vector<16xi32>
    %add3A_12 = arith.addi %add3A_11, %iota3A_9 : vector<16xi32>
    %shift_right_logical3A = arith.constant 0 : i32
    %shift_right_logical3A_13 = arith.constant 4 : i32
    %shift_right_logical3A_14 = arith.shrui %shift_right_logical3A, %shift_right_logical3A_13 : i32
    %and3A = arith.constant 0 : i32
    %and3A_15 = arith.constant 15 : i32
    %and3A_16 = arith.andi %and3A, %and3A_15 : i32
    %broadcast_in_dim3A = arith.constant 0 : i32
    %broadcast_in_dim3A_17 = vector.broadcast %broadcast_in_dim3A : i32 to vector<16xi32>
    %add3A_18 = vector.broadcast %shift_right_logical3A_14 : i32 to vector<16xi32>
    %add3A_19 = arith.addi %broadcast_in_dim3A_17, %add3A_18 : vector<16xi32>
    %broadcast_in_dim3A_20 = arith.constant 0 : i32
    %broadcast_in_dim3A_21 = vector.broadcast %broadcast_in_dim3A_20 : i32 to vector<16xi32>
    %add3A_22 = vector.broadcast %and3A_16 : i32 to vector<16xi32>
    %add3A_23 = arith.addi %broadcast_in_dim3A_21, %add3A_22 : vector<16xi32>
    %gather3A = tpu.vector_load_idx %arg5[%add3A_19, %add3A_23] : memref<32x16xi32, #tpu.memory_space<vmem>>[vector<16xi32>, vector<16xi32>], vector<16xi32>,
    %slice3A = vector.extract_strided_slice %gather3A {offsets = [0], sizes = [1], strides = [1]} : vector<16xi32> to vector<1xi32>
    %squeeze3A = vector.extract %slice3A[0] : i32 from vector<1xi32>
    %shift_right_logical3A_24 = arith.constant 7 : i32
    %shift_right_logical3A_25 = arith.shrui %squeeze3A, %shift_right_logical3A_24 : i32
    %mul3A_26 = arith.constant 128 : i32
    %mul3A_27 = arith.muli %shift_right_logical3A_25, %mul3A_26 : i32
    %min3A = arith.constant 999808 : i32
    %min3A_28 = arith.minsi %mul3A_27, %min3A : i32
    %multiple_of3A = tpu.assume_multiple %min3A_28, 128 : i32
    %dma_start3A = arith.constant 0 : i32
    %dma_start3A_29 = arith.constant 0 : i32
    %dma_start3A_30 = arith.constant 0 : i32
    %dma_start3A_31 = tpu.memref_slice %arg6[%dma_start3A, %dma_start3A_29, %dma_start3A_30] : memref<11x64x128xf32, #tpu.memory_space<vmem>> -> memref<1x64x128xf32, #tpu.memory_space<vmem>>
    %dma_start3A_32 = tpu.memref_squeeze %dma_start3A_31 : memref<1x64x128xf32, #tpu.memory_space<vmem>> -> memref<64x128xf32, #tpu.memory_space<vmem>>
    %dma_start3A_33 = arith.constant 0 : i32
    %dma_start3A_34 = tpu.memref_slice %arg3[%dma_start3A_33, %multiple_of3A] : memref<64x1000000xf32, #tpu.memory_space<hbm>> -> memref<64x128xf32, #tpu.memory_space<hbm>>
    %dma_start3A_35 = arith.constant 0 : i32
    %dma_start3A_36 = arith.constant 0 : i32
    %dma_start3A_37 = tpu.memref_slice %arg6[%dma_start3A, %dma_start3A_35, %dma_start3A_36] : memref<11x64x128xf32, #tpu.memory_space<vmem>> -> memref<1x64x128xf32, #tpu.memory_space<vmem>>
    %dma_start3A_38 = tpu.memref_squeeze %dma_start3A_37 : memref<1x64x128xf32, #tpu.memory_space<vmem>> -> memref<64x128xf32, #tpu.memory_space<vmem>>
    %dma_start3A_39 = arith.constant 0 : i32
    %dma_start3A_40 = tpu.memref_slice %arg3[%dma_start3A_39, %multiple_of3A] : memref<64x1000000xf32, #tpu.memory_space<hbm>> -> memref<64x128xf32, #tpu.memory_space<hbm>>
    tpu.enqueue_dma source(%dma_start3A_40 : memref<64x128xf32, #tpu.memory_space<hbm>>) target(%dma_start3A_38 : memref<64x128xf32, #tpu.memory_space<vmem>>) target_semaphore(%arg8 : memref<!tpu.dma_semaphore, #tpu.memory_space<semaphore_mem>>)
    %shift_right_logical3A_41 = arith.constant 1 : i32
    %shift_right_logical3A_42 = arith.constant 4 : i32
    %shift_right_logical3A_43 = arith.shrui %shift_right_logical3A_41, %shift_right_logical3A_42 : i32
    %and3A_44 = arith.constant 1 : i32
    %and3A_45 = arith.constant 15 : i32
    %and3A_46 = arith.andi %and3A_44, %and3A_45 : i32
    %broadcast_in_dim3A_47 = arith.constant 0 : i32
    %broadcast_in_dim3A_48 = vector.broadcast %broadcast_in_dim3A_47 : i32 to vector<16xi32>
    %add3A_49 = vector.broadcast %shift_right_logical3A_43 : i32 to vector<16xi32>
    %add3A_50 = arith.addi %broadcast_in_dim3A_48, %add3A_49 : vector<16xi32>
    %broadcast_in_dim3A_51 = arith.constant 0 : i32
    %broadcast_in_dim3A_52 = vector.broadcast %broadcast_in_dim3A_51 : i32 to vector<16xi32>
    %add3A_53 = vector.broadcast %and3A_46 : i32 to vector<16xi32>
    %add3A_54 = arith.addi %broadcast_in_dim3A_52, %add3A_53 : vector<16xi32>
    %gather3A_55 = tpu.vector_load_idx %arg5[%add3A_50, %add3A_54] : memref<32x16xi32, #tpu.memory_space<vmem>>[vector<16xi32>, vector<16xi32>], vector<16xi32>,
    %slice3A_56 = vector.extract_strided_slice %gather3A_55 {offsets = [0], sizes = [1], strides = [1]} : vector<16xi32> to vector<1xi32>
    %squeeze3A_57 = vector.extract %slice3A_56[0] : i32 from vector<1xi32>
    %shift_right_logical3A_58 = arith.constant 7 : i32
    %shift_right_logical3A_59 = arith.shrui %squeeze3A_57, %shift_right_logical3A_58 : i32
    %mul3A_60 = arith.constant 128 : i32
    %mul3A_61 = arith.muli %shift_right_logical3A_59, %mul3A_60 : i32
    %min3A_62 = arith.constant 999808 : i32
    %min3A_63 = arith.minsi %mul3A_61, %min3A_62 : i32
    %multiple_of3A_64 = tpu.assume_multiple %min3A_63, 128 : i32
    %dma_start3A_65 = arith.constant 1 : i32
    %dma_start3A_66 = arith.constant 0 : i32
    %dma_start3A_67 = arith.constant 0 : i32
    %dma_start3A_68 = tpu.memref_slice %arg6[%dma_start3A_65, %dma_start3A_66, %dma_start3A_67] : memref<11x64x128xf32, #tpu.memory_space<vmem>> -> memref<1x64x128xf32, #tpu.memory_space<vmem>>
    %dma_start3A_69 = tpu.memref_squeeze %dma_start3A_68 : memref<1x64x128xf32, #tpu.memory_space<vmem>> -> memref<64x128xf32, #tpu.memory_space<vmem>>
    %dma_start3A_70 = arith.constant 0 : i32
    %dma_start3A_71 = tpu.memref_slice %arg3[%dma_start3A_70, %multiple_of3A_64] : memref<64x1000000xf32, #tpu.memory_space<hbm>> -> memref<64x128xf32, #tpu.memory_space<hbm>>
    %dma_start3A_72 = arith.constant 0 : i32
    %dma_start3A_73 = arith.constant 0 : i32
    %dma_start3A_74 = tpu.memref_slice %arg6[%dma_start3A_65, %dma_start3A_72, %dma_start3A_73] : memref<11x64x128xf32, #tpu.memory_space<vmem>> -> memref<1x64x128xf32, #tpu.memory_space<vmem>>
    %dma_start3A_75 = tpu.memref_squeeze %dma_start3A_74 : memref<1x64x128xf32, #tpu.memory_space<vmem>> -> memref<64x128xf32, #tpu.memory_space<vmem>>
    %dma_start3A_76 = arith.constant 0 : i32
    %dma_start3A_77 = tpu.memref_slice %arg3[%dma_start3A_76, %multiple_of3A_64] : memref<64x1000000xf32, #tpu.memory_space<hbm>> -> memref<64x128xf32, #tpu.memory_space<hbm>>
    tpu.enqueue_dma source(%dma_start3A_77 : memref<64x128xf32, #tpu.memory_space<hbm>>) target(%dma_start3A_75 : memref<64x128xf32, #tpu.memory_space<vmem>>) target_semaphore(%arg9 : memref<!tpu.dma_semaphore, #tpu.memory_space<semaphore_mem>>)
    %shift_right_logical3A_78 = arith.constant 2 : i32
    %shift_right_logical3A_79 = arith.constant 4 : i32
    %shift_right_logical3A_80 = arith.shrui %shift_right_logical3A_78, %shift_right_logical3A_79 : i32
    %and3A_81 = arith.constant 2 : i32
    %and3A_82 = arith.constant 15 : i32
    %and3A_83 = arith.andi %and3A_81, %and3A_82 : i32
    %broadcast_in_dim3A_84 = arith.constant 0 : i32
    %broadcast_in_dim3A_85 = vector.broadcast %broadcast_in_dim3A_84 : i32 to vector<16xi32>
    %add3A_86 = vector.broadcast %shift_right_logical3A_80 : i32 to vector<16xi32>
    %add3A_87 = arith.addi %broadcast_in_dim3A_85, %add3A_86 : vector<16xi32>
    %broadcast_in_dim3A_88 = arith.constant 0 : i32
    %broadcast_in_dim3A_89 = vector.broadcast %broadcast_in_dim3A_88 : i32 to vector<16xi32>
    %add3A_90 = vector.broadcast %and3A_83 : i32 to vector<16xi32>
    %add3A_91 = arith.addi %broadcast_in_dim3A_89, %add3A_90 : vector<16xi32>
    %gather3A_92 = tpu.vector_load_idx %arg5[%add3A_87, %add3A_91] : memref<32x16xi32, #tpu.memory_space<vmem>>[vector<16xi32>, vector<16xi32>], vector<16xi32>,
    %slice3A_93 = vector.extract_strided_slice %gather3A_92 {offsets = [0], sizes = [1], strides = [1]} : vector<16xi32> to vector<1xi32>
    %squeeze3A_94 = vector.extract %slice3A_93[0] : i32 from vector<1xi32>
    %shift_right_logical3A_95 = arith.constant 7 : i32
    %shift_right_logical3A_96 = arith.shrui %squeeze3A_94, %shift_right_logical3A_95 : i32
    %mul3A_97 = arith.constant 128 : i32
    %mul3A_98 = arith.muli %shift_right_logical3A_96, %mul3A_97 : i32
    %min3A_99 = arith.constant 999808 : i32
    %min3A_100 = arith.minsi %mul3A_98, %min3A_99 : i32
    %multiple_of3A_101 = tpu.assume_multiple %min3A_100, 128 : i32
    %dma_start3A_102 = arith.constant 2 : i32
    %dma_start3A_103 = arith.constant 0 : i32
    %dma_start3A_104 = arith.constant 0 : i32
    %dma_start3A_105 = tpu.memref_slice %arg6[%dma_start3A_102, %dma_start3A_103, %dma_start3A_104] : memref<11x64x128xf32, #tpu.memory_space<vmem>> -> memref<1x64x128xf32, #tpu.memory_space<vmem>>
    %dma_start3A_106 = tpu.memref_squeeze %dma_start3A_105 : memref<1x64x128xf32, #tpu.memory_space<vmem>> -> memref<64x128xf32, #tpu.memory_space<vmem>>
    %dma_start3A_107 = arith.constant 0 : i32
    %dma_start3A_108 = tpu.memref_slice %arg3[%dma_start3A_107, %multiple_of3A_101] : memref<64x1000000xf32, #tpu.memory_space<hbm>> -> memref<64x128xf32, #tpu.memory_space<hbm>>
    %dma_start3A_109 = arith.constant 0 : i32
    %dma_start3A_110 = arith.constant 0 : i32
    %dma_start3A_111 = tpu.memref_slice %arg6[%dma_start3A_102, %dma_start3A_109, %dma_start3A_110] : memref<11x64x128xf32, #tpu.memory_space<vmem>> -> memref<1x64x128xf32, #tpu.memory_space<vmem>>
    %dma_start3A_112 = tpu.memref_squeeze %dma_start3A_111 : memref<1x64x128xf32, #tpu.memory_space<vmem>> -> memref<64x128xf32, #tpu.memory_space<vmem>>
    %dma_start3A_113 = arith.constant 0 : i32
    %dma_start3A_114 = tpu.memref_slice %arg3[%dma_start3A_113, %multiple_of3A_101] : memref<64x1000000xf32, #tpu.memory_space<hbm>> -> memref<64x128xf32, #tpu.memory_space<hbm>>
    tpu.enqueue_dma source(%dma_start3A_114 : memref<64x128xf32, #tpu.memory_space<hbm>>) target(%dma_start3A_112 : memref<64x128xf32, #tpu.memory_space<vmem>>) target_semaphore(%arg10 : memref<!tpu.dma_semaphore, #tpu.memory_space<semaphore_mem>>)
    %shift_right_logical3A_115 = arith.constant 3 : i32
    %shift_right_logical3A_116 = arith.constant 4 : i32
    %shift_right_logical3A_117 = arith.shrui %shift_right_logical3A_115, %shift_right_logical3A_116 : i32
    %and3A_118 = arith.constant 3 : i32
    %and3A_119 = arith.constant 15 : i32
    %and3A_120 = arith.andi %and3A_118, %and3A_119 : i32
    %broadcast_in_dim3A_121 = arith.constant 0 : i32
    %broadcast_in_dim3A_122 = vector.broadcast %broadcast_in_dim3A_121 : i32 to vector<16xi32>
    %add3A_123 = vector.broadcast %shift_right_logical3A_117 : i32 to vector<16xi32>
    %add3A_124 = arith.addi %broadcast_in_dim3A_122, %add3A_123 : vector<16xi32>
    %broadcast_in_dim3A_125 = arith.constant 0 : i32
    %broadcast_in_dim3A_126 = vector.broadcast %broadcast_in_dim3A_125 : i32 to vector<16xi32>
    %add3A_127 = vector.broadcast %and3A_120 : i32 to vector<16xi32>
    %add3A_128 = arith.addi %broadcast_in_dim3A_126, %add3A_127 : vector<16xi32>
    %gather3A_129 = tpu.vector_load_idx %arg5[%add3A_124, %add3A_128] : memref<32x16xi32, #tpu.memory_space<vmem>>[vector<16xi32>, vector<16xi32>], vector<16xi32>,
    %slice3A_130 = vector.extract_strided_slice %gather3A_129 {offsets = [0], sizes = [1], strides = [1]} : vector<16xi32> to vector<1xi32>
    %squeeze3A_131 = vector.extract %slice3A_130[0] : i32 from vector<1xi32>
    %shift_right_logical3A_132 = arith.constant 7 : i32
    %shift_right_logical3A_133 = arith.shrui %squeeze3A_131, %shift_right_logical3A_132 : i32
    %mul3A_134 = arith.constant 128 : i32
    %mul3A_135 = arith.muli %shift_right_logical3A_133, %mul3A_134 : i32
    %min3A_136 = arith.constant 999808 : i32
    %min3A_137 = arith.minsi %mul3A_135, %min3A_136 : i32
    %multiple_of3A_138 = tpu.assume_multiple %min3A_137, 128 : i32
    %dma_start3A_139 = arith.constant 3 : i32
    %dma_start3A_140 = arith.constant 0 : i32
    %dma_start3A_141 = arith.constant 0 : i32
    %dma_start3A_142 = tpu.memref_slice %arg6[%dma_start3A_139, %dma_start3A_140, %dma_start3A_141] : memref<11x64x128xf32, #tpu.memory_space<vmem>> -> memref<1x64x128xf32, #tpu.memory_space<vmem>>
    %dma_start3A_143 = tpu.memref_squeeze %dma_start3A_142 : memref<1x64x128xf32, #tpu.memory_space<vmem>> -> memref<64x128xf32, #tpu.memory_space<vmem>>
    %dma_start3A_144 = arith.constant 0 : i32
    %dma_start3A_145 = tpu.memref_slice %arg3[%dma_start3A_144, %multiple_of3A_138] : memref<64x1000000xf32, #tpu.memory_space<hbm>> -> memref<64x128xf32, #tpu.memory_space<hbm>>
    %dma_start3A_146 = arith.constant 0 : i32
    %dma_start3A_147 = arith.constant 0 : i32
    %dma_start3A_148 = tpu.memref_slice %arg6[%dma_start3A_139, %dma_start3A_146, %dma_start3A_147] : memref<11x64x128xf32, #tpu.memory_space<vmem>> -> memref<1x64x128xf32, #tpu.memory_space<vmem>>
    %dma_start3A_149 = tpu.memref_squeeze %dma_start3A_148 : memref<1x64x128xf32, #tpu.memory_space<vmem>> -> memref<64x128xf32, #tpu.memory_space<vmem>>
    %dma_start3A_150 = arith.constant 0 : i32
    %dma_start3A_151 = tpu.memref_slice %arg3[%dma_start3A_150, %multiple_of3A_138] : memref<64x1000000xf32, #tpu.memory_space<hbm>> -> memref<64x128xf32, #tpu.memory_space<hbm>>
    tpu.enqueue_dma source(%dma_start3A_151 : memref<64x128xf32, #tpu.memory_space<hbm>>) target(%dma_start3A_149 : memref<64x128xf32, #tpu.memory_space<vmem>>) target_semaphore(%arg11 : memref<!tpu.dma_semaphore, #tpu.memory_space<semaphore_mem>>)
    %shift_right_logical3A_152 = arith.constant 4 : i32
    %shift_right_logical3A_153 = arith.constant 4 : i32
    %shift_right_logical3A_154 = arith.shrui %shift_right_logical3A_152, %shift_right_logical3A_153 : i32
    %and3A_155 = arith.constant 4 : i32
    %and3A_156 = arith.constant 15 : i32
    %and3A_157 = arith.andi %and3A_155, %and3A_156 : i32
    %broadcast_in_dim3A_158 = arith.constant 0 : i32
    %broadcast_in_dim3A_159 = vector.broadcast %broadcast_in_dim3A_158 : i32 to vector<16xi32>
    %add3A_160 = vector.broadcast %shift_right_logical3A_154 : i32 to vector<16xi32>
    %add3A_161 = arith.addi %broadcast_in_dim3A_159, %add3A_160 : vector<16xi32>
    %broadcast_in_dim3A_162 = arith.constant 0 : i32
    %broadcast_in_dim3A_163 = vector.broadcast %broadcast_in_dim3A_162 : i32 to vector<16xi32>
    %add3A_164 = vector.broadcast %and3A_157 : i32 to vector<16xi32>
    %add3A_165 = arith.addi %broadcast_in_dim3A_163, %add3A_164 : vector<16xi32>
    %gather3A_166 = tpu.vector_load_idx %arg5[%add3A_161, %add3A_165] : memref<32x16xi32, #tpu.memory_space<vmem>>[vector<16xi32>, vector<16xi32>], vector<16xi32>,
    %slice3A_167 = vector.extract_strided_slice %gather3A_166 {offsets = [0], sizes = [1], strides = [1]} : vector<16xi32> to vector<1xi32>
    %squeeze3A_168 = vector.extract %slice3A_167[0] : i32 from vector<1xi32>
    %shift_right_logical3A_169 = arith.constant 7 : i32
    %shift_right_logical3A_170 = arith.shrui %squeeze3A_168, %shift_right_logical3A_169 : i32
    %mul3A_171 = arith.constant 128 : i32
    %mul3A_172 = arith.muli %shift_right_logical3A_170, %mul3A_171 : i32
    %min3A_173 = arith.constant 999808 : i32
    %min3A_174 = arith.minsi %mul3A_172, %min3A_173 : i32
    %multiple_of3A_175 = tpu.assume_multiple %min3A_174, 128 : i32
    %dma_start3A_176 = arith.constant 4 : i32
    %dma_start3A_177 = arith.constant 0 : i32
    %dma_start3A_178 = arith.constant 0 : i32
    %dma_start3A_179 = tpu.memref_slice %arg6[%dma_start3A_176, %dma_start3A_177, %dma_start3A_178] : memref<11x64x128xf32, #tpu.memory_space<vmem>> -> memref<1x64x128xf32, #tpu.memory_space<vmem>>
    %dma_start3A_180 = tpu.memref_squeeze %dma_start3A_179 : memref<1x64x128xf32, #tpu.memory_space<vmem>> -> memref<64x128xf32, #tpu.memory_space<vmem>>
    %dma_start3A_181 = arith.constant 0 : i32
    %dma_start3A_182 = tpu.memref_slice %arg3[%dma_start3A_181, %multiple_of3A_175] : memref<64x1000000xf32, #tpu.memory_space<hbm>> -> memref<64x128xf32, #tpu.memory_space<hbm>>
    %dma_start3A_183 = arith.constant 0 : i32
    %dma_start3A_184 = arith.constant 0 : i32
    %dma_start3A_185 = tpu.memref_slice %arg6[%dma_start3A_176, %dma_start3A_183, %dma_start3A_184] : memref<11x64x128xf32, #tpu.memory_space<vmem>> -> memref<1x64x128xf32, #tpu.memory_space<vmem>>
    %dma_start3A_186 = tpu.memref_squeeze %dma_start3A_185 : memref<1x64x128xf32, #tpu.memory_space<vmem>> -> memref<64x128xf32, #tpu.memory_space<vmem>>
    %dma_start3A_187 = arith.constant 0 : i32
    %dma_start3A_188 = tpu.memref_slice %arg3[%dma_start3A_187, %multiple_of3A_175] : memref<64x1000000xf32, #tpu.memory_space<hbm>> -> memref<64x128xf32, #tpu.memory_space<hbm>>
    tpu.enqueue_dma source(%dma_start3A_188 : memref<64x128xf32, #tpu.memory_space<hbm>>) target(%dma_start3A_186 : memref<64x128xf32, #tpu.memory_space<vmem>>) target_semaphore(%arg12 : memref<!tpu.dma_semaphore, #tpu.memory_space<semaphore_mem>>)
    %shift_right_logical3A_189 = arith.constant 5 : i32
    %shift_right_logical3A_190 = arith.constant 4 : i32
    %shift_right_logical3A_191 = arith.shrui %shift_right_logical3A_189, %shift_right_logical3A_190 : i32
    %and3A_192 = arith.constant 5 : i32
    %and3A_193 = arith.constant 15 : i32
    %and3A_194 = arith.andi %and3A_192, %and3A_193 : i32
    %broadcast_in_dim3A_195 = arith.constant 0 : i32
    %broadcast_in_dim3A_196 = vector.broadcast %broadcast_in_dim3A_195 : i32 to vector<16xi32>
    %add3A_197 = vector.broadcast %shift_right_logical3A_191 : i32 to vector<16xi32>
    %add3A_198 = arith.addi %broadcast_in_dim3A_196, %add3A_197 : vector<16xi32>
    %broadcast_in_dim3A_199 = arith.constant 0 : i32
    %broadcast_in_dim3A_200 = vector.broadcast %broadcast_in_dim3A_199 : i32 to vector<16xi32>
    %add3A_201 = vector.broadcast %and3A_194 : i32 to vector<16xi32>
    %add3A_202 = arith.addi %broadcast_in_dim3A_200, %add3A_201 : vector<16xi32>
    %gather3A_203 = tpu.vector_load_idx %arg5[%add3A_198, %add3A_202] : memref<32x16xi32, #tpu.memory_space<vmem>>[vector<16xi32>, vector<16xi32>], vector<16xi32>,
    %slice3A_204 = vector.extract_strided_slice %gather3A_203 {offsets = [0], sizes = [1], strides = [1]} : vector<16xi32> to vector<1xi32>
    %squeeze3A_205 = vector.extract %slice3A_204[0] : i32 from vector<1xi32>
    %shift_right_logical3A_206 = arith.constant 7 : i32
    %shift_right_logical3A_207 = arith.shrui %squeeze3A_205, %shift_right_logical3A_206 : i32
    %mul3A_208 = arith.constant 128 : i32
    %mul3A_209 = arith.muli %shift_right_logical3A_207, %mul3A_208 : i32
    %min3A_210 = arith.constant 999808 : i32
    %min3A_211 = arith.minsi %mul3A_209, %min3A_210 : i32
    %multiple_of3A_212 = tpu.assume_multiple %min3A_211, 128 : i32
    %dma_start3A_213 = arith.constant 5 : i32
    %dma_start3A_214 = arith.constant 0 : i32
    %dma_start3A_215 = arith.constant 0 : i32
    %dma_start3A_216 = tpu.memref_slice %arg6[%dma_start3A_213, %dma_start3A_214, %dma_start3A_215] : memref<11x64x128xf32, #tpu.memory_space<vmem>> -> memref<1x64x128xf32, #tpu.memory_space<vmem>>
    %dma_start3A_217 = tpu.memref_squeeze %dma_start3A_216 : memref<1x64x128xf32, #tpu.memory_space<vmem>> -> memref<64x128xf32, #tpu.memory_space<vmem>>
    %dma_start3A_218 = arith.constant 0 : i32
    %dma_start3A_219 = tpu.memref_slice %arg3[%dma_start3A_218, %multiple_of3A_212] : memref<64x1000000xf32, #tpu.memory_space<hbm>> -> memref<64x128xf32, #tpu.memory_space<hbm>>
    %dma_start3A_220 = arith.constant 0 : i32
    %dma_start3A_221 = arith.constant 0 : i32
    %dma_start3A_222 = tpu.memref_slice %arg6[%dma_start3A_213, %dma_start3A_220, %dma_start3A_221] : memref<11x64x128xf32, #tpu.memory_space<vmem>> -> memref<1x64x128xf32, #tpu.memory_space<vmem>>
    %dma_start3A_223 = tpu.memref_squeeze %dma_start3A_222 : memref<1x64x128xf32, #tpu.memory_space<vmem>> -> memref<64x128xf32, #tpu.memory_space<vmem>>
    %dma_start3A_224 = arith.constant 0 : i32
    %dma_start3A_225 = tpu.memref_slice %arg3[%dma_start3A_224, %multiple_of3A_212] : memref<64x1000000xf32, #tpu.memory_space<hbm>> -> memref<64x128xf32, #tpu.memory_space<hbm>>
    tpu.enqueue_dma source(%dma_start3A_225 : memref<64x128xf32, #tpu.memory_space<hbm>>) target(%dma_start3A_223 : memref<64x128xf32, #tpu.memory_space<vmem>>) target_semaphore(%arg13 : memref<!tpu.dma_semaphore, #tpu.memory_space<semaphore_mem>>)
    %shift_right_logical3A_226 = arith.constant 6 : i32
    %shift_right_logical3A_227 = arith.constant 4 : i32
    %shift_right_logical3A_228 = arith.shrui %shift_right_logical3A_226, %shift_right_logical3A_227 : i32
    %and3A_229 = arith.constant 6 : i32
    %and3A_230 = arith.constant 15 : i32
    %and3A_231 = arith.andi %and3A_229, %and3A_230 : i32
    %broadcast_in_dim3A_232 = arith.constant 0 : i32
    %broadcast_in_dim3A_233 = vector.broadcast %broadcast_in_dim3A_232 : i32 to vector<16xi32>
    %add3A_234 = vector.broadcast %shift_right_logical3A_228 : i32 to vector<16xi32>
    %add3A_235 = arith.addi %broadcast_in_dim3A_233, %add3A_234 : vector<16xi32>
    %broadcast_in_dim3A_236 = arith.constant 0 : i32
    %broadcast_in_dim3A_237 = vector.broadcast %broadcast_in_dim3A_236 : i32 to vector<16xi32>
    %add3A_238 = vector.broadcast %and3A_231 : i32 to vector<16xi32>
    %add3A_239 = arith.addi %broadcast_in_dim3A_237, %add3A_238 : vector<16xi32>
    %gather3A_240 = tpu.vector_load_idx %arg5[%add3A_235, %add3A_239] : memref<32x16xi32, #tpu.memory_space<vmem>>[vector<16xi32>, vector<16xi32>], vector<16xi32>,
    %slice3A_241 = vector.extract_strided_slice %gather3A_240 {offsets = [0], sizes = [1], strides = [1]} : vector<16xi32> to vector<1xi32>
    %squeeze3A_242 = vector.extract %slice3A_241[0] : i32 from vector<1xi32>
    %shift_right_logical3A_243 = arith.constant 7 : i32
    %shift_right_logical3A_244 = arith.shrui %squeeze3A_242, %shift_right_logical3A_243 : i32
    %mul3A_245 = arith.constant 128 : i32
    %mul3A_246 = arith.muli %shift_right_logical3A_244, %mul3A_245 : i32
    %min3A_247 = arith.constant 999808 : i32
    %min3A_248 = arith.minsi %mul3A_246, %min3A_247 : i32
    %multiple_of3A_249 = tpu.assume_multiple %min3A_248, 128 : i32
    %dma_start3A_250 = arith.constant 6 : i32
    %dma_start3A_251 = arith.constant 0 : i32
    %dma_start3A_252 = arith.constant 0 : i32
    %dma_start3A_253 = tpu.memref_slice %arg6[%dma_start3A_250, %dma_start3A_251, %dma_start3A_252] : memref<11x64x128xf32, #tpu.memory_space<vmem>> -> memref<1x64x128xf32, #tpu.memory_space<vmem>>
    %dma_start3A_254 = tpu.memref_squeeze %dma_start3A_253 : memref<1x64x128xf32, #tpu.memory_space<vmem>> -> memref<64x128xf32, #tpu.memory_space<vmem>>
    %dma_start3A_255 = arith.constant 0 : i32
    %dma_start3A_256 = tpu.memref_slice %arg3[%dma_start3A_255, %multiple_of3A_249] : memref<64x1000000xf32, #tpu.memory_space<hbm>> -> memref<64x128xf32, #tpu.memory_space<hbm>>
    %dma_start3A_257 = arith.constant 0 : i32
    %dma_start3A_258 = arith.constant 0 : i32
    %dma_start3A_259 = tpu.memref_slice %arg6[%dma_start3A_250, %dma_start3A_257, %dma_start3A_258] : memref<11x64x128xf32, #tpu.memory_space<vmem>> -> memref<1x64x128xf32, #tpu.memory_space<vmem>>
    %dma_start3A_260 = tpu.memref_squeeze %dma_start3A_259 : memref<1x64x128xf32, #tpu.memory_space<vmem>> -> memref<64x128xf32, #tpu.memory_space<vmem>>
    %dma_start3A_261 = arith.constant 0 : i32
    %dma_start3A_262 = tpu.memref_slice %arg3[%dma_start3A_261, %multiple_of3A_249] : memref<64x1000000xf32, #tpu.memory_space<hbm>> -> memref<64x128xf32, #tpu.memory_space<hbm>>
    tpu.enqueue_dma source(%dma_start3A_262 : memref<64x128xf32, #tpu.memory_space<hbm>>) target(%dma_start3A_260 : memref<64x128xf32, #tpu.memory_space<vmem>>) target_semaphore(%arg14 : memref<!tpu.dma_semaphore, #tpu.memory_space<semaphore_mem>>)
    %shift_right_logical3A_263 = arith.constant 7 : i32
    %shift_right_logical3A_264 = arith.constant 4 : i32
    %shift_right_logical3A_265 = arith.shrui %shift_right_logical3A_263, %shift_right_logical3A_264 : i32
    %and3A_266 = arith.constant 7 : i32
    %and3A_267 = arith.constant 15 : i32
    %and3A_268 = arith.andi %and3A_266, %and3A_267 : i32
    %broadcast_in_dim3A_269 = arith.constant 0 : i32
    %broadcast_in_dim3A_270 = vector.broadcast %broadcast_in_dim3A_269 : i32 to vector<16xi32>
    %add3A_271 = vector.broadcast %shift_right_logical3A_265 : i32 to vector<16xi32>
    %add3A_272 = arith.addi %broadcast_in_dim3A_270, %add3A_271 : vector<16xi32>
    %broadcast_in_dim3A_273 = arith.constant 0 : i32
    %broadcast_in_dim3A_274 = vector.broadcast %broadcast_in_dim3A_273 : i32 to vector<16xi32>
    %add3A_275 = vector.broadcast %and3A_268 : i32 to vector<16xi32>
    %add3A_276 = arith.addi %broadcast_in_dim3A_274, %add3A_275 : vector<16xi32>
    %gather3A_277 = tpu.vector_load_idx %arg5[%add3A_272, %add3A_276] : memref<32x16xi32, #tpu.memory_space<vmem>>[vector<16xi32>, vector<16xi32>], vector<16xi32>,
    %slice3A_278 = vector.extract_strided_slice %gather3A_277 {offsets = [0], sizes = [1], strides = [1]} : vector<16xi32> to vector<1xi32>
    %squeeze3A_279 = vector.extract %slice3A_278[0] : i32 from vector<1xi32>
    %shift_right_logical3A_280 = arith.constant 7 : i32
    %shift_right_logical3A_281 = arith.shrui %squeeze3A_279, %shift_right_logical3A_280 : i32
    %mul3A_282 = arith.constant 128 : i32
    %mul3A_283 = arith.muli %shift_right_logical3A_281, %mul3A_282 : i32
    %min3A_284 = arith.constant 999808 : i32
    %min3A_285 = arith.minsi %mul3A_283, %min3A_284 : i32
    %multiple_of3A_286 = tpu.assume_multiple %min3A_285, 128 : i32
    %dma_start3A_287 = arith.constant 7 : i32
    %dma_start3A_288 = arith.constant 0 : i32
    %dma_start3A_289 = arith.constant 0 : i32
    %dma_start3A_290 = tpu.memref_slice %arg6[%dma_start3A_287, %dma_start3A_288, %dma_start3A_289] : memref<11x64x128xf32, #tpu.memory_space<vmem>> -> memref<1x64x128xf32, #tpu.memory_space<vmem>>
    %dma_start3A_291 = tpu.memref_squeeze %dma_start3A_290 : memref<1x64x128xf32, #tpu.memory_space<vmem>> -> memref<64x128xf32, #tpu.memory_space<vmem>>
    %dma_start3A_292 = arith.constant 0 : i32
    %dma_start3A_293 = tpu.memref_slice %arg3[%dma_start3A_292, %multiple_of3A_286] : memref<64x1000000xf32, #tpu.memory_space<hbm>> -> memref<64x128xf32, #tpu.memory_space<hbm>>
    %dma_start3A_294 = arith.constant 0 : i32
    %dma_start3A_295 = arith.constant 0 : i32
    %dma_start3A_296 = tpu.memref_slice %arg6[%dma_start3A_287, %dma_start3A_294, %dma_start3A_295] : memref<11x64x128xf32, #tpu.memory_space<vmem>> -> memref<1x64x128xf32, #tpu.memory_space<vmem>>
    %dma_start3A_297 = tpu.memref_squeeze %dma_start3A_296 : memref<1x64x128xf32, #tpu.memory_space<vmem>> -> memref<64x128xf32, #tpu.memory_space<vmem>>
    %dma_start3A_298 = arith.constant 0 : i32
    %dma_start3A_299 = tpu.memref_slice %arg3[%dma_start3A_298, %multiple_of3A_286] : memref<64x1000000xf32, #tpu.memory_space<hbm>> -> memref<64x128xf32, #tpu.memory_space<hbm>>
    tpu.enqueue_dma source(%dma_start3A_299 : memref<64x128xf32, #tpu.memory_space<hbm>>) target(%dma_start3A_297 : memref<64x128xf32, #tpu.memory_space<vmem>>) target_semaphore(%arg15 : memref<!tpu.dma_semaphore, #tpu.memory_space<semaphore_mem>>)
    %shift_right_logical3A_300 = arith.constant 8 : i32
    %shift_right_logical3A_301 = arith.constant 4 : i32
    %shift_right_logical3A_302 = arith.shrui %shift_right_logical3A_300, %shift_right_logical3A_301 : i32
    %and3A_303 = arith.constant 8 : i32
    %and3A_304 = arith.constant 15 : i32
    %and3A_305 = arith.andi %and3A_303, %and3A_304 : i32
    %broadcast_in_dim3A_306 = arith.constant 0 : i32
    %broadcast_in_dim3A_307 = vector.broadcast %broadcast_in_dim3A_306 : i32 to vector<16xi32>
    %add3A_308 = vector.broadcast %shift_right_logical3A_302 : i32 to vector<16xi32>
    %add3A_309 = arith.addi %broadcast_in_dim3A_307, %add3A_308 : vector<16xi32>
    %broadcast_in_dim3A_310 = arith.constant 0 : i32
    %broadcast_in_dim3A_311 = vector.broadcast %broadcast_in_dim3A_310 : i32 to vector<16xi32>
    %add3A_312 = vector.broadcast %and3A_305 : i32 to vector<16xi32>
    %add3A_313 = arith.addi %broadcast_in_dim3A_311, %add3A_312 : vector<16xi32>
    %gather3A_314 = tpu.vector_load_idx %arg5[%add3A_309, %add3A_313] : memref<32x16xi32, #tpu.memory_space<vmem>>[vector<16xi32>, vector<16xi32>], vector<16xi32>,
    %slice3A_315 = vector.extract_strided_slice %gather3A_314 {offsets = [0], sizes = [1], strides = [1]} : vector<16xi32> to vector<1xi32>
    %squeeze3A_316 = vector.extract %slice3A_315[0] : i32 from vector<1xi32>
    %shift_right_logical3A_317 = arith.constant 7 : i32
    %shift_right_logical3A_318 = arith.shrui %squeeze3A_316, %shift_right_logical3A_317 : i32
    %mul3A_319 = arith.constant 128 : i32
    %mul3A_320 = arith.muli %shift_right_logical3A_318, %mul3A_319 : i32
    %min3A_321 = arith.constant 999808 : i32
    %min3A_322 = arith.minsi %mul3A_320, %min3A_321 : i32
    %multiple_of3A_323 = tpu.assume_multiple %min3A_322, 128 : i32
    %dma_start3A_324 = arith.constant 8 : i32
    %dma_start3A_325 = arith.constant 0 : i32
    %dma_start3A_326 = arith.constant 0 : i32
    %dma_start3A_327 = tpu.memref_slice %arg6[%dma_start3A_324, %dma_start3A_325, %dma_start3A_326] : memref<11x64x128xf32, #tpu.memory_space<vmem>> -> memref<1x64x128xf32, #tpu.memory_space<vmem>>
    %dma_start3A_328 = tpu.memref_squeeze %dma_start3A_327 : memref<1x64x128xf32, #tpu.memory_space<vmem>> -> memref<64x128xf32, #tpu.memory_space<vmem>>
    %dma_start3A_329 = arith.constant 0 : i32
    %dma_start3A_330 = tpu.memref_slice %arg3[%dma_start3A_329, %multiple_of3A_323] : memref<64x1000000xf32, #tpu.memory_space<hbm>> -> memref<64x128xf32, #tpu.memory_space<hbm>>
    %dma_start3A_331 = arith.constant 0 : i32
    %dma_start3A_332 = arith.constant 0 : i32
    %dma_start3A_333 = tpu.memref_slice %arg6[%dma_start3A_324, %dma_start3A_331, %dma_start3A_332] : memref<11x64x128xf32, #tpu.memory_space<vmem>> -> memref<1x64x128xf32, #tpu.memory_space<vmem>>
    %dma_start3A_334 = tpu.memref_squeeze %dma_start3A_333 : memref<1x64x128xf32, #tpu.memory_space<vmem>> -> memref<64x128xf32, #tpu.memory_space<vmem>>
    %dma_start3A_335 = arith.constant 0 : i32
    %dma_start3A_336 = tpu.memref_slice %arg3[%dma_start3A_335, %multiple_of3A_323] : memref<64x1000000xf32, #tpu.memory_space<hbm>> -> memref<64x128xf32, #tpu.memory_space<hbm>>
    tpu.enqueue_dma source(%dma_start3A_336 : memref<64x128xf32, #tpu.memory_space<hbm>>) target(%dma_start3A_334 : memref<64x128xf32, #tpu.memory_space<vmem>>) target_semaphore(%arg16 : memref<!tpu.dma_semaphore, #tpu.memory_space<semaphore_mem>>)
    %shift_right_logical3A_337 = arith.constant 9 : i32
    %shift_right_logical3A_338 = arith.constant 4 : i32
    %shift_right_logical3A_339 = arith.shrui %shift_right_logical3A_337, %shift_right_logical3A_338 : i32
    %and3A_340 = arith.constant 9 : i32
    %and3A_341 = arith.constant 15 : i32
    %and3A_342 = arith.andi %and3A_340, %and3A_341 : i32
    %broadcast_in_dim3A_343 = arith.constant 0 : i32
    %broadcast_in_dim3A_344 = vector.broadcast %broadcast_in_dim3A_343 : i32 to vector<16xi32>
    %add3A_345 = vector.broadcast %shift_right_logical3A_339 : i32 to vector<16xi32>
    %add3A_346 = arith.addi %broadcast_in_dim3A_344, %add3A_345 : vector<16xi32>
    %broadcast_in_dim3A_347 = arith.constant 0 : i32
    %broadcast_in_dim3A_348 = vector.broadcast %broadcast_in_dim3A_347 : i32 to vector<16xi32>
    %add3A_349 = vector.broadcast %and3A_342 : i32 to vector<16xi32>
    %add3A_350 = arith.addi %broadcast_in_dim3A_348, %add3A_349 : vector<16xi32>
    %gather3A_351 = tpu.vector_load_idx %arg5[%add3A_346, %add3A_350] : memref<32x16xi32, #tpu.memory_space<vmem>>[vector<16xi32>, vector<16xi32>], vector<16xi32>,
    %slice3A_352 = vector.extract_strided_slice %gather3A_351 {offsets = [0], sizes = [1], strides = [1]} : vector<16xi32> to vector<1xi32>
    %squeeze3A_353 = vector.extract %slice3A_352[0] : i32 from vector<1xi32>
    %shift_right_logical3A_354 = arith.constant 7 : i32
    %shift_right_logical3A_355 = arith.shrui %squeeze3A_353, %shift_right_logical3A_354 : i32
    %mul3A_356 = arith.constant 128 : i32
    %mul3A_357 = arith.muli %shift_right_logical3A_355, %mul3A_356 : i32
    %min3A_358 = arith.constant 999808 : i32
    %min3A_359 = arith.minsi %mul3A_357, %min3A_358 : i32
    %multiple_of3A_360 = tpu.assume_multiple %min3A_359, 128 : i32
    %dma_start3A_361 = arith.constant 9 : i32
    %dma_start3A_362 = arith.constant 0 : i32
    %dma_start3A_363 = arith.constant 0 : i32
    %dma_start3A_364 = tpu.memref_slice %arg6[%dma_start3A_361, %dma_start3A_362, %dma_start3A_363] : memref<11x64x128xf32, #tpu.memory_space<vmem>> -> memref<1x64x128xf32, #tpu.memory_space<vmem>>
    %dma_start3A_365 = tpu.memref_squeeze %dma_start3A_364 : memref<1x64x128xf32, #tpu.memory_space<vmem>> -> memref<64x128xf32, #tpu.memory_space<vmem>>
    %dma_start3A_366 = arith.constant 0 : i32
    %dma_start3A_367 = tpu.memref_slice %arg3[%dma_start3A_366, %multiple_of3A_360] : memref<64x1000000xf32, #tpu.memory_space<hbm>> -> memref<64x128xf32, #tpu.memory_space<hbm>>
    %dma_start3A_368 = arith.constant 0 : i32
    %dma_start3A_369 = arith.constant 0 : i32
    %dma_start3A_370 = tpu.memref_slice %arg6[%dma_start3A_361, %dma_start3A_368, %dma_start3A_369] : memref<11x64x128xf32, #tpu.memory_space<vmem>> -> memref<1x64x128xf32, #tpu.memory_space<vmem>>
    %dma_start3A_371 = tpu.memref_squeeze %dma_start3A_370 : memref<1x64x128xf32, #tpu.memory_space<vmem>> -> memref<64x128xf32, #tpu.memory_space<vmem>>
    %dma_start3A_372 = arith.constant 0 : i32
    %dma_start3A_373 = tpu.memref_slice %arg3[%dma_start3A_372, %multiple_of3A_360] : memref<64x1000000xf32, #tpu.memory_space<hbm>> -> memref<64x128xf32, #tpu.memory_space<hbm>>
    tpu.enqueue_dma source(%dma_start3A_373 : memref<64x128xf32, #tpu.memory_space<hbm>>) target(%dma_start3A_371 : memref<64x128xf32, #tpu.memory_space<vmem>>) target_semaphore(%arg17 : memref<!tpu.dma_semaphore, #tpu.memory_space<semaphore_mem>>)
    %shift_right_logical3A_374 = arith.constant 10 : i32
    %shift_right_logical3A_375 = arith.constant 4 : i32
    %shift_right_logical3A_376 = arith.shrui %shift_right_logical3A_374, %shift_right_logical3A_375 : i32
    %and3A_377 = arith.constant 10 : i32
    %and3A_378 = arith.constant 15 : i32
    %and3A_379 = arith.andi %and3A_377, %and3A_378 : i32
    %broadcast_in_dim3A_380 = arith.constant 0 : i32
    %broadcast_in_dim3A_381 = vector.broadcast %broadcast_in_dim3A_380 : i32 to vector<16xi32>
    %add3A_382 = vector.broadcast %shift_right_logical3A_376 : i32 to vector<16xi32>
    %add3A_383 = arith.addi %broadcast_in_dim3A_381, %add3A_382 : vector<16xi32>
    %broadcast_in_dim3A_384 = arith.constant 0 : i32
    %broadcast_in_dim3A_385 = vector.broadcast %broadcast_in_dim3A_384 : i32 to vector<16xi32>
    %add3A_386 = vector.broadcast %and3A_379 : i32 to vector<16xi32>
    %add3A_387 = arith.addi %broadcast_in_dim3A_385, %add3A_386 : vector<16xi32>
    %gather3A_388 = tpu.vector_load_idx %arg5[%add3A_383, %add3A_387] : memref<32x16xi32, #tpu.memory_space<vmem>>[vector<16xi32>, vector<16xi32>], vector<16xi32>,
    %slice3A_389 = vector.extract_strided_slice %gather3A_388 {offsets = [0], sizes = [1], strides = [1]} : vector<16xi32> to vector<1xi32>
    %squeeze3A_390 = vector.extract %slice3A_389[0] : i32 from vector<1xi32>
    %shift_right_logical3A_391 = arith.constant 7 : i32
    %shift_right_logical3A_392 = arith.shrui %squeeze3A_390, %shift_right_logical3A_391 : i32
    %mul3A_393 = arith.constant 128 : i32
    %mul3A_394 = arith.muli %shift_right_logical3A_392, %mul3A_393 : i32
    %min3A_395 = arith.constant 999808 : i32
    %min3A_396 = arith.minsi %mul3A_394, %min3A_395 : i32
    %multiple_of3A_397 = tpu.assume_multiple %min3A_396, 128 : i32
    %dma_start3A_398 = arith.constant 10 : i32
    %dma_start3A_399 = arith.constant 0 : i32
    %dma_start3A_400 = arith.constant 0 : i32
    %dma_start3A_401 = tpu.memref_slice %arg6[%dma_start3A_398, %dma_start3A_399, %dma_start3A_400] : memref<11x64x128xf32, #tpu.memory_space<vmem>> -> memref<1x64x128xf32, #tpu.memory_space<vmem>>
    %dma_start3A_402 = tpu.memref_squeeze %dma_start3A_401 : memref<1x64x128xf32, #tpu.memory_space<vmem>> -> memref<64x128xf32, #tpu.memory_space<vmem>>
    %dma_start3A_403 = arith.constant 0 : i32
    %dma_start3A_404 = tpu.memref_slice %arg3[%dma_start3A_403, %multiple_of3A_397] : memref<64x1000000xf32, #tpu.memory_space<hbm>> -> memref<64x128xf32, #tpu.memory_space<hbm>>
    %dma_start3A_405 = arith.constant 0 : i32
    %dma_start3A_406 = arith.constant 0 : i32
    %dma_start3A_407 = tpu.memref_slice %arg6[%dma_start3A_398, %dma_start3A_405, %dma_start3A_406] : memref<11x64x128xf32, #tpu.memory_space<vmem>> -> memref<1x64x128xf32, #tpu.memory_space<vmem>>
    %dma_start3A_408 = tpu.memref_squeeze %dma_start3A_407 : memref<1x64x128xf32, #tpu.memory_space<vmem>> -> memref<64x128xf32, #tpu.memory_space<vmem>>
    %dma_start3A_409 = arith.constant 0 : i32
    %dma_start3A_410 = tpu.memref_slice %arg3[%dma_start3A_409, %multiple_of3A_397] : memref<64x1000000xf32, #tpu.memory_space<hbm>> -> memref<64x128xf32, #tpu.memory_space<hbm>>
    tpu.enqueue_dma source(%dma_start3A_410 : memref<64x128xf32, #tpu.memory_space<hbm>>) target(%dma_start3A_408 : memref<64x128xf32, #tpu.memory_space<vmem>>) target_semaphore(%arg18 : memref<!tpu.dma_semaphore, #tpu.memory_space<semaphore_mem>>)
    %scan3A = arith.constant 0 : i32
    %scan3A_411 = arith.constant 0 : i32
    %scan3A_412 = arith.constant 46 : i32
    %scan3A_413 = arith.addi %scan3A_411, %scan3A_412 : i32
    %scan3A_414 = arith.constant 1 : i32
    scf.for %scan3A_947 = %scan3A_411 to %scan3A_413 step %scan3A_414  : i32 {
      %mul3A_948 = arith.constant 11 : i32
      %mul3A_949 = arith.muli %scan3A_947, %mul3A_948 : i32
      %add3A_950 = arith.constant 0 : i32
      %add3A_951 = arith.addi %mul3A_949, %add3A_950 : i32
      %dma_wait3A_952 = arith.constant 0 : i32
      %dma_wait3A_953 = arith.constant 0 : i32
      %dma_wait3A_954 = arith.constant 0 : i32
      %dma_wait3A_955 = tpu.memref_slice %arg6[%dma_wait3A_952, %dma_wait3A_953, %dma_wait3A_954] : memref<11x64x128xf32, #tpu.memory_space<vmem>> -> memref<1x64x128xf32, #tpu.memory_space<vmem>>
      %dma_wait3A_956 = tpu.memref_squeeze %dma_wait3A_955 : memref<1x64x128xf32, #tpu.memory_space<vmem>> -> memref<64x128xf32, #tpu.memory_space<vmem>>
      %dma_wait3A_957 = arith.constant 0 : i32
      %dma_wait3A_958 = arith.constant 0 : i32
      %dma_wait3A_959 = tpu.memref_slice %arg3[%dma_wait3A_957, %dma_wait3A_958] : memref<64x1000000xf32, #tpu.memory_space<hbm>> -> memref<64x128xf32, #tpu.memory_space<hbm>>
      %dma_wait3A_960 = arith.constant 0 : i32
      %dma_wait3A_961 = arith.constant 0 : i32
      %dma_wait3A_962 = tpu.memref_slice %arg6[%dma_wait3A_952, %dma_wait3A_960, %dma_wait3A_961] : memref<11x64x128xf32, #tpu.memory_space<vmem>> -> memref<1x64x128xf32, #tpu.memory_space<vmem>>
      %dma_wait3A_963 = tpu.memref_squeeze %dma_wait3A_962 : memref<1x64x128xf32, #tpu.memory_space<vmem>> -> memref<64x128xf32, #tpu.memory_space<vmem>>
      %dma_wait3A_964 = arith.constant 0 : i32
      %dma_wait3A_965 = arith.constant 0 : i32
      %dma_wait3A_966 = tpu.memref_slice %arg3[%dma_wait3A_964, %dma_wait3A_965] : memref<64x1000000xf32, #tpu.memory_space<hbm>> -> memref<64x128xf32, #tpu.memory_space<hbm>>
      tpu.wait_dma2 semaphore(%arg8 : memref<!tpu.dma_semaphore, #tpu.memory_space<semaphore_mem>>) src(%dma_wait3A_966 : memref<64x128xf32, #tpu.memory_space<hbm>>) dst(%dma_wait3A_963 : memref<64x128xf32, #tpu.memory_space<vmem>>)
      %ge3A_967 = arith.constant 1 : i32
      %ge3A_968 = arith.cmpi sge, %add3A_951, %ge3A_967 : i32
      %sub3A_969 = arith.constant 1 : i32
      %sub3A_970 = arith.subi %add3A_951, %sub3A_969 : i32
      %add3A_971 = arith.constant 11 : i32
      %add3A_972 = arith.addi %sub3A_970, %add3A_971 : i32
      %lt3A_973 = arith.constant 512 : i32
      %lt3A_974 = arith.cmpi slt, %add3A_972, %lt3A_973 : i32
      %and3A_975 = arith.andi %ge3A_968, %lt3A_974 : i1
      %convert_element_type3A_976 = arith.extui %and3A_975 : i1 to i32
      %cond3A_977 = arith.constant 0 : i32
      %cond3A_978 = arith.cmpi ne, %convert_element_type3A_976, %cond3A_977 : i32
      scf.if %cond3A_978 {
        %sub3A_1885 = arith.constant 1 : i32
        %sub3A_1886 = arith.subi %add3A_951, %sub3A_1885 : i32
        %add3A_1887 = arith.constant 11 : i32
        %add3A_1888 = arith.addi %sub3A_1886, %add3A_1887 : i32
        %shift_right_logical3A_1889 = arith.constant 4 : i32
        %shift_right_logical3A_1890 = arith.shrui %add3A_1888, %shift_right_logical3A_1889 : i32
        %and3A_1891 = arith.constant 15 : i32
        %and3A_1892 = arith.andi %add3A_1888, %and3A_1891 : i32
        %broadcast_in_dim3A_1893 = arith.constant 0 : i32
        %broadcast_in_dim3A_1894 = vector.broadcast %broadcast_in_dim3A_1893 : i32 to vector<16xi32>
        %add3A_1895 = vector.broadcast %shift_right_logical3A_1890 : i32 to vector<16xi32>
        %add3A_1896 = arith.addi %broadcast_in_dim3A_1894, %add3A_1895 : vector<16xi32>
        %broadcast_in_dim3A_1897 = arith.constant 0 : i32
        %broadcast_in_dim3A_1898 = vector.broadcast %broadcast_in_dim3A_1897 : i32 to vector<16xi32>
        %add3A_1899 = vector.broadcast %and3A_1892 : i32 to vector<16xi32>
        %add3A_1900 = arith.addi %broadcast_in_dim3A_1898, %add3A_1899 : vector<16xi32>
        %gather3A_1901 = tpu.vector_load_idx %arg5[%add3A_1896, %add3A_1900] : memref<32x16xi32, #tpu.memory_space<vmem>>[vector<16xi32>, vector<16xi32>], vector<16xi32>,
        %slice3A_1902 = vector.extract_strided_slice %gather3A_1901 {offsets = [0], sizes = [1], strides = [1]} : vector<16xi32> to vector<1xi32>
        %squeeze3A_1903 = vector.extract %slice3A_1902[0] : i32 from vector<1xi32>
        %shift_right_logical3A_1904 = arith.constant 7 : i32
        %shift_right_logical3A_1905 = arith.shrui %squeeze3A_1903, %shift_right_logical3A_1904 : i32
        %mul3A_1906 = arith.constant 128 : i32
        %mul3A_1907 = arith.muli %shift_right_logical3A_1905, %mul3A_1906 : i32
        %min3A_1908 = arith.constant 999808 : i32
        %min3A_1909 = arith.minsi %mul3A_1907, %min3A_1908 : i32
        %multiple_of3A_1910 = tpu.assume_multiple %min3A_1909, 128 : i32
        %dma_start3A_1911 = arith.constant 10 : i32
        %dma_start3A_1912 = arith.constant 0 : i32
        %dma_start3A_1913 = arith.constant 0 : i32
        %dma_start3A_1914 = tpu.memref_slice %arg6[%dma_start3A_1911, %dma_start3A_1912, %dma_start3A_1913] : memref<11x64x128xf32, #tpu.memory_space<vmem>> -> memref<1x64x128xf32, #tpu.memory_space<vmem>>
        %dma_start3A_1915 = tpu.memref_squeeze %dma_start3A_1914 : memref<1x64x128xf32, #tpu.memory_space<vmem>> -> memref<64x128xf32, #tpu.memory_space<vmem>>
        %dma_start3A_1916 = arith.constant 0 : i32
        %dma_start3A_1917 = tpu.memref_slice %arg3[%dma_start3A_1916, %multiple_of3A_1910] : memref<64x1000000xf32, #tpu.memory_space<hbm>> -> memref<64x128xf32, #tpu.memory_space<hbm>>
        %dma_start3A_1918 = arith.constant 0 : i32
        %dma_start3A_1919 = arith.constant 0 : i32
        %dma_start3A_1920 = tpu.memref_slice %arg6[%dma_start3A_1911, %dma_start3A_1918, %dma_start3A_1919] : memref<11x64x128xf32, #tpu.memory_space<vmem>> -> memref<1x64x128xf32, #tpu.memory_space<vmem>>
        %dma_start3A_1921 = tpu.memref_squeeze %dma_start3A_1920 : memref<1x64x128xf32, #tpu.memory_space<vmem>> -> memref<64x128xf32, #tpu.memory_space<vmem>>
        %dma_start3A_1922 = arith.constant 0 : i32
        %dma_start3A_1923 = tpu.memref_slice %arg3[%dma_start3A_1922, %multiple_of3A_1910] : memref<64x1000000xf32, #tpu.memory_space<hbm>> -> memref<64x128xf32, #tpu.memory_space<hbm>>
        tpu.enqueue_dma source(%dma_start3A_1923 : memref<64x128xf32, #tpu.memory_space<hbm>>) target(%dma_start3A_1921 : memref<64x128xf32, #tpu.memory_space<vmem>>) target_semaphore(%arg18 : memref<!tpu.dma_semaphore, #tpu.memory_space<semaphore_mem>>)
      } else {
      }
      %shift_right_logical3A_979 = arith.constant 4 : i32
      %shift_right_logical3A_980 = arith.shrui %add3A_951, %shift_right_logical3A_979 : i32
      %and3A_981 = arith.constant 15 : i32
      %and3A_982 = arith.andi %add3A_951, %and3A_981 : i32
      %broadcast_in_dim3A_983 = arith.constant 0 : i32
      %broadcast_in_dim3A_984 = vector.broadcast %broadcast_in_dim3A_983 : i32 to vector<16xi32>
      %add3A_985 = vector.broadcast %shift_right_logical3A_980 : i32 to vector<16xi32>
      %add3A_986 = arith.addi %broadcast_in_dim3A_984, %add3A_985 : vector<16xi32>
      %broadcast_in_dim3A_987 = arith.constant 0 : i32
      %broadcast_in_dim3A_988 = vector.broadcast %broadcast_in_dim3A_987 : i32 to vector<16xi32>
      %add3A_989 = vector.broadcast %and3A_982 : i32 to vector<16xi32>
      %add3A_990 = arith.addi %broadcast_in_dim3A_988, %add3A_989 : vector<16xi32>
      %gather3A_991 = tpu.vector_load_idx %arg5[%add3A_986, %add3A_990] : memref<32x16xi32, #tpu.memory_space<vmem>>[vector<16xi32>, vector<16xi32>], vector<16xi32>,
      %slice3A_992 = vector.extract_strided_slice %gather3A_991 {offsets = [0], sizes = [1], strides = [1]} : vector<16xi32> to vector<1xi32>
      %squeeze3A_993 = vector.extract %slice3A_992[0] : i32 from vector<1xi32>
      %shift_right_logical3A_994 = arith.constant 7 : i32
      %shift_right_logical3A_995 = arith.shrui %squeeze3A_993, %shift_right_logical3A_994 : i32
      %mul3A_996 = arith.constant 128 : i32
      %mul3A_997 = arith.muli %shift_right_logical3A_995, %mul3A_996 : i32
      %min3A_998 = arith.constant 999808 : i32
      %min3A_999 = arith.minsi %mul3A_997, %min3A_998 : i32
      %sub3A_1000 = arith.subi %squeeze3A_993, %min3A_999 : i32
      %min3A_1001 = arith.constant 127 : i32
      %min3A_1002 = arith.minsi %sub3A_1000, %min3A_1001 : i32
      %broadcast_in_dim3A_1003 = arith.constant 0 : i32
      %broadcast_in_dim3A_1004 = vector.broadcast %broadcast_in_dim3A_1003 : i32 to vector<16xi32>
      %add3A_1005 = vector.broadcast %min3A_1002 : i32 to vector<16xi32>
      %add3A_1006 = arith.addi %broadcast_in_dim3A_1004, %add3A_1005 : vector<16xi32>
      %broadcast_in_dim3A_1007 = arith.constant 0 : i32
      %broadcast_in_dim3A_1008 = vector.broadcast %broadcast_in_dim3A_1007 : i32 to vector<16xi32>
      %add3A_1009 = vector.broadcast %add3A_951 : i32 to vector<16xi32>
      %add3A_1010 = arith.addi %broadcast_in_dim3A_1008, %add3A_1009 : vector<16xi32>
      %gather3A_1011 = arith.constant 0 : i32
      %gather3A_1012 = arith.constant 0 : i32
      %gather3A_1013 = arith.constant 0 : i32
      %gather3A_1014 = tpu.memref_slice %arg6[%gather3A_1011, %gather3A_1012, %gather3A_1013] : memref<11x64x128xf32, #tpu.memory_space<vmem>> -> memref<1x64x128xf32, #tpu.memory_space<vmem>>
      %gather3A_1015 = tpu.memref_squeeze %gather3A_1014 : memref<1x64x128xf32, #tpu.memory_space<vmem>> -> memref<64x128xf32, #tpu.memory_space<vmem>>
      %gather3A_1016 = tpu.vector_load_idx %gather3A_1015[%iota3A, %add3A_1006] : memref<64x128xf32, #tpu.memory_space<vmem>>[vector<16xi32>, vector<16xi32>], vector<16xf32>,
      tpu.vector_store_idx %arg7[%iota3A, %add3A_1010], %gather3A_1016 : memref<64x512xf32, #tpu.memory_space<vmem>>[vector<16xi32>, vector<16xi32>], vector<16xf32>,
      %gather3A_1017 = arith.constant 0 : i32
      %gather3A_1018 = arith.constant 0 : i32
      %gather3A_1019 = arith.constant 0 : i32
      %gather3A_1020 = tpu.memref_slice %arg6[%gather3A_1017, %gather3A_1018, %gather3A_1019] : memref<11x64x128xf32, #tpu.memory_space<vmem>> -> memref<1x64x128xf32, #tpu.memory_space<vmem>>
      %gather3A_1021 = tpu.memref_squeeze %gather3A_1020 : memref<1x64x128xf32, #tpu.memory_space<vmem>> -> memref<64x128xf32, #tpu.memory_space<vmem>>
      %gather3A_1022 = tpu.vector_load_idx %gather3A_1021[%add3A_4, %add3A_1006] : memref<64x128xf32, #tpu.memory_space<vmem>>[vector<16xi32>, vector<16xi32>], vector<16xf32>,
      tpu.vector_store_idx %arg7[%add3A_4, %add3A_1010], %gather3A_1022 : memref<64x512xf32, #tpu.memory_space<vmem>>[vector<16xi32>, vector<16xi32>], vector<16xf32>,
      %gather3A_1023 = arith.constant 0 : i32
      %gather3A_1024 = arith.constant 0 : i32
      %gather3A_1025 = arith.constant 0 : i32
      %gather3A_1026 = tpu.memref_slice %arg6[%gather3A_1023, %gather3A_1024, %gather3A_1025] : memref<11x64x128xf32, #tpu.memory_space<vmem>> -> memref<1x64x128xf32, #tpu.memory_space<vmem>>
      %gather3A_1027 = tpu.memref_squeeze %gather3A_1026 : memref<1x64x128xf32, #tpu.memory_space<vmem>> -> memref<64x128xf32, #tpu.memory_space<vmem>>
      %gather3A_1028 = tpu.vector_load_idx %gather3A_1027[%add3A_8, %add3A_1006] : memref<64x128xf32, #tpu.memory_space<vmem>>[vector<16xi32>, vector<16xi32>], vector<16xf32>,
      tpu.vector_store_idx %arg7[%add3A_8, %add3A_1010], %gather3A_1028 : memref<64x512xf32, #tpu.memory_space<vmem>>[vector<16xi32>, vector<16xi32>], vector<16xf32>,
      %gather3A_1029 = arith.constant 0 : i32
      %gather3A_1030 = arith.constant 0 : i32
      %gather3A_1031 = arith.constant 0 : i32
      %gather3A_1032 = tpu.memref_slice %arg6[%gather3A_1029, %gather3A_1030, %gather3A_1031] : memref<11x64x128xf32, #tpu.memory_space<vmem>> -> memref<1x64x128xf32, #tpu.memory_space<vmem>>
      %gather3A_1033 = tpu.memref_squeeze %gather3A_1032 : memref<1x64x128xf32, #tpu.memory_space<vmem>> -> memref<64x128xf32, #tpu.memory_space<vmem>>
      %gather3A_1034 = tpu.vector_load_idx %gather3A_1033[%add3A_12, %add3A_1006] : memref<64x128xf32, #tpu.memory_space<vmem>>[vector<16xi32>, vector<16xi32>], vector<16xf32>,
      tpu.vector_store_idx %arg7[%add3A_12, %add3A_1010], %gather3A_1034 : memref<64x512xf32, #tpu.memory_space<vmem>>[vector<16xi32>, vector<16xi32>], vector<16xf32>,
      %add3A_1035 = arith.constant 1 : i32
      %add3A_1036 = arith.addi %mul3A_949, %add3A_1035 : i32
      %dma_wait3A_1037 = arith.constant 1 : i32
      %dma_wait3A_1038 = arith.constant 0 : i32
      %dma_wait3A_1039 = arith.constant 0 : i32
      %dma_wait3A_1040 = tpu.memref_slice %arg6[%dma_wait3A_1037, %dma_wait3A_1038, %dma_wait3A_1039] : memref<11x64x128xf32, #tpu.memory_space<vmem>> -> memref<1x64x128xf32, #tpu.memory_space<vmem>>
      %dma_wait3A_1041 = tpu.memref_squeeze %dma_wait3A_1040 : memref<1x64x128xf32, #tpu.memory_space<vmem>> -> memref<64x128xf32, #tpu.memory_space<vmem>>
      %dma_wait3A_1042 = arith.constant 0 : i32
      %dma_wait3A_1043 = arith.constant 0 : i32
      %dma_wait3A_1044 = tpu.memref_slice %arg3[%dma_wait3A_1042, %dma_wait3A_1043] : memref<64x1000000xf32, #tpu.memory_space<hbm>> -> memref<64x128xf32, #tpu.memory_space<hbm>>
      %dma_wait3A_1045 = arith.constant 0 : i32
      %dma_wait3A_1046 = arith.constant 0 : i32
      %dma_wait3A_1047 = tpu.memref_slice %arg6[%dma_wait3A_1037, %dma_wait3A_1045, %dma_wait3A_1046] : memref<11x64x128xf32, #tpu.memory_space<vmem>> -> memref<1x64x128xf32, #tpu.memory_space<vmem>>
      %dma_wait3A_1048 = tpu.memref_squeeze %dma_wait3A_1047 : memref<1x64x128xf32, #tpu.memory_space<vmem>> -> memref<64x128xf32, #tpu.memory_space<vmem>>
      %dma_wait3A_1049 = arith.constant 0 : i32
      %dma_wait3A_1050 = arith.constant 0 : i32
      %dma_wait3A_1051 = tpu.memref_slice %arg3[%dma_wait3A_1049, %dma_wait3A_1050] : memref<64x1000000xf32, #tpu.memory_space<hbm>> -> memref<64x128xf32, #tpu.memory_space<hbm>>
      tpu.wait_dma2 semaphore(%arg9 : memref<!tpu.dma_semaphore, #tpu.memory_space<semaphore_mem>>) src(%dma_wait3A_1051 : memref<64x128xf32, #tpu.memory_space<hbm>>) dst(%dma_wait3A_1048 : memref<64x128xf32, #tpu.memory_space<vmem>>)
      %ge3A_1052 = arith.constant 1 : i32
      %ge3A_1053 = arith.cmpi sge, %add3A_1036, %ge3A_1052 : i32
      %sub3A_1054 = arith.constant 1 : i32
      %sub3A_1055 = arith.subi %add3A_1036, %sub3A_1054 : i32
      %add3A_1056 = arith.constant 11 : i32
      %add3A_1057 = arith.addi %sub3A_1055, %add3A_1056 : i32
      %lt3A_1058 = arith.constant 512 : i32
      %lt3A_1059 = arith.cmpi slt, %add3A_1057, %lt3A_1058 : i32
      %and3A_1060 = arith.andi %ge3A_1053, %lt3A_1059 : i1
      %convert_element_type3A_1061 = arith.extui %and3A_1060 : i1 to i32
      %cond3A_1062 = arith.constant 0 : i32
      %cond3A_1063 = arith.cmpi ne, %convert_element_type3A_1061, %cond3A_1062 : i32
      scf.if %cond3A_1063 {
        %sub3A_1885 = arith.constant 1 : i32
        %sub3A_1886 = arith.subi %add3A_1036, %sub3A_1885 : i32
        %add3A_1887 = arith.constant 11 : i32
        %add3A_1888 = arith.addi %sub3A_1886, %add3A_1887 : i32
        %shift_right_logical3A_1889 = arith.constant 4 : i32
        %shift_right_logical3A_1890 = arith.shrui %add3A_1888, %shift_right_logical3A_1889 : i32
        %and3A_1891 = arith.constant 15 : i32
        %and3A_1892 = arith.andi %add3A_1888, %and3A_1891 : i32
        %broadcast_in_dim3A_1893 = arith.constant 0 : i32
        %broadcast_in_dim3A_1894 = vector.broadcast %broadcast_in_dim3A_1893 : i32 to vector<16xi32>
        %add3A_1895 = vector.broadcast %shift_right_logical3A_1890 : i32 to vector<16xi32>
        %add3A_1896 = arith.addi %broadcast_in_dim3A_1894, %add3A_1895 : vector<16xi32>
        %broadcast_in_dim3A_1897 = arith.constant 0 : i32
        %broadcast_in_dim3A_1898 = vector.broadcast %broadcast_in_dim3A_1897 : i32 to vector<16xi32>
        %add3A_1899 = vector.broadcast %and3A_1892 : i32 to vector<16xi32>
        %add3A_1900 = arith.addi %broadcast_in_dim3A_1898, %add3A_1899 : vector<16xi32>
        %gather3A_1901 = tpu.vector_load_idx %arg5[%add3A_1896, %add3A_1900] : memref<32x16xi32, #tpu.memory_space<vmem>>[vector<16xi32>, vector<16xi32>], vector<16xi32>,
        %slice3A_1902 = vector.extract_strided_slice %gather3A_1901 {offsets = [0], sizes = [1], strides = [1]} : vector<16xi32> to vector<1xi32>
        %squeeze3A_1903 = vector.extract %slice3A_1902[0] : i32 from vector<1xi32>
        %shift_right_logical3A_1904 = arith.constant 7 : i32
        %shift_right_logical3A_1905 = arith.shrui %squeeze3A_1903, %shift_right_logical3A_1904 : i32
        %mul3A_1906 = arith.constant 128 : i32
        %mul3A_1907 = arith.muli %shift_right_logical3A_1905, %mul3A_1906 : i32
        %min3A_1908 = arith.constant 999808 : i32
        %min3A_1909 = arith.minsi %mul3A_1907, %min3A_1908 : i32
        %multiple_of3A_1910 = tpu.assume_multiple %min3A_1909, 128 : i32
        %dma_start3A_1911 = arith.constant 0 : i32
        %dma_start3A_1912 = arith.constant 0 : i32
        %dma_start3A_1913 = arith.constant 0 : i32
        %dma_start3A_1914 = tpu.memref_slice %arg6[%dma_start3A_1911, %dma_start3A_1912, %dma_start3A_1913] : memref<11x64x128xf32, #tpu.memory_space<vmem>> -> memref<1x64x128xf32, #tpu.memory_space<vmem>>
        %dma_start3A_1915 = tpu.memref_squeeze %dma_start3A_1914 : memref<1x64x128xf32, #tpu.memory_space<vmem>> -> memref<64x128xf32, #tpu.memory_space<vmem>>
        %dma_start3A_1916 = arith.constant 0 : i32
        %dma_start3A_1917 = tpu.memref_slice %arg3[%dma_start3A_1916, %multiple_of3A_1910] : memref<64x1000000xf32, #tpu.memory_space<hbm>> -> memref<64x128xf32, #tpu.memory_space<hbm>>
        %dma_start3A_1918 = arith.constant 0 : i32
        %dma_start3A_1919 = arith.constant 0 : i32
        %dma_start3A_1920 = tpu.memref_slice %arg6[%dma_start3A_1911, %dma_start3A_1918, %dma_start3A_1919] : memref<11x64x128xf32, #tpu.memory_space<vmem>> -> memref<1x64x128xf32, #tpu.memory_space<vmem>>
        %dma_start3A_1921 = tpu.memref_squeeze %dma_start3A_1920 : memref<1x64x128xf32, #tpu.memory_space<vmem>> -> memref<64x128xf32, #tpu.memory_space<vmem>>
        %dma_start3A_1922 = arith.constant 0 : i32
        %dma_start3A_1923 = tpu.memref_slice %arg3[%dma_start3A_1922, %multiple_of3A_1910] : memref<64x1000000xf32, #tpu.memory_space<hbm>> -> memref<64x128xf32, #tpu.memory_space<hbm>>
        tpu.enqueue_dma source(%dma_start3A_1923 : memref<64x128xf32, #tpu.memory_space<hbm>>) target(%dma_start3A_1921 : memref<64x128xf32, #tpu.memory_space<vmem>>) target_semaphore(%arg8 : memref<!tpu.dma_semaphore, #tpu.memory_space<semaphore_mem>>)
      } else {
      }
      %shift_right_logical3A_1064 = arith.constant 4 : i32
      %shift_right_logical3A_1065 = arith.shrui %add3A_1036, %shift_right_logical3A_1064 : i32
      %and3A_1066 = arith.constant 15 : i32
      %and3A_1067 = arith.andi %add3A_1036, %and3A_1066 : i32
      %broadcast_in_dim3A_1068 = arith.constant 0 : i32
      %broadcast_in_dim3A_1069 = vector.broadcast %broadcast_in_dim3A_1068 : i32 to vector<16xi32>
      %add3A_1070 = vector.broadcast %shift_right_logical3A_1065 : i32 to vector<16xi32>
      %add3A_1071 = arith.addi %broadcast_in_dim3A_1069, %add3A_1070 : vector<16xi32>
      %broadcast_in_dim3A_1072 = arith.constant 0 : i32
      %broadcast_in_dim3A_1073 = vector.broadcast %broadcast_in_dim3A_1072 : i32 to vector<16xi32>
      %add3A_1074 = vector.broadcast %and3A_1067 : i32 to vector<16xi32>
      %add3A_1075 = arith.addi %broadcast_in_dim3A_1073, %add3A_1074 : vector<16xi32>
      %gather3A_1076 = tpu.vector_load_idx %arg5[%add3A_1071, %add3A_1075] : memref<32x16xi32, #tpu.memory_space<vmem>>[vector<16xi32>, vector<16xi32>], vector<16xi32>,
      %slice3A_1077 = vector.extract_strided_slice %gather3A_1076 {offsets = [0], sizes = [1], strides = [1]} : vector<16xi32> to vector<1xi32>
      %squeeze3A_1078 = vector.extract %slice3A_1077[0] : i32 from vector<1xi32>
      %shift_right_logical3A_1079 = arith.constant 7 : i32
      %shift_right_logical3A_1080 = arith.shrui %squeeze3A_1078, %shift_right_logical3A_1079 : i32
      %mul3A_1081 = arith.constant 128 : i32
      %mul3A_1082 = arith.muli %shift_right_logical3A_1080, %mul3A_1081 : i32
      %min3A_1083 = arith.constant 999808 : i32
      %min3A_1084 = arith.minsi %mul3A_1082, %min3A_1083 : i32
      %sub3A_1085 = arith.subi %squeeze3A_1078, %min3A_1084 : i32
      %min3A_1086 = arith.constant 127 : i32
      %min3A_1087 = arith.minsi %sub3A_1085, %min3A_1086 : i32
      %broadcast_in_dim3A_1088 = arith.constant 0 : i32
      %broadcast_in_dim3A_1089 = vector.broadcast %broadcast_in_dim3A_1088 : i32 to vector<16xi32>
      %add3A_1090 = vector.broadcast %min3A_1087 : i32 to vector<16xi32>
      %add3A_1091 = arith.addi %broadcast_in_dim3A_1089, %add3A_1090 : vector<16xi32>
      %broadcast_in_dim3A_1092 = arith.constant 0 : i32
      %broadcast_in_dim3A_1093 = vector.broadcast %broadcast_in_dim3A_1092 : i32 to vector<16xi32>
      %add3A_1094 = vector.broadcast %add3A_1036 : i32 to vector<16xi32>
      %add3A_1095 = arith.addi %broadcast_in_dim3A_1093, %add3A_1094 : vector<16xi32>
      %gather3A_1096 = arith.constant 1 : i32
      %gather3A_1097 = arith.constant 0 : i32
      %gather3A_1098 = arith.constant 0 : i32
      %gather3A_1099 = tpu.memref_slice %arg6[%gather3A_1096, %gather3A_1097, %gather3A_1098] : memref<11x64x128xf32, #tpu.memory_space<vmem>> -> memref<1x64x128xf32, #tpu.memory_space<vmem>>
      %gather3A_1100 = tpu.memref_squeeze %gather3A_1099 : memref<1x64x128xf32, #tpu.memory_space<vmem>> -> memref<64x128xf32, #tpu.memory_space<vmem>>
      %gather3A_1101 = tpu.vector_load_idx %gather3A_1100[%iota3A, %add3A_1091] : memref<64x128xf32, #tpu.memory_space<vmem>>[vector<16xi32>, vector<16xi32>], vector<16xf32>,
      tpu.vector_store_idx %arg7[%iota3A, %add3A_1095], %gather3A_1101 : memref<64x512xf32, #tpu.memory_space<vmem>>[vector<16xi32>, vector<16xi32>], vector<16xf32>,
      %gather3A_1102 = arith.constant 1 : i32
      %gather3A_1103 = arith.constant 0 : i32
      %gather3A_1104 = arith.constant 0 : i32
      %gather3A_1105 = tpu.memref_slice %arg6[%gather3A_1102, %gather3A_1103, %gather3A_1104] : memref<11x64x128xf32, #tpu.memory_space<vmem>> -> memref<1x64x128xf32, #tpu.memory_space<vmem>>
      %gather3A_1106 = tpu.memref_squeeze %gather3A_1105 : memref<1x64x128xf32, #tpu.memory_space<vmem>> -> memref<64x128xf32, #tpu.memory_space<vmem>>
      %gather3A_1107 = tpu.vector_load_idx %gather3A_1106[%add3A_4, %add3A_1091] : memref<64x128xf32, #tpu.memory_space<vmem>>[vector<16xi32>, vector<16xi32>], vector<16xf32>,
      tpu.vector_store_idx %arg7[%add3A_4, %add3A_1095], %gather3A_1107 : memref<64x512xf32, #tpu.memory_space<vmem>>[vector<16xi32>, vector<16xi32>], vector<16xf32>,
      %gather3A_1108 = arith.constant 1 : i32
      %gather3A_1109 = arith.constant 0 : i32
      %gather3A_1110 = arith.constant 0 : i32
      %gather3A_1111 = tpu.memref_slice %arg6[%gather3A_1108, %gather3A_1109, %gather3A_1110] : memref<11x64x128xf32, #tpu.memory_space<vmem>> -> memref<1x64x128xf32, #tpu.memory_space<vmem>>
      %gather3A_1112 = tpu.memref_squeeze %gather3A_1111 : memref<1x64x128xf32, #tpu.memory_space<vmem>> -> memref<64x128xf32, #tpu.memory_space<vmem>>
      %gather3A_1113 = tpu.vector_load_idx %gather3A_1112[%add3A_8, %add3A_1091] : memref<64x128xf32, #tpu.memory_space<vmem>>[vector<16xi32>, vector<16xi32>], vector<16xf32>,
      tpu.vector_store_idx %arg7[%add3A_8, %add3A_1095], %gather3A_1113 : memref<64x512xf32, #tpu.memory_space<vmem>>[vector<16xi32>, vector<16xi32>], vector<16xf32>,
      %gather3A_1114 = arith.constant 1 : i32
      %gather3A_1115 = arith.constant 0 : i32
      %gather3A_1116 = arith.constant 0 : i32
      %gather3A_1117 = tpu.memref_slice %arg6[%gather3A_1114, %gather3A_1115, %gather3A_1116] : memref<11x64x128xf32, #tpu.memory_space<vmem>> -> memref<1x64x128xf32, #tpu.memory_space<vmem>>
      %gather3A_1118 = tpu.memref_squeeze %gather3A_1117 : memref<1x64x128xf32, #tpu.memory_space<vmem>> -> memref<64x128xf32, #tpu.memory_space<vmem>>
      %gather3A_1119 = tpu.vector_load_idx %gather3A_1118[%add3A_12, %add3A_1091] : memref<64x128xf32, #tpu.memory_space<vmem>>[vector<16xi32>, vector<16xi32>], vector<16xf32>,
      tpu.vector_store_idx %arg7[%add3A_12, %add3A_1095], %gather3A_1119 : memref<64x512xf32, #tpu.memory_space<vmem>>[vector<16xi32>, vector<16xi32>], vector<16xf32>,
      %add3A_1120 = arith.constant 2 : i32
      %add3A_1121 = arith.addi %mul3A_949, %add3A_1120 : i32
      %dma_wait3A_1122 = arith.constant 2 : i32
      %dma_wait3A_1123 = arith.constant 0 : i32
      %dma_wait3A_1124 = arith.constant 0 : i32
      %dma_wait3A_1125 = tpu.memref_slice %arg6[%dma_wait3A_1122, %dma_wait3A_1123, %dma_wait3A_1124] : memref<11x64x128xf32, #tpu.memory_space<vmem>> -> memref<1x64x128xf32, #tpu.memory_space<vmem>>
      %dma_wait3A_1126 = tpu.memref_squeeze %dma_wait3A_1125 : memref<1x64x128xf32, #tpu.memory_space<vmem>> -> memref<64x128xf32, #tpu.memory_space<vmem>>
      %dma_wait3A_1127 = arith.constant 0 : i32
      %dma_wait3A_1128 = arith.constant 0 : i32
      %dma_wait3A_1129 = tpu.memref_slice %arg3[%dma_wait3A_1127, %dma_wait3A_1128] : memref<64x1000000xf32, #tpu.memory_space<hbm>> -> memref<64x128xf32, #tpu.memory_space<hbm>>
      %dma_wait3A_1130 = arith.constant 0 : i32
      %dma_wait3A_1131 = arith.constant 0 : i32
      %dma_wait3A_1132 = tpu.memref_slice %arg6[%dma_wait3A_1122, %dma_wait3A_1130, %dma_wait3A_1131] : memref<11x64x128xf32, #tpu.memory_space<vmem>> -> memref<1x64x128xf32, #tpu.memory_space<vmem>>
      %dma_wait3A_1133 = tpu.memref_squeeze %dma_wait3A_1132 : memref<1x64x128xf32, #tpu.memory_space<vmem>> -> memref<64x128xf32, #tpu.memory_space<vmem>>
      %dma_wait3A_1134 = arith.constant 0 : i32
      %dma_wait3A_1135 = arith.constant 0 : i32
      %dma_wait3A_1136 = tpu.memref_slice %arg3[%dma_wait3A_1134, %dma_wait3A_1135] : memref<64x1000000xf32, #tpu.memory_space<hbm>> -> memref<64x128xf32, #tpu.memory_space<hbm>>
      tpu.wait_dma2 semaphore(%arg10 : memref<!tpu.dma_semaphore, #tpu.memory_space<semaphore_mem>>) src(%dma_wait3A_1136 : memref<64x128xf32, #tpu.memory_space<hbm>>) dst(%dma_wait3A_1133 : memref<64x128xf32, #tpu.memory_space<vmem>>)
      %ge3A_1137 = arith.constant 1 : i32
      %ge3A_1138 = arith.cmpi sge, %add3A_1121, %ge3A_1137 : i32
      %sub3A_1139 = arith.constant 1 : i32
      %sub3A_1140 = arith.subi %add3A_1121, %sub3A_1139 : i32
      %add3A_1141 = arith.constant 11 : i32
      %add3A_1142 = arith.addi %sub3A_1140, %add3A_1141 : i32
      %lt3A_1143 = arith.constant 512 : i32
      %lt3A_1144 = arith.cmpi slt, %add3A_1142, %lt3A_1143 : i32
      %and3A_1145 = arith.andi %ge3A_1138, %lt3A_1144 : i1
      %convert_element_type3A_1146 = arith.extui %and3A_1145 : i1 to i32
      %cond3A_1147 = arith.constant 0 : i32
      %cond3A_1148 = arith.cmpi ne, %convert_element_type3A_1146, %cond3A_1147 : i32
      scf.if %cond3A_1148 {
        %sub3A_1885 = arith.constant 1 : i32
        %sub3A_1886 = arith.subi %add3A_1121, %sub3A_1885 : i32
        %add3A_1887 = arith.constant 11 : i32
        %add3A_1888 = arith.addi %sub3A_1886, %add3A_1887 : i32
        %shift_right_logical3A_1889 = arith.constant 4 : i32
        %shift_right_logical3A_1890 = arith.shrui %add3A_1888, %shift_right_logical3A_1889 : i32
        %and3A_1891 = arith.constant 15 : i32
        %and3A_1892 = arith.andi %add3A_1888, %and3A_1891 : i32
        %broadcast_in_dim3A_1893 = arith.constant 0 : i32
        %broadcast_in_dim3A_1894 = vector.broadcast %broadcast_in_dim3A_1893 : i32 to vector<16xi32>
        %add3A_1895 = vector.broadcast %shift_right_logical3A_1890 : i32 to vector<16xi32>
        %add3A_1896 = arith.addi %broadcast_in_dim3A_1894, %add3A_1895 : vector<16xi32>
        %broadcast_in_dim3A_1897 = arith.constant 0 : i32
        %broadcast_in_dim3A_1898 = vector.broadcast %broadcast_in_dim3A_1897 : i32 to vector<16xi32>
        %add3A_1899 = vector.broadcast %and3A_1892 : i32 to vector<16xi32>
        %add3A_1900 = arith.addi %broadcast_in_dim3A_1898, %add3A_1899 : vector<16xi32>
        %gather3A_1901 = tpu.vector_load_idx %arg5[%add3A_1896, %add3A_1900] : memref<32x16xi32, #tpu.memory_space<vmem>>[vector<16xi32>, vector<16xi32>], vector<16xi32>,
        %slice3A_1902 = vector.extract_strided_slice %gather3A_1901 {offsets = [0], sizes = [1], strides = [1]} : vector<16xi32> to vector<1xi32>
        %squeeze3A_1903 = vector.extract %slice3A_1902[0] : i32 from vector<1xi32>
        %shift_right_logical3A_1904 = arith.constant 7 : i32
        %shift_right_logical3A_1905 = arith.shrui %squeeze3A_1903, %shift_right_logical3A_1904 : i32
        %mul3A_1906 = arith.constant 128 : i32
        %mul3A_1907 = arith.muli %shift_right_logical3A_1905, %mul3A_1906 : i32
        %min3A_1908 = arith.constant 999808 : i32
        %min3A_1909 = arith.minsi %mul3A_1907, %min3A_1908 : i32
        %multiple_of3A_1910 = tpu.assume_multiple %min3A_1909, 128 : i32
        %dma_start3A_1911 = arith.constant 1 : i32
        %dma_start3A_1912 = arith.constant 0 : i32
        %dma_start3A_1913 = arith.constant 0 : i32
        %dma_start3A_1914 = tpu.memref_slice %arg6[%dma_start3A_1911, %dma_start3A_1912, %dma_start3A_1913] : memref<11x64x128xf32, #tpu.memory_space<vmem>> -> memref<1x64x128xf32, #tpu.memory_space<vmem>>
        %dma_start3A_1915 = tpu.memref_squeeze %dma_start3A_1914 : memref<1x64x128xf32, #tpu.memory_space<vmem>> -> memref<64x128xf32, #tpu.memory_space<vmem>>
        %dma_start3A_1916 = arith.constant 0 : i32
        %dma_start3A_1917 = tpu.memref_slice %arg3[%dma_start3A_1916, %multiple_of3A_1910] : memref<64x1000000xf32, #tpu.memory_space<hbm>> -> memref<64x128xf32, #tpu.memory_space<hbm>>
        %dma_start3A_1918 = arith.constant 0 : i32
        %dma_start3A_1919 = arith.constant 0 : i32
        %dma_start3A_1920 = tpu.memref_slice %arg6[%dma_start3A_1911, %dma_start3A_1918, %dma_start3A_1919] : memref<11x64x128xf32, #tpu.memory_space<vmem>> -> memref<1x64x128xf32, #tpu.memory_space<vmem>>
        %dma_start3A_1921 = tpu.memref_squeeze %dma_start3A_1920 : memref<1x64x128xf32, #tpu.memory_space<vmem>> -> memref<64x128xf32, #tpu.memory_space<vmem>>
        %dma_start3A_1922 = arith.constant 0 : i32
        %dma_start3A_1923 = tpu.memref_slice %arg3[%dma_start3A_1922, %multiple_of3A_1910] : memref<64x1000000xf32, #tpu.memory_space<hbm>> -> memref<64x128xf32, #tpu.memory_space<hbm>>
        tpu.enqueue_dma source(%dma_start3A_1923 : memref<64x128xf32, #tpu.memory_space<hbm>>) target(%dma_start3A_1921 : memref<64x128xf32, #tpu.memory_space<vmem>>) target_semaphore(%arg9 : memref<!tpu.dma_semaphore, #tpu.memory_space<semaphore_mem>>)
      } else {
      }
      %shift_right_logical3A_1149 = arith.constant 4 : i32
      %shift_right_logical3A_1150 = arith.shrui %add3A_1121, %shift_right_logical3A_1149 : i32
      %and3A_1151 = arith.constant 15 : i32
      %and3A_1152 = arith.andi %add3A_1121, %and3A_1151 : i32
      %broadcast_in_dim3A_1153 = arith.constant 0 : i32
      %broadcast_in_dim3A_1154 = vector.broadcast %broadcast_in_dim3A_1153 : i32 to vector<16xi32>
      %add3A_1155 = vector.broadcast %shift_right_logical3A_1150 : i32 to vector<16xi32>
      %add3A_1156 = arith.addi %broadcast_in_dim3A_1154, %add3A_1155 : vector<16xi32>
      %broadcast_in_dim3A_1157 = arith.constant 0 : i32
      %broadcast_in_dim3A_1158 = vector.broadcast %broadcast_in_dim3A_1157 : i32 to vector<16xi32>
      %add3A_1159 = vector.broadcast %and3A_1152 : i32 to vector<16xi32>
      %add3A_1160 = arith.addi %broadcast_in_dim3A_1158, %add3A_1159 : vector<16xi32>
      %gather3A_1161 = tpu.vector_load_idx %arg5[%add3A_1156, %add3A_1160] : memref<32x16xi32, #tpu.memory_space<vmem>>[vector<16xi32>, vector<16xi32>], vector<16xi32>,
      %slice3A_1162 = vector.extract_strided_slice %gather3A_1161 {offsets = [0], sizes = [1], strides = [1]} : vector<16xi32> to vector<1xi32>
      %squeeze3A_1163 = vector.extract %slice3A_1162[0] : i32 from vector<1xi32>
      %shift_right_logical3A_1164 = arith.constant 7 : i32
      %shift_right_logical3A_1165 = arith.shrui %squeeze3A_1163, %shift_right_logical3A_1164 : i32
      %mul3A_1166 = arith.constant 128 : i32
      %mul3A_1167 = arith.muli %shift_right_logical3A_1165, %mul3A_1166 : i32
      %min3A_1168 = arith.constant 999808 : i32
      %min3A_1169 = arith.minsi %mul3A_1167, %min3A_1168 : i32
      %sub3A_1170 = arith.subi %squeeze3A_1163, %min3A_1169 : i32
      %min3A_1171 = arith.constant 127 : i32
      %min3A_1172 = arith.minsi %sub3A_1170, %min3A_1171 : i32
      %broadcast_in_dim3A_1173 = arith.constant 0 : i32
      %broadcast_in_dim3A_1174 = vector.broadcast %broadcast_in_dim3A_1173 : i32 to vector<16xi32>
      %add3A_1175 = vector.broadcast %min3A_1172 : i32 to vector<16xi32>
      %add3A_1176 = arith.addi %broadcast_in_dim3A_1174, %add3A_1175 : vector<16xi32>
      %broadcast_in_dim3A_1177 = arith.constant 0 : i32
      %broadcast_in_dim3A_1178 = vector.broadcast %broadcast_in_dim3A_1177 : i32 to vector<16xi32>
      %add3A_1179 = vector.broadcast %add3A_1121 : i32 to vector<16xi32>
      %add3A_1180 = arith.addi %broadcast_in_dim3A_1178, %add3A_1179 : vector<16xi32>
      %gather3A_1181 = arith.constant 2 : i32
      %gather3A_1182 = arith.constant 0 : i32
      %gather3A_1183 = arith.constant 0 : i32
      %gather3A_1184 = tpu.memref_slice %arg6[%gather3A_1181, %gather3A_1182, %gather3A_1183] : memref<11x64x128xf32, #tpu.memory_space<vmem>> -> memref<1x64x128xf32, #tpu.memory_space<vmem>>
      %gather3A_1185 = tpu.memref_squeeze %gather3A_1184 : memref<1x64x128xf32, #tpu.memory_space<vmem>> -> memref<64x128xf32, #tpu.memory_space<vmem>>
      %gather3A_1186 = tpu.vector_load_idx %gather3A_1185[%iota3A, %add3A_1176] : memref<64x128xf32, #tpu.memory_space<vmem>>[vector<16xi32>, vector<16xi32>], vector<16xf32>,
      tpu.vector_store_idx %arg7[%iota3A, %add3A_1180], %gather3A_1186 : memref<64x512xf32, #tpu.memory_space<vmem>>[vector<16xi32>, vector<16xi32>], vector<16xf32>,
      %gather3A_1187 = arith.constant 2 : i32
      %gather3A_1188 = arith.constant 0 : i32
      %gather3A_1189 = arith.constant 0 : i32
      %gather3A_1190 = tpu.memref_slice %arg6[%gather3A_1187, %gather3A_1188, %gather3A_1189] : memref<11x64x128xf32, #tpu.memory_space<vmem>> -> memref<1x64x128xf32, #tpu.memory_space<vmem>>
      %gather3A_1191 = tpu.memref_squeeze %gather3A_1190 : memref<1x64x128xf32, #tpu.memory_space<vmem>> -> memref<64x128xf32, #tpu.memory_space<vmem>>
      %gather3A_1192 = tpu.vector_load_idx %gather3A_1191[%add3A_4, %add3A_1176] : memref<64x128xf32, #tpu.memory_space<vmem>>[vector<16xi32>, vector<16xi32>], vector<16xf32>,
      tpu.vector_store_idx %arg7[%add3A_4, %add3A_1180], %gather3A_1192 : memref<64x512xf32, #tpu.memory_space<vmem>>[vector<16xi32>, vector<16xi32>], vector<16xf32>,
      %gather3A_1193 = arith.constant 2 : i32
      %gather3A_1194 = arith.constant 0 : i32
      %gather3A_1195 = arith.constant 0 : i32
      %gather3A_1196 = tpu.memref_slice %arg6[%gather3A_1193, %gather3A_1194, %gather3A_1195] : memref<11x64x128xf32, #tpu.memory_space<vmem>> -> memref<1x64x128xf32, #tpu.memory_space<vmem>>
      %gather3A_1197 = tpu.memref_squeeze %gather3A_1196 : memref<1x64x128xf32, #tpu.memory_space<vmem>> -> memref<64x128xf32, #tpu.memory_space<vmem>>
      %gather3A_1198 = tpu.vector_load_idx %gather3A_1197[%add3A_8, %add3A_1176] : memref<64x128xf32, #tpu.memory_space<vmem>>[vector<16xi32>, vector<16xi32>], vector<16xf32>,
      tpu.vector_store_idx %arg7[%add3A_8, %add3A_1180], %gather3A_1198 : memref<64x512xf32, #tpu.memory_space<vmem>>[vector<16xi32>, vector<16xi32>], vector<16xf32>,
      %gather3A_1199 = arith.constant 2 : i32
      %gather3A_1200 = arith.constant 0 : i32
      %gather3A_1201 = arith.constant 0 : i32
      %gather3A_1202 = tpu.memref_slice %arg6[%gather3A_1199, %gather3A_1200, %gather3A_1201] : memref<11x64x128xf32, #tpu.memory_space<vmem>> -> memref<1x64x128xf32, #tpu.memory_space<vmem>>
      %gather3A_1203 = tpu.memref_squeeze %gather3A_1202 : memref<1x64x128xf32, #tpu.memory_space<vmem>> -> memref<64x128xf32, #tpu.memory_space<vmem>>
      %gather3A_1204 = tpu.vector_load_idx %gather3A_1203[%add3A_12, %add3A_1176] : memref<64x128xf32, #tpu.memory_space<vmem>>[vector<16xi32>, vector<16xi32>], vector<16xf32>,
      tpu.vector_store_idx %arg7[%add3A_12, %add3A_1180], %gather3A_1204 : memref<64x512xf32, #tpu.memory_space<vmem>>[vector<16xi32>, vector<16xi32>], vector<16xf32>,
      %add3A_1205 = arith.constant 3 : i32
      %add3A_1206 = arith.addi %mul3A_949, %add3A_1205 : i32
      %dma_wait3A_1207 = arith.constant 3 : i32
      %dma_wait3A_1208 = arith.constant 0 : i32
      %dma_wait3A_1209 = arith.constant 0 : i32
      %dma_wait3A_1210 = tpu.memref_slice %arg6[%dma_wait3A_1207, %dma_wait3A_1208, %dma_wait3A_1209] : memref<11x64x128xf32, #tpu.memory_space<vmem>> -> memref<1x64x128xf32, #tpu.memory_space<vmem>>
      %dma_wait3A_1211 = tpu.memref_squeeze %dma_wait3A_1210 : memref<1x64x128xf32, #tpu.memory_space<vmem>> -> memref<64x128xf32, #tpu.memory_space<vmem>>
      %dma_wait3A_1212 = arith.constant 0 : i32
      %dma_wait3A_1213 = arith.constant 0 : i32
      %dma_wait3A_1214 = tpu.memref_slice %arg3[%dma_wait3A_1212, %dma_wait3A_1213] : memref<64x1000000xf32, #tpu.memory_space<hbm>> -> memref<64x128xf32, #tpu.memory_space<hbm>>
      %dma_wait3A_1215 = arith.constant 0 : i32
      %dma_wait3A_1216 = arith.constant 0 : i32
      %dma_wait3A_1217 = tpu.memref_slice %arg6[%dma_wait3A_1207, %dma_wait3A_1215, %dma_wait3A_1216] : memref<11x64x128xf32, #tpu.memory_space<vmem>> -> memref<1x64x128xf32, #tpu.memory_space<vmem>>
      %dma_wait3A_1218 = tpu.memref_squeeze %dma_wait3A_1217 : memref<1x64x128xf32, #tpu.memory_space<vmem>> -> memref<64x128xf32, #tpu.memory_space<vmem>>
      %dma_wait3A_1219 = arith.constant 0 : i32
      %dma_wait3A_1220 = arith.constant 0 : i32
      %dma_wait3A_1221 = tpu.memref_slice %arg3[%dma_wait3A_1219, %dma_wait3A_1220] : memref<64x1000000xf32, #tpu.memory_space<hbm>> -> memref<64x128xf32, #tpu.memory_space<hbm>>
      tpu.wait_dma2 semaphore(%arg11 : memref<!tpu.dma_semaphore, #tpu.memory_space<semaphore_mem>>) src(%dma_wait3A_1221 : memref<64x128xf32, #tpu.memory_space<hbm>>) dst(%dma_wait3A_1218 : memref<64x128xf32, #tpu.memory_space<vmem>>)
      %ge3A_1222 = arith.constant 1 : i32
      %ge3A_1223 = arith.cmpi sge, %add3A_1206, %ge3A_1222 : i32
      %sub3A_1224 = arith.constant 1 : i32
      %sub3A_1225 = arith.subi %add3A_1206, %sub3A_1224 : i32
      %add3A_1226 = arith.constant 11 : i32
      %add3A_1227 = arith.addi %sub3A_1225, %add3A_1226 : i32
      %lt3A_1228 = arith.constant 512 : i32
      %lt3A_1229 = arith.cmpi slt, %add3A_1227, %lt3A_1228 : i32
      %and3A_1230 = arith.andi %ge3A_1223, %lt3A_1229 : i1
      %convert_element_type3A_1231 = arith.extui %and3A_1230 : i1 to i32
      %cond3A_1232 = arith.constant 0 : i32
      %cond3A_1233 = arith.cmpi ne, %convert_element_type3A_1231, %cond3A_1232 : i32
      scf.if %cond3A_1233 {
        %sub3A_1885 = arith.constant 1 : i32
        %sub3A_1886 = arith.subi %add3A_1206, %sub3A_1885 : i32
        %add3A_1887 = arith.constant 11 : i32
        %add3A_1888 = arith.addi %sub3A_1886, %add3A_1887 : i32
        %shift_right_logical3A_1889 = arith.constant 4 : i32
        %shift_right_logical3A_1890 = arith.shrui %add3A_1888, %shift_right_logical3A_1889 : i32
        %and3A_1891 = arith.constant 15 : i32
        %and3A_1892 = arith.andi %add3A_1888, %and3A_1891 : i32
        %broadcast_in_dim3A_1893 = arith.constant 0 : i32
        %broadcast_in_dim3A_1894 = vector.broadcast %broadcast_in_dim3A_1893 : i32 to vector<16xi32>
        %add3A_1895 = vector.broadcast %shift_right_logical3A_1890 : i32 to vector<16xi32>
        %add3A_1896 = arith.addi %broadcast_in_dim3A_1894, %add3A_1895 : vector<16xi32>
        %broadcast_in_dim3A_1897 = arith.constant 0 : i32
        %broadcast_in_dim3A_1898 = vector.broadcast %broadcast_in_dim3A_1897 : i32 to vector<16xi32>
        %add3A_1899 = vector.broadcast %and3A_1892 : i32 to vector<16xi32>
        %add3A_1900 = arith.addi %broadcast_in_dim3A_1898, %add3A_1899 : vector<16xi32>
        %gather3A_1901 = tpu.vector_load_idx %arg5[%add3A_1896, %add3A_1900] : memref<32x16xi32, #tpu.memory_space<vmem>>[vector<16xi32>, vector<16xi32>], vector<16xi32>,
        %slice3A_1902 = vector.extract_strided_slice %gather3A_1901 {offsets = [0], sizes = [1], strides = [1]} : vector<16xi32> to vector<1xi32>
        %squeeze3A_1903 = vector.extract %slice3A_1902[0] : i32 from vector<1xi32>
        %shift_right_logical3A_1904 = arith.constant 7 : i32
        %shift_right_logical3A_1905 = arith.shrui %squeeze3A_1903, %shift_right_logical3A_1904 : i32
        %mul3A_1906 = arith.constant 128 : i32
        %mul3A_1907 = arith.muli %shift_right_logical3A_1905, %mul3A_1906 : i32
        %min3A_1908 = arith.constant 999808 : i32
        %min3A_1909 = arith.minsi %mul3A_1907, %min3A_1908 : i32
        %multiple_of3A_1910 = tpu.assume_multiple %min3A_1909, 128 : i32
        %dma_start3A_1911 = arith.constant 2 : i32
        %dma_start3A_1912 = arith.constant 0 : i32
        %dma_start3A_1913 = arith.constant 0 : i32
        %dma_start3A_1914 = tpu.memref_slice %arg6[%dma_start3A_1911, %dma_start3A_1912, %dma_start3A_1913] : memref<11x64x128xf32, #tpu.memory_space<vmem>> -> memref<1x64x128xf32, #tpu.memory_space<vmem>>
        %dma_start3A_1915 = tpu.memref_squeeze %dma_start3A_1914 : memref<1x64x128xf32, #tpu.memory_space<vmem>> -> memref<64x128xf32, #tpu.memory_space<vmem>>
        %dma_start3A_1916 = arith.constant 0 : i32
        %dma_start3A_1917 = tpu.memref_slice %arg3[%dma_start3A_1916, %multiple_of3A_1910] : memref<64x1000000xf32, #tpu.memory_space<hbm>> -> memref<64x128xf32, #tpu.memory_space<hbm>>
        %dma_start3A_1918 = arith.constant 0 : i32
        %dma_start3A_1919 = arith.constant 0 : i32
        %dma_start3A_1920 = tpu.memref_slice %arg6[%dma_start3A_1911, %dma_start3A_1918, %dma_start3A_1919] : memref<11x64x128xf32, #tpu.memory_space<vmem>> -> memref<1x64x128xf32, #tpu.memory_space<vmem>>
        %dma_start3A_1921 = tpu.memref_squeeze %dma_start3A_1920 : memref<1x64x128xf32, #tpu.memory_space<vmem>> -> memref<64x128xf32, #tpu.memory_space<vmem>>
        %dma_start3A_1922 = arith.constant 0 : i32
        %dma_start3A_1923 = tpu.memref_slice %arg3[%dma_start3A_1922, %multiple_of3A_1910] : memref<64x1000000xf32, #tpu.memory_space<hbm>> -> memref<64x128xf32, #tpu.memory_space<hbm>>
        tpu.enqueue_dma source(%dma_start3A_1923 : memref<64x128xf32, #tpu.memory_space<hbm>>) target(%dma_start3A_1921 : memref<64x128xf32, #tpu.memory_space<vmem>>) target_semaphore(%arg10 : memref<!tpu.dma_semaphore, #tpu.memory_space<semaphore_mem>>)
      } else {
      }
      %shift_right_logical3A_1234 = arith.constant 4 : i32
      %shift_right_logical3A_1235 = arith.shrui %add3A_1206, %shift_right_logical3A_1234 : i32
      %and3A_1236 = arith.constant 15 : i32
      %and3A_1237 = arith.andi %add3A_1206, %and3A_1236 : i32
      %broadcast_in_dim3A_1238 = arith.constant 0 : i32
      %broadcast_in_dim3A_1239 = vector.broadcast %broadcast_in_dim3A_1238 : i32 to vector<16xi32>
      %add3A_1240 = vector.broadcast %shift_right_logical3A_1235 : i32 to vector<16xi32>
      %add3A_1241 = arith.addi %broadcast_in_dim3A_1239, %add3A_1240 : vector<16xi32>
      %broadcast_in_dim3A_1242 = arith.constant 0 : i32
      %broadcast_in_dim3A_1243 = vector.broadcast %broadcast_in_dim3A_1242 : i32 to vector<16xi32>
      %add3A_1244 = vector.broadcast %and3A_1237 : i32 to vector<16xi32>
      %add3A_1245 = arith.addi %broadcast_in_dim3A_1243, %add3A_1244 : vector<16xi32>
      %gather3A_1246 = tpu.vector_load_idx %arg5[%add3A_1241, %add3A_1245] : memref<32x16xi32, #tpu.memory_space<vmem>>[vector<16xi32>, vector<16xi32>], vector<16xi32>,
      %slice3A_1247 = vector.extract_strided_slice %gather3A_1246 {offsets = [0], sizes = [1], strides = [1]} : vector<16xi32> to vector<1xi32>
      %squeeze3A_1248 = vector.extract %slice3A_1247[0] : i32 from vector<1xi32>
      %shift_right_logical3A_1249 = arith.constant 7 : i32
      %shift_right_logical3A_1250 = arith.shrui %squeeze3A_1248, %shift_right_logical3A_1249 : i32
      %mul3A_1251 = arith.constant 128 : i32
      %mul3A_1252 = arith.muli %shift_right_logical3A_1250, %mul3A_1251 : i32
      %min3A_1253 = arith.constant 999808 : i32
      %min3A_1254 = arith.minsi %mul3A_1252, %min3A_1253 : i32
      %sub3A_1255 = arith.subi %squeeze3A_1248, %min3A_1254 : i32
      %min3A_1256 = arith.constant 127 : i32
      %min3A_1257 = arith.minsi %sub3A_1255, %min3A_1256 : i32
      %broadcast_in_dim3A_1258 = arith.constant 0 : i32
      %broadcast_in_dim3A_1259 = vector.broadcast %broadcast_in_dim3A_1258 : i32 to vector<16xi32>
      %add3A_1260 = vector.broadcast %min3A_1257 : i32 to vector<16xi32>
      %add3A_1261 = arith.addi %broadcast_in_dim3A_1259, %add3A_1260 : vector<16xi32>
      %broadcast_in_dim3A_1262 = arith.constant 0 : i32
      %broadcast_in_dim3A_1263 = vector.broadcast %broadcast_in_dim3A_1262 : i32 to vector<16xi32>
      %add3A_1264 = vector.broadcast %add3A_1206 : i32 to vector<16xi32>
      %add3A_1265 = arith.addi %broadcast_in_dim3A_1263, %add3A_1264 : vector<16xi32>
      %gather3A_1266 = arith.constant 3 : i32
      %gather3A_1267 = arith.constant 0 : i32
      %gather3A_1268 = arith.constant 0 : i32
      %gather3A_1269 = tpu.memref_slice %arg6[%gather3A_1266, %gather3A_1267, %gather3A_1268] : memref<11x64x128xf32, #tpu.memory_space<vmem>> -> memref<1x64x128xf32, #tpu.memory_space<vmem>>
      %gather3A_1270 = tpu.memref_squeeze %gather3A_1269 : memref<1x64x128xf32, #tpu.memory_space<vmem>> -> memref<64x128xf32, #tpu.memory_space<vmem>>
      %gather3A_1271 = tpu.vector_load_idx %gather3A_1270[%iota3A, %add3A_1261] : memref<64x128xf32, #tpu.memory_space<vmem>>[vector<16xi32>, vector<16xi32>], vector<16xf32>,
      tpu.vector_store_idx %arg7[%iota3A, %add3A_1265], %gather3A_1271 : memref<64x512xf32, #tpu.memory_space<vmem>>[vector<16xi32>, vector<16xi32>], vector<16xf32>,
      %gather3A_1272 = arith.constant 3 : i32
      %gather3A_1273 = arith.constant 0 : i32
      %gather3A_1274 = arith.constant 0 : i32
      %gather3A_1275 = tpu.memref_slice %arg6[%gather3A_1272, %gather3A_1273, %gather3A_1274] : memref<11x64x128xf32, #tpu.memory_space<vmem>> -> memref<1x64x128xf32, #tpu.memory_space<vmem>>
      %gather3A_1276 = tpu.memref_squeeze %gather3A_1275 : memref<1x64x128xf32, #tpu.memory_space<vmem>> -> memref<64x128xf32, #tpu.memory_space<vmem>>
      %gather3A_1277 = tpu.vector_load_idx %gather3A_1276[%add3A_4, %add3A_1261] : memref<64x128xf32, #tpu.memory_space<vmem>>[vector<16xi32>, vector<16xi32>], vector<16xf32>,
      tpu.vector_store_idx %arg7[%add3A_4, %add3A_1265], %gather3A_1277 : memref<64x512xf32, #tpu.memory_space<vmem>>[vector<16xi32>, vector<16xi32>], vector<16xf32>,
      %gather3A_1278 = arith.constant 3 : i32
      %gather3A_1279 = arith.constant 0 : i32
      %gather3A_1280 = arith.constant 0 : i32
      %gather3A_1281 = tpu.memref_slice %arg6[%gather3A_1278, %gather3A_1279, %gather3A_1280] : memref<11x64x128xf32, #tpu.memory_space<vmem>> -> memref<1x64x128xf32, #tpu.memory_space<vmem>>
      %gather3A_1282 = tpu.memref_squeeze %gather3A_1281 : memref<1x64x128xf32, #tpu.memory_space<vmem>> -> memref<64x128xf32, #tpu.memory_space<vmem>>
      %gather3A_1283 = tpu.vector_load_idx %gather3A_1282[%add3A_8, %add3A_1261] : memref<64x128xf32, #tpu.memory_space<vmem>>[vector<16xi32>, vector<16xi32>], vector<16xf32>,
      tpu.vector_store_idx %arg7[%add3A_8, %add3A_1265], %gather3A_1283 : memref<64x512xf32, #tpu.memory_space<vmem>>[vector<16xi32>, vector<16xi32>], vector<16xf32>,
      %gather3A_1284 = arith.constant 3 : i32
      %gather3A_1285 = arith.constant 0 : i32
      %gather3A_1286 = arith.constant 0 : i32
      %gather3A_1287 = tpu.memref_slice %arg6[%gather3A_1284, %gather3A_1285, %gather3A_1286] : memref<11x64x128xf32, #tpu.memory_space<vmem>> -> memref<1x64x128xf32, #tpu.memory_space<vmem>>
      %gather3A_1288 = tpu.memref_squeeze %gather3A_1287 : memref<1x64x128xf32, #tpu.memory_space<vmem>> -> memref<64x128xf32, #tpu.memory_space<vmem>>
      %gather3A_1289 = tpu.vector_load_idx %gather3A_1288[%add3A_12, %add3A_1261] : memref<64x128xf32, #tpu.memory_space<vmem>>[vector<16xi32>, vector<16xi32>], vector<16xf32>,
      tpu.vector_store_idx %arg7[%add3A_12, %add3A_1265], %gather3A_1289 : memref<64x512xf32, #tpu.memory_space<vmem>>[vector<16xi32>, vector<16xi32>], vector<16xf32>,
      %add3A_1290 = arith.constant 4 : i32
      %add3A_1291 = arith.addi %mul3A_949, %add3A_1290 : i32
      %dma_wait3A_1292 = arith.constant 4 : i32
      %dma_wait3A_1293 = arith.constant 0 : i32
      %dma_wait3A_1294 = arith.constant 0 : i32
      %dma_wait3A_1295 = tpu.memref_slice %arg6[%dma_wait3A_1292, %dma_wait3A_1293, %dma_wait3A_1294] : memref<11x64x128xf32, #tpu.memory_space<vmem>> -> memref<1x64x128xf32, #tpu.memory_space<vmem>>
      %dma_wait3A_1296 = tpu.memref_squeeze %dma_wait3A_1295 : memref<1x64x128xf32, #tpu.memory_space<vmem>> -> memref<64x128xf32, #tpu.memory_space<vmem>>
      %dma_wait3A_1297 = arith.constant 0 : i32
      %dma_wait3A_1298 = arith.constant 0 : i32
      %dma_wait3A_1299 = tpu.memref_slice %arg3[%dma_wait3A_1297, %dma_wait3A_1298] : memref<64x1000000xf32, #tpu.memory_space<hbm>> -> memref<64x128xf32, #tpu.memory_space<hbm>>
      %dma_wait3A_1300 = arith.constant 0 : i32
      %dma_wait3A_1301 = arith.constant 0 : i32
      %dma_wait3A_1302 = tpu.memref_slice %arg6[%dma_wait3A_1292, %dma_wait3A_1300, %dma_wait3A_1301] : memref<11x64x128xf32, #tpu.memory_space<vmem>> -> memref<1x64x128xf32, #tpu.memory_space<vmem>>
      %dma_wait3A_1303 = tpu.memref_squeeze %dma_wait3A_1302 : memref<1x64x128xf32, #tpu.memory_space<vmem>> -> memref<64x128xf32, #tpu.memory_space<vmem>>
      %dma_wait3A_1304 = arith.constant 0 : i32
      %dma_wait3A_1305 = arith.constant 0 : i32
      %dma_wait3A_1306 = tpu.memref_slice %arg3[%dma_wait3A_1304, %dma_wait3A_1305] : memref<64x1000000xf32, #tpu.memory_space<hbm>> -> memref<64x128xf32, #tpu.memory_space<hbm>>
      tpu.wait_dma2 semaphore(%arg12 : memref<!tpu.dma_semaphore, #tpu.memory_space<semaphore_mem>>) src(%dma_wait3A_1306 : memref<64x128xf32, #tpu.memory_space<hbm>>) dst(%dma_wait3A_1303 : memref<64x128xf32, #tpu.memory_space<vmem>>)
      %ge3A_1307 = arith.constant 1 : i32
      %ge3A_1308 = arith.cmpi sge, %add3A_1291, %ge3A_1307 : i32
      %sub3A_1309 = arith.constant 1 : i32
      %sub3A_1310 = arith.subi %add3A_1291, %sub3A_1309 : i32
      %add3A_1311 = arith.constant 11 : i32
      %add3A_1312 = arith.addi %sub3A_1310, %add3A_1311 : i32
      %lt3A_1313 = arith.constant 512 : i32
      %lt3A_1314 = arith.cmpi slt, %add3A_1312, %lt3A_1313 : i32
      %and3A_1315 = arith.andi %ge3A_1308, %lt3A_1314 : i1
      %convert_element_type3A_1316 = arith.extui %and3A_1315 : i1 to i32
      %cond3A_1317 = arith.constant 0 : i32
      %cond3A_1318 = arith.cmpi ne, %convert_element_type3A_1316, %cond3A_1317 : i32
      scf.if %cond3A_1318 {
        %sub3A_1885 = arith.constant 1 : i32
        %sub3A_1886 = arith.subi %add3A_1291, %sub3A_1885 : i32
        %add3A_1887 = arith.constant 11 : i32
        %add3A_1888 = arith.addi %sub3A_1886, %add3A_1887 : i32
        %shift_right_logical3A_1889 = arith.constant 4 : i32
        %shift_right_logical3A_1890 = arith.shrui %add3A_1888, %shift_right_logical3A_1889 : i32
        %and3A_1891 = arith.constant 15 : i32
        %and3A_1892 = arith.andi %add3A_1888, %and3A_1891 : i32
        %broadcast_in_dim3A_1893 = arith.constant 0 : i32
        %broadcast_in_dim3A_1894 = vector.broadcast %broadcast_in_dim3A_1893 : i32 to vector<16xi32>
        %add3A_1895 = vector.broadcast %shift_right_logical3A_1890 : i32 to vector<16xi32>
        %add3A_1896 = arith.addi %broadcast_in_dim3A_1894, %add3A_1895 : vector<16xi32>
        %broadcast_in_dim3A_1897 = arith.constant 0 : i32
        %broadcast_in_dim3A_1898 = vector.broadcast %broadcast_in_dim3A_1897 : i32 to vector<16xi32>
        %add3A_1899 = vector.broadcast %and3A_1892 : i32 to vector<16xi32>
        %add3A_1900 = arith.addi %broadcast_in_dim3A_1898, %add3A_1899 : vector<16xi32>
        %gather3A_1901 = tpu.vector_load_idx %arg5[%add3A_1896, %add3A_1900] : memref<32x16xi32, #tpu.memory_space<vmem>>[vector<16xi32>, vector<16xi32>], vector<16xi32>,
        %slice3A_1902 = vector.extract_strided_slice %gather3A_1901 {offsets = [0], sizes = [1], strides = [1]} : vector<16xi32> to vector<1xi32>
        %squeeze3A_1903 = vector.extract %slice3A_1902[0] : i32 from vector<1xi32>
        %shift_right_logical3A_1904 = arith.constant 7 : i32
        %shift_right_logical3A_1905 = arith.shrui %squeeze3A_1903, %shift_right_logical3A_1904 : i32
        %mul3A_1906 = arith.constant 128 : i32
        %mul3A_1907 = arith.muli %shift_right_logical3A_1905, %mul3A_1906 : i32
        %min3A_1908 = arith.constant 999808 : i32
        %min3A_1909 = arith.minsi %mul3A_1907, %min3A_1908 : i32
        %multiple_of3A_1910 = tpu.assume_multiple %min3A_1909, 128 : i32
        %dma_start3A_1911 = arith.constant 3 : i32
        %dma_start3A_1912 = arith.constant 0 : i32
        %dma_start3A_1913 = arith.constant 0 : i32
        %dma_start3A_1914 = tpu.memref_slice %arg6[%dma_start3A_1911, %dma_start3A_1912, %dma_start3A_1913] : memref<11x64x128xf32, #tpu.memory_space<vmem>> -> memref<1x64x128xf32, #tpu.memory_space<vmem>>
        %dma_start3A_1915 = tpu.memref_squeeze %dma_start3A_1914 : memref<1x64x128xf32, #tpu.memory_space<vmem>> -> memref<64x128xf32, #tpu.memory_space<vmem>>
        %dma_start3A_1916 = arith.constant 0 : i32
        %dma_start3A_1917 = tpu.memref_slice %arg3[%dma_start3A_1916, %multiple_of3A_1910] : memref<64x1000000xf32, #tpu.memory_space<hbm>> -> memref<64x128xf32, #tpu.memory_space<hbm>>
        %dma_start3A_1918 = arith.constant 0 : i32
        %dma_start3A_1919 = arith.constant 0 : i32
        %dma_start3A_1920 = tpu.memref_slice %arg6[%dma_start3A_1911, %dma_start3A_1918, %dma_start3A_1919] : memref<11x64x128xf32, #tpu.memory_space<vmem>> -> memref<1x64x128xf32, #tpu.memory_space<vmem>>
        %dma_start3A_1921 = tpu.memref_squeeze %dma_start3A_1920 : memref<1x64x128xf32, #tpu.memory_space<vmem>> -> memref<64x128xf32, #tpu.memory_space<vmem>>
        %dma_start3A_1922 = arith.constant 0 : i32
        %dma_start3A_1923 = tpu.memref_slice %arg3[%dma_start3A_1922, %multiple_of3A_1910] : memref<64x1000000xf32, #tpu.memory_space<hbm>> -> memref<64x128xf32, #tpu.memory_space<hbm>>
        tpu.enqueue_dma source(%dma_start3A_1923 : memref<64x128xf32, #tpu.memory_space<hbm>>) target(%dma_start3A_1921 : memref<64x128xf32, #tpu.memory_space<vmem>>) target_semaphore(%arg11 : memref<!tpu.dma_semaphore, #tpu.memory_space<semaphore_mem>>)
      } else {
      }
      %shift_right_logical3A_1319 = arith.constant 4 : i32
      %shift_right_logical3A_1320 = arith.shrui %add3A_1291, %shift_right_logical3A_1319 : i32
      %and3A_1321 = arith.constant 15 : i32
      %and3A_1322 = arith.andi %add3A_1291, %and3A_1321 : i32
      %broadcast_in_dim3A_1323 = arith.constant 0 : i32
      %broadcast_in_dim3A_1324 = vector.broadcast %broadcast_in_dim3A_1323 : i32 to vector<16xi32>
      %add3A_1325 = vector.broadcast %shift_right_logical3A_1320 : i32 to vector<16xi32>
      %add3A_1326 = arith.addi %broadcast_in_dim3A_1324, %add3A_1325 : vector<16xi32>
      %broadcast_in_dim3A_1327 = arith.constant 0 : i32
      %broadcast_in_dim3A_1328 = vector.broadcast %broadcast_in_dim3A_1327 : i32 to vector<16xi32>
      %add3A_1329 = vector.broadcast %and3A_1322 : i32 to vector<16xi32>
      %add3A_1330 = arith.addi %broadcast_in_dim3A_1328, %add3A_1329 : vector<16xi32>
      %gather3A_1331 = tpu.vector_load_idx %arg5[%add3A_1326, %add3A_1330] : memref<32x16xi32, #tpu.memory_space<vmem>>[vector<16xi32>, vector<16xi32>], vector<16xi32>,
      %slice3A_1332 = vector.extract_strided_slice %gather3A_1331 {offsets = [0], sizes = [1], strides = [1]} : vector<16xi32> to vector<1xi32>
      %squeeze3A_1333 = vector.extract %slice3A_1332[0] : i32 from vector<1xi32>
      %shift_right_logical3A_1334 = arith.constant 7 : i32
      %shift_right_logical3A_1335 = arith.shrui %squeeze3A_1333, %shift_right_logical3A_1334 : i32
      %mul3A_1336 = arith.constant 128 : i32
      %mul3A_1337 = arith.muli %shift_right_logical3A_1335, %mul3A_1336 : i32
      %min3A_1338 = arith.constant 999808 : i32
      %min3A_1339 = arith.minsi %mul3A_1337, %min3A_1338 : i32
      %sub3A_1340 = arith.subi %squeeze3A_1333, %min3A_1339 : i32
      %min3A_1341 = arith.constant 127 : i32
      %min3A_1342 = arith.minsi %sub3A_1340, %min3A_1341 : i32
      %broadcast_in_dim3A_1343 = arith.constant 0 : i32
      %broadcast_in_dim3A_1344 = vector.broadcast %broadcast_in_dim3A_1343 : i32 to vector<16xi32>
      %add3A_1345 = vector.broadcast %min3A_1342 : i32 to vector<16xi32>
      %add3A_1346 = arith.addi %broadcast_in_dim3A_1344, %add3A_1345 : vector<16xi32>
      %broadcast_in_dim3A_1347 = arith.constant 0 : i32
      %broadcast_in_dim3A_1348 = vector.broadcast %broadcast_in_dim3A_1347 : i32 to vector<16xi32>
      %add3A_1349 = vector.broadcast %add3A_1291 : i32 to vector<16xi32>
      %add3A_1350 = arith.addi %broadcast_in_dim3A_1348, %add3A_1349 : vector<16xi32>
      %gather3A_1351 = arith.constant 4 : i32
      %gather3A_1352 = arith.constant 0 : i32
      %gather3A_1353 = arith.constant 0 : i32
      %gather3A_1354 = tpu.memref_slice %arg6[%gather3A_1351, %gather3A_1352, %gather3A_1353] : memref<11x64x128xf32, #tpu.memory_space<vmem>> -> memref<1x64x128xf32, #tpu.memory_space<vmem>>
      %gather3A_1355 = tpu.memref_squeeze %gather3A_1354 : memref<1x64x128xf32, #tpu.memory_space<vmem>> -> memref<64x128xf32, #tpu.memory_space<vmem>>
      %gather3A_1356 = tpu.vector_load_idx %gather3A_1355[%iota3A, %add3A_1346] : memref<64x128xf32, #tpu.memory_space<vmem>>[vector<16xi32>, vector<16xi32>], vector<16xf32>,
      tpu.vector_store_idx %arg7[%iota3A, %add3A_1350], %gather3A_1356 : memref<64x512xf32, #tpu.memory_space<vmem>>[vector<16xi32>, vector<16xi32>], vector<16xf32>,
      %gather3A_1357 = arith.constant 4 : i32
      %gather3A_1358 = arith.constant 0 : i32
      %gather3A_1359 = arith.constant 0 : i32
      %gather3A_1360 = tpu.memref_slice %arg6[%gather3A_1357, %gather3A_1358, %gather3A_1359] : memref<11x64x128xf32, #tpu.memory_space<vmem>> -> memref<1x64x128xf32, #tpu.memory_space<vmem>>
      %gather3A_1361 = tpu.memref_squeeze %gather3A_1360 : memref<1x64x128xf32, #tpu.memory_space<vmem>> -> memref<64x128xf32, #tpu.memory_space<vmem>>
      %gather3A_1362 = tpu.vector_load_idx %gather3A_1361[%add3A_4, %add3A_1346] : memref<64x128xf32, #tpu.memory_space<vmem>>[vector<16xi32>, vector<16xi32>], vector<16xf32>,
      tpu.vector_store_idx %arg7[%add3A_4, %add3A_1350], %gather3A_1362 : memref<64x512xf32, #tpu.memory_space<vmem>>[vector<16xi32>, vector<16xi32>], vector<16xf32>,
      %gather3A_1363 = arith.constant 4 : i32
      %gather3A_1364 = arith.constant 0 : i32
      %gather3A_1365 = arith.constant 0 : i32
      %gather3A_1366 = tpu.memref_slice %arg6[%gather3A_1363, %gather3A_1364, %gather3A_1365] : memref<11x64x128xf32, #tpu.memory_space<vmem>> -> memref<1x64x128xf32, #tpu.memory_space<vmem>>
      %gather3A_1367 = tpu.memref_squeeze %gather3A_1366 : memref<1x64x128xf32, #tpu.memory_space<vmem>> -> memref<64x128xf32, #tpu.memory_space<vmem>>
      %gather3A_1368 = tpu.vector_load_idx %gather3A_1367[%add3A_8, %add3A_1346] : memref<64x128xf32, #tpu.memory_space<vmem>>[vector<16xi32>, vector<16xi32>], vector<16xf32>,
      tpu.vector_store_idx %arg7[%add3A_8, %add3A_1350], %gather3A_1368 : memref<64x512xf32, #tpu.memory_space<vmem>>[vector<16xi32>, vector<16xi32>], vector<16xf32>,
      %gather3A_1369 = arith.constant 4 : i32
      %gather3A_1370 = arith.constant 0 : i32
      %gather3A_1371 = arith.constant 0 : i32
      %gather3A_1372 = tpu.memref_slice %arg6[%gather3A_1369, %gather3A_1370, %gather3A_1371] : memref<11x64x128xf32, #tpu.memory_space<vmem>> -> memref<1x64x128xf32, #tpu.memory_space<vmem>>
      %gather3A_1373 = tpu.memref_squeeze %gather3A_1372 : memref<1x64x128xf32, #tpu.memory_space<vmem>> -> memref<64x128xf32, #tpu.memory_space<vmem>>
      %gather3A_1374 = tpu.vector_load_idx %gather3A_1373[%add3A_12, %add3A_1346] : memref<64x128xf32, #tpu.memory_space<vmem>>[vector<16xi32>, vector<16xi32>], vector<16xf32>,
      tpu.vector_store_idx %arg7[%add3A_12, %add3A_1350], %gather3A_1374 : memref<64x512xf32, #tpu.memory_space<vmem>>[vector<16xi32>, vector<16xi32>], vector<16xf32>,
      %add3A_1375 = arith.constant 5 : i32
      %add3A_1376 = arith.addi %mul3A_949, %add3A_1375 : i32
      %dma_wait3A_1377 = arith.constant 5 : i32
      %dma_wait3A_1378 = arith.constant 0 : i32
      %dma_wait3A_1379 = arith.constant 0 : i32
      %dma_wait3A_1380 = tpu.memref_slice %arg6[%dma_wait3A_1377, %dma_wait3A_1378, %dma_wait3A_1379] : memref<11x64x128xf32, #tpu.memory_space<vmem>> -> memref<1x64x128xf32, #tpu.memory_space<vmem>>
      %dma_wait3A_1381 = tpu.memref_squeeze %dma_wait3A_1380 : memref<1x64x128xf32, #tpu.memory_space<vmem>> -> memref<64x128xf32, #tpu.memory_space<vmem>>
      %dma_wait3A_1382 = arith.constant 0 : i32
      %dma_wait3A_1383 = arith.constant 0 : i32
      %dma_wait3A_1384 = tpu.memref_slice %arg3[%dma_wait3A_1382, %dma_wait3A_1383] : memref<64x1000000xf32, #tpu.memory_space<hbm>> -> memref<64x128xf32, #tpu.memory_space<hbm>>
      %dma_wait3A_1385 = arith.constant 0 : i32
      %dma_wait3A_1386 = arith.constant 0 : i32
      %dma_wait3A_1387 = tpu.memref_slice %arg6[%dma_wait3A_1377, %dma_wait3A_1385, %dma_wait3A_1386] : memref<11x64x128xf32, #tpu.memory_space<vmem>> -> memref<1x64x128xf32, #tpu.memory_space<vmem>>
      %dma_wait3A_1388 = tpu.memref_squeeze %dma_wait3A_1387 : memref<1x64x128xf32, #tpu.memory_space<vmem>> -> memref<64x128xf32, #tpu.memory_space<vmem>>
      %dma_wait3A_1389 = arith.constant 0 : i32
      %dma_wait3A_1390 = arith.constant 0 : i32
      %dma_wait3A_1391 = tpu.memref_slice %arg3[%dma_wait3A_1389, %dma_wait3A_1390] : memref<64x1000000xf32, #tpu.memory_space<hbm>> -> memref<64x128xf32, #tpu.memory_space<hbm>>
      tpu.wait_dma2 semaphore(%arg13 : memref<!tpu.dma_semaphore, #tpu.memory_space<semaphore_mem>>) src(%dma_wait3A_1391 : memref<64x128xf32, #tpu.memory_space<hbm>>) dst(%dma_wait3A_1388 : memref<64x128xf32, #tpu.memory_space<vmem>>)
      %ge3A_1392 = arith.constant 1 : i32
      %ge3A_1393 = arith.cmpi sge, %add3A_1376, %ge3A_1392 : i32
      %sub3A_1394 = arith.constant 1 : i32
      %sub3A_1395 = arith.subi %add3A_1376, %sub3A_1394 : i32
      %add3A_1396 = arith.constant 11 : i32
      %add3A_1397 = arith.addi %sub3A_1395, %add3A_1396 : i32
      %lt3A_1398 = arith.constant 512 : i32
      %lt3A_1399 = arith.cmpi slt, %add3A_1397, %lt3A_1398 : i32
      %and3A_1400 = arith.andi %ge3A_1393, %lt3A_1399 : i1
      %convert_element_type3A_1401 = arith.extui %and3A_1400 : i1 to i32
      %cond3A_1402 = arith.constant 0 : i32
      %cond3A_1403 = arith.cmpi ne, %convert_element_type3A_1401, %cond3A_1402 : i32
      scf.if %cond3A_1403 {
        %sub3A_1885 = arith.constant 1 : i32
        %sub3A_1886 = arith.subi %add3A_1376, %sub3A_1885 : i32
        %add3A_1887 = arith.constant 11 : i32
        %add3A_1888 = arith.addi %sub3A_1886, %add3A_1887 : i32
        %shift_right_logical3A_1889 = arith.constant 4 : i32
        %shift_right_logical3A_1890 = arith.shrui %add3A_1888, %shift_right_logical3A_1889 : i32
        %and3A_1891 = arith.constant 15 : i32
        %and3A_1892 = arith.andi %add3A_1888, %and3A_1891 : i32
        %broadcast_in_dim3A_1893 = arith.constant 0 : i32
        %broadcast_in_dim3A_1894 = vector.broadcast %broadcast_in_dim3A_1893 : i32 to vector<16xi32>
        %add3A_1895 = vector.broadcast %shift_right_logical3A_1890 : i32 to vector<16xi32>
        %add3A_1896 = arith.addi %broadcast_in_dim3A_1894, %add3A_1895 : vector<16xi32>
        %broadcast_in_dim3A_1897 = arith.constant 0 : i32
        %broadcast_in_dim3A_1898 = vector.broadcast %broadcast_in_dim3A_1897 : i32 to vector<16xi32>
        %add3A_1899 = vector.broadcast %and3A_1892 : i32 to vector<16xi32>
        %add3A_1900 = arith.addi %broadcast_in_dim3A_1898, %add3A_1899 : vector<16xi32>
        %gather3A_1901 = tpu.vector_load_idx %arg5[%add3A_1896, %add3A_1900] : memref<32x16xi32, #tpu.memory_space<vmem>>[vector<16xi32>, vector<16xi32>], vector<16xi32>,
        %slice3A_1902 = vector.extract_strided_slice %gather3A_1901 {offsets = [0], sizes = [1], strides = [1]} : vector<16xi32> to vector<1xi32>
        %squeeze3A_1903 = vector.extract %slice3A_1902[0] : i32 from vector<1xi32>
        %shift_right_logical3A_1904 = arith.constant 7 : i32
        %shift_right_logical3A_1905 = arith.shrui %squeeze3A_1903, %shift_right_logical3A_1904 : i32
        %mul3A_1906 = arith.constant 128 : i32
        %mul3A_1907 = arith.muli %shift_right_logical3A_1905, %mul3A_1906 : i32
        %min3A_1908 = arith.constant 999808 : i32
        %min3A_1909 = arith.minsi %mul3A_1907, %min3A_1908 : i32
        %multiple_of3A_1910 = tpu.assume_multiple %min3A_1909, 128 : i32
        %dma_start3A_1911 = arith.constant 4 : i32
        %dma_start3A_1912 = arith.constant 0 : i32
        %dma_start3A_1913 = arith.constant 0 : i32
        %dma_start3A_1914 = tpu.memref_slice %arg6[%dma_start3A_1911, %dma_start3A_1912, %dma_start3A_1913] : memref<11x64x128xf32, #tpu.memory_space<vmem>> -> memref<1x64x128xf32, #tpu.memory_space<vmem>>
        %dma_start3A_1915 = tpu.memref_squeeze %dma_start3A_1914 : memref<1x64x128xf32, #tpu.memory_space<vmem>> -> memref<64x128xf32, #tpu.memory_space<vmem>>
        %dma_start3A_1916 = arith.constant 0 : i32
        %dma_start3A_1917 = tpu.memref_slice %arg3[%dma_start3A_1916, %multiple_of3A_1910] : memref<64x1000000xf32, #tpu.memory_space<hbm>> -> memref<64x128xf32, #tpu.memory_space<hbm>>
        %dma_start3A_1918 = arith.constant 0 : i32
        %dma_start3A_1919 = arith.constant 0 : i32
        %dma_start3A_1920 = tpu.memref_slice %arg6[%dma_start3A_1911, %dma_start3A_1918, %dma_start3A_1919] : memref<11x64x128xf32, #tpu.memory_space<vmem>> -> memref<1x64x128xf32, #tpu.memory_space<vmem>>
        %dma_start3A_1921 = tpu.memref_squeeze %dma_start3A_1920 : memref<1x64x128xf32, #tpu.memory_space<vmem>> -> memref<64x128xf32, #tpu.memory_space<vmem>>
        %dma_start3A_1922 = arith.constant 0 : i32
        %dma_start3A_1923 = tpu.memref_slice %arg3[%dma_start3A_1922, %multiple_of3A_1910] : memref<64x1000000xf32, #tpu.memory_space<hbm>> -> memref<64x128xf32, #tpu.memory_space<hbm>>
        tpu.enqueue_dma source(%dma_start3A_1923 : memref<64x128xf32, #tpu.memory_space<hbm>>) target(%dma_start3A_1921 : memref<64x128xf32, #tpu.memory_space<vmem>>) target_semaphore(%arg12 : memref<!tpu.dma_semaphore, #tpu.memory_space<semaphore_mem>>)
      } else {
      }
      %shift_right_logical3A_1404 = arith.constant 4 : i32
      %shift_right_logical3A_1405 = arith.shrui %add3A_1376, %shift_right_logical3A_1404 : i32
      %and3A_1406 = arith.constant 15 : i32
      %and3A_1407 = arith.andi %add3A_1376, %and3A_1406 : i32
      %broadcast_in_dim3A_1408 = arith.constant 0 : i32
      %broadcast_in_dim3A_1409 = vector.broadcast %broadcast_in_dim3A_1408 : i32 to vector<16xi32>
      %add3A_1410 = vector.broadcast %shift_right_logical3A_1405 : i32 to vector<16xi32>
      %add3A_1411 = arith.addi %broadcast_in_dim3A_1409, %add3A_1410 : vector<16xi32>
      %broadcast_in_dim3A_1412 = arith.constant 0 : i32
      %broadcast_in_dim3A_1413 = vector.broadcast %broadcast_in_dim3A_1412 : i32 to vector<16xi32>
      %add3A_1414 = vector.broadcast %and3A_1407 : i32 to vector<16xi32>
      %add3A_1415 = arith.addi %broadcast_in_dim3A_1413, %add3A_1414 : vector<16xi32>
      %gather3A_1416 = tpu.vector_load_idx %arg5[%add3A_1411, %add3A_1415] : memref<32x16xi32, #tpu.memory_space<vmem>>[vector<16xi32>, vector<16xi32>], vector<16xi32>,
      %slice3A_1417 = vector.extract_strided_slice %gather3A_1416 {offsets = [0], sizes = [1], strides = [1]} : vector<16xi32> to vector<1xi32>
      %squeeze3A_1418 = vector.extract %slice3A_1417[0] : i32 from vector<1xi32>
      %shift_right_logical3A_1419 = arith.constant 7 : i32
      %shift_right_logical3A_1420 = arith.shrui %squeeze3A_1418, %shift_right_logical3A_1419 : i32
      %mul3A_1421 = arith.constant 128 : i32
      %mul3A_1422 = arith.muli %shift_right_logical3A_1420, %mul3A_1421 : i32
      %min3A_1423 = arith.constant 999808 : i32
      %min3A_1424 = arith.minsi %mul3A_1422, %min3A_1423 : i32
      %sub3A_1425 = arith.subi %squeeze3A_1418, %min3A_1424 : i32
      %min3A_1426 = arith.constant 127 : i32
      %min3A_1427 = arith.minsi %sub3A_1425, %min3A_1426 : i32
      %broadcast_in_dim3A_1428 = arith.constant 0 : i32
      %broadcast_in_dim3A_1429 = vector.broadcast %broadcast_in_dim3A_1428 : i32 to vector<16xi32>
      %add3A_1430 = vector.broadcast %min3A_1427 : i32 to vector<16xi32>
      %add3A_1431 = arith.addi %broadcast_in_dim3A_1429, %add3A_1430 : vector<16xi32>
      %broadcast_in_dim3A_1432 = arith.constant 0 : i32
      %broadcast_in_dim3A_1433 = vector.broadcast %broadcast_in_dim3A_1432 : i32 to vector<16xi32>
      %add3A_1434 = vector.broadcast %add3A_1376 : i32 to vector<16xi32>
      %add3A_1435 = arith.addi %broadcast_in_dim3A_1433, %add3A_1434 : vector<16xi32>
      %gather3A_1436 = arith.constant 5 : i32
      %gather3A_1437 = arith.constant 0 : i32
      %gather3A_1438 = arith.constant 0 : i32
      %gather3A_1439 = tpu.memref_slice %arg6[%gather3A_1436, %gather3A_1437, %gather3A_1438] : memref<11x64x128xf32, #tpu.memory_space<vmem>> -> memref<1x64x128xf32, #tpu.memory_space<vmem>>
      %gather3A_1440 = tpu.memref_squeeze %gather3A_1439 : memref<1x64x128xf32, #tpu.memory_space<vmem>> -> memref<64x128xf32, #tpu.memory_space<vmem>>
      %gather3A_1441 = tpu.vector_load_idx %gather3A_1440[%iota3A, %add3A_1431] : memref<64x128xf32, #tpu.memory_space<vmem>>[vector<16xi32>, vector<16xi32>], vector<16xf32>,
      tpu.vector_store_idx %arg7[%iota3A, %add3A_1435], %gather3A_1441 : memref<64x512xf32, #tpu.memory_space<vmem>>[vector<16xi32>, vector<16xi32>], vector<16xf32>,
      %gather3A_1442 = arith.constant 5 : i32
      %gather3A_1443 = arith.constant 0 : i32
      %gather3A_1444 = arith.constant 0 : i32
      %gather3A_1445 = tpu.memref_slice %arg6[%gather3A_1442, %gather3A_1443, %gather3A_1444] : memref<11x64x128xf32, #tpu.memory_space<vmem>> -> memref<1x64x128xf32, #tpu.memory_space<vmem>>
      %gather3A_1446 = tpu.memref_squeeze %gather3A_1445 : memref<1x64x128xf32, #tpu.memory_space<vmem>> -> memref<64x128xf32, #tpu.memory_space<vmem>>
      %gather3A_1447 = tpu.vector_load_idx %gather3A_1446[%add3A_4, %add3A_1431] : memref<64x128xf32, #tpu.memory_space<vmem>>[vector<16xi32>, vector<16xi32>], vector<16xf32>,
      tpu.vector_store_idx %arg7[%add3A_4, %add3A_1435], %gather3A_1447 : memref<64x512xf32, #tpu.memory_space<vmem>>[vector<16xi32>, vector<16xi32>], vector<16xf32>,
      %gather3A_1448 = arith.constant 5 : i32
      %gather3A_1449 = arith.constant 0 : i32
      %gather3A_1450 = arith.constant 0 : i32
      %gather3A_1451 = tpu.memref_slice %arg6[%gather3A_1448, %gather3A_1449, %gather3A_1450] : memref<11x64x128xf32, #tpu.memory_space<vmem>> -> memref<1x64x128xf32, #tpu.memory_space<vmem>>
      %gather3A_1452 = tpu.memref_squeeze %gather3A_1451 : memref<1x64x128xf32, #tpu.memory_space<vmem>> -> memref<64x128xf32, #tpu.memory_space<vmem>>
      %gather3A_1453 = tpu.vector_load_idx %gather3A_1452[%add3A_8, %add3A_1431] : memref<64x128xf32, #tpu.memory_space<vmem>>[vector<16xi32>, vector<16xi32>], vector<16xf32>,
      tpu.vector_store_idx %arg7[%add3A_8, %add3A_1435], %gather3A_1453 : memref<64x512xf32, #tpu.memory_space<vmem>>[vector<16xi32>, vector<16xi32>], vector<16xf32>,
      %gather3A_1454 = arith.constant 5 : i32
      %gather3A_1455 = arith.constant 0 : i32
      %gather3A_1456 = arith.constant 0 : i32
      %gather3A_1457 = tpu.memref_slice %arg6[%gather3A_1454, %gather3A_1455, %gather3A_1456] : memref<11x64x128xf32, #tpu.memory_space<vmem>> -> memref<1x64x128xf32, #tpu.memory_space<vmem>>
      %gather3A_1458 = tpu.memref_squeeze %gather3A_1457 : memref<1x64x128xf32, #tpu.memory_space<vmem>> -> memref<64x128xf32, #tpu.memory_space<vmem>>
      %gather3A_1459 = tpu.vector_load_idx %gather3A_1458[%add3A_12, %add3A_1431] : memref<64x128xf32, #tpu.memory_space<vmem>>[vector<16xi32>, vector<16xi32>], vector<16xf32>,
      tpu.vector_store_idx %arg7[%add3A_12, %add3A_1435], %gather3A_1459 : memref<64x512xf32, #tpu.memory_space<vmem>>[vector<16xi32>, vector<16xi32>], vector<16xf32>,
      %add3A_1460 = arith.constant 6 : i32
      %add3A_1461 = arith.addi %mul3A_949, %add3A_1460 : i32
      %dma_wait3A_1462 = arith.constant 6 : i32
      %dma_wait3A_1463 = arith.constant 0 : i32
      %dma_wait3A_1464 = arith.constant 0 : i32
      %dma_wait3A_1465 = tpu.memref_slice %arg6[%dma_wait3A_1462, %dma_wait3A_1463, %dma_wait3A_1464] : memref<11x64x128xf32, #tpu.memory_space<vmem>> -> memref<1x64x128xf32, #tpu.memory_space<vmem>>
      %dma_wait3A_1466 = tpu.memref_squeeze %dma_wait3A_1465 : memref<1x64x128xf32, #tpu.memory_space<vmem>> -> memref<64x128xf32, #tpu.memory_space<vmem>>
      %dma_wait3A_1467 = arith.constant 0 : i32
      %dma_wait3A_1468 = arith.constant 0 : i32
      %dma_wait3A_1469 = tpu.memref_slice %arg3[%dma_wait3A_1467, %dma_wait3A_1468] : memref<64x1000000xf32, #tpu.memory_space<hbm>> -> memref<64x128xf32, #tpu.memory_space<hbm>>
      %dma_wait3A_1470 = arith.constant 0 : i32
      %dma_wait3A_1471 = arith.constant 0 : i32
      %dma_wait3A_1472 = tpu.memref_slice %arg6[%dma_wait3A_1462, %dma_wait3A_1470, %dma_wait3A_1471] : memref<11x64x128xf32, #tpu.memory_space<vmem>> -> memref<1x64x128xf32, #tpu.memory_space<vmem>>
      %dma_wait3A_1473 = tpu.memref_squeeze %dma_wait3A_1472 : memref<1x64x128xf32, #tpu.memory_space<vmem>> -> memref<64x128xf32, #tpu.memory_space<vmem>>
      %dma_wait3A_1474 = arith.constant 0 : i32
      %dma_wait3A_1475 = arith.constant 0 : i32
      %dma_wait3A_1476 = tpu.memref_slice %arg3[%dma_wait3A_1474, %dma_wait3A_1475] : memref<64x1000000xf32, #tpu.memory_space<hbm>> -> memref<64x128xf32, #tpu.memory_space<hbm>>
      tpu.wait_dma2 semaphore(%arg14 : memref<!tpu.dma_semaphore, #tpu.memory_space<semaphore_mem>>) src(%dma_wait3A_1476 : memref<64x128xf32, #tpu.memory_space<hbm>>) dst(%dma_wait3A_1473 : memref<64x128xf32, #tpu.memory_space<vmem>>)
      %ge3A_1477 = arith.constant 1 : i32
      %ge3A_1478 = arith.cmpi sge, %add3A_1461, %ge3A_1477 : i32
      %sub3A_1479 = arith.constant 1 : i32
      %sub3A_1480 = arith.subi %add3A_1461, %sub3A_1479 : i32
      %add3A_1481 = arith.constant 11 : i32
      %add3A_1482 = arith.addi %sub3A_1480, %add3A_1481 : i32
      %lt3A_1483 = arith.constant 512 : i32
      %lt3A_1484 = arith.cmpi slt, %add3A_1482, %lt3A_1483 : i32
      %and3A_1485 = arith.andi %ge3A_1478, %lt3A_1484 : i1
      %convert_element_type3A_1486 = arith.extui %and3A_1485 : i1 to i32
      %cond3A_1487 = arith.constant 0 : i32
      %cond3A_1488 = arith.cmpi ne, %convert_element_type3A_1486, %cond3A_1487 : i32
      scf.if %cond3A_1488 {
        %sub3A_1885 = arith.constant 1 : i32
        %sub3A_1886 = arith.subi %add3A_1461, %sub3A_1885 : i32
        %add3A_1887 = arith.constant 11 : i32
        %add3A_1888 = arith.addi %sub3A_1886, %add3A_1887 : i32
        %shift_right_logical3A_1889 = arith.constant 4 : i32
        %shift_right_logical3A_1890 = arith.shrui %add3A_1888, %shift_right_logical3A_1889 : i32
        %and3A_1891 = arith.constant 15 : i32
        %and3A_1892 = arith.andi %add3A_1888, %and3A_1891 : i32
        %broadcast_in_dim3A_1893 = arith.constant 0 : i32
        %broadcast_in_dim3A_1894 = vector.broadcast %broadcast_in_dim3A_1893 : i32 to vector<16xi32>
        %add3A_1895 = vector.broadcast %shift_right_logical3A_1890 : i32 to vector<16xi32>
        %add3A_1896 = arith.addi %broadcast_in_dim3A_1894, %add3A_1895 : vector<16xi32>
        %broadcast_in_dim3A_1897 = arith.constant 0 : i32
        %broadcast_in_dim3A_1898 = vector.broadcast %broadcast_in_dim3A_1897 : i32 to vector<16xi32>
        %add3A_1899 = vector.broadcast %and3A_1892 : i32 to vector<16xi32>
        %add3A_1900 = arith.addi %broadcast_in_dim3A_1898, %add3A_1899 : vector<16xi32>
        %gather3A_1901 = tpu.vector_load_idx %arg5[%add3A_1896, %add3A_1900] : memref<32x16xi32, #tpu.memory_space<vmem>>[vector<16xi32>, vector<16xi32>], vector<16xi32>,
        %slice3A_1902 = vector.extract_strided_slice %gather3A_1901 {offsets = [0], sizes = [1], strides = [1]} : vector<16xi32> to vector<1xi32>
        %squeeze3A_1903 = vector.extract %slice3A_1902[0] : i32 from vector<1xi32>
        %shift_right_logical3A_1904 = arith.constant 7 : i32
        %shift_right_logical3A_1905 = arith.shrui %squeeze3A_1903, %shift_right_logical3A_1904 : i32
        %mul3A_1906 = arith.constant 128 : i32
        %mul3A_1907 = arith.muli %shift_right_logical3A_1905, %mul3A_1906 : i32
        %min3A_1908 = arith.constant 999808 : i32
        %min3A_1909 = arith.minsi %mul3A_1907, %min3A_1908 : i32
        %multiple_of3A_1910 = tpu.assume_multiple %min3A_1909, 128 : i32
        %dma_start3A_1911 = arith.constant 5 : i32
        %dma_start3A_1912 = arith.constant 0 : i32
        %dma_start3A_1913 = arith.constant 0 : i32
        %dma_start3A_1914 = tpu.memref_slice %arg6[%dma_start3A_1911, %dma_start3A_1912, %dma_start3A_1913] : memref<11x64x128xf32, #tpu.memory_space<vmem>> -> memref<1x64x128xf32, #tpu.memory_space<vmem>>
        %dma_start3A_1915 = tpu.memref_squeeze %dma_start3A_1914 : memref<1x64x128xf32, #tpu.memory_space<vmem>> -> memref<64x128xf32, #tpu.memory_space<vmem>>
        %dma_start3A_1916 = arith.constant 0 : i32
        %dma_start3A_1917 = tpu.memref_slice %arg3[%dma_start3A_1916, %multiple_of3A_1910] : memref<64x1000000xf32, #tpu.memory_space<hbm>> -> memref<64x128xf32, #tpu.memory_space<hbm>>
        %dma_start3A_1918 = arith.constant 0 : i32
        %dma_start3A_1919 = arith.constant 0 : i32
        %dma_start3A_1920 = tpu.memref_slice %arg6[%dma_start3A_1911, %dma_start3A_1918, %dma_start3A_1919] : memref<11x64x128xf32, #tpu.memory_space<vmem>> -> memref<1x64x128xf32, #tpu.memory_space<vmem>>
        %dma_start3A_1921 = tpu.memref_squeeze %dma_start3A_1920 : memref<1x64x128xf32, #tpu.memory_space<vmem>> -> memref<64x128xf32, #tpu.memory_space<vmem>>
        %dma_start3A_1922 = arith.constant 0 : i32
        %dma_start3A_1923 = tpu.memref_slice %arg3[%dma_start3A_1922, %multiple_of3A_1910] : memref<64x1000000xf32, #tpu.memory_space<hbm>> -> memref<64x128xf32, #tpu.memory_space<hbm>>
        tpu.enqueue_dma source(%dma_start3A_1923 : memref<64x128xf32, #tpu.memory_space<hbm>>) target(%dma_start3A_1921 : memref<64x128xf32, #tpu.memory_space<vmem>>) target_semaphore(%arg13 : memref<!tpu.dma_semaphore, #tpu.memory_space<semaphore_mem>>)
      } else {
      }
      %shift_right_logical3A_1489 = arith.constant 4 : i32
      %shift_right_logical3A_1490 = arith.shrui %add3A_1461, %shift_right_logical3A_1489 : i32
      %and3A_1491 = arith.constant 15 : i32
      %and3A_1492 = arith.andi %add3A_1461, %and3A_1491 : i32
      %broadcast_in_dim3A_1493 = arith.constant 0 : i32
      %broadcast_in_dim3A_1494 = vector.broadcast %broadcast_in_dim3A_1493 : i32 to vector<16xi32>
      %add3A_1495 = vector.broadcast %shift_right_logical3A_1490 : i32 to vector<16xi32>
      %add3A_1496 = arith.addi %broadcast_in_dim3A_1494, %add3A_1495 : vector<16xi32>
      %broadcast_in_dim3A_1497 = arith.constant 0 : i32
      %broadcast_in_dim3A_1498 = vector.broadcast %broadcast_in_dim3A_1497 : i32 to vector<16xi32>
      %add3A_1499 = vector.broadcast %and3A_1492 : i32 to vector<16xi32>
      %add3A_1500 = arith.addi %broadcast_in_dim3A_1498, %add3A_1499 : vector<16xi32>
      %gather3A_1501 = tpu.vector_load_idx %arg5[%add3A_1496, %add3A_1500] : memref<32x16xi32, #tpu.memory_space<vmem>>[vector<16xi32>, vector<16xi32>], vector<16xi32>,
      %slice3A_1502 = vector.extract_strided_slice %gather3A_1501 {offsets = [0], sizes = [1], strides = [1]} : vector<16xi32> to vector<1xi32>
      %squeeze3A_1503 = vector.extract %slice3A_1502[0] : i32 from vector<1xi32>
      %shift_right_logical3A_1504 = arith.constant 7 : i32
      %shift_right_logical3A_1505 = arith.shrui %squeeze3A_1503, %shift_right_logical3A_1504 : i32
      %mul3A_1506 = arith.constant 128 : i32
      %mul3A_1507 = arith.muli %shift_right_logical3A_1505, %mul3A_1506 : i32
      %min3A_1508 = arith.constant 999808 : i32
      %min3A_1509 = arith.minsi %mul3A_1507, %min3A_1508 : i32
      %sub3A_1510 = arith.subi %squeeze3A_1503, %min3A_1509 : i32
      %min3A_1511 = arith.constant 127 : i32
      %min3A_1512 = arith.minsi %sub3A_1510, %min3A_1511 : i32
      %broadcast_in_dim3A_1513 = arith.constant 0 : i32
      %broadcast_in_dim3A_1514 = vector.broadcast %broadcast_in_dim3A_1513 : i32 to vector<16xi32>
      %add3A_1515 = vector.broadcast %min3A_1512 : i32 to vector<16xi32>
      %add3A_1516 = arith.addi %broadcast_in_dim3A_1514, %add3A_1515 : vector<16xi32>
      %broadcast_in_dim3A_1517 = arith.constant 0 : i32
      %broadcast_in_dim3A_1518 = vector.broadcast %broadcast_in_dim3A_1517 : i32 to vector<16xi32>
      %add3A_1519 = vector.broadcast %add3A_1461 : i32 to vector<16xi32>
      %add3A_1520 = arith.addi %broadcast_in_dim3A_1518, %add3A_1519 : vector<16xi32>
      %gather3A_1521 = arith.constant 6 : i32
      %gather3A_1522 = arith.constant 0 : i32
      %gather3A_1523 = arith.constant 0 : i32
      %gather3A_1524 = tpu.memref_slice %arg6[%gather3A_1521, %gather3A_1522, %gather3A_1523] : memref<11x64x128xf32, #tpu.memory_space<vmem>> -> memref<1x64x128xf32, #tpu.memory_space<vmem>>
      %gather3A_1525 = tpu.memref_squeeze %gather3A_1524 : memref<1x64x128xf32, #tpu.memory_space<vmem>> -> memref<64x128xf32, #tpu.memory_space<vmem>>
      %gather3A_1526 = tpu.vector_load_idx %gather3A_1525[%iota3A, %add3A_1516] : memref<64x128xf32, #tpu.memory_space<vmem>>[vector<16xi32>, vector<16xi32>], vector<16xf32>,
      tpu.vector_store_idx %arg7[%iota3A, %add3A_1520], %gather3A_1526 : memref<64x512xf32, #tpu.memory_space<vmem>>[vector<16xi32>, vector<16xi32>], vector<16xf32>,
      %gather3A_1527 = arith.constant 6 : i32
      %gather3A_1528 = arith.constant 0 : i32
      %gather3A_1529 = arith.constant 0 : i32
      %gather3A_1530 = tpu.memref_slice %arg6[%gather3A_1527, %gather3A_1528, %gather3A_1529] : memref<11x64x128xf32, #tpu.memory_space<vmem>> -> memref<1x64x128xf32, #tpu.memory_space<vmem>>
      %gather3A_1531 = tpu.memref_squeeze %gather3A_1530 : memref<1x64x128xf32, #tpu.memory_space<vmem>> -> memref<64x128xf32, #tpu.memory_space<vmem>>
      %gather3A_1532 = tpu.vector_load_idx %gather3A_1531[%add3A_4, %add3A_1516] : memref<64x128xf32, #tpu.memory_space<vmem>>[vector<16xi32>, vector<16xi32>], vector<16xf32>,
      tpu.vector_store_idx %arg7[%add3A_4, %add3A_1520], %gather3A_1532 : memref<64x512xf32, #tpu.memory_space<vmem>>[vector<16xi32>, vector<16xi32>], vector<16xf32>,
      %gather3A_1533 = arith.constant 6 : i32
      %gather3A_1534 = arith.constant 0 : i32
      %gather3A_1535 = arith.constant 0 : i32
      %gather3A_1536 = tpu.memref_slice %arg6[%gather3A_1533, %gather3A_1534, %gather3A_1535] : memref<11x64x128xf32, #tpu.memory_space<vmem>> -> memref<1x64x128xf32, #tpu.memory_space<vmem>>
      %gather3A_1537 = tpu.memref_squeeze %gather3A_1536 : memref<1x64x128xf32, #tpu.memory_space<vmem>> -> memref<64x128xf32, #tpu.memory_space<vmem>>
      %gather3A_1538 = tpu.vector_load_idx %gather3A_1537[%add3A_8, %add3A_1516] : memref<64x128xf32, #tpu.memory_space<vmem>>[vector<16xi32>, vector<16xi32>], vector<16xf32>,
      tpu.vector_store_idx %arg7[%add3A_8, %add3A_1520], %gather3A_1538 : memref<64x512xf32, #tpu.memory_space<vmem>>[vector<16xi32>, vector<16xi32>], vector<16xf32>,
      %gather3A_1539 = arith.constant 6 : i32
      %gather3A_1540 = arith.constant 0 : i32
      %gather3A_1541 = arith.constant 0 : i32
      %gather3A_1542 = tpu.memref_slice %arg6[%gather3A_1539, %gather3A_1540, %gather3A_1541] : memref<11x64x128xf32, #tpu.memory_space<vmem>> -> memref<1x64x128xf32, #tpu.memory_space<vmem>>
      %gather3A_1543 = tpu.memref_squeeze %gather3A_1542 : memref<1x64x128xf32, #tpu.memory_space<vmem>> -> memref<64x128xf32, #tpu.memory_space<vmem>>
      %gather3A_1544 = tpu.vector_load_idx %gather3A_1543[%add3A_12, %add3A_1516] : memref<64x128xf32, #tpu.memory_space<vmem>>[vector<16xi32>, vector<16xi32>], vector<16xf32>,
      tpu.vector_store_idx %arg7[%add3A_12, %add3A_1520], %gather3A_1544 : memref<64x512xf32, #tpu.memory_space<vmem>>[vector<16xi32>, vector<16xi32>], vector<16xf32>,
      %add3A_1545 = arith.constant 7 : i32
      %add3A_1546 = arith.addi %mul3A_949, %add3A_1545 : i32
      %dma_wait3A_1547 = arith.constant 7 : i32
      %dma_wait3A_1548 = arith.constant 0 : i32
      %dma_wait3A_1549 = arith.constant 0 : i32
      %dma_wait3A_1550 = tpu.memref_slice %arg6[%dma_wait3A_1547, %dma_wait3A_1548, %dma_wait3A_1549] : memref<11x64x128xf32, #tpu.memory_space<vmem>> -> memref<1x64x128xf32, #tpu.memory_space<vmem>>
      %dma_wait3A_1551 = tpu.memref_squeeze %dma_wait3A_1550 : memref<1x64x128xf32, #tpu.memory_space<vmem>> -> memref<64x128xf32, #tpu.memory_space<vmem>>
      %dma_wait3A_1552 = arith.constant 0 : i32
      %dma_wait3A_1553 = arith.constant 0 : i32
      %dma_wait3A_1554 = tpu.memref_slice %arg3[%dma_wait3A_1552, %dma_wait3A_1553] : memref<64x1000000xf32, #tpu.memory_space<hbm>> -> memref<64x128xf32, #tpu.memory_space<hbm>>
      %dma_wait3A_1555 = arith.constant 0 : i32
      %dma_wait3A_1556 = arith.constant 0 : i32
      %dma_wait3A_1557 = tpu.memref_slice %arg6[%dma_wait3A_1547, %dma_wait3A_1555, %dma_wait3A_1556] : memref<11x64x128xf32, #tpu.memory_space<vmem>> -> memref<1x64x128xf32, #tpu.memory_space<vmem>>
      %dma_wait3A_1558 = tpu.memref_squeeze %dma_wait3A_1557 : memref<1x64x128xf32, #tpu.memory_space<vmem>> -> memref<64x128xf32, #tpu.memory_space<vmem>>
      %dma_wait3A_1559 = arith.constant 0 : i32
      %dma_wait3A_1560 = arith.constant 0 : i32
      %dma_wait3A_1561 = tpu.memref_slice %arg3[%dma_wait3A_1559, %dma_wait3A_1560] : memref<64x1000000xf32, #tpu.memory_space<hbm>> -> memref<64x128xf32, #tpu.memory_space<hbm>>
      tpu.wait_dma2 semaphore(%arg15 : memref<!tpu.dma_semaphore, #tpu.memory_space<semaphore_mem>>) src(%dma_wait3A_1561 : memref<64x128xf32, #tpu.memory_space<hbm>>) dst(%dma_wait3A_1558 : memref<64x128xf32, #tpu.memory_space<vmem>>)
      %ge3A_1562 = arith.constant 1 : i32
      %ge3A_1563 = arith.cmpi sge, %add3A_1546, %ge3A_1562 : i32
      %sub3A_1564 = arith.constant 1 : i32
      %sub3A_1565 = arith.subi %add3A_1546, %sub3A_1564 : i32
      %add3A_1566 = arith.constant 11 : i32
      %add3A_1567 = arith.addi %sub3A_1565, %add3A_1566 : i32
      %lt3A_1568 = arith.constant 512 : i32
      %lt3A_1569 = arith.cmpi slt, %add3A_1567, %lt3A_1568 : i32
      %and3A_1570 = arith.andi %ge3A_1563, %lt3A_1569 : i1
      %convert_element_type3A_1571 = arith.extui %and3A_1570 : i1 to i32
      %cond3A_1572 = arith.constant 0 : i32
      %cond3A_1573 = arith.cmpi ne, %convert_element_type3A_1571, %cond3A_1572 : i32
      scf.if %cond3A_1573 {
        %sub3A_1885 = arith.constant 1 : i32
        %sub3A_1886 = arith.subi %add3A_1546, %sub3A_1885 : i32
        %add3A_1887 = arith.constant 11 : i32
        %add3A_1888 = arith.addi %sub3A_1886, %add3A_1887 : i32
        %shift_right_logical3A_1889 = arith.constant 4 : i32
        %shift_right_logical3A_1890 = arith.shrui %add3A_1888, %shift_right_logical3A_1889 : i32
        %and3A_1891 = arith.constant 15 : i32
        %and3A_1892 = arith.andi %add3A_1888, %and3A_1891 : i32
        %broadcast_in_dim3A_1893 = arith.constant 0 : i32
        %broadcast_in_dim3A_1894 = vector.broadcast %broadcast_in_dim3A_1893 : i32 to vector<16xi32>
        %add3A_1895 = vector.broadcast %shift_right_logical3A_1890 : i32 to vector<16xi32>
        %add3A_1896 = arith.addi %broadcast_in_dim3A_1894, %add3A_1895 : vector<16xi32>
        %broadcast_in_dim3A_1897 = arith.constant 0 : i32
        %broadcast_in_dim3A_1898 = vector.broadcast %broadcast_in_dim3A_1897 : i32 to vector<16xi32>
        %add3A_1899 = vector.broadcast %and3A_1892 : i32 to vector<16xi32>
        %add3A_1900 = arith.addi %broadcast_in_dim3A_1898, %add3A_1899 : vector<16xi32>
        %gather3A_1901 = tpu.vector_load_idx %arg5[%add3A_1896, %add3A_1900] : memref<32x16xi32, #tpu.memory_space<vmem>>[vector<16xi32>, vector<16xi32>], vector<16xi32>,
        %slice3A_1902 = vector.extract_strided_slice %gather3A_1901 {offsets = [0], sizes = [1], strides = [1]} : vector<16xi32> to vector<1xi32>
        %squeeze3A_1903 = vector.extract %slice3A_1902[0] : i32 from vector<1xi32>
        %shift_right_logical3A_1904 = arith.constant 7 : i32
        %shift_right_logical3A_1905 = arith.shrui %squeeze3A_1903, %shift_right_logical3A_1904 : i32
        %mul3A_1906 = arith.constant 128 : i32
        %mul3A_1907 = arith.muli %shift_right_logical3A_1905, %mul3A_1906 : i32
        %min3A_1908 = arith.constant 999808 : i32
        %min3A_1909 = arith.minsi %mul3A_1907, %min3A_1908 : i32
        %multiple_of3A_1910 = tpu.assume_multiple %min3A_1909, 128 : i32
        %dma_start3A_1911 = arith.constant 6 : i32
        %dma_start3A_1912 = arith.constant 0 : i32
        %dma_start3A_1913 = arith.constant 0 : i32
        %dma_start3A_1914 = tpu.memref_slice %arg6[%dma_start3A_1911, %dma_start3A_1912, %dma_start3A_1913] : memref<11x64x128xf32, #tpu.memory_space<vmem>> -> memref<1x64x128xf32, #tpu.memory_space<vmem>>
        %dma_start3A_1915 = tpu.memref_squeeze %dma_start3A_1914 : memref<1x64x128xf32, #tpu.memory_space<vmem>> -> memref<64x128xf32, #tpu.memory_space<vmem>>
        %dma_start3A_1916 = arith.constant 0 : i32
        %dma_start3A_1917 = tpu.memref_slice %arg3[%dma_start3A_1916, %multiple_of3A_1910] : memref<64x1000000xf32, #tpu.memory_space<hbm>> -> memref<64x128xf32, #tpu.memory_space<hbm>>
        %dma_start3A_1918 = arith.constant 0 : i32
        %dma_start3A_1919 = arith.constant 0 : i32
        %dma_start3A_1920 = tpu.memref_slice %arg6[%dma_start3A_1911, %dma_start3A_1918, %dma_start3A_1919] : memref<11x64x128xf32, #tpu.memory_space<vmem>> -> memref<1x64x128xf32, #tpu.memory_space<vmem>>
        %dma_start3A_1921 = tpu.memref_squeeze %dma_start3A_1920 : memref<1x64x128xf32, #tpu.memory_space<vmem>> -> memref<64x128xf32, #tpu.memory_space<vmem>>
        %dma_start3A_1922 = arith.constant 0 : i32
        %dma_start3A_1923 = tpu.memref_slice %arg3[%dma_start3A_1922, %multiple_of3A_1910] : memref<64x1000000xf32, #tpu.memory_space<hbm>> -> memref<64x128xf32, #tpu.memory_space<hbm>>
        tpu.enqueue_dma source(%dma_start3A_1923 : memref<64x128xf32, #tpu.memory_space<hbm>>) target(%dma_start3A_1921 : memref<64x128xf32, #tpu.memory_space<vmem>>) target_semaphore(%arg14 : memref<!tpu.dma_semaphore, #tpu.memory_space<semaphore_mem>>)
      } else {
      }
      %shift_right_logical3A_1574 = arith.constant 4 : i32
      %shift_right_logical3A_1575 = arith.shrui %add3A_1546, %shift_right_logical3A_1574 : i32
      %and3A_1576 = arith.constant 15 : i32
      %and3A_1577 = arith.andi %add3A_1546, %and3A_1576 : i32
      %broadcast_in_dim3A_1578 = arith.constant 0 : i32
      %broadcast_in_dim3A_1579 = vector.broadcast %broadcast_in_dim3A_1578 : i32 to vector<16xi32>
      %add3A_1580 = vector.broadcast %shift_right_logical3A_1575 : i32 to vector<16xi32>
      %add3A_1581 = arith.addi %broadcast_in_dim3A_1579, %add3A_1580 : vector<16xi32>
      %broadcast_in_dim3A_1582 = arith.constant 0 : i32
      %broadcast_in_dim3A_1583 = vector.broadcast %broadcast_in_dim3A_1582 : i32 to vector<16xi32>
      %add3A_1584 = vector.broadcast %and3A_1577 : i32 to vector<16xi32>
      %add3A_1585 = arith.addi %broadcast_in_dim3A_1583, %add3A_1584 : vector<16xi32>
      %gather3A_1586 = tpu.vector_load_idx %arg5[%add3A_1581, %add3A_1585] : memref<32x16xi32, #tpu.memory_space<vmem>>[vector<16xi32>, vector<16xi32>], vector<16xi32>,
      %slice3A_1587 = vector.extract_strided_slice %gather3A_1586 {offsets = [0], sizes = [1], strides = [1]} : vector<16xi32> to vector<1xi32>
      %squeeze3A_1588 = vector.extract %slice3A_1587[0] : i32 from vector<1xi32>
      %shift_right_logical3A_1589 = arith.constant 7 : i32
      %shift_right_logical3A_1590 = arith.shrui %squeeze3A_1588, %shift_right_logical3A_1589 : i32
      %mul3A_1591 = arith.constant 128 : i32
      %mul3A_1592 = arith.muli %shift_right_logical3A_1590, %mul3A_1591 : i32
      %min3A_1593 = arith.constant 999808 : i32
      %min3A_1594 = arith.minsi %mul3A_1592, %min3A_1593 : i32
      %sub3A_1595 = arith.subi %squeeze3A_1588, %min3A_1594 : i32
      %min3A_1596 = arith.constant 127 : i32
      %min3A_1597 = arith.minsi %sub3A_1595, %min3A_1596 : i32
      %broadcast_in_dim3A_1598 = arith.constant 0 : i32
      %broadcast_in_dim3A_1599 = vector.broadcast %broadcast_in_dim3A_1598 : i32 to vector<16xi32>
      %add3A_1600 = vector.broadcast %min3A_1597 : i32 to vector<16xi32>
      %add3A_1601 = arith.addi %broadcast_in_dim3A_1599, %add3A_1600 : vector<16xi32>
      %broadcast_in_dim3A_1602 = arith.constant 0 : i32
      %broadcast_in_dim3A_1603 = vector.broadcast %broadcast_in_dim3A_1602 : i32 to vector<16xi32>
      %add3A_1604 = vector.broadcast %add3A_1546 : i32 to vector<16xi32>
      %add3A_1605 = arith.addi %broadcast_in_dim3A_1603, %add3A_1604 : vector<16xi32>
      %gather3A_1606 = arith.constant 7 : i32
      %gather3A_1607 = arith.constant 0 : i32
      %gather3A_1608 = arith.constant 0 : i32
      %gather3A_1609 = tpu.memref_slice %arg6[%gather3A_1606, %gather3A_1607, %gather3A_1608] : memref<11x64x128xf32, #tpu.memory_space<vmem>> -> memref<1x64x128xf32, #tpu.memory_space<vmem>>
      %gather3A_1610 = tpu.memref_squeeze %gather3A_1609 : memref<1x64x128xf32, #tpu.memory_space<vmem>> -> memref<64x128xf32, #tpu.memory_space<vmem>>
      %gather3A_1611 = tpu.vector_load_idx %gather3A_1610[%iota3A, %add3A_1601] : memref<64x128xf32, #tpu.memory_space<vmem>>[vector<16xi32>, vector<16xi32>], vector<16xf32>,
      tpu.vector_store_idx %arg7[%iota3A, %add3A_1605], %gather3A_1611 : memref<64x512xf32, #tpu.memory_space<vmem>>[vector<16xi32>, vector<16xi32>], vector<16xf32>,
      %gather3A_1612 = arith.constant 7 : i32
      %gather3A_1613 = arith.constant 0 : i32
      %gather3A_1614 = arith.constant 0 : i32
      %gather3A_1615 = tpu.memref_slice %arg6[%gather3A_1612, %gather3A_1613, %gather3A_1614] : memref<11x64x128xf32, #tpu.memory_space<vmem>> -> memref<1x64x128xf32, #tpu.memory_space<vmem>>
      %gather3A_1616 = tpu.memref_squeeze %gather3A_1615 : memref<1x64x128xf32, #tpu.memory_space<vmem>> -> memref<64x128xf32, #tpu.memory_space<vmem>>
      %gather3A_1617 = tpu.vector_load_idx %gather3A_1616[%add3A_4, %add3A_1601] : memref<64x128xf32, #tpu.memory_space<vmem>>[vector<16xi32>, vector<16xi32>], vector<16xf32>,
      tpu.vector_store_idx %arg7[%add3A_4, %add3A_1605], %gather3A_1617 : memref<64x512xf32, #tpu.memory_space<vmem>>[vector<16xi32>, vector<16xi32>], vector<16xf32>,
      %gather3A_1618 = arith.constant 7 : i32
      %gather3A_1619 = arith.constant 0 : i32
      %gather3A_1620 = arith.constant 0 : i32
      %gather3A_1621 = tpu.memref_slice %arg6[%gather3A_1618, %gather3A_1619, %gather3A_1620] : memref<11x64x128xf32, #tpu.memory_space<vmem>> -> memref<1x64x128xf32, #tpu.memory_space<vmem>>
      %gather3A_1622 = tpu.memref_squeeze %gather3A_1621 : memref<1x64x128xf32, #tpu.memory_space<vmem>> -> memref<64x128xf32, #tpu.memory_space<vmem>>
      %gather3A_1623 = tpu.vector_load_idx %gather3A_1622[%add3A_8, %add3A_1601] : memref<64x128xf32, #tpu.memory_space<vmem>>[vector<16xi32>, vector<16xi32>], vector<16xf32>,
      tpu.vector_store_idx %arg7[%add3A_8, %add3A_1605], %gather3A_1623 : memref<64x512xf32, #tpu.memory_space<vmem>>[vector<16xi32>, vector<16xi32>], vector<16xf32>,
      %gather3A_1624 = arith.constant 7 : i32
      %gather3A_1625 = arith.constant 0 : i32
      %gather3A_1626 = arith.constant 0 : i32
      %gather3A_1627 = tpu.memref_slice %arg6[%gather3A_1624, %gather3A_1625, %gather3A_1626] : memref<11x64x128xf32, #tpu.memory_space<vmem>> -> memref<1x64x128xf32, #tpu.memory_space<vmem>>
      %gather3A_1628 = tpu.memref_squeeze %gather3A_1627 : memref<1x64x128xf32, #tpu.memory_space<vmem>> -> memref<64x128xf32, #tpu.memory_space<vmem>>
      %gather3A_1629 = tpu.vector_load_idx %gather3A_1628[%add3A_12, %add3A_1601] : memref<64x128xf32, #tpu.memory_space<vmem>>[vector<16xi32>, vector<16xi32>], vector<16xf32>,
      tpu.vector_store_idx %arg7[%add3A_12, %add3A_1605], %gather3A_1629 : memref<64x512xf32, #tpu.memory_space<vmem>>[vector<16xi32>, vector<16xi32>], vector<16xf32>,
      %add3A_1630 = arith.constant 8 : i32
      %add3A_1631 = arith.addi %mul3A_949, %add3A_1630 : i32
      %dma_wait3A_1632 = arith.constant 8 : i32
      %dma_wait3A_1633 = arith.constant 0 : i32
      %dma_wait3A_1634 = arith.constant 0 : i32
      %dma_wait3A_1635 = tpu.memref_slice %arg6[%dma_wait3A_1632, %dma_wait3A_1633, %dma_wait3A_1634] : memref<11x64x128xf32, #tpu.memory_space<vmem>> -> memref<1x64x128xf32, #tpu.memory_space<vmem>>
      %dma_wait3A_1636 = tpu.memref_squeeze %dma_wait3A_1635 : memref<1x64x128xf32, #tpu.memory_space<vmem>> -> memref<64x128xf32, #tpu.memory_space<vmem>>
      %dma_wait3A_1637 = arith.constant 0 : i32
      %dma_wait3A_1638 = arith.constant 0 : i32
      %dma_wait3A_1639 = tpu.memref_slice %arg3[%dma_wait3A_1637, %dma_wait3A_1638] : memref<64x1000000xf32, #tpu.memory_space<hbm>> -> memref<64x128xf32, #tpu.memory_space<hbm>>
      %dma_wait3A_1640 = arith.constant 0 : i32
      %dma_wait3A_1641 = arith.constant 0 : i32
      %dma_wait3A_1642 = tpu.memref_slice %arg6[%dma_wait3A_1632, %dma_wait3A_1640, %dma_wait3A_1641] : memref<11x64x128xf32, #tpu.memory_space<vmem>> -> memref<1x64x128xf32, #tpu.memory_space<vmem>>
      %dma_wait3A_1643 = tpu.memref_squeeze %dma_wait3A_1642 : memref<1x64x128xf32, #tpu.memory_space<vmem>> -> memref<64x128xf32, #tpu.memory_space<vmem>>
      %dma_wait3A_1644 = arith.constant 0 : i32
      %dma_wait3A_1645 = arith.constant 0 : i32
      %dma_wait3A_1646 = tpu.memref_slice %arg3[%dma_wait3A_1644, %dma_wait3A_1645] : memref<64x1000000xf32, #tpu.memory_space<hbm>> -> memref<64x128xf32, #tpu.memory_space<hbm>>
      tpu.wait_dma2 semaphore(%arg16 : memref<!tpu.dma_semaphore, #tpu.memory_space<semaphore_mem>>) src(%dma_wait3A_1646 : memref<64x128xf32, #tpu.memory_space<hbm>>) dst(%dma_wait3A_1643 : memref<64x128xf32, #tpu.memory_space<vmem>>)
      %ge3A_1647 = arith.constant 1 : i32
      %ge3A_1648 = arith.cmpi sge, %add3A_1631, %ge3A_1647 : i32
      %sub3A_1649 = arith.constant 1 : i32
      %sub3A_1650 = arith.subi %add3A_1631, %sub3A_1649 : i32
      %add3A_1651 = arith.constant 11 : i32
      %add3A_1652 = arith.addi %sub3A_1650, %add3A_1651 : i32
      %lt3A_1653 = arith.constant 512 : i32
      %lt3A_1654 = arith.cmpi slt, %add3A_1652, %lt3A_1653 : i32
      %and3A_1655 = arith.andi %ge3A_1648, %lt3A_1654 : i1
      %convert_element_type3A_1656 = arith.extui %and3A_1655 : i1 to i32
      %cond3A_1657 = arith.constant 0 : i32
      %cond3A_1658 = arith.cmpi ne, %convert_element_type3A_1656, %cond3A_1657 : i32
      scf.if %cond3A_1658 {
        %sub3A_1885 = arith.constant 1 : i32
        %sub3A_1886 = arith.subi %add3A_1631, %sub3A_1885 : i32
        %add3A_1887 = arith.constant 11 : i32
        %add3A_1888 = arith.addi %sub3A_1886, %add3A_1887 : i32
        %shift_right_logical3A_1889 = arith.constant 4 : i32
        %shift_right_logical3A_1890 = arith.shrui %add3A_1888, %shift_right_logical3A_1889 : i32
        %and3A_1891 = arith.constant 15 : i32
        %and3A_1892 = arith.andi %add3A_1888, %and3A_1891 : i32
        %broadcast_in_dim3A_1893 = arith.constant 0 : i32
        %broadcast_in_dim3A_1894 = vector.broadcast %broadcast_in_dim3A_1893 : i32 to vector<16xi32>
        %add3A_1895 = vector.broadcast %shift_right_logical3A_1890 : i32 to vector<16xi32>
        %add3A_1896 = arith.addi %broadcast_in_dim3A_1894, %add3A_1895 : vector<16xi32>
        %broadcast_in_dim3A_1897 = arith.constant 0 : i32
        %broadcast_in_dim3A_1898 = vector.broadcast %broadcast_in_dim3A_1897 : i32 to vector<16xi32>
        %add3A_1899 = vector.broadcast %and3A_1892 : i32 to vector<16xi32>
        %add3A_1900 = arith.addi %broadcast_in_dim3A_1898, %add3A_1899 : vector<16xi32>
        %gather3A_1901 = tpu.vector_load_idx %arg5[%add3A_1896, %add3A_1900] : memref<32x16xi32, #tpu.memory_space<vmem>>[vector<16xi32>, vector<16xi32>], vector<16xi32>,
        %slice3A_1902 = vector.extract_strided_slice %gather3A_1901 {offsets = [0], sizes = [1], strides = [1]} : vector<16xi32> to vector<1xi32>
        %squeeze3A_1903 = vector.extract %slice3A_1902[0] : i32 from vector<1xi32>
        %shift_right_logical3A_1904 = arith.constant 7 : i32
        %shift_right_logical3A_1905 = arith.shrui %squeeze3A_1903, %shift_right_logical3A_1904 : i32
        %mul3A_1906 = arith.constant 128 : i32
        %mul3A_1907 = arith.muli %shift_right_logical3A_1905, %mul3A_1906 : i32
        %min3A_1908 = arith.constant 999808 : i32
        %min3A_1909 = arith.minsi %mul3A_1907, %min3A_1908 : i32
        %multiple_of3A_1910 = tpu.assume_multiple %min3A_1909, 128 : i32
        %dma_start3A_1911 = arith.constant 7 : i32
        %dma_start3A_1912 = arith.constant 0 : i32
        %dma_start3A_1913 = arith.constant 0 : i32
        %dma_start3A_1914 = tpu.memref_slice %arg6[%dma_start3A_1911, %dma_start3A_1912, %dma_start3A_1913] : memref<11x64x128xf32, #tpu.memory_space<vmem>> -> memref<1x64x128xf32, #tpu.memory_space<vmem>>
        %dma_start3A_1915 = tpu.memref_squeeze %dma_start3A_1914 : memref<1x64x128xf32, #tpu.memory_space<vmem>> -> memref<64x128xf32, #tpu.memory_space<vmem>>
        %dma_start3A_1916 = arith.constant 0 : i32
        %dma_start3A_1917 = tpu.memref_slice %arg3[%dma_start3A_1916, %multiple_of3A_1910] : memref<64x1000000xf32, #tpu.memory_space<hbm>> -> memref<64x128xf32, #tpu.memory_space<hbm>>
        %dma_start3A_1918 = arith.constant 0 : i32
        %dma_start3A_1919 = arith.constant 0 : i32
        %dma_start3A_1920 = tpu.memref_slice %arg6[%dma_start3A_1911, %dma_start3A_1918, %dma_start3A_1919] : memref<11x64x128xf32, #tpu.memory_space<vmem>> -> memref<1x64x128xf32, #tpu.memory_space<vmem>>
        %dma_start3A_1921 = tpu.memref_squeeze %dma_start3A_1920 : memref<1x64x128xf32, #tpu.memory_space<vmem>> -> memref<64x128xf32, #tpu.memory_space<vmem>>
        %dma_start3A_1922 = arith.constant 0 : i32
        %dma_start3A_1923 = tpu.memref_slice %arg3[%dma_start3A_1922, %multiple_of3A_1910] : memref<64x1000000xf32, #tpu.memory_space<hbm>> -> memref<64x128xf32, #tpu.memory_space<hbm>>
        tpu.enqueue_dma source(%dma_start3A_1923 : memref<64x128xf32, #tpu.memory_space<hbm>>) target(%dma_start3A_1921 : memref<64x128xf32, #tpu.memory_space<vmem>>) target_semaphore(%arg15 : memref<!tpu.dma_semaphore, #tpu.memory_space<semaphore_mem>>)
      } else {
      }
      %shift_right_logical3A_1659 = arith.constant 4 : i32
      %shift_right_logical3A_1660 = arith.shrui %add3A_1631, %shift_right_logical3A_1659 : i32
      %and3A_1661 = arith.constant 15 : i32
      %and3A_1662 = arith.andi %add3A_1631, %and3A_1661 : i32
      %broadcast_in_dim3A_1663 = arith.constant 0 : i32
      %broadcast_in_dim3A_1664 = vector.broadcast %broadcast_in_dim3A_1663 : i32 to vector<16xi32>
      %add3A_1665 = vector.broadcast %shift_right_logical3A_1660 : i32 to vector<16xi32>
      %add3A_1666 = arith.addi %broadcast_in_dim3A_1664, %add3A_1665 : vector<16xi32>
      %broadcast_in_dim3A_1667 = arith.constant 0 : i32
      %broadcast_in_dim3A_1668 = vector.broadcast %broadcast_in_dim3A_1667 : i32 to vector<16xi32>
      %add3A_1669 = vector.broadcast %and3A_1662 : i32 to vector<16xi32>
      %add3A_1670 = arith.addi %broadcast_in_dim3A_1668, %add3A_1669 : vector<16xi32>
      %gather3A_1671 = tpu.vector_load_idx %arg5[%add3A_1666, %add3A_1670] : memref<32x16xi32, #tpu.memory_space<vmem>>[vector<16xi32>, vector<16xi32>], vector<16xi32>,
      %slice3A_1672 = vector.extract_strided_slice %gather3A_1671 {offsets = [0], sizes = [1], strides = [1]} : vector<16xi32> to vector<1xi32>
      %squeeze3A_1673 = vector.extract %slice3A_1672[0] : i32 from vector<1xi32>
      %shift_right_logical3A_1674 = arith.constant 7 : i32
      %shift_right_logical3A_1675 = arith.shrui %squeeze3A_1673, %shift_right_logical3A_1674 : i32
      %mul3A_1676 = arith.constant 128 : i32
      %mul3A_1677 = arith.muli %shift_right_logical3A_1675, %mul3A_1676 : i32
      %min3A_1678 = arith.constant 999808 : i32
      %min3A_1679 = arith.minsi %mul3A_1677, %min3A_1678 : i32
      %sub3A_1680 = arith.subi %squeeze3A_1673, %min3A_1679 : i32
      %min3A_1681 = arith.constant 127 : i32
      %min3A_1682 = arith.minsi %sub3A_1680, %min3A_1681 : i32
      %broadcast_in_dim3A_1683 = arith.constant 0 : i32
      %broadcast_in_dim3A_1684 = vector.broadcast %broadcast_in_dim3A_1683 : i32 to vector<16xi32>
      %add3A_1685 = vector.broadcast %min3A_1682 : i32 to vector<16xi32>
      %add3A_1686 = arith.addi %broadcast_in_dim3A_1684, %add3A_1685 : vector<16xi32>
      %broadcast_in_dim3A_1687 = arith.constant 0 : i32
      %broadcast_in_dim3A_1688 = vector.broadcast %broadcast_in_dim3A_1687 : i32 to vector<16xi32>
      %add3A_1689 = vector.broadcast %add3A_1631 : i32 to vector<16xi32>
      %add3A_1690 = arith.addi %broadcast_in_dim3A_1688, %add3A_1689 : vector<16xi32>
      %gather3A_1691 = arith.constant 8 : i32
      %gather3A_1692 = arith.constant 0 : i32
      %gather3A_1693 = arith.constant 0 : i32
      %gather3A_1694 = tpu.memref_slice %arg6[%gather3A_1691, %gather3A_1692, %gather3A_1693] : memref<11x64x128xf32, #tpu.memory_space<vmem>> -> memref<1x64x128xf32, #tpu.memory_space<vmem>>
      %gather3A_1695 = tpu.memref_squeeze %gather3A_1694 : memref<1x64x128xf32, #tpu.memory_space<vmem>> -> memref<64x128xf32, #tpu.memory_space<vmem>>
      %gather3A_1696 = tpu.vector_load_idx %gather3A_1695[%iota3A, %add3A_1686] : memref<64x128xf32, #tpu.memory_space<vmem>>[vector<16xi32>, vector<16xi32>], vector<16xf32>,
      tpu.vector_store_idx %arg7[%iota3A, %add3A_1690], %gather3A_1696 : memref<64x512xf32, #tpu.memory_space<vmem>>[vector<16xi32>, vector<16xi32>], vector<16xf32>,
      %gather3A_1697 = arith.constant 8 : i32
      %gather3A_1698 = arith.constant 0 : i32
      %gather3A_1699 = arith.constant 0 : i32
      %gather3A_1700 = tpu.memref_slice %arg6[%gather3A_1697, %gather3A_1698, %gather3A_1699] : memref<11x64x128xf32, #tpu.memory_space<vmem>> -> memref<1x64x128xf32, #tpu.memory_space<vmem>>
      %gather3A_1701 = tpu.memref_squeeze %gather3A_1700 : memref<1x64x128xf32, #tpu.memory_space<vmem>> -> memref<64x128xf32, #tpu.memory_space<vmem>>
      %gather3A_1702 = tpu.vector_load_idx %gather3A_1701[%add3A_4, %add3A_1686] : memref<64x128xf32, #tpu.memory_space<vmem>>[vector<16xi32>, vector<16xi32>], vector<16xf32>,
      tpu.vector_store_idx %arg7[%add3A_4, %add3A_1690], %gather3A_1702 : memref<64x512xf32, #tpu.memory_space<vmem>>[vector<16xi32>, vector<16xi32>], vector<16xf32>,
      %gather3A_1703 = arith.constant 8 : i32
      %gather3A_1704 = arith.constant 0 : i32
      %gather3A_1705 = arith.constant 0 : i32
      %gather3A_1706 = tpu.memref_slice %arg6[%gather3A_1703, %gather3A_1704, %gather3A_1705] : memref<11x64x128xf32, #tpu.memory_space<vmem>> -> memref<1x64x128xf32, #tpu.memory_space<vmem>>
      %gather3A_1707 = tpu.memref_squeeze %gather3A_1706 : memref<1x64x128xf32, #tpu.memory_space<vmem>> -> memref<64x128xf32, #tpu.memory_space<vmem>>
      %gather3A_1708 = tpu.vector_load_idx %gather3A_1707[%add3A_8, %add3A_1686] : memref<64x128xf32, #tpu.memory_space<vmem>>[vector<16xi32>, vector<16xi32>], vector<16xf32>,
      tpu.vector_store_idx %arg7[%add3A_8, %add3A_1690], %gather3A_1708 : memref<64x512xf32, #tpu.memory_space<vmem>>[vector<16xi32>, vector<16xi32>], vector<16xf32>,
      %gather3A_1709 = arith.constant 8 : i32
      %gather3A_1710 = arith.constant 0 : i32
      %gather3A_1711 = arith.constant 0 : i32
      %gather3A_1712 = tpu.memref_slice %arg6[%gather3A_1709, %gather3A_1710, %gather3A_1711] : memref<11x64x128xf32, #tpu.memory_space<vmem>> -> memref<1x64x128xf32, #tpu.memory_space<vmem>>
      %gather3A_1713 = tpu.memref_squeeze %gather3A_1712 : memref<1x64x128xf32, #tpu.memory_space<vmem>> -> memref<64x128xf32, #tpu.memory_space<vmem>>
      %gather3A_1714 = tpu.vector_load_idx %gather3A_1713[%add3A_12, %add3A_1686] : memref<64x128xf32, #tpu.memory_space<vmem>>[vector<16xi32>, vector<16xi32>], vector<16xf32>,
      tpu.vector_store_idx %arg7[%add3A_12, %add3A_1690], %gather3A_1714 : memref<64x512xf32, #tpu.memory_space<vmem>>[vector<16xi32>, vector<16xi32>], vector<16xf32>,
      %add3A_1715 = arith.constant 9 : i32
      %add3A_1716 = arith.addi %mul3A_949, %add3A_1715 : i32
      %dma_wait3A_1717 = arith.constant 9 : i32
      %dma_wait3A_1718 = arith.constant 0 : i32
      %dma_wait3A_1719 = arith.constant 0 : i32
      %dma_wait3A_1720 = tpu.memref_slice %arg6[%dma_wait3A_1717, %dma_wait3A_1718, %dma_wait3A_1719] : memref<11x64x128xf32, #tpu.memory_space<vmem>> -> memref<1x64x128xf32, #tpu.memory_space<vmem>>
      %dma_wait3A_1721 = tpu.memref_squeeze %dma_wait3A_1720 : memref<1x64x128xf32, #tpu.memory_space<vmem>> -> memref<64x128xf32, #tpu.memory_space<vmem>>
      %dma_wait3A_1722 = arith.constant 0 : i32
      %dma_wait3A_1723 = arith.constant 0 : i32
      %dma_wait3A_1724 = tpu.memref_slice %arg3[%dma_wait3A_1722, %dma_wait3A_1723] : memref<64x1000000xf32, #tpu.memory_space<hbm>> -> memref<64x128xf32, #tpu.memory_space<hbm>>
      %dma_wait3A_1725 = arith.constant 0 : i32
      %dma_wait3A_1726 = arith.constant 0 : i32
      %dma_wait3A_1727 = tpu.memref_slice %arg6[%dma_wait3A_1717, %dma_wait3A_1725, %dma_wait3A_1726] : memref<11x64x128xf32, #tpu.memory_space<vmem>> -> memref<1x64x128xf32, #tpu.memory_space<vmem>>
      %dma_wait3A_1728 = tpu.memref_squeeze %dma_wait3A_1727 : memref<1x64x128xf32, #tpu.memory_space<vmem>> -> memref<64x128xf32, #tpu.memory_space<vmem>>
      %dma_wait3A_1729 = arith.constant 0 : i32
      %dma_wait3A_1730 = arith.constant 0 : i32
      %dma_wait3A_1731 = tpu.memref_slice %arg3[%dma_wait3A_1729, %dma_wait3A_1730] : memref<64x1000000xf32, #tpu.memory_space<hbm>> -> memref<64x128xf32, #tpu.memory_space<hbm>>
      tpu.wait_dma2 semaphore(%arg17 : memref<!tpu.dma_semaphore, #tpu.memory_space<semaphore_mem>>) src(%dma_wait3A_1731 : memref<64x128xf32, #tpu.memory_space<hbm>>) dst(%dma_wait3A_1728 : memref<64x128xf32, #tpu.memory_space<vmem>>)
      %ge3A_1732 = arith.constant 1 : i32
      %ge3A_1733 = arith.cmpi sge, %add3A_1716, %ge3A_1732 : i32
      %sub3A_1734 = arith.constant 1 : i32
      %sub3A_1735 = arith.subi %add3A_1716, %sub3A_1734 : i32
      %add3A_1736 = arith.constant 11 : i32
      %add3A_1737 = arith.addi %sub3A_1735, %add3A_1736 : i32
      %lt3A_1738 = arith.constant 512 : i32
      %lt3A_1739 = arith.cmpi slt, %add3A_1737, %lt3A_1738 : i32
      %and3A_1740 = arith.andi %ge3A_1733, %lt3A_1739 : i1
      %convert_element_type3A_1741 = arith.extui %and3A_1740 : i1 to i32
      %cond3A_1742 = arith.constant 0 : i32
      %cond3A_1743 = arith.cmpi ne, %convert_element_type3A_1741, %cond3A_1742 : i32
      scf.if %cond3A_1743 {
        %sub3A_1885 = arith.constant 1 : i32
        %sub3A_1886 = arith.subi %add3A_1716, %sub3A_1885 : i32
        %add3A_1887 = arith.constant 11 : i32
        %add3A_1888 = arith.addi %sub3A_1886, %add3A_1887 : i32
        %shift_right_logical3A_1889 = arith.constant 4 : i32
        %shift_right_logical3A_1890 = arith.shrui %add3A_1888, %shift_right_logical3A_1889 : i32
        %and3A_1891 = arith.constant 15 : i32
        %and3A_1892 = arith.andi %add3A_1888, %and3A_1891 : i32
        %broadcast_in_dim3A_1893 = arith.constant 0 : i32
        %broadcast_in_dim3A_1894 = vector.broadcast %broadcast_in_dim3A_1893 : i32 to vector<16xi32>
        %add3A_1895 = vector.broadcast %shift_right_logical3A_1890 : i32 to vector<16xi32>
        %add3A_1896 = arith.addi %broadcast_in_dim3A_1894, %add3A_1895 : vector<16xi32>
        %broadcast_in_dim3A_1897 = arith.constant 0 : i32
        %broadcast_in_dim3A_1898 = vector.broadcast %broadcast_in_dim3A_1897 : i32 to vector<16xi32>
        %add3A_1899 = vector.broadcast %and3A_1892 : i32 to vector<16xi32>
        %add3A_1900 = arith.addi %broadcast_in_dim3A_1898, %add3A_1899 : vector<16xi32>
        %gather3A_1901 = tpu.vector_load_idx %arg5[%add3A_1896, %add3A_1900] : memref<32x16xi32, #tpu.memory_space<vmem>>[vector<16xi32>, vector<16xi32>], vector<16xi32>,
        %slice3A_1902 = vector.extract_strided_slice %gather3A_1901 {offsets = [0], sizes = [1], strides = [1]} : vector<16xi32> to vector<1xi32>
        %squeeze3A_1903 = vector.extract %slice3A_1902[0] : i32 from vector<1xi32>
        %shift_right_logical3A_1904 = arith.constant 7 : i32
        %shift_right_logical3A_1905 = arith.shrui %squeeze3A_1903, %shift_right_logical3A_1904 : i32
        %mul3A_1906 = arith.constant 128 : i32
        %mul3A_1907 = arith.muli %shift_right_logical3A_1905, %mul3A_1906 : i32
        %min3A_1908 = arith.constant 999808 : i32
        %min3A_1909 = arith.minsi %mul3A_1907, %min3A_1908 : i32
        %multiple_of3A_1910 = tpu.assume_multiple %min3A_1909, 128 : i32
        %dma_start3A_1911 = arith.constant 8 : i32
        %dma_start3A_1912 = arith.constant 0 : i32
        %dma_start3A_1913 = arith.constant 0 : i32
        %dma_start3A_1914 = tpu.memref_slice %arg6[%dma_start3A_1911, %dma_start3A_1912, %dma_start3A_1913] : memref<11x64x128xf32, #tpu.memory_space<vmem>> -> memref<1x64x128xf32, #tpu.memory_space<vmem>>
        %dma_start3A_1915 = tpu.memref_squeeze %dma_start3A_1914 : memref<1x64x128xf32, #tpu.memory_space<vmem>> -> memref<64x128xf32, #tpu.memory_space<vmem>>
        %dma_start3A_1916 = arith.constant 0 : i32
        %dma_start3A_1917 = tpu.memref_slice %arg3[%dma_start3A_1916, %multiple_of3A_1910] : memref<64x1000000xf32, #tpu.memory_space<hbm>> -> memref<64x128xf32, #tpu.memory_space<hbm>>
        %dma_start3A_1918 = arith.constant 0 : i32
        %dma_start3A_1919 = arith.constant 0 : i32
        %dma_start3A_1920 = tpu.memref_slice %arg6[%dma_start3A_1911, %dma_start3A_1918, %dma_start3A_1919] : memref<11x64x128xf32, #tpu.memory_space<vmem>> -> memref<1x64x128xf32, #tpu.memory_space<vmem>>
        %dma_start3A_1921 = tpu.memref_squeeze %dma_start3A_1920 : memref<1x64x128xf32, #tpu.memory_space<vmem>> -> memref<64x128xf32, #tpu.memory_space<vmem>>
        %dma_start3A_1922 = arith.constant 0 : i32
        %dma_start3A_1923 = tpu.memref_slice %arg3[%dma_start3A_1922, %multiple_of3A_1910] : memref<64x1000000xf32, #tpu.memory_space<hbm>> -> memref<64x128xf32, #tpu.memory_space<hbm>>
        tpu.enqueue_dma source(%dma_start3A_1923 : memref<64x128xf32, #tpu.memory_space<hbm>>) target(%dma_start3A_1921 : memref<64x128xf32, #tpu.memory_space<vmem>>) target_semaphore(%arg16 : memref<!tpu.dma_semaphore, #tpu.memory_space<semaphore_mem>>)
      } else {
      }
      %shift_right_logical3A_1744 = arith.constant 4 : i32
      %shift_right_logical3A_1745 = arith.shrui %add3A_1716, %shift_right_logical3A_1744 : i32
      %and3A_1746 = arith.constant 15 : i32
      %and3A_1747 = arith.andi %add3A_1716, %and3A_1746 : i32
      %broadcast_in_dim3A_1748 = arith.constant 0 : i32
      %broadcast_in_dim3A_1749 = vector.broadcast %broadcast_in_dim3A_1748 : i32 to vector<16xi32>
      %add3A_1750 = vector.broadcast %shift_right_logical3A_1745 : i32 to vector<16xi32>
      %add3A_1751 = arith.addi %broadcast_in_dim3A_1749, %add3A_1750 : vector<16xi32>
      %broadcast_in_dim3A_1752 = arith.constant 0 : i32
      %broadcast_in_dim3A_1753 = vector.broadcast %broadcast_in_dim3A_1752 : i32 to vector<16xi32>
      %add3A_1754 = vector.broadcast %and3A_1747 : i32 to vector<16xi32>
      %add3A_1755 = arith.addi %broadcast_in_dim3A_1753, %add3A_1754 : vector<16xi32>
      %gather3A_1756 = tpu.vector_load_idx %arg5[%add3A_1751, %add3A_1755] : memref<32x16xi32, #tpu.memory_space<vmem>>[vector<16xi32>, vector<16xi32>], vector<16xi32>,
      %slice3A_1757 = vector.extract_strided_slice %gather3A_1756 {offsets = [0], sizes = [1], strides = [1]} : vector<16xi32> to vector<1xi32>
      %squeeze3A_1758 = vector.extract %slice3A_1757[0] : i32 from vector<1xi32>
      %shift_right_logical3A_1759 = arith.constant 7 : i32
      %shift_right_logical3A_1760 = arith.shrui %squeeze3A_1758, %shift_right_logical3A_1759 : i32
      %mul3A_1761 = arith.constant 128 : i32
      %mul3A_1762 = arith.muli %shift_right_logical3A_1760, %mul3A_1761 : i32
      %min3A_1763 = arith.constant 999808 : i32
      %min3A_1764 = arith.minsi %mul3A_1762, %min3A_1763 : i32
      %sub3A_1765 = arith.subi %squeeze3A_1758, %min3A_1764 : i32
      %min3A_1766 = arith.constant 127 : i32
      %min3A_1767 = arith.minsi %sub3A_1765, %min3A_1766 : i32
      %broadcast_in_dim3A_1768 = arith.constant 0 : i32
      %broadcast_in_dim3A_1769 = vector.broadcast %broadcast_in_dim3A_1768 : i32 to vector<16xi32>
      %add3A_1770 = vector.broadcast %min3A_1767 : i32 to vector<16xi32>
      %add3A_1771 = arith.addi %broadcast_in_dim3A_1769, %add3A_1770 : vector<16xi32>
      %broadcast_in_dim3A_1772 = arith.constant 0 : i32
      %broadcast_in_dim3A_1773 = vector.broadcast %broadcast_in_dim3A_1772 : i32 to vector<16xi32>
      %add3A_1774 = vector.broadcast %add3A_1716 : i32 to vector<16xi32>
      %add3A_1775 = arith.addi %broadcast_in_dim3A_1773, %add3A_1774 : vector<16xi32>
      %gather3A_1776 = arith.constant 9 : i32
      %gather3A_1777 = arith.constant 0 : i32
      %gather3A_1778 = arith.constant 0 : i32
      %gather3A_1779 = tpu.memref_slice %arg6[%gather3A_1776, %gather3A_1777, %gather3A_1778] : memref<11x64x128xf32, #tpu.memory_space<vmem>> -> memref<1x64x128xf32, #tpu.memory_space<vmem>>
      %gather3A_1780 = tpu.memref_squeeze %gather3A_1779 : memref<1x64x128xf32, #tpu.memory_space<vmem>> -> memref<64x128xf32, #tpu.memory_space<vmem>>
      %gather3A_1781 = tpu.vector_load_idx %gather3A_1780[%iota3A, %add3A_1771] : memref<64x128xf32, #tpu.memory_space<vmem>>[vector<16xi32>, vector<16xi32>], vector<16xf32>,
      tpu.vector_store_idx %arg7[%iota3A, %add3A_1775], %gather3A_1781 : memref<64x512xf32, #tpu.memory_space<vmem>>[vector<16xi32>, vector<16xi32>], vector<16xf32>,
      %gather3A_1782 = arith.constant 9 : i32
      %gather3A_1783 = arith.constant 0 : i32
      %gather3A_1784 = arith.constant 0 : i32
      %gather3A_1785 = tpu.memref_slice %arg6[%gather3A_1782, %gather3A_1783, %gather3A_1784] : memref<11x64x128xf32, #tpu.memory_space<vmem>> -> memref<1x64x128xf32, #tpu.memory_space<vmem>>
      %gather3A_1786 = tpu.memref_squeeze %gather3A_1785 : memref<1x64x128xf32, #tpu.memory_space<vmem>> -> memref<64x128xf32, #tpu.memory_space<vmem>>
      %gather3A_1787 = tpu.vector_load_idx %gather3A_1786[%add3A_4, %add3A_1771] : memref<64x128xf32, #tpu.memory_space<vmem>>[vector<16xi32>, vector<16xi32>], vector<16xf32>,
      tpu.vector_store_idx %arg7[%add3A_4, %add3A_1775], %gather3A_1787 : memref<64x512xf32, #tpu.memory_space<vmem>>[vector<16xi32>, vector<16xi32>], vector<16xf32>,
      %gather3A_1788 = arith.constant 9 : i32
      %gather3A_1789 = arith.constant 0 : i32
      %gather3A_1790 = arith.constant 0 : i32
      %gather3A_1791 = tpu.memref_slice %arg6[%gather3A_1788, %gather3A_1789, %gather3A_1790] : memref<11x64x128xf32, #tpu.memory_space<vmem>> -> memref<1x64x128xf32, #tpu.memory_space<vmem>>
      %gather3A_1792 = tpu.memref_squeeze %gather3A_1791 : memref<1x64x128xf32, #tpu.memory_space<vmem>> -> memref<64x128xf32, #tpu.memory_space<vmem>>
      %gather3A_1793 = tpu.vector_load_idx %gather3A_1792[%add3A_8, %add3A_1771] : memref<64x128xf32, #tpu.memory_space<vmem>>[vector<16xi32>, vector<16xi32>], vector<16xf32>,
      tpu.vector_store_idx %arg7[%add3A_8, %add3A_1775], %gather3A_1793 : memref<64x512xf32, #tpu.memory_space<vmem>>[vector<16xi32>, vector<16xi32>], vector<16xf32>,
      %gather3A_1794 = arith.constant 9 : i32
      %gather3A_1795 = arith.constant 0 : i32
      %gather3A_1796 = arith.constant 0 : i32
      %gather3A_1797 = tpu.memref_slice %arg6[%gather3A_1794, %gather3A_1795, %gather3A_1796] : memref<11x64x128xf32, #tpu.memory_space<vmem>> -> memref<1x64x128xf32, #tpu.memory_space<vmem>>
      %gather3A_1798 = tpu.memref_squeeze %gather3A_1797 : memref<1x64x128xf32, #tpu.memory_space<vmem>> -> memref<64x128xf32, #tpu.memory_space<vmem>>
      %gather3A_1799 = tpu.vector_load_idx %gather3A_1798[%add3A_12, %add3A_1771] : memref<64x128xf32, #tpu.memory_space<vmem>>[vector<16xi32>, vector<16xi32>], vector<16xf32>,
      tpu.vector_store_idx %arg7[%add3A_12, %add3A_1775], %gather3A_1799 : memref<64x512xf32, #tpu.memory_space<vmem>>[vector<16xi32>, vector<16xi32>], vector<16xf32>,
      %add3A_1800 = arith.constant 10 : i32
      %add3A_1801 = arith.addi %mul3A_949, %add3A_1800 : i32
      %dma_wait3A_1802 = arith.constant 10 : i32
      %dma_wait3A_1803 = arith.constant 0 : i32
      %dma_wait3A_1804 = arith.constant 0 : i32
      %dma_wait3A_1805 = tpu.memref_slice %arg6[%dma_wait3A_1802, %dma_wait3A_1803, %dma_wait3A_1804] : memref<11x64x128xf32, #tpu.memory_space<vmem>> -> memref<1x64x128xf32, #tpu.memory_space<vmem>>
      %dma_wait3A_1806 = tpu.memref_squeeze %dma_wait3A_1805 : memref<1x64x128xf32, #tpu.memory_space<vmem>> -> memref<64x128xf32, #tpu.memory_space<vmem>>
      %dma_wait3A_1807 = arith.constant 0 : i32
      %dma_wait3A_1808 = arith.constant 0 : i32
      %dma_wait3A_1809 = tpu.memref_slice %arg3[%dma_wait3A_1807, %dma_wait3A_1808] : memref<64x1000000xf32, #tpu.memory_space<hbm>> -> memref<64x128xf32, #tpu.memory_space<hbm>>
      %dma_wait3A_1810 = arith.constant 0 : i32
      %dma_wait3A_1811 = arith.constant 0 : i32
      %dma_wait3A_1812 = tpu.memref_slice %arg6[%dma_wait3A_1802, %dma_wait3A_1810, %dma_wait3A_1811] : memref<11x64x128xf32, #tpu.memory_space<vmem>> -> memref<1x64x128xf32, #tpu.memory_space<vmem>>
      %dma_wait3A_1813 = tpu.memref_squeeze %dma_wait3A_1812 : memref<1x64x128xf32, #tpu.memory_space<vmem>> -> memref<64x128xf32, #tpu.memory_space<vmem>>
      %dma_wait3A_1814 = arith.constant 0 : i32
      %dma_wait3A_1815 = arith.constant 0 : i32
      %dma_wait3A_1816 = tpu.memref_slice %arg3[%dma_wait3A_1814, %dma_wait3A_1815] : memref<64x1000000xf32, #tpu.memory_space<hbm>> -> memref<64x128xf32, #tpu.memory_space<hbm>>
      tpu.wait_dma2 semaphore(%arg18 : memref<!tpu.dma_semaphore, #tpu.memory_space<semaphore_mem>>) src(%dma_wait3A_1816 : memref<64x128xf32, #tpu.memory_space<hbm>>) dst(%dma_wait3A_1813 : memref<64x128xf32, #tpu.memory_space<vmem>>)
      %ge3A_1817 = arith.constant 1 : i32
      %ge3A_1818 = arith.cmpi sge, %add3A_1801, %ge3A_1817 : i32
      %sub3A_1819 = arith.constant 1 : i32
      %sub3A_1820 = arith.subi %add3A_1801, %sub3A_1819 : i32
      %add3A_1821 = arith.constant 11 : i32
      %add3A_1822 = arith.addi %sub3A_1820, %add3A_1821 : i32
      %lt3A_1823 = arith.constant 512 : i32
      %lt3A_1824 = arith.cmpi slt, %add3A_1822, %lt3A_1823 : i32
      %and3A_1825 = arith.andi %ge3A_1818, %lt3A_1824 : i1
      %convert_element_type3A_1826 = arith.extui %and3A_1825 : i1 to i32
      %cond3A_1827 = arith.constant 0 : i32
      %cond3A_1828 = arith.cmpi ne, %convert_element_type3A_1826, %cond3A_1827 : i32
      scf.if %cond3A_1828 {
        %sub3A_1885 = arith.constant 1 : i32
        %sub3A_1886 = arith.subi %add3A_1801, %sub3A_1885 : i32
        %add3A_1887 = arith.constant 11 : i32
        %add3A_1888 = arith.addi %sub3A_1886, %add3A_1887 : i32
        %shift_right_logical3A_1889 = arith.constant 4 : i32
        %shift_right_logical3A_1890 = arith.shrui %add3A_1888, %shift_right_logical3A_1889 : i32
        %and3A_1891 = arith.constant 15 : i32
        %and3A_1892 = arith.andi %add3A_1888, %and3A_1891 : i32
        %broadcast_in_dim3A_1893 = arith.constant 0 : i32
        %broadcast_in_dim3A_1894 = vector.broadcast %broadcast_in_dim3A_1893 : i32 to vector<16xi32>
        %add3A_1895 = vector.broadcast %shift_right_logical3A_1890 : i32 to vector<16xi32>
        %add3A_1896 = arith.addi %broadcast_in_dim3A_1894, %add3A_1895 : vector<16xi32>
        %broadcast_in_dim3A_1897 = arith.constant 0 : i32
        %broadcast_in_dim3A_1898 = vector.broadcast %broadcast_in_dim3A_1897 : i32 to vector<16xi32>
        %add3A_1899 = vector.broadcast %and3A_1892 : i32 to vector<16xi32>
        %add3A_1900 = arith.addi %broadcast_in_dim3A_1898, %add3A_1899 : vector<16xi32>
        %gather3A_1901 = tpu.vector_load_idx %arg5[%add3A_1896, %add3A_1900] : memref<32x16xi32, #tpu.memory_space<vmem>>[vector<16xi32>, vector<16xi32>], vector<16xi32>,
        %slice3A_1902 = vector.extract_strided_slice %gather3A_1901 {offsets = [0], sizes = [1], strides = [1]} : vector<16xi32> to vector<1xi32>
        %squeeze3A_1903 = vector.extract %slice3A_1902[0] : i32 from vector<1xi32>
        %shift_right_logical3A_1904 = arith.constant 7 : i32
        %shift_right_logical3A_1905 = arith.shrui %squeeze3A_1903, %shift_right_logical3A_1904 : i32
        %mul3A_1906 = arith.constant 128 : i32
        %mul3A_1907 = arith.muli %shift_right_logical3A_1905, %mul3A_1906 : i32
        %min3A_1908 = arith.constant 999808 : i32
        %min3A_1909 = arith.minsi %mul3A_1907, %min3A_1908 : i32
        %multiple_of3A_1910 = tpu.assume_multiple %min3A_1909, 128 : i32
        %dma_start3A_1911 = arith.constant 9 : i32
        %dma_start3A_1912 = arith.constant 0 : i32
        %dma_start3A_1913 = arith.constant 0 : i32
        %dma_start3A_1914 = tpu.memref_slice %arg6[%dma_start3A_1911, %dma_start3A_1912, %dma_start3A_1913] : memref<11x64x128xf32, #tpu.memory_space<vmem>> -> memref<1x64x128xf32, #tpu.memory_space<vmem>>
        %dma_start3A_1915 = tpu.memref_squeeze %dma_start3A_1914 : memref<1x64x128xf32, #tpu.memory_space<vmem>> -> memref<64x128xf32, #tpu.memory_space<vmem>>
        %dma_start3A_1916 = arith.constant 0 : i32
        %dma_start3A_1917 = tpu.memref_slice %arg3[%dma_start3A_1916, %multiple_of3A_1910] : memref<64x1000000xf32, #tpu.memory_space<hbm>> -> memref<64x128xf32, #tpu.memory_space<hbm>>
        %dma_start3A_1918 = arith.constant 0 : i32
        %dma_start3A_1919 = arith.constant 0 : i32
        %dma_start3A_1920 = tpu.memref_slice %arg6[%dma_start3A_1911, %dma_start3A_1918, %dma_start3A_1919] : memref<11x64x128xf32, #tpu.memory_space<vmem>> -> memref<1x64x128xf32, #tpu.memory_space<vmem>>
        %dma_start3A_1921 = tpu.memref_squeeze %dma_start3A_1920 : memref<1x64x128xf32, #tpu.memory_space<vmem>> -> memref<64x128xf32, #tpu.memory_space<vmem>>
        %dma_start3A_1922 = arith.constant 0 : i32
        %dma_start3A_1923 = tpu.memref_slice %arg3[%dma_start3A_1922, %multiple_of3A_1910] : memref<64x1000000xf32, #tpu.memory_space<hbm>> -> memref<64x128xf32, #tpu.memory_space<hbm>>
        tpu.enqueue_dma source(%dma_start3A_1923 : memref<64x128xf32, #tpu.memory_space<hbm>>) target(%dma_start3A_1921 : memref<64x128xf32, #tpu.memory_space<vmem>>) target_semaphore(%arg17 : memref<!tpu.dma_semaphore, #tpu.memory_space<semaphore_mem>>)
      } else {
      }
      %shift_right_logical3A_1829 = arith.constant 4 : i32
      %shift_right_logical3A_1830 = arith.shrui %add3A_1801, %shift_right_logical3A_1829 : i32
      %and3A_1831 = arith.constant 15 : i32
      %and3A_1832 = arith.andi %add3A_1801, %and3A_1831 : i32
      %broadcast_in_dim3A_1833 = arith.constant 0 : i32
      %broadcast_in_dim3A_1834 = vector.broadcast %broadcast_in_dim3A_1833 : i32 to vector<16xi32>
      %add3A_1835 = vector.broadcast %shift_right_logical3A_1830 : i32 to vector<16xi32>
      %add3A_1836 = arith.addi %broadcast_in_dim3A_1834, %add3A_1835 : vector<16xi32>
      %broadcast_in_dim3A_1837 = arith.constant 0 : i32
      %broadcast_in_dim3A_1838 = vector.broadcast %broadcast_in_dim3A_1837 : i32 to vector<16xi32>
      %add3A_1839 = vector.broadcast %and3A_1832 : i32 to vector<16xi32>
      %add3A_1840 = arith.addi %broadcast_in_dim3A_1838, %add3A_1839 : vector<16xi32>
      %gather3A_1841 = tpu.vector_load_idx %arg5[%add3A_1836, %add3A_1840] : memref<32x16xi32, #tpu.memory_space<vmem>>[vector<16xi32>, vector<16xi32>], vector<16xi32>,
      %slice3A_1842 = vector.extract_strided_slice %gather3A_1841 {offsets = [0], sizes = [1], strides = [1]} : vector<16xi32> to vector<1xi32>
      %squeeze3A_1843 = vector.extract %slice3A_1842[0] : i32 from vector<1xi32>
      %shift_right_logical3A_1844 = arith.constant 7 : i32
      %shift_right_logical3A_1845 = arith.shrui %squeeze3A_1843, %shift_right_logical3A_1844 : i32
      %mul3A_1846 = arith.constant 128 : i32
      %mul3A_1847 = arith.muli %shift_right_logical3A_1845, %mul3A_1846 : i32
      %min3A_1848 = arith.constant 999808 : i32
      %min3A_1849 = arith.minsi %mul3A_1847, %min3A_1848 : i32
      %sub3A_1850 = arith.subi %squeeze3A_1843, %min3A_1849 : i32
      %min3A_1851 = arith.constant 127 : i32
      %min3A_1852 = arith.minsi %sub3A_1850, %min3A_1851 : i32
      %broadcast_in_dim3A_1853 = arith.constant 0 : i32
      %broadcast_in_dim3A_1854 = vector.broadcast %broadcast_in_dim3A_1853 : i32 to vector<16xi32>
      %add3A_1855 = vector.broadcast %min3A_1852 : i32 to vector<16xi32>
      %add3A_1856 = arith.addi %broadcast_in_dim3A_1854, %add3A_1855 : vector<16xi32>
      %broadcast_in_dim3A_1857 = arith.constant 0 : i32
      %broadcast_in_dim3A_1858 = vector.broadcast %broadcast_in_dim3A_1857 : i32 to vector<16xi32>
      %add3A_1859 = vector.broadcast %add3A_1801 : i32 to vector<16xi32>
      %add3A_1860 = arith.addi %broadcast_in_dim3A_1858, %add3A_1859 : vector<16xi32>
      %gather3A_1861 = arith.constant 10 : i32
      %gather3A_1862 = arith.constant 0 : i32
      %gather3A_1863 = arith.constant 0 : i32
      %gather3A_1864 = tpu.memref_slice %arg6[%gather3A_1861, %gather3A_1862, %gather3A_1863] : memref<11x64x128xf32, #tpu.memory_space<vmem>> -> memref<1x64x128xf32, #tpu.memory_space<vmem>>
      %gather3A_1865 = tpu.memref_squeeze %gather3A_1864 : memref<1x64x128xf32, #tpu.memory_space<vmem>> -> memref<64x128xf32, #tpu.memory_space<vmem>>
      %gather3A_1866 = tpu.vector_load_idx %gather3A_1865[%iota3A, %add3A_1856] : memref<64x128xf32, #tpu.memory_space<vmem>>[vector<16xi32>, vector<16xi32>], vector<16xf32>,
      tpu.vector_store_idx %arg7[%iota3A, %add3A_1860], %gather3A_1866 : memref<64x512xf32, #tpu.memory_space<vmem>>[vector<16xi32>, vector<16xi32>], vector<16xf32>,
      %gather3A_1867 = arith.constant 10 : i32
      %gather3A_1868 = arith.constant 0 : i32
      %gather3A_1869 = arith.constant 0 : i32
      %gather3A_1870 = tpu.memref_slice %arg6[%gather3A_1867, %gather3A_1868, %gather3A_1869] : memref<11x64x128xf32, #tpu.memory_space<vmem>> -> memref<1x64x128xf32, #tpu.memory_space<vmem>>
      %gather3A_1871 = tpu.memref_squeeze %gather3A_1870 : memref<1x64x128xf32, #tpu.memory_space<vmem>> -> memref<64x128xf32, #tpu.memory_space<vmem>>
      %gather3A_1872 = tpu.vector_load_idx %gather3A_1871[%add3A_4, %add3A_1856] : memref<64x128xf32, #tpu.memory_space<vmem>>[vector<16xi32>, vector<16xi32>], vector<16xf32>,
      tpu.vector_store_idx %arg7[%add3A_4, %add3A_1860], %gather3A_1872 : memref<64x512xf32, #tpu.memory_space<vmem>>[vector<16xi32>, vector<16xi32>], vector<16xf32>,
      %gather3A_1873 = arith.constant 10 : i32
      %gather3A_1874 = arith.constant 0 : i32
      %gather3A_1875 = arith.constant 0 : i32
      %gather3A_1876 = tpu.memref_slice %arg6[%gather3A_1873, %gather3A_1874, %gather3A_1875] : memref<11x64x128xf32, #tpu.memory_space<vmem>> -> memref<1x64x128xf32, #tpu.memory_space<vmem>>
      %gather3A_1877 = tpu.memref_squeeze %gather3A_1876 : memref<1x64x128xf32, #tpu.memory_space<vmem>> -> memref<64x128xf32, #tpu.memory_space<vmem>>
      %gather3A_1878 = tpu.vector_load_idx %gather3A_1877[%add3A_8, %add3A_1856] : memref<64x128xf32, #tpu.memory_space<vmem>>[vector<16xi32>, vector<16xi32>], vector<16xf32>,
      tpu.vector_store_idx %arg7[%add3A_8, %add3A_1860], %gather3A_1878 : memref<64x512xf32, #tpu.memory_space<vmem>>[vector<16xi32>, vector<16xi32>], vector<16xf32>,
      %gather3A_1879 = arith.constant 10 : i32
      %gather3A_1880 = arith.constant 0 : i32
      %gather3A_1881 = arith.constant 0 : i32
      %gather3A_1882 = tpu.memref_slice %arg6[%gather3A_1879, %gather3A_1880, %gather3A_1881] : memref<11x64x128xf32, #tpu.memory_space<vmem>> -> memref<1x64x128xf32, #tpu.memory_space<vmem>>
      %gather3A_1883 = tpu.memref_squeeze %gather3A_1882 : memref<1x64x128xf32, #tpu.memory_space<vmem>> -> memref<64x128xf32, #tpu.memory_space<vmem>>
      %gather3A_1884 = tpu.vector_load_idx %gather3A_1883[%add3A_12, %add3A_1856] : memref<64x128xf32, #tpu.memory_space<vmem>>[vector<16xi32>, vector<16xi32>], vector<16xf32>,
      tpu.vector_store_idx %arg7[%add3A_12, %add3A_1860], %gather3A_1884 : memref<64x512xf32, #tpu.memory_space<vmem>>[vector<16xi32>, vector<16xi32>], vector<16xf32>,
    }
    %scan3A_415 = arith.constant 46 : i32
    %dma_wait3A = arith.constant 0 : i32
    %dma_wait3A_416 = arith.constant 0 : i32
    %dma_wait3A_417 = arith.constant 0 : i32
    %dma_wait3A_418 = tpu.memref_slice %arg6[%dma_wait3A, %dma_wait3A_416, %dma_wait3A_417] : memref<11x64x128xf32, #tpu.memory_space<vmem>> -> memref<1x64x128xf32, #tpu.memory_space<vmem>>
    %dma_wait3A_419 = tpu.memref_squeeze %dma_wait3A_418 : memref<1x64x128xf32, #tpu.memory_space<vmem>> -> memref<64x128xf32, #tpu.memory_space<vmem>>
    %dma_wait3A_420 = arith.constant 0 : i32
    %dma_wait3A_421 = arith.constant 0 : i32
    %dma_wait3A_422 = tpu.memref_slice %arg3[%dma_wait3A_420, %dma_wait3A_421] : memref<64x1000000xf32, #tpu.memory_space<hbm>> -> memref<64x128xf32, #tpu.memory_space<hbm>>
    %dma_wait3A_423 = arith.constant 0 : i32
    %dma_wait3A_424 = arith.constant 0 : i32
    %dma_wait3A_425 = tpu.memref_slice %arg6[%dma_wait3A, %dma_wait3A_423, %dma_wait3A_424] : memref<11x64x128xf32, #tpu.memory_space<vmem>> -> memref<1x64x128xf32, #tpu.memory_space<vmem>>
    %dma_wait3A_426 = tpu.memref_squeeze %dma_wait3A_425 : memref<1x64x128xf32, #tpu.memory_space<vmem>> -> memref<64x128xf32, #tpu.memory_space<vmem>>
    %dma_wait3A_427 = arith.constant 0 : i32
    %dma_wait3A_428 = arith.constant 0 : i32
    %dma_wait3A_429 = tpu.memref_slice %arg3[%dma_wait3A_427, %dma_wait3A_428] : memref<64x1000000xf32, #tpu.memory_space<hbm>> -> memref<64x128xf32, #tpu.memory_space<hbm>>
    tpu.wait_dma2 semaphore(%arg8 : memref<!tpu.dma_semaphore, #tpu.memory_space<semaphore_mem>>) src(%dma_wait3A_429 : memref<64x128xf32, #tpu.memory_space<hbm>>) dst(%dma_wait3A_426 : memref<64x128xf32, #tpu.memory_space<vmem>>)
    %ge3A = arith.constant 506 : i32
    %ge3A_430 = arith.constant 1 : i32
    %ge3A_431 = arith.cmpi sge, %ge3A, %ge3A_430 : i32
    %sub3A = arith.constant 506 : i32
    %sub3A_432 = arith.constant 1 : i32
    %sub3A_433 = arith.subi %sub3A, %sub3A_432 : i32
    %add3A_434 = arith.constant 11 : i32
    %add3A_435 = arith.addi %sub3A_433, %add3A_434 : i32
    %lt3A = arith.constant 512 : i32
    %lt3A_436 = arith.cmpi slt, %add3A_435, %lt3A : i32
    %and3A_437 = arith.andi %ge3A_431, %lt3A_436 : i1
    %convert_element_type3A = arith.extui %and3A_437 : i1 to i32
    %cond3A = arith.constant 506 : i32
    %cond3A_438 = arith.constant 0 : i32
    %cond3A_439 = arith.cmpi ne, %convert_element_type3A, %cond3A_438 : i32
    scf.if %cond3A_439 {
      %sub3A_947 = arith.constant 1 : i32
      %sub3A_948 = arith.subi %cond3A, %sub3A_947 : i32
      %add3A_949 = arith.constant 11 : i32
      %add3A_950 = arith.addi %sub3A_948, %add3A_949 : i32
      %shift_right_logical3A_951 = arith.constant 4 : i32
      %shift_right_logical3A_952 = arith.shrui %add3A_950, %shift_right_logical3A_951 : i32
      %and3A_953 = arith.constant 15 : i32
      %and3A_954 = arith.andi %add3A_950, %and3A_953 : i32
      %broadcast_in_dim3A_955 = arith.constant 0 : i32
      %broadcast_in_dim3A_956 = vector.broadcast %broadcast_in_dim3A_955 : i32 to vector<16xi32>
      %add3A_957 = vector.broadcast %shift_right_logical3A_952 : i32 to vector<16xi32>
      %add3A_958 = arith.addi %broadcast_in_dim3A_956, %add3A_957 : vector<16xi32>
      %broadcast_in_dim3A_959 = arith.constant 0 : i32
      %broadcast_in_dim3A_960 = vector.broadcast %broadcast_in_dim3A_959 : i32 to vector<16xi32>
      %add3A_961 = vector.broadcast %and3A_954 : i32 to vector<16xi32>
      %add3A_962 = arith.addi %broadcast_in_dim3A_960, %add3A_961 : vector<16xi32>
      %gather3A_963 = tpu.vector_load_idx %arg5[%add3A_958, %add3A_962] : memref<32x16xi32, #tpu.memory_space<vmem>>[vector<16xi32>, vector<16xi32>], vector<16xi32>,
      %slice3A_964 = vector.extract_strided_slice %gather3A_963 {offsets = [0], sizes = [1], strides = [1]} : vector<16xi32> to vector<1xi32>
      %squeeze3A_965 = vector.extract %slice3A_964[0] : i32 from vector<1xi32>
      %shift_right_logical3A_966 = arith.constant 7 : i32
      %shift_right_logical3A_967 = arith.shrui %squeeze3A_965, %shift_right_logical3A_966 : i32
      %mul3A_968 = arith.constant 128 : i32
      %mul3A_969 = arith.muli %shift_right_logical3A_967, %mul3A_968 : i32
      %min3A_970 = arith.constant 999808 : i32
      %min3A_971 = arith.minsi %mul3A_969, %min3A_970 : i32
      %multiple_of3A_972 = tpu.assume_multiple %min3A_971, 128 : i32
      %dma_start3A_973 = arith.constant 10 : i32
      %dma_start3A_974 = arith.constant 0 : i32
      %dma_start3A_975 = arith.constant 0 : i32
      %dma_start3A_976 = tpu.memref_slice %arg6[%dma_start3A_973, %dma_start3A_974, %dma_start3A_975] : memref<11x64x128xf32, #tpu.memory_space<vmem>> -> memref<1x64x128xf32, #tpu.memory_space<vmem>>
      %dma_start3A_977 = tpu.memref_squeeze %dma_start3A_976 : memref<1x64x128xf32, #tpu.memory_space<vmem>> -> memref<64x128xf32, #tpu.memory_space<vmem>>
      %dma_start3A_978 = arith.constant 0 : i32
      %dma_start3A_979 = tpu.memref_slice %arg3[%dma_start3A_978, %multiple_of3A_972] : memref<64x1000000xf32, #tpu.memory_space<hbm>> -> memref<64x128xf32, #tpu.memory_space<hbm>>
      %dma_start3A_980 = arith.constant 0 : i32
      %dma_start3A_981 = arith.constant 0 : i32
      %dma_start3A_982 = tpu.memref_slice %arg6[%dma_start3A_973, %dma_start3A_980, %dma_start3A_981] : memref<11x64x128xf32, #tpu.memory_space<vmem>> -> memref<1x64x128xf32, #tpu.memory_space<vmem>>
      %dma_start3A_983 = tpu.memref_squeeze %dma_start3A_982 : memref<1x64x128xf32, #tpu.memory_space<vmem>> -> memref<64x128xf32, #tpu.memory_space<vmem>>
      %dma_start3A_984 = arith.constant 0 : i32
      %dma_start3A_985 = tpu.memref_slice %arg3[%dma_start3A_984, %multiple_of3A_972] : memref<64x1000000xf32, #tpu.memory_space<hbm>> -> memref<64x128xf32, #tpu.memory_space<hbm>>
      tpu.enqueue_dma source(%dma_start3A_985 : memref<64x128xf32, #tpu.memory_space<hbm>>) target(%dma_start3A_983 : memref<64x128xf32, #tpu.memory_space<vmem>>) target_semaphore(%arg18 : memref<!tpu.dma_semaphore, #tpu.memory_space<semaphore_mem>>)
    } else {
    }
    %shift_right_logical3A_440 = arith.constant 506 : i32
    %shift_right_logical3A_441 = arith.constant 4 : i32
    %shift_right_logical3A_442 = arith.shrui %shift_right_logical3A_440, %shift_right_logical3A_441 : i32
    %and3A_443 = arith.constant 506 : i32
    %and3A_444 = arith.constant 15 : i32
    %and3A_445 = arith.andi %and3A_443, %and3A_444 : i32
    %broadcast_in_dim3A_446 = arith.constant 0 : i32
    %broadcast_in_dim3A_447 = vector.broadcast %broadcast_in_dim3A_446 : i32 to vector<16xi32>
    %add3A_448 = vector.broadcast %shift_right_logical3A_442 : i32 to vector<16xi32>
    %add3A_449 = arith.addi %broadcast_in_dim3A_447, %add3A_448 : vector<16xi32>
    %broadcast_in_dim3A_450 = arith.constant 0 : i32
    %broadcast_in_dim3A_451 = vector.broadcast %broadcast_in_dim3A_450 : i32 to vector<16xi32>
    %add3A_452 = vector.broadcast %and3A_445 : i32 to vector<16xi32>
    %add3A_453 = arith.addi %broadcast_in_dim3A_451, %add3A_452 : vector<16xi32>
    %gather3A_454 = tpu.vector_load_idx %arg5[%add3A_449, %add3A_453] : memref<32x16xi32, #tpu.memory_space<vmem>>[vector<16xi32>, vector<16xi32>], vector<16xi32>,
    %slice3A_455 = vector.extract_strided_slice %gather3A_454 {offsets = [0], sizes = [1], strides = [1]} : vector<16xi32> to vector<1xi32>
    %squeeze3A_456 = vector.extract %slice3A_455[0] : i32 from vector<1xi32>
    %shift_right_logical3A_457 = arith.constant 7 : i32
    %shift_right_logical3A_458 = arith.shrui %squeeze3A_456, %shift_right_logical3A_457 : i32
    %mul3A_459 = arith.constant 128 : i32
    %mul3A_460 = arith.muli %shift_right_logical3A_458, %mul3A_459 : i32
    %min3A_461 = arith.constant 999808 : i32
    %min3A_462 = arith.minsi %mul3A_460, %min3A_461 : i32
    %sub3A_463 = arith.subi %squeeze3A_456, %min3A_462 : i32
    %min3A_464 = arith.constant 127 : i32
    %min3A_465 = arith.minsi %sub3A_463, %min3A_464 : i32
    %broadcast_in_dim3A_466 = arith.constant 0 : i32
    %broadcast_in_dim3A_467 = vector.broadcast %broadcast_in_dim3A_466 : i32 to vector<16xi32>
    %add3A_468 = vector.broadcast %min3A_465 : i32 to vector<16xi32>
    %add3A_469 = arith.addi %broadcast_in_dim3A_467, %add3A_468 : vector<16xi32>
    %broadcast_in_dim3A_470 = arith.constant 0 : i32
    %broadcast_in_dim3A_471 = vector.broadcast %broadcast_in_dim3A_470 : i32 to vector<16xi32>
    %add3A_472 = arith.constant 506 : i32
    %add3A_473 = vector.broadcast %add3A_472 : i32 to vector<16xi32>
    %add3A_474 = arith.addi %broadcast_in_dim3A_471, %add3A_473 : vector<16xi32>
    %gather3A_475 = arith.constant 0 : i32
    %gather3A_476 = arith.constant 0 : i32
    %gather3A_477 = arith.constant 0 : i32
    %gather3A_478 = tpu.memref_slice %arg6[%gather3A_475, %gather3A_476, %gather3A_477] : memref<11x64x128xf32, #tpu.memory_space<vmem>> -> memref<1x64x128xf32, #tpu.memory_space<vmem>>
    %gather3A_479 = tpu.memref_squeeze %gather3A_478 : memref<1x64x128xf32, #tpu.memory_space<vmem>> -> memref<64x128xf32, #tpu.memory_space<vmem>>
    %gather3A_480 = tpu.vector_load_idx %gather3A_479[%iota3A, %add3A_469] : memref<64x128xf32, #tpu.memory_space<vmem>>[vector<16xi32>, vector<16xi32>], vector<16xf32>,
    tpu.vector_store_idx %arg7[%iota3A, %add3A_474], %gather3A_480 : memref<64x512xf32, #tpu.memory_space<vmem>>[vector<16xi32>, vector<16xi32>], vector<16xf32>,
    %gather3A_481 = arith.constant 0 : i32
    %gather3A_482 = arith.constant 0 : i32
    %gather3A_483 = arith.constant 0 : i32
    %gather3A_484 = tpu.memref_slice %arg6[%gather3A_481, %gather3A_482, %gather3A_483] : memref<11x64x128xf32, #tpu.memory_space<vmem>> -> memref<1x64x128xf32, #tpu.memory_space<vmem>>
    %gather3A_485 = tpu.memref_squeeze %gather3A_484 : memref<1x64x128xf32, #tpu.memory_space<vmem>> -> memref<64x128xf32, #tpu.memory_space<vmem>>
    %gather3A_486 = tpu.vector_load_idx %gather3A_485[%add3A_4, %add3A_469] : memref<64x128xf32, #tpu.memory_space<vmem>>[vector<16xi32>, vector<16xi32>], vector<16xf32>,
    tpu.vector_store_idx %arg7[%add3A_4, %add3A_474], %gather3A_486 : memref<64x512xf32, #tpu.memory_space<vmem>>[vector<16xi32>, vector<16xi32>], vector<16xf32>,
    %gather3A_487 = arith.constant 0 : i32
    %gather3A_488 = arith.constant 0 : i32
    %gather3A_489 = arith.constant 0 : i32
    %gather3A_490 = tpu.memref_slice %arg6[%gather3A_487, %gather3A_488, %gather3A_489] : memref<11x64x128xf32, #tpu.memory_space<vmem>> -> memref<1x64x128xf32, #tpu.memory_space<vmem>>
    %gather3A_491 = tpu.memref_squeeze %gather3A_490 : memref<1x64x128xf32, #tpu.memory_space<vmem>> -> memref<64x128xf32, #tpu.memory_space<vmem>>
    %gather3A_492 = tpu.vector_load_idx %gather3A_491[%add3A_8, %add3A_469] : memref<64x128xf32, #tpu.memory_space<vmem>>[vector<16xi32>, vector<16xi32>], vector<16xf32>,
    tpu.vector_store_idx %arg7[%add3A_8, %add3A_474], %gather3A_492 : memref<64x512xf32, #tpu.memory_space<vmem>>[vector<16xi32>, vector<16xi32>], vector<16xf32>,
    %gather3A_493 = arith.constant 0 : i32
    %gather3A_494 = arith.constant 0 : i32
    %gather3A_495 = arith.constant 0 : i32
    %gather3A_496 = tpu.memref_slice %arg6[%gather3A_493, %gather3A_494, %gather3A_495] : memref<11x64x128xf32, #tpu.memory_space<vmem>> -> memref<1x64x128xf32, #tpu.memory_space<vmem>>
    %gather3A_497 = tpu.memref_squeeze %gather3A_496 : memref<1x64x128xf32, #tpu.memory_space<vmem>> -> memref<64x128xf32, #tpu.memory_space<vmem>>
    %gather3A_498 = tpu.vector_load_idx %gather3A_497[%add3A_12, %add3A_469] : memref<64x128xf32, #tpu.memory_space<vmem>>[vector<16xi32>, vector<16xi32>], vector<16xf32>,
    tpu.vector_store_idx %arg7[%add3A_12, %add3A_474], %gather3A_498 : memref<64x512xf32, #tpu.memory_space<vmem>>[vector<16xi32>, vector<16xi32>], vector<16xf32>,
    %dma_wait3A_499 = arith.constant 1 : i32
    %dma_wait3A_500 = arith.constant 0 : i32
    %dma_wait3A_501 = arith.constant 0 : i32
    %dma_wait3A_502 = tpu.memref_slice %arg6[%dma_wait3A_499, %dma_wait3A_500, %dma_wait3A_501] : memref<11x64x128xf32, #tpu.memory_space<vmem>> -> memref<1x64x128xf32, #tpu.memory_space<vmem>>
    %dma_wait3A_503 = tpu.memref_squeeze %dma_wait3A_502 : memref<1x64x128xf32, #tpu.memory_space<vmem>> -> memref<64x128xf32, #tpu.memory_space<vmem>>
    %dma_wait3A_504 = arith.constant 0 : i32
    %dma_wait3A_505 = arith.constant 0 : i32
    %dma_wait3A_506 = tpu.memref_slice %arg3[%dma_wait3A_504, %dma_wait3A_505] : memref<64x1000000xf32, #tpu.memory_space<hbm>> -> memref<64x128xf32, #tpu.memory_space<hbm>>
    %dma_wait3A_507 = arith.constant 0 : i32
    %dma_wait3A_508 = arith.constant 0 : i32
    %dma_wait3A_509 = tpu.memref_slice %arg6[%dma_wait3A_499, %dma_wait3A_507, %dma_wait3A_508] : memref<11x64x128xf32, #tpu.memory_space<vmem>> -> memref<1x64x128xf32, #tpu.memory_space<vmem>>
    %dma_wait3A_510 = tpu.memref_squeeze %dma_wait3A_509 : memref<1x64x128xf32, #tpu.memory_space<vmem>> -> memref<64x128xf32, #tpu.memory_space<vmem>>
    %dma_wait3A_511 = arith.constant 0 : i32
    %dma_wait3A_512 = arith.constant 0 : i32
    %dma_wait3A_513 = tpu.memref_slice %arg3[%dma_wait3A_511, %dma_wait3A_512] : memref<64x1000000xf32, #tpu.memory_space<hbm>> -> memref<64x128xf32, #tpu.memory_space<hbm>>
    tpu.wait_dma2 semaphore(%arg9 : memref<!tpu.dma_semaphore, #tpu.memory_space<semaphore_mem>>) src(%dma_wait3A_513 : memref<64x128xf32, #tpu.memory_space<hbm>>) dst(%dma_wait3A_510 : memref<64x128xf32, #tpu.memory_space<vmem>>)
    %ge3A_514 = arith.constant 507 : i32
    %ge3A_515 = arith.constant 1 : i32
    %ge3A_516 = arith.cmpi sge, %ge3A_514, %ge3A_515 : i32
    %sub3A_517 = arith.constant 507 : i32
    %sub3A_518 = arith.constant 1 : i32
    %sub3A_519 = arith.subi %sub3A_517, %sub3A_518 : i32
    %add3A_520 = arith.constant 11 : i32
    %add3A_521 = arith.addi %sub3A_519, %add3A_520 : i32
    %lt3A_522 = arith.constant 512 : i32
    %lt3A_523 = arith.cmpi slt, %add3A_521, %lt3A_522 : i32
    %and3A_524 = arith.andi %ge3A_516, %lt3A_523 : i1
    %convert_element_type3A_525 = arith.extui %and3A_524 : i1 to i32
    %cond3A_526 = arith.constant 507 : i32
    %cond3A_527 = arith.constant 0 : i32
    %cond3A_528 = arith.cmpi ne, %convert_element_type3A_525, %cond3A_527 : i32
    scf.if %cond3A_528 {
      %sub3A_947 = arith.constant 1 : i32
      %sub3A_948 = arith.subi %cond3A_526, %sub3A_947 : i32
      %add3A_949 = arith.constant 11 : i32
      %add3A_950 = arith.addi %sub3A_948, %add3A_949 : i32
      %shift_right_logical3A_951 = arith.constant 4 : i32
      %shift_right_logical3A_952 = arith.shrui %add3A_950, %shift_right_logical3A_951 : i32
      %and3A_953 = arith.constant 15 : i32
      %and3A_954 = arith.andi %add3A_950, %and3A_953 : i32
      %broadcast_in_dim3A_955 = arith.constant 0 : i32
      %broadcast_in_dim3A_956 = vector.broadcast %broadcast_in_dim3A_955 : i32 to vector<16xi32>
      %add3A_957 = vector.broadcast %shift_right_logical3A_952 : i32 to vector<16xi32>
      %add3A_958 = arith.addi %broadcast_in_dim3A_956, %add3A_957 : vector<16xi32>
      %broadcast_in_dim3A_959 = arith.constant 0 : i32
      %broadcast_in_dim3A_960 = vector.broadcast %broadcast_in_dim3A_959 : i32 to vector<16xi32>
      %add3A_961 = vector.broadcast %and3A_954 : i32 to vector<16xi32>
      %add3A_962 = arith.addi %broadcast_in_dim3A_960, %add3A_961 : vector<16xi32>
      %gather3A_963 = tpu.vector_load_idx %arg5[%add3A_958, %add3A_962] : memref<32x16xi32, #tpu.memory_space<vmem>>[vector<16xi32>, vector<16xi32>], vector<16xi32>,
      %slice3A_964 = vector.extract_strided_slice %gather3A_963 {offsets = [0], sizes = [1], strides = [1]} : vector<16xi32> to vector<1xi32>
      %squeeze3A_965 = vector.extract %slice3A_964[0] : i32 from vector<1xi32>
      %shift_right_logical3A_966 = arith.constant 7 : i32
      %shift_right_logical3A_967 = arith.shrui %squeeze3A_965, %shift_right_logical3A_966 : i32
      %mul3A_968 = arith.constant 128 : i32
      %mul3A_969 = arith.muli %shift_right_logical3A_967, %mul3A_968 : i32
      %min3A_970 = arith.constant 999808 : i32
      %min3A_971 = arith.minsi %mul3A_969, %min3A_970 : i32
      %multiple_of3A_972 = tpu.assume_multiple %min3A_971, 128 : i32
      %dma_start3A_973 = arith.constant 0 : i32
      %dma_start3A_974 = arith.constant 0 : i32
      %dma_start3A_975 = arith.constant 0 : i32
      %dma_start3A_976 = tpu.memref_slice %arg6[%dma_start3A_973, %dma_start3A_974, %dma_start3A_975] : memref<11x64x128xf32, #tpu.memory_space<vmem>> -> memref<1x64x128xf32, #tpu.memory_space<vmem>>
      %dma_start3A_977 = tpu.memref_squeeze %dma_start3A_976 : memref<1x64x128xf32, #tpu.memory_space<vmem>> -> memref<64x128xf32, #tpu.memory_space<vmem>>
      %dma_start3A_978 = arith.constant 0 : i32
      %dma_start3A_979 = tpu.memref_slice %arg3[%dma_start3A_978, %multiple_of3A_972] : memref<64x1000000xf32, #tpu.memory_space<hbm>> -> memref<64x128xf32, #tpu.memory_space<hbm>>
      %dma_start3A_980 = arith.constant 0 : i32
      %dma_start3A_981 = arith.constant 0 : i32
      %dma_start3A_982 = tpu.memref_slice %arg6[%dma_start3A_973, %dma_start3A_980, %dma_start3A_981] : memref<11x64x128xf32, #tpu.memory_space<vmem>> -> memref<1x64x128xf32, #tpu.memory_space<vmem>>
      %dma_start3A_983 = tpu.memref_squeeze %dma_start3A_982 : memref<1x64x128xf32, #tpu.memory_space<vmem>> -> memref<64x128xf32, #tpu.memory_space<vmem>>
      %dma_start3A_984 = arith.constant 0 : i32
      %dma_start3A_985 = tpu.memref_slice %arg3[%dma_start3A_984, %multiple_of3A_972] : memref<64x1000000xf32, #tpu.memory_space<hbm>> -> memref<64x128xf32, #tpu.memory_space<hbm>>
      tpu.enqueue_dma source(%dma_start3A_985 : memref<64x128xf32, #tpu.memory_space<hbm>>) target(%dma_start3A_983 : memref<64x128xf32, #tpu.memory_space<vmem>>) target_semaphore(%arg8 : memref<!tpu.dma_semaphore, #tpu.memory_space<semaphore_mem>>)
    } else {
    }
    %shift_right_logical3A_529 = arith.constant 507 : i32
    %shift_right_logical3A_530 = arith.constant 4 : i32
    %shift_right_logical3A_531 = arith.shrui %shift_right_logical3A_529, %shift_right_logical3A_530 : i32
    %and3A_532 = arith.constant 507 : i32
    %and3A_533 = arith.constant 15 : i32
    %and3A_534 = arith.andi %and3A_532, %and3A_533 : i32
    %broadcast_in_dim3A_535 = arith.constant 0 : i32
    %broadcast_in_dim3A_536 = vector.broadcast %broadcast_in_dim3A_535 : i32 to vector<16xi32>
    %add3A_537 = vector.broadcast %shift_right_logical3A_531 : i32 to vector<16xi32>
    %add3A_538 = arith.addi %broadcast_in_dim3A_536, %add3A_537 : vector<16xi32>
    %broadcast_in_dim3A_539 = arith.constant 0 : i32
    %broadcast_in_dim3A_540 = vector.broadcast %broadcast_in_dim3A_539 : i32 to vector<16xi32>
    %add3A_541 = vector.broadcast %and3A_534 : i32 to vector<16xi32>
    %add3A_542 = arith.addi %broadcast_in_dim3A_540, %add3A_541 : vector<16xi32>
    %gather3A_543 = tpu.vector_load_idx %arg5[%add3A_538, %add3A_542] : memref<32x16xi32, #tpu.memory_space<vmem>>[vector<16xi32>, vector<16xi32>], vector<16xi32>,
    %slice3A_544 = vector.extract_strided_slice %gather3A_543 {offsets = [0], sizes = [1], strides = [1]} : vector<16xi32> to vector<1xi32>
    %squeeze3A_545 = vector.extract %slice3A_544[0] : i32 from vector<1xi32>
    %shift_right_logical3A_546 = arith.constant 7 : i32
    %shift_right_logical3A_547 = arith.shrui %squeeze3A_545, %shift_right_logical3A_546 : i32
    %mul3A_548 = arith.constant 128 : i32
    %mul3A_549 = arith.muli %shift_right_logical3A_547, %mul3A_548 : i32
    %min3A_550 = arith.constant 999808 : i32
    %min3A_551 = arith.minsi %mul3A_549, %min3A_550 : i32
    %sub3A_552 = arith.subi %squeeze3A_545, %min3A_551 : i32
    %min3A_553 = arith.constant 127 : i32
    %min3A_554 = arith.minsi %sub3A_552, %min3A_553 : i32
    %broadcast_in_dim3A_555 = arith.constant 0 : i32
    %broadcast_in_dim3A_556 = vector.broadcast %broadcast_in_dim3A_555 : i32 to vector<16xi32>
    %add3A_557 = vector.broadcast %min3A_554 : i32 to vector<16xi32>
    %add3A_558 = arith.addi %broadcast_in_dim3A_556, %add3A_557 : vector<16xi32>
    %broadcast_in_dim3A_559 = arith.constant 0 : i32
    %broadcast_in_dim3A_560 = vector.broadcast %broadcast_in_dim3A_559 : i32 to vector<16xi32>
    %add3A_561 = arith.constant 507 : i32
    %add3A_562 = vector.broadcast %add3A_561 : i32 to vector<16xi32>
    %add3A_563 = arith.addi %broadcast_in_dim3A_560, %add3A_562 : vector<16xi32>
    %gather3A_564 = arith.constant 1 : i32
    %gather3A_565 = arith.constant 0 : i32
    %gather3A_566 = arith.constant 0 : i32
    %gather3A_567 = tpu.memref_slice %arg6[%gather3A_564, %gather3A_565, %gather3A_566] : memref<11x64x128xf32, #tpu.memory_space<vmem>> -> memref<1x64x128xf32, #tpu.memory_space<vmem>>
    %gather3A_568 = tpu.memref_squeeze %gather3A_567 : memref<1x64x128xf32, #tpu.memory_space<vmem>> -> memref<64x128xf32, #tpu.memory_space<vmem>>
    %gather3A_569 = tpu.vector_load_idx %gather3A_568[%iota3A, %add3A_558] : memref<64x128xf32, #tpu.memory_space<vmem>>[vector<16xi32>, vector<16xi32>], vector<16xf32>,
    tpu.vector_store_idx %arg7[%iota3A, %add3A_563], %gather3A_569 : memref<64x512xf32, #tpu.memory_space<vmem>>[vector<16xi32>, vector<16xi32>], vector<16xf32>,
    %gather3A_570 = arith.constant 1 : i32
    %gather3A_571 = arith.constant 0 : i32
    %gather3A_572 = arith.constant 0 : i32
    %gather3A_573 = tpu.memref_slice %arg6[%gather3A_570, %gather3A_571, %gather3A_572] : memref<11x64x128xf32, #tpu.memory_space<vmem>> -> memref<1x64x128xf32, #tpu.memory_space<vmem>>
    %gather3A_574 = tpu.memref_squeeze %gather3A_573 : memref<1x64x128xf32, #tpu.memory_space<vmem>> -> memref<64x128xf32, #tpu.memory_space<vmem>>
    %gather3A_575 = tpu.vector_load_idx %gather3A_574[%add3A_4, %add3A_558] : memref<64x128xf32, #tpu.memory_space<vmem>>[vector<16xi32>, vector<16xi32>], vector<16xf32>,
    tpu.vector_store_idx %arg7[%add3A_4, %add3A_563], %gather3A_575 : memref<64x512xf32, #tpu.memory_space<vmem>>[vector<16xi32>, vector<16xi32>], vector<16xf32>,
    %gather3A_576 = arith.constant 1 : i32
    %gather3A_577 = arith.constant 0 : i32
    %gather3A_578 = arith.constant 0 : i32
    %gather3A_579 = tpu.memref_slice %arg6[%gather3A_576, %gather3A_577, %gather3A_578] : memref<11x64x128xf32, #tpu.memory_space<vmem>> -> memref<1x64x128xf32, #tpu.memory_space<vmem>>
    %gather3A_580 = tpu.memref_squeeze %gather3A_579 : memref<1x64x128xf32, #tpu.memory_space<vmem>> -> memref<64x128xf32, #tpu.memory_space<vmem>>
    %gather3A_581 = tpu.vector_load_idx %gather3A_580[%add3A_8, %add3A_558] : memref<64x128xf32, #tpu.memory_space<vmem>>[vector<16xi32>, vector<16xi32>], vector<16xf32>,
    tpu.vector_store_idx %arg7[%add3A_8, %add3A_563], %gather3A_581 : memref<64x512xf32, #tpu.memory_space<vmem>>[vector<16xi32>, vector<16xi32>], vector<16xf32>,
    %gather3A_582 = arith.constant 1 : i32
    %gather3A_583 = arith.constant 0 : i32
    %gather3A_584 = arith.constant 0 : i32
    %gather3A_585 = tpu.memref_slice %arg6[%gather3A_582, %gather3A_583, %gather3A_584] : memref<11x64x128xf32, #tpu.memory_space<vmem>> -> memref<1x64x128xf32, #tpu.memory_space<vmem>>
    %gather3A_586 = tpu.memref_squeeze %gather3A_585 : memref<1x64x128xf32, #tpu.memory_space<vmem>> -> memref<64x128xf32, #tpu.memory_space<vmem>>
    %gather3A_587 = tpu.vector_load_idx %gather3A_586[%add3A_12, %add3A_558] : memref<64x128xf32, #tpu.memory_space<vmem>>[vector<16xi32>, vector<16xi32>], vector<16xf32>,
    tpu.vector_store_idx %arg7[%add3A_12, %add3A_563], %gather3A_587 : memref<64x512xf32, #tpu.memory_space<vmem>>[vector<16xi32>, vector<16xi32>], vector<16xf32>,
    %dma_wait3A_588 = arith.constant 2 : i32
    %dma_wait3A_589 = arith.constant 0 : i32
    %dma_wait3A_590 = arith.constant 0 : i32
    %dma_wait3A_591 = tpu.memref_slice %arg6[%dma_wait3A_588, %dma_wait3A_589, %dma_wait3A_590] : memref<11x64x128xf32, #tpu.memory_space<vmem>> -> memref<1x64x128xf32, #tpu.memory_space<vmem>>
    %dma_wait3A_592 = tpu.memref_squeeze %dma_wait3A_591 : memref<1x64x128xf32, #tpu.memory_space<vmem>> -> memref<64x128xf32, #tpu.memory_space<vmem>>
    %dma_wait3A_593 = arith.constant 0 : i32
    %dma_wait3A_594 = arith.constant 0 : i32
    %dma_wait3A_595 = tpu.memref_slice %arg3[%dma_wait3A_593, %dma_wait3A_594] : memref<64x1000000xf32, #tpu.memory_space<hbm>> -> memref<64x128xf32, #tpu.memory_space<hbm>>
    %dma_wait3A_596 = arith.constant 0 : i32
    %dma_wait3A_597 = arith.constant 0 : i32
    %dma_wait3A_598 = tpu.memref_slice %arg6[%dma_wait3A_588, %dma_wait3A_596, %dma_wait3A_597] : memref<11x64x128xf32, #tpu.memory_space<vmem>> -> memref<1x64x128xf32, #tpu.memory_space<vmem>>
    %dma_wait3A_599 = tpu.memref_squeeze %dma_wait3A_598 : memref<1x64x128xf32, #tpu.memory_space<vmem>> -> memref<64x128xf32, #tpu.memory_space<vmem>>
    %dma_wait3A_600 = arith.constant 0 : i32
    %dma_wait3A_601 = arith.constant 0 : i32
    %dma_wait3A_602 = tpu.memref_slice %arg3[%dma_wait3A_600, %dma_wait3A_601] : memref<64x1000000xf32, #tpu.memory_space<hbm>> -> memref<64x128xf32, #tpu.memory_space<hbm>>
    tpu.wait_dma2 semaphore(%arg10 : memref<!tpu.dma_semaphore, #tpu.memory_space<semaphore_mem>>) src(%dma_wait3A_602 : memref<64x128xf32, #tpu.memory_space<hbm>>) dst(%dma_wait3A_599 : memref<64x128xf32, #tpu.memory_space<vmem>>)
    %ge3A_603 = arith.constant 508 : i32
    %ge3A_604 = arith.constant 1 : i32
    %ge3A_605 = arith.cmpi sge, %ge3A_603, %ge3A_604 : i32
    %sub3A_606 = arith.constant 508 : i32
    %sub3A_607 = arith.constant 1 : i32
    %sub3A_608 = arith.subi %sub3A_606, %sub3A_607 : i32
    %add3A_609 = arith.constant 11 : i32
    %add3A_610 = arith.addi %sub3A_608, %add3A_609 : i32
    %lt3A_611 = arith.constant 512 : i32
    %lt3A_612 = arith.cmpi slt, %add3A_610, %lt3A_611 : i32
    %and3A_613 = arith.andi %ge3A_605, %lt3A_612 : i1
    %convert_element_type3A_614 = arith.extui %and3A_613 : i1 to i32
    %cond3A_615 = arith.constant 508 : i32
    %cond3A_616 = arith.constant 0 : i32
    %cond3A_617 = arith.cmpi ne, %convert_element_type3A_614, %cond3A_616 : i32
    scf.if %cond3A_617 {
      %sub3A_947 = arith.constant 1 : i32
      %sub3A_948 = arith.subi %cond3A_615, %sub3A_947 : i32
      %add3A_949 = arith.constant 11 : i32
      %add3A_950 = arith.addi %sub3A_948, %add3A_949 : i32
      %shift_right_logical3A_951 = arith.constant 4 : i32
      %shift_right_logical3A_952 = arith.shrui %add3A_950, %shift_right_logical3A_951 : i32
      %and3A_953 = arith.constant 15 : i32
      %and3A_954 = arith.andi %add3A_950, %and3A_953 : i32
      %broadcast_in_dim3A_955 = arith.constant 0 : i32
      %broadcast_in_dim3A_956 = vector.broadcast %broadcast_in_dim3A_955 : i32 to vector<16xi32>
      %add3A_957 = vector.broadcast %shift_right_logical3A_952 : i32 to vector<16xi32>
      %add3A_958 = arith.addi %broadcast_in_dim3A_956, %add3A_957 : vector<16xi32>
      %broadcast_in_dim3A_959 = arith.constant 0 : i32
      %broadcast_in_dim3A_960 = vector.broadcast %broadcast_in_dim3A_959 : i32 to vector<16xi32>
      %add3A_961 = vector.broadcast %and3A_954 : i32 to vector<16xi32>
      %add3A_962 = arith.addi %broadcast_in_dim3A_960, %add3A_961 : vector<16xi32>
      %gather3A_963 = tpu.vector_load_idx %arg5[%add3A_958, %add3A_962] : memref<32x16xi32, #tpu.memory_space<vmem>>[vector<16xi32>, vector<16xi32>], vector<16xi32>,
      %slice3A_964 = vector.extract_strided_slice %gather3A_963 {offsets = [0], sizes = [1], strides = [1]} : vector<16xi32> to vector<1xi32>
      %squeeze3A_965 = vector.extract %slice3A_964[0] : i32 from vector<1xi32>
      %shift_right_logical3A_966 = arith.constant 7 : i32
      %shift_right_logical3A_967 = arith.shrui %squeeze3A_965, %shift_right_logical3A_966 : i32
      %mul3A_968 = arith.constant 128 : i32
      %mul3A_969 = arith.muli %shift_right_logical3A_967, %mul3A_968 : i32
      %min3A_970 = arith.constant 999808 : i32
      %min3A_971 = arith.minsi %mul3A_969, %min3A_970 : i32
      %multiple_of3A_972 = tpu.assume_multiple %min3A_971, 128 : i32
      %dma_start3A_973 = arith.constant 1 : i32
      %dma_start3A_974 = arith.constant 0 : i32
      %dma_start3A_975 = arith.constant 0 : i32
      %dma_start3A_976 = tpu.memref_slice %arg6[%dma_start3A_973, %dma_start3A_974, %dma_start3A_975] : memref<11x64x128xf32, #tpu.memory_space<vmem>> -> memref<1x64x128xf32, #tpu.memory_space<vmem>>
      %dma_start3A_977 = tpu.memref_squeeze %dma_start3A_976 : memref<1x64x128xf32, #tpu.memory_space<vmem>> -> memref<64x128xf32, #tpu.memory_space<vmem>>
      %dma_start3A_978 = arith.constant 0 : i32
      %dma_start3A_979 = tpu.memref_slice %arg3[%dma_start3A_978, %multiple_of3A_972] : memref<64x1000000xf32, #tpu.memory_space<hbm>> -> memref<64x128xf32, #tpu.memory_space<hbm>>
      %dma_start3A_980 = arith.constant 0 : i32
      %dma_start3A_981 = arith.constant 0 : i32
      %dma_start3A_982 = tpu.memref_slice %arg6[%dma_start3A_973, %dma_start3A_980, %dma_start3A_981] : memref<11x64x128xf32, #tpu.memory_space<vmem>> -> memref<1x64x128xf32, #tpu.memory_space<vmem>>
      %dma_start3A_983 = tpu.memref_squeeze %dma_start3A_982 : memref<1x64x128xf32, #tpu.memory_space<vmem>> -> memref<64x128xf32, #tpu.memory_space<vmem>>
      %dma_start3A_984 = arith.constant 0 : i32
      %dma_start3A_985 = tpu.memref_slice %arg3[%dma_start3A_984, %multiple_of3A_972] : memref<64x1000000xf32, #tpu.memory_space<hbm>> -> memref<64x128xf32, #tpu.memory_space<hbm>>
      tpu.enqueue_dma source(%dma_start3A_985 : memref<64x128xf32, #tpu.memory_space<hbm>>) target(%dma_start3A_983 : memref<64x128xf32, #tpu.memory_space<vmem>>) target_semaphore(%arg9 : memref<!tpu.dma_semaphore, #tpu.memory_space<semaphore_mem>>)
    } else {
    }
    %shift_right_logical3A_618 = arith.constant 508 : i32
    %shift_right_logical3A_619 = arith.constant 4 : i32
    %shift_right_logical3A_620 = arith.shrui %shift_right_logical3A_618, %shift_right_logical3A_619 : i32
    %and3A_621 = arith.constant 508 : i32
    %and3A_622 = arith.constant 15 : i32
    %and3A_623 = arith.andi %and3A_621, %and3A_622 : i32
    %broadcast_in_dim3A_624 = arith.constant 0 : i32
    %broadcast_in_dim3A_625 = vector.broadcast %broadcast_in_dim3A_624 : i32 to vector<16xi32>
    %add3A_626 = vector.broadcast %shift_right_logical3A_620 : i32 to vector<16xi32>
    %add3A_627 = arith.addi %broadcast_in_dim3A_625, %add3A_626 : vector<16xi32>
    %broadcast_in_dim3A_628 = arith.constant 0 : i32
    %broadcast_in_dim3A_629 = vector.broadcast %broadcast_in_dim3A_628 : i32 to vector<16xi32>
    %add3A_630 = vector.broadcast %and3A_623 : i32 to vector<16xi32>
    %add3A_631 = arith.addi %broadcast_in_dim3A_629, %add3A_630 : vector<16xi32>
    %gather3A_632 = tpu.vector_load_idx %arg5[%add3A_627, %add3A_631] : memref<32x16xi32, #tpu.memory_space<vmem>>[vector<16xi32>, vector<16xi32>], vector<16xi32>,
    %slice3A_633 = vector.extract_strided_slice %gather3A_632 {offsets = [0], sizes = [1], strides = [1]} : vector<16xi32> to vector<1xi32>
    %squeeze3A_634 = vector.extract %slice3A_633[0] : i32 from vector<1xi32>
    %shift_right_logical3A_635 = arith.constant 7 : i32
    %shift_right_logical3A_636 = arith.shrui %squeeze3A_634, %shift_right_logical3A_635 : i32
    %mul3A_637 = arith.constant 128 : i32
    %mul3A_638 = arith.muli %shift_right_logical3A_636, %mul3A_637 : i32
    %min3A_639 = arith.constant 999808 : i32
    %min3A_640 = arith.minsi %mul3A_638, %min3A_639 : i32
    %sub3A_641 = arith.subi %squeeze3A_634, %min3A_640 : i32
    %min3A_642 = arith.constant 127 : i32
    %min3A_643 = arith.minsi %sub3A_641, %min3A_642 : i32
    %broadcast_in_dim3A_644 = arith.constant 0 : i32
    %broadcast_in_dim3A_645 = vector.broadcast %broadcast_in_dim3A_644 : i32 to vector<16xi32>
    %add3A_646 = vector.broadcast %min3A_643 : i32 to vector<16xi32>
    %add3A_647 = arith.addi %broadcast_in_dim3A_645, %add3A_646 : vector<16xi32>
    %broadcast_in_dim3A_648 = arith.constant 0 : i32
    %broadcast_in_dim3A_649 = vector.broadcast %broadcast_in_dim3A_648 : i32 to vector<16xi32>
    %add3A_650 = arith.constant 508 : i32
    %add3A_651 = vector.broadcast %add3A_650 : i32 to vector<16xi32>
    %add3A_652 = arith.addi %broadcast_in_dim3A_649, %add3A_651 : vector<16xi32>
    %gather3A_653 = arith.constant 2 : i32
    %gather3A_654 = arith.constant 0 : i32
    %gather3A_655 = arith.constant 0 : i32
    %gather3A_656 = tpu.memref_slice %arg6[%gather3A_653, %gather3A_654, %gather3A_655] : memref<11x64x128xf32, #tpu.memory_space<vmem>> -> memref<1x64x128xf32, #tpu.memory_space<vmem>>
    %gather3A_657 = tpu.memref_squeeze %gather3A_656 : memref<1x64x128xf32, #tpu.memory_space<vmem>> -> memref<64x128xf32, #tpu.memory_space<vmem>>
    %gather3A_658 = tpu.vector_load_idx %gather3A_657[%iota3A, %add3A_647] : memref<64x128xf32, #tpu.memory_space<vmem>>[vector<16xi32>, vector<16xi32>], vector<16xf32>,
    tpu.vector_store_idx %arg7[%iota3A, %add3A_652], %gather3A_658 : memref<64x512xf32, #tpu.memory_space<vmem>>[vector<16xi32>, vector<16xi32>], vector<16xf32>,
    %gather3A_659 = arith.constant 2 : i32
    %gather3A_660 = arith.constant 0 : i32
    %gather3A_661 = arith.constant 0 : i32
    %gather3A_662 = tpu.memref_slice %arg6[%gather3A_659, %gather3A_660, %gather3A_661] : memref<11x64x128xf32, #tpu.memory_space<vmem>> -> memref<1x64x128xf32, #tpu.memory_space<vmem>>
    %gather3A_663 = tpu.memref_squeeze %gather3A_662 : memref<1x64x128xf32, #tpu.memory_space<vmem>> -> memref<64x128xf32, #tpu.memory_space<vmem>>
    %gather3A_664 = tpu.vector_load_idx %gather3A_663[%add3A_4, %add3A_647] : memref<64x128xf32, #tpu.memory_space<vmem>>[vector<16xi32>, vector<16xi32>], vector<16xf32>,
    tpu.vector_store_idx %arg7[%add3A_4, %add3A_652], %gather3A_664 : memref<64x512xf32, #tpu.memory_space<vmem>>[vector<16xi32>, vector<16xi32>], vector<16xf32>,
    %gather3A_665 = arith.constant 2 : i32
    %gather3A_666 = arith.constant 0 : i32
    %gather3A_667 = arith.constant 0 : i32
    %gather3A_668 = tpu.memref_slice %arg6[%gather3A_665, %gather3A_666, %gather3A_667] : memref<11x64x128xf32, #tpu.memory_space<vmem>> -> memref<1x64x128xf32, #tpu.memory_space<vmem>>
    %gather3A_669 = tpu.memref_squeeze %gather3A_668 : memref<1x64x128xf32, #tpu.memory_space<vmem>> -> memref<64x128xf32, #tpu.memory_space<vmem>>
    %gather3A_670 = tpu.vector_load_idx %gather3A_669[%add3A_8, %add3A_647] : memref<64x128xf32, #tpu.memory_space<vmem>>[vector<16xi32>, vector<16xi32>], vector<16xf32>,
    tpu.vector_store_idx %arg7[%add3A_8, %add3A_652], %gather3A_670 : memref<64x512xf32, #tpu.memory_space<vmem>>[vector<16xi32>, vector<16xi32>], vector<16xf32>,
    %gather3A_671 = arith.constant 2 : i32
    %gather3A_672 = arith.constant 0 : i32
    %gather3A_673 = arith.constant 0 : i32
    %gather3A_674 = tpu.memref_slice %arg6[%gather3A_671, %gather3A_672, %gather3A_673] : memref<11x64x128xf32, #tpu.memory_space<vmem>> -> memref<1x64x128xf32, #tpu.memory_space<vmem>>
    %gather3A_675 = tpu.memref_squeeze %gather3A_674 : memref<1x64x128xf32, #tpu.memory_space<vmem>> -> memref<64x128xf32, #tpu.memory_space<vmem>>
    %gather3A_676 = tpu.vector_load_idx %gather3A_675[%add3A_12, %add3A_647] : memref<64x128xf32, #tpu.memory_space<vmem>>[vector<16xi32>, vector<16xi32>], vector<16xf32>,
    tpu.vector_store_idx %arg7[%add3A_12, %add3A_652], %gather3A_676 : memref<64x512xf32, #tpu.memory_space<vmem>>[vector<16xi32>, vector<16xi32>], vector<16xf32>,
    %dma_wait3A_677 = arith.constant 3 : i32
    %dma_wait3A_678 = arith.constant 0 : i32
    %dma_wait3A_679 = arith.constant 0 : i32
    %dma_wait3A_680 = tpu.memref_slice %arg6[%dma_wait3A_677, %dma_wait3A_678, %dma_wait3A_679] : memref<11x64x128xf32, #tpu.memory_space<vmem>> -> memref<1x64x128xf32, #tpu.memory_space<vmem>>
    %dma_wait3A_681 = tpu.memref_squeeze %dma_wait3A_680 : memref<1x64x128xf32, #tpu.memory_space<vmem>> -> memref<64x128xf32, #tpu.memory_space<vmem>>
    %dma_wait3A_682 = arith.constant 0 : i32
    %dma_wait3A_683 = arith.constant 0 : i32
    %dma_wait3A_684 = tpu.memref_slice %arg3[%dma_wait3A_682, %dma_wait3A_683] : memref<64x1000000xf32, #tpu.memory_space<hbm>> -> memref<64x128xf32, #tpu.memory_space<hbm>>
    %dma_wait3A_685 = arith.constant 0 : i32
    %dma_wait3A_686 = arith.constant 0 : i32
    %dma_wait3A_687 = tpu.memref_slice %arg6[%dma_wait3A_677, %dma_wait3A_685, %dma_wait3A_686] : memref<11x64x128xf32, #tpu.memory_space<vmem>> -> memref<1x64x128xf32, #tpu.memory_space<vmem>>
    %dma_wait3A_688 = tpu.memref_squeeze %dma_wait3A_687 : memref<1x64x128xf32, #tpu.memory_space<vmem>> -> memref<64x128xf32, #tpu.memory_space<vmem>>
    %dma_wait3A_689 = arith.constant 0 : i32
    %dma_wait3A_690 = arith.constant 0 : i32
    %dma_wait3A_691 = tpu.memref_slice %arg3[%dma_wait3A_689, %dma_wait3A_690] : memref<64x1000000xf32, #tpu.memory_space<hbm>> -> memref<64x128xf32, #tpu.memory_space<hbm>>
    tpu.wait_dma2 semaphore(%arg11 : memref<!tpu.dma_semaphore, #tpu.memory_space<semaphore_mem>>) src(%dma_wait3A_691 : memref<64x128xf32, #tpu.memory_space<hbm>>) dst(%dma_wait3A_688 : memref<64x128xf32, #tpu.memory_space<vmem>>)
    %ge3A_692 = arith.constant 509 : i32
    %ge3A_693 = arith.constant 1 : i32
    %ge3A_694 = arith.cmpi sge, %ge3A_692, %ge3A_693 : i32
    %sub3A_695 = arith.constant 509 : i32
    %sub3A_696 = arith.constant 1 : i32
    %sub3A_697 = arith.subi %sub3A_695, %sub3A_696 : i32
    %add3A_698 = arith.constant 11 : i32
    %add3A_699 = arith.addi %sub3A_697, %add3A_698 : i32
    %lt3A_700 = arith.constant 512 : i32
    %lt3A_701 = arith.cmpi slt, %add3A_699, %lt3A_700 : i32
    %and3A_702 = arith.andi %ge3A_694, %lt3A_701 : i1
    %convert_element_type3A_703 = arith.extui %and3A_702 : i1 to i32
    %cond3A_704 = arith.constant 509 : i32
    %cond3A_705 = arith.constant 0 : i32
    %cond3A_706 = arith.cmpi ne, %convert_element_type3A_703, %cond3A_705 : i32
    scf.if %cond3A_706 {
      %sub3A_947 = arith.constant 1 : i32
      %sub3A_948 = arith.subi %cond3A_704, %sub3A_947 : i32
      %add3A_949 = arith.constant 11 : i32
      %add3A_950 = arith.addi %sub3A_948, %add3A_949 : i32
      %shift_right_logical3A_951 = arith.constant 4 : i32
      %shift_right_logical3A_952 = arith.shrui %add3A_950, %shift_right_logical3A_951 : i32
      %and3A_953 = arith.constant 15 : i32
      %and3A_954 = arith.andi %add3A_950, %and3A_953 : i32
      %broadcast_in_dim3A_955 = arith.constant 0 : i32
      %broadcast_in_dim3A_956 = vector.broadcast %broadcast_in_dim3A_955 : i32 to vector<16xi32>
      %add3A_957 = vector.broadcast %shift_right_logical3A_952 : i32 to vector<16xi32>
      %add3A_958 = arith.addi %broadcast_in_dim3A_956, %add3A_957 : vector<16xi32>
      %broadcast_in_dim3A_959 = arith.constant 0 : i32
      %broadcast_in_dim3A_960 = vector.broadcast %broadcast_in_dim3A_959 : i32 to vector<16xi32>
      %add3A_961 = vector.broadcast %and3A_954 : i32 to vector<16xi32>
      %add3A_962 = arith.addi %broadcast_in_dim3A_960, %add3A_961 : vector<16xi32>
      %gather3A_963 = tpu.vector_load_idx %arg5[%add3A_958, %add3A_962] : memref<32x16xi32, #tpu.memory_space<vmem>>[vector<16xi32>, vector<16xi32>], vector<16xi32>,
      %slice3A_964 = vector.extract_strided_slice %gather3A_963 {offsets = [0], sizes = [1], strides = [1]} : vector<16xi32> to vector<1xi32>
      %squeeze3A_965 = vector.extract %slice3A_964[0] : i32 from vector<1xi32>
      %shift_right_logical3A_966 = arith.constant 7 : i32
      %shift_right_logical3A_967 = arith.shrui %squeeze3A_965, %shift_right_logical3A_966 : i32
      %mul3A_968 = arith.constant 128 : i32
      %mul3A_969 = arith.muli %shift_right_logical3A_967, %mul3A_968 : i32
      %min3A_970 = arith.constant 999808 : i32
      %min3A_971 = arith.minsi %mul3A_969, %min3A_970 : i32
      %multiple_of3A_972 = tpu.assume_multiple %min3A_971, 128 : i32
      %dma_start3A_973 = arith.constant 2 : i32
      %dma_start3A_974 = arith.constant 0 : i32
      %dma_start3A_975 = arith.constant 0 : i32
      %dma_start3A_976 = tpu.memref_slice %arg6[%dma_start3A_973, %dma_start3A_974, %dma_start3A_975] : memref<11x64x128xf32, #tpu.memory_space<vmem>> -> memref<1x64x128xf32, #tpu.memory_space<vmem>>
      %dma_start3A_977 = tpu.memref_squeeze %dma_start3A_976 : memref<1x64x128xf32, #tpu.memory_space<vmem>> -> memref<64x128xf32, #tpu.memory_space<vmem>>
      %dma_start3A_978 = arith.constant 0 : i32
      %dma_start3A_979 = tpu.memref_slice %arg3[%dma_start3A_978, %multiple_of3A_972] : memref<64x1000000xf32, #tpu.memory_space<hbm>> -> memref<64x128xf32, #tpu.memory_space<hbm>>
      %dma_start3A_980 = arith.constant 0 : i32
      %dma_start3A_981 = arith.constant 0 : i32
      %dma_start3A_982 = tpu.memref_slice %arg6[%dma_start3A_973, %dma_start3A_980, %dma_start3A_981] : memref<11x64x128xf32, #tpu.memory_space<vmem>> -> memref<1x64x128xf32, #tpu.memory_space<vmem>>
      %dma_start3A_983 = tpu.memref_squeeze %dma_start3A_982 : memref<1x64x128xf32, #tpu.memory_space<vmem>> -> memref<64x128xf32, #tpu.memory_space<vmem>>
      %dma_start3A_984 = arith.constant 0 : i32
      %dma_start3A_985 = tpu.memref_slice %arg3[%dma_start3A_984, %multiple_of3A_972] : memref<64x1000000xf32, #tpu.memory_space<hbm>> -> memref<64x128xf32, #tpu.memory_space<hbm>>
      tpu.enqueue_dma source(%dma_start3A_985 : memref<64x128xf32, #tpu.memory_space<hbm>>) target(%dma_start3A_983 : memref<64x128xf32, #tpu.memory_space<vmem>>) target_semaphore(%arg10 : memref<!tpu.dma_semaphore, #tpu.memory_space<semaphore_mem>>)
    } else {
    }
    %shift_right_logical3A_707 = arith.constant 509 : i32
    %shift_right_logical3A_708 = arith.constant 4 : i32
    %shift_right_logical3A_709 = arith.shrui %shift_right_logical3A_707, %shift_right_logical3A_708 : i32
    %and3A_710 = arith.constant 509 : i32
    %and3A_711 = arith.constant 15 : i32
    %and3A_712 = arith.andi %and3A_710, %and3A_711 : i32
    %broadcast_in_dim3A_713 = arith.constant 0 : i32
    %broadcast_in_dim3A_714 = vector.broadcast %broadcast_in_dim3A_713 : i32 to vector<16xi32>
    %add3A_715 = vector.broadcast %shift_right_logical3A_709 : i32 to vector<16xi32>
    %add3A_716 = arith.addi %broadcast_in_dim3A_714, %add3A_715 : vector<16xi32>
    %broadcast_in_dim3A_717 = arith.constant 0 : i32
    %broadcast_in_dim3A_718 = vector.broadcast %broadcast_in_dim3A_717 : i32 to vector<16xi32>
    %add3A_719 = vector.broadcast %and3A_712 : i32 to vector<16xi32>
    %add3A_720 = arith.addi %broadcast_in_dim3A_718, %add3A_719 : vector<16xi32>
    %gather3A_721 = tpu.vector_load_idx %arg5[%add3A_716, %add3A_720] : memref<32x16xi32, #tpu.memory_space<vmem>>[vector<16xi32>, vector<16xi32>], vector<16xi32>,
    %slice3A_722 = vector.extract_strided_slice %gather3A_721 {offsets = [0], sizes = [1], strides = [1]} : vector<16xi32> to vector<1xi32>
    %squeeze3A_723 = vector.extract %slice3A_722[0] : i32 from vector<1xi32>
    %shift_right_logical3A_724 = arith.constant 7 : i32
    %shift_right_logical3A_725 = arith.shrui %squeeze3A_723, %shift_right_logical3A_724 : i32
    %mul3A_726 = arith.constant 128 : i32
    %mul3A_727 = arith.muli %shift_right_logical3A_725, %mul3A_726 : i32
    %min3A_728 = arith.constant 999808 : i32
    %min3A_729 = arith.minsi %mul3A_727, %min3A_728 : i32
    %sub3A_730 = arith.subi %squeeze3A_723, %min3A_729 : i32
    %min3A_731 = arith.constant 127 : i32
    %min3A_732 = arith.minsi %sub3A_730, %min3A_731 : i32
    %broadcast_in_dim3A_733 = arith.constant 0 : i32
    %broadcast_in_dim3A_734 = vector.broadcast %broadcast_in_dim3A_733 : i32 to vector<16xi32>
    %add3A_735 = vector.broadcast %min3A_732 : i32 to vector<16xi32>
    %add3A_736 = arith.addi %broadcast_in_dim3A_734, %add3A_735 : vector<16xi32>
    %broadcast_in_dim3A_737 = arith.constant 0 : i32
    %broadcast_in_dim3A_738 = vector.broadcast %broadcast_in_dim3A_737 : i32 to vector<16xi32>
    %add3A_739 = arith.constant 509 : i32
    %add3A_740 = vector.broadcast %add3A_739 : i32 to vector<16xi32>
    %add3A_741 = arith.addi %broadcast_in_dim3A_738, %add3A_740 : vector<16xi32>
    %gather3A_742 = arith.constant 3 : i32
    %gather3A_743 = arith.constant 0 : i32
    %gather3A_744 = arith.constant 0 : i32
    %gather3A_745 = tpu.memref_slice %arg6[%gather3A_742, %gather3A_743, %gather3A_744] : memref<11x64x128xf32, #tpu.memory_space<vmem>> -> memref<1x64x128xf32, #tpu.memory_space<vmem>>
    %gather3A_746 = tpu.memref_squeeze %gather3A_745 : memref<1x64x128xf32, #tpu.memory_space<vmem>> -> memref<64x128xf32, #tpu.memory_space<vmem>>
    %gather3A_747 = tpu.vector_load_idx %gather3A_746[%iota3A, %add3A_736] : memref<64x128xf32, #tpu.memory_space<vmem>>[vector<16xi32>, vector<16xi32>], vector<16xf32>,
    tpu.vector_store_idx %arg7[%iota3A, %add3A_741], %gather3A_747 : memref<64x512xf32, #tpu.memory_space<vmem>>[vector<16xi32>, vector<16xi32>], vector<16xf32>,
    %gather3A_748 = arith.constant 3 : i32
    %gather3A_749 = arith.constant 0 : i32
    %gather3A_750 = arith.constant 0 : i32
    %gather3A_751 = tpu.memref_slice %arg6[%gather3A_748, %gather3A_749, %gather3A_750] : memref<11x64x128xf32, #tpu.memory_space<vmem>> -> memref<1x64x128xf32, #tpu.memory_space<vmem>>
    %gather3A_752 = tpu.memref_squeeze %gather3A_751 : memref<1x64x128xf32, #tpu.memory_space<vmem>> -> memref<64x128xf32, #tpu.memory_space<vmem>>
    %gather3A_753 = tpu.vector_load_idx %gather3A_752[%add3A_4, %add3A_736] : memref<64x128xf32, #tpu.memory_space<vmem>>[vector<16xi32>, vector<16xi32>], vector<16xf32>,
    tpu.vector_store_idx %arg7[%add3A_4, %add3A_741], %gather3A_753 : memref<64x512xf32, #tpu.memory_space<vmem>>[vector<16xi32>, vector<16xi32>], vector<16xf32>,
    %gather3A_754 = arith.constant 3 : i32
    %gather3A_755 = arith.constant 0 : i32
    %gather3A_756 = arith.constant 0 : i32
    %gather3A_757 = tpu.memref_slice %arg6[%gather3A_754, %gather3A_755, %gather3A_756] : memref<11x64x128xf32, #tpu.memory_space<vmem>> -> memref<1x64x128xf32, #tpu.memory_space<vmem>>
    %gather3A_758 = tpu.memref_squeeze %gather3A_757 : memref<1x64x128xf32, #tpu.memory_space<vmem>> -> memref<64x128xf32, #tpu.memory_space<vmem>>
    %gather3A_759 = tpu.vector_load_idx %gather3A_758[%add3A_8, %add3A_736] : memref<64x128xf32, #tpu.memory_space<vmem>>[vector<16xi32>, vector<16xi32>], vector<16xf32>,
    tpu.vector_store_idx %arg7[%add3A_8, %add3A_741], %gather3A_759 : memref<64x512xf32, #tpu.memory_space<vmem>>[vector<16xi32>, vector<16xi32>], vector<16xf32>,
    %gather3A_760 = arith.constant 3 : i32
    %gather3A_761 = arith.constant 0 : i32
    %gather3A_762 = arith.constant 0 : i32
    %gather3A_763 = tpu.memref_slice %arg6[%gather3A_760, %gather3A_761, %gather3A_762] : memref<11x64x128xf32, #tpu.memory_space<vmem>> -> memref<1x64x128xf32, #tpu.memory_space<vmem>>
    %gather3A_764 = tpu.memref_squeeze %gather3A_763 : memref<1x64x128xf32, #tpu.memory_space<vmem>> -> memref<64x128xf32, #tpu.memory_space<vmem>>
    %gather3A_765 = tpu.vector_load_idx %gather3A_764[%add3A_12, %add3A_736] : memref<64x128xf32, #tpu.memory_space<vmem>>[vector<16xi32>, vector<16xi32>], vector<16xf32>,
    tpu.vector_store_idx %arg7[%add3A_12, %add3A_741], %gather3A_765 : memref<64x512xf32, #tpu.memory_space<vmem>>[vector<16xi32>, vector<16xi32>], vector<16xf32>,
    %dma_wait3A_766 = arith.constant 4 : i32
    %dma_wait3A_767 = arith.constant 0 : i32
    %dma_wait3A_768 = arith.constant 0 : i32
    %dma_wait3A_769 = tpu.memref_slice %arg6[%dma_wait3A_766, %dma_wait3A_767, %dma_wait3A_768] : memref<11x64x128xf32, #tpu.memory_space<vmem>> -> memref<1x64x128xf32, #tpu.memory_space<vmem>>
    %dma_wait3A_770 = tpu.memref_squeeze %dma_wait3A_769 : memref<1x64x128xf32, #tpu.memory_space<vmem>> -> memref<64x128xf32, #tpu.memory_space<vmem>>
    %dma_wait3A_771 = arith.constant 0 : i32
    %dma_wait3A_772 = arith.constant 0 : i32
    %dma_wait3A_773 = tpu.memref_slice %arg3[%dma_wait3A_771, %dma_wait3A_772] : memref<64x1000000xf32, #tpu.memory_space<hbm>> -> memref<64x128xf32, #tpu.memory_space<hbm>>
    %dma_wait3A_774 = arith.constant 0 : i32
    %dma_wait3A_775 = arith.constant 0 : i32
    %dma_wait3A_776 = tpu.memref_slice %arg6[%dma_wait3A_766, %dma_wait3A_774, %dma_wait3A_775] : memref<11x64x128xf32, #tpu.memory_space<vmem>> -> memref<1x64x128xf32, #tpu.memory_space<vmem>>
    %dma_wait3A_777 = tpu.memref_squeeze %dma_wait3A_776 : memref<1x64x128xf32, #tpu.memory_space<vmem>> -> memref<64x128xf32, #tpu.memory_space<vmem>>
    %dma_wait3A_778 = arith.constant 0 : i32
    %dma_wait3A_779 = arith.constant 0 : i32
    %dma_wait3A_780 = tpu.memref_slice %arg3[%dma_wait3A_778, %dma_wait3A_779] : memref<64x1000000xf32, #tpu.memory_space<hbm>> -> memref<64x128xf32, #tpu.memory_space<hbm>>
    tpu.wait_dma2 semaphore(%arg12 : memref<!tpu.dma_semaphore, #tpu.memory_space<semaphore_mem>>) src(%dma_wait3A_780 : memref<64x128xf32, #tpu.memory_space<hbm>>) dst(%dma_wait3A_777 : memref<64x128xf32, #tpu.memory_space<vmem>>)
    %ge3A_781 = arith.constant 510 : i32
    %ge3A_782 = arith.constant 1 : i32
    %ge3A_783 = arith.cmpi sge, %ge3A_781, %ge3A_782 : i32
    %sub3A_784 = arith.constant 510 : i32
    %sub3A_785 = arith.constant 1 : i32
    %sub3A_786 = arith.subi %sub3A_784, %sub3A_785 : i32
    %add3A_787 = arith.constant 11 : i32
    %add3A_788 = arith.addi %sub3A_786, %add3A_787 : i32
    %lt3A_789 = arith.constant 512 : i32
    %lt3A_790 = arith.cmpi slt, %add3A_788, %lt3A_789 : i32
    %and3A_791 = arith.andi %ge3A_783, %lt3A_790 : i1
    %convert_element_type3A_792 = arith.extui %and3A_791 : i1 to i32
    %cond3A_793 = arith.constant 510 : i32
    %cond3A_794 = arith.constant 0 : i32
    %cond3A_795 = arith.cmpi ne, %convert_element_type3A_792, %cond3A_794 : i32
    scf.if %cond3A_795 {
      %sub3A_947 = arith.constant 1 : i32
      %sub3A_948 = arith.subi %cond3A_793, %sub3A_947 : i32
      %add3A_949 = arith.constant 11 : i32
      %add3A_950 = arith.addi %sub3A_948, %add3A_949 : i32
      %shift_right_logical3A_951 = arith.constant 4 : i32
      %shift_right_logical3A_952 = arith.shrui %add3A_950, %shift_right_logical3A_951 : i32
      %and3A_953 = arith.constant 15 : i32
      %and3A_954 = arith.andi %add3A_950, %and3A_953 : i32
      %broadcast_in_dim3A_955 = arith.constant 0 : i32
      %broadcast_in_dim3A_956 = vector.broadcast %broadcast_in_dim3A_955 : i32 to vector<16xi32>
      %add3A_957 = vector.broadcast %shift_right_logical3A_952 : i32 to vector<16xi32>
      %add3A_958 = arith.addi %broadcast_in_dim3A_956, %add3A_957 : vector<16xi32>
      %broadcast_in_dim3A_959 = arith.constant 0 : i32
      %broadcast_in_dim3A_960 = vector.broadcast %broadcast_in_dim3A_959 : i32 to vector<16xi32>
      %add3A_961 = vector.broadcast %and3A_954 : i32 to vector<16xi32>
      %add3A_962 = arith.addi %broadcast_in_dim3A_960, %add3A_961 : vector<16xi32>
      %gather3A_963 = tpu.vector_load_idx %arg5[%add3A_958, %add3A_962] : memref<32x16xi32, #tpu.memory_space<vmem>>[vector<16xi32>, vector<16xi32>], vector<16xi32>,
      %slice3A_964 = vector.extract_strided_slice %gather3A_963 {offsets = [0], sizes = [1], strides = [1]} : vector<16xi32> to vector<1xi32>
      %squeeze3A_965 = vector.extract %slice3A_964[0] : i32 from vector<1xi32>
      %shift_right_logical3A_966 = arith.constant 7 : i32
      %shift_right_logical3A_967 = arith.shrui %squeeze3A_965, %shift_right_logical3A_966 : i32
      %mul3A_968 = arith.constant 128 : i32
      %mul3A_969 = arith.muli %shift_right_logical3A_967, %mul3A_968 : i32
      %min3A_970 = arith.constant 999808 : i32
      %min3A_971 = arith.minsi %mul3A_969, %min3A_970 : i32
      %multiple_of3A_972 = tpu.assume_multiple %min3A_971, 128 : i32
      %dma_start3A_973 = arith.constant 3 : i32
      %dma_start3A_974 = arith.constant 0 : i32
      %dma_start3A_975 = arith.constant 0 : i32
      %dma_start3A_976 = tpu.memref_slice %arg6[%dma_start3A_973, %dma_start3A_974, %dma_start3A_975] : memref<11x64x128xf32, #tpu.memory_space<vmem>> -> memref<1x64x128xf32, #tpu.memory_space<vmem>>
      %dma_start3A_977 = tpu.memref_squeeze %dma_start3A_976 : memref<1x64x128xf32, #tpu.memory_space<vmem>> -> memref<64x128xf32, #tpu.memory_space<vmem>>
      %dma_start3A_978 = arith.constant 0 : i32
      %dma_start3A_979 = tpu.memref_slice %arg3[%dma_start3A_978, %multiple_of3A_972] : memref<64x1000000xf32, #tpu.memory_space<hbm>> -> memref<64x128xf32, #tpu.memory_space<hbm>>
      %dma_start3A_980 = arith.constant 0 : i32
      %dma_start3A_981 = arith.constant 0 : i32
      %dma_start3A_982 = tpu.memref_slice %arg6[%dma_start3A_973, %dma_start3A_980, %dma_start3A_981] : memref<11x64x128xf32, #tpu.memory_space<vmem>> -> memref<1x64x128xf32, #tpu.memory_space<vmem>>
      %dma_start3A_983 = tpu.memref_squeeze %dma_start3A_982 : memref<1x64x128xf32, #tpu.memory_space<vmem>> -> memref<64x128xf32, #tpu.memory_space<vmem>>
      %dma_start3A_984 = arith.constant 0 : i32
      %dma_start3A_985 = tpu.memref_slice %arg3[%dma_start3A_984, %multiple_of3A_972] : memref<64x1000000xf32, #tpu.memory_space<hbm>> -> memref<64x128xf32, #tpu.memory_space<hbm>>
      tpu.enqueue_dma source(%dma_start3A_985 : memref<64x128xf32, #tpu.memory_space<hbm>>) target(%dma_start3A_983 : memref<64x128xf32, #tpu.memory_space<vmem>>) target_semaphore(%arg11 : memref<!tpu.dma_semaphore, #tpu.memory_space<semaphore_mem>>)
    } else {
    }
    %shift_right_logical3A_796 = arith.constant 510 : i32
    %shift_right_logical3A_797 = arith.constant 4 : i32
    %shift_right_logical3A_798 = arith.shrui %shift_right_logical3A_796, %shift_right_logical3A_797 : i32
    %and3A_799 = arith.constant 510 : i32
    %and3A_800 = arith.constant 15 : i32
    %and3A_801 = arith.andi %and3A_799, %and3A_800 : i32
    %broadcast_in_dim3A_802 = arith.constant 0 : i32
    %broadcast_in_dim3A_803 = vector.broadcast %broadcast_in_dim3A_802 : i32 to vector<16xi32>
    %add3A_804 = vector.broadcast %shift_right_logical3A_798 : i32 to vector<16xi32>
    %add3A_805 = arith.addi %broadcast_in_dim3A_803, %add3A_804 : vector<16xi32>
    %broadcast_in_dim3A_806 = arith.constant 0 : i32
    %broadcast_in_dim3A_807 = vector.broadcast %broadcast_in_dim3A_806 : i32 to vector<16xi32>
    %add3A_808 = vector.broadcast %and3A_801 : i32 to vector<16xi32>
    %add3A_809 = arith.addi %broadcast_in_dim3A_807, %add3A_808 : vector<16xi32>
    %gather3A_810 = tpu.vector_load_idx %arg5[%add3A_805, %add3A_809] : memref<32x16xi32, #tpu.memory_space<vmem>>[vector<16xi32>, vector<16xi32>], vector<16xi32>,
    %slice3A_811 = vector.extract_strided_slice %gather3A_810 {offsets = [0], sizes = [1], strides = [1]} : vector<16xi32> to vector<1xi32>
    %squeeze3A_812 = vector.extract %slice3A_811[0] : i32 from vector<1xi32>
    %shift_right_logical3A_813 = arith.constant 7 : i32
    %shift_right_logical3A_814 = arith.shrui %squeeze3A_812, %shift_right_logical3A_813 : i32
    %mul3A_815 = arith.constant 128 : i32
    %mul3A_816 = arith.muli %shift_right_logical3A_814, %mul3A_815 : i32
    %min3A_817 = arith.constant 999808 : i32
    %min3A_818 = arith.minsi %mul3A_816, %min3A_817 : i32
    %sub3A_819 = arith.subi %squeeze3A_812, %min3A_818 : i32
    %min3A_820 = arith.constant 127 : i32
    %min3A_821 = arith.minsi %sub3A_819, %min3A_820 : i32
    %broadcast_in_dim3A_822 = arith.constant 0 : i32
    %broadcast_in_dim3A_823 = vector.broadcast %broadcast_in_dim3A_822 : i32 to vector<16xi32>
    %add3A_824 = vector.broadcast %min3A_821 : i32 to vector<16xi32>
    %add3A_825 = arith.addi %broadcast_in_dim3A_823, %add3A_824 : vector<16xi32>
    %broadcast_in_dim3A_826 = arith.constant 0 : i32
    %broadcast_in_dim3A_827 = vector.broadcast %broadcast_in_dim3A_826 : i32 to vector<16xi32>
    %add3A_828 = arith.constant 510 : i32
    %add3A_829 = vector.broadcast %add3A_828 : i32 to vector<16xi32>
    %add3A_830 = arith.addi %broadcast_in_dim3A_827, %add3A_829 : vector<16xi32>
    %gather3A_831 = arith.constant 4 : i32
    %gather3A_832 = arith.constant 0 : i32
    %gather3A_833 = arith.constant 0 : i32
    %gather3A_834 = tpu.memref_slice %arg6[%gather3A_831, %gather3A_832, %gather3A_833] : memref<11x64x128xf32, #tpu.memory_space<vmem>> -> memref<1x64x128xf32, #tpu.memory_space<vmem>>
    %gather3A_835 = tpu.memref_squeeze %gather3A_834 : memref<1x64x128xf32, #tpu.memory_space<vmem>> -> memref<64x128xf32, #tpu.memory_space<vmem>>
    %gather3A_836 = tpu.vector_load_idx %gather3A_835[%iota3A, %add3A_825] : memref<64x128xf32, #tpu.memory_space<vmem>>[vector<16xi32>, vector<16xi32>], vector<16xf32>,
    tpu.vector_store_idx %arg7[%iota3A, %add3A_830], %gather3A_836 : memref<64x512xf32, #tpu.memory_space<vmem>>[vector<16xi32>, vector<16xi32>], vector<16xf32>,
    %gather3A_837 = arith.constant 4 : i32
    %gather3A_838 = arith.constant 0 : i32
    %gather3A_839 = arith.constant 0 : i32
    %gather3A_840 = tpu.memref_slice %arg6[%gather3A_837, %gather3A_838, %gather3A_839] : memref<11x64x128xf32, #tpu.memory_space<vmem>> -> memref<1x64x128xf32, #tpu.memory_space<vmem>>
    %gather3A_841 = tpu.memref_squeeze %gather3A_840 : memref<1x64x128xf32, #tpu.memory_space<vmem>> -> memref<64x128xf32, #tpu.memory_space<vmem>>
    %gather3A_842 = tpu.vector_load_idx %gather3A_841[%add3A_4, %add3A_825] : memref<64x128xf32, #tpu.memory_space<vmem>>[vector<16xi32>, vector<16xi32>], vector<16xf32>,
    tpu.vector_store_idx %arg7[%add3A_4, %add3A_830], %gather3A_842 : memref<64x512xf32, #tpu.memory_space<vmem>>[vector<16xi32>, vector<16xi32>], vector<16xf32>,
    %gather3A_843 = arith.constant 4 : i32
    %gather3A_844 = arith.constant 0 : i32
    %gather3A_845 = arith.constant 0 : i32
    %gather3A_846 = tpu.memref_slice %arg6[%gather3A_843, %gather3A_844, %gather3A_845] : memref<11x64x128xf32, #tpu.memory_space<vmem>> -> memref<1x64x128xf32, #tpu.memory_space<vmem>>
    %gather3A_847 = tpu.memref_squeeze %gather3A_846 : memref<1x64x128xf32, #tpu.memory_space<vmem>> -> memref<64x128xf32, #tpu.memory_space<vmem>>
    %gather3A_848 = tpu.vector_load_idx %gather3A_847[%add3A_8, %add3A_825] : memref<64x128xf32, #tpu.memory_space<vmem>>[vector<16xi32>, vector<16xi32>], vector<16xf32>,
    tpu.vector_store_idx %arg7[%add3A_8, %add3A_830], %gather3A_848 : memref<64x512xf32, #tpu.memory_space<vmem>>[vector<16xi32>, vector<16xi32>], vector<16xf32>,
    %gather3A_849 = arith.constant 4 : i32
    %gather3A_850 = arith.constant 0 : i32
    %gather3A_851 = arith.constant 0 : i32
    %gather3A_852 = tpu.memref_slice %arg6[%gather3A_849, %gather3A_850, %gather3A_851] : memref<11x64x128xf32, #tpu.memory_space<vmem>> -> memref<1x64x128xf32, #tpu.memory_space<vmem>>
    %gather3A_853 = tpu.memref_squeeze %gather3A_852 : memref<1x64x128xf32, #tpu.memory_space<vmem>> -> memref<64x128xf32, #tpu.memory_space<vmem>>
    %gather3A_854 = tpu.vector_load_idx %gather3A_853[%add3A_12, %add3A_825] : memref<64x128xf32, #tpu.memory_space<vmem>>[vector<16xi32>, vector<16xi32>], vector<16xf32>,
    tpu.vector_store_idx %arg7[%add3A_12, %add3A_830], %gather3A_854 : memref<64x512xf32, #tpu.memory_space<vmem>>[vector<16xi32>, vector<16xi32>], vector<16xf32>,
    %dma_wait3A_855 = arith.constant 5 : i32
    %dma_wait3A_856 = arith.constant 0 : i32
    %dma_wait3A_857 = arith.constant 0 : i32
    %dma_wait3A_858 = tpu.memref_slice %arg6[%dma_wait3A_855, %dma_wait3A_856, %dma_wait3A_857] : memref<11x64x128xf32, #tpu.memory_space<vmem>> -> memref<1x64x128xf32, #tpu.memory_space<vmem>>
    %dma_wait3A_859 = tpu.memref_squeeze %dma_wait3A_858 : memref<1x64x128xf32, #tpu.memory_space<vmem>> -> memref<64x128xf32, #tpu.memory_space<vmem>>
    %dma_wait3A_860 = arith.constant 0 : i32
    %dma_wait3A_861 = arith.constant 0 : i32
    %dma_wait3A_862 = tpu.memref_slice %arg3[%dma_wait3A_860, %dma_wait3A_861] : memref<64x1000000xf32, #tpu.memory_space<hbm>> -> memref<64x128xf32, #tpu.memory_space<hbm>>
    %dma_wait3A_863 = arith.constant 0 : i32
    %dma_wait3A_864 = arith.constant 0 : i32
    %dma_wait3A_865 = tpu.memref_slice %arg6[%dma_wait3A_855, %dma_wait3A_863, %dma_wait3A_864] : memref<11x64x128xf32, #tpu.memory_space<vmem>> -> memref<1x64x128xf32, #tpu.memory_space<vmem>>
    %dma_wait3A_866 = tpu.memref_squeeze %dma_wait3A_865 : memref<1x64x128xf32, #tpu.memory_space<vmem>> -> memref<64x128xf32, #tpu.memory_space<vmem>>
    %dma_wait3A_867 = arith.constant 0 : i32
    %dma_wait3A_868 = arith.constant 0 : i32
    %dma_wait3A_869 = tpu.memref_slice %arg3[%dma_wait3A_867, %dma_wait3A_868] : memref<64x1000000xf32, #tpu.memory_space<hbm>> -> memref<64x128xf32, #tpu.memory_space<hbm>>
    tpu.wait_dma2 semaphore(%arg13 : memref<!tpu.dma_semaphore, #tpu.memory_space<semaphore_mem>>) src(%dma_wait3A_869 : memref<64x128xf32, #tpu.memory_space<hbm>>) dst(%dma_wait3A_866 : memref<64x128xf32, #tpu.memory_space<vmem>>)
    %ge3A_870 = arith.constant 511 : i32
    %ge3A_871 = arith.constant 1 : i32
    %ge3A_872 = arith.cmpi sge, %ge3A_870, %ge3A_871 : i32
    %sub3A_873 = arith.constant 511 : i32
    %sub3A_874 = arith.constant 1 : i32
    %sub3A_875 = arith.subi %sub3A_873, %sub3A_874 : i32
    %add3A_876 = arith.constant 11 : i32
    %add3A_877 = arith.addi %sub3A_875, %add3A_876 : i32
    %lt3A_878 = arith.constant 512 : i32
    %lt3A_879 = arith.cmpi slt, %add3A_877, %lt3A_878 : i32
    %and3A_880 = arith.andi %ge3A_872, %lt3A_879 : i1
    %convert_element_type3A_881 = arith.extui %and3A_880 : i1 to i32
    %cond3A_882 = arith.constant 511 : i32
    %cond3A_883 = arith.constant 0 : i32
    %cond3A_884 = arith.cmpi ne, %convert_element_type3A_881, %cond3A_883 : i32
    scf.if %cond3A_884 {
      %sub3A_947 = arith.constant 1 : i32
      %sub3A_948 = arith.subi %cond3A_882, %sub3A_947 : i32
      %add3A_949 = arith.constant 11 : i32
      %add3A_950 = arith.addi %sub3A_948, %add3A_949 : i32
      %shift_right_logical3A_951 = arith.constant 4 : i32
      %shift_right_logical3A_952 = arith.shrui %add3A_950, %shift_right_logical3A_951 : i32
      %and3A_953 = arith.constant 15 : i32
      %and3A_954 = arith.andi %add3A_950, %and3A_953 : i32
      %broadcast_in_dim3A_955 = arith.constant 0 : i32
      %broadcast_in_dim3A_956 = vector.broadcast %broadcast_in_dim3A_955 : i32 to vector<16xi32>
      %add3A_957 = vector.broadcast %shift_right_logical3A_952 : i32 to vector<16xi32>
      %add3A_958 = arith.addi %broadcast_in_dim3A_956, %add3A_957 : vector<16xi32>
      %broadcast_in_dim3A_959 = arith.constant 0 : i32
      %broadcast_in_dim3A_960 = vector.broadcast %broadcast_in_dim3A_959 : i32 to vector<16xi32>
      %add3A_961 = vector.broadcast %and3A_954 : i32 to vector<16xi32>
      %add3A_962 = arith.addi %broadcast_in_dim3A_960, %add3A_961 : vector<16xi32>
      %gather3A_963 = tpu.vector_load_idx %arg5[%add3A_958, %add3A_962] : memref<32x16xi32, #tpu.memory_space<vmem>>[vector<16xi32>, vector<16xi32>], vector<16xi32>,
      %slice3A_964 = vector.extract_strided_slice %gather3A_963 {offsets = [0], sizes = [1], strides = [1]} : vector<16xi32> to vector<1xi32>
      %squeeze3A_965 = vector.extract %slice3A_964[0] : i32 from vector<1xi32>
      %shift_right_logical3A_966 = arith.constant 7 : i32
      %shift_right_logical3A_967 = arith.shrui %squeeze3A_965, %shift_right_logical3A_966 : i32
      %mul3A_968 = arith.constant 128 : i32
      %mul3A_969 = arith.muli %shift_right_logical3A_967, %mul3A_968 : i32
      %min3A_970 = arith.constant 999808 : i32
      %min3A_971 = arith.minsi %mul3A_969, %min3A_970 : i32
      %multiple_of3A_972 = tpu.assume_multiple %min3A_971, 128 : i32
      %dma_start3A_973 = arith.constant 4 : i32
      %dma_start3A_974 = arith.constant 0 : i32
      %dma_start3A_975 = arith.constant 0 : i32
      %dma_start3A_976 = tpu.memref_slice %arg6[%dma_start3A_973, %dma_start3A_974, %dma_start3A_975] : memref<11x64x128xf32, #tpu.memory_space<vmem>> -> memref<1x64x128xf32, #tpu.memory_space<vmem>>
      %dma_start3A_977 = tpu.memref_squeeze %dma_start3A_976 : memref<1x64x128xf32, #tpu.memory_space<vmem>> -> memref<64x128xf32, #tpu.memory_space<vmem>>
      %dma_start3A_978 = arith.constant 0 : i32
      %dma_start3A_979 = tpu.memref_slice %arg3[%dma_start3A_978, %multiple_of3A_972] : memref<64x1000000xf32, #tpu.memory_space<hbm>> -> memref<64x128xf32, #tpu.memory_space<hbm>>
      %dma_start3A_980 = arith.constant 0 : i32
      %dma_start3A_981 = arith.constant 0 : i32
      %dma_start3A_982 = tpu.memref_slice %arg6[%dma_start3A_973, %dma_start3A_980, %dma_start3A_981] : memref<11x64x128xf32, #tpu.memory_space<vmem>> -> memref<1x64x128xf32, #tpu.memory_space<vmem>>
      %dma_start3A_983 = tpu.memref_squeeze %dma_start3A_982 : memref<1x64x128xf32, #tpu.memory_space<vmem>> -> memref<64x128xf32, #tpu.memory_space<vmem>>
      %dma_start3A_984 = arith.constant 0 : i32
      %dma_start3A_985 = tpu.memref_slice %arg3[%dma_start3A_984, %multiple_of3A_972] : memref<64x1000000xf32, #tpu.memory_space<hbm>> -> memref<64x128xf32, #tpu.memory_space<hbm>>
      tpu.enqueue_dma source(%dma_start3A_985 : memref<64x128xf32, #tpu.memory_space<hbm>>) target(%dma_start3A_983 : memref<64x128xf32, #tpu.memory_space<vmem>>) target_semaphore(%arg12 : memref<!tpu.dma_semaphore, #tpu.memory_space<semaphore_mem>>)
    } else {
    }
    %shift_right_logical3A_885 = arith.constant 511 : i32
    %shift_right_logical3A_886 = arith.constant 4 : i32
    %shift_right_logical3A_887 = arith.shrui %shift_right_logical3A_885, %shift_right_logical3A_886 : i32
    %and3A_888 = arith.constant 511 : i32
    %and3A_889 = arith.constant 15 : i32
    %and3A_890 = arith.andi %and3A_888, %and3A_889 : i32
    %broadcast_in_dim3A_891 = arith.constant 0 : i32
    %broadcast_in_dim3A_892 = vector.broadcast %broadcast_in_dim3A_891 : i32 to vector<16xi32>
    %add3A_893 = vector.broadcast %shift_right_logical3A_887 : i32 to vector<16xi32>
    %add3A_894 = arith.addi %broadcast_in_dim3A_892, %add3A_893 : vector<16xi32>
    %broadcast_in_dim3A_895 = arith.constant 0 : i32
    %broadcast_in_dim3A_896 = vector.broadcast %broadcast_in_dim3A_895 : i32 to vector<16xi32>
    %add3A_897 = vector.broadcast %and3A_890 : i32 to vector<16xi32>
    %add3A_898 = arith.addi %broadcast_in_dim3A_896, %add3A_897 : vector<16xi32>
    %gather3A_899 = tpu.vector_load_idx %arg5[%add3A_894, %add3A_898] : memref<32x16xi32, #tpu.memory_space<vmem>>[vector<16xi32>, vector<16xi32>], vector<16xi32>,
    %slice3A_900 = vector.extract_strided_slice %gather3A_899 {offsets = [0], sizes = [1], strides = [1]} : vector<16xi32> to vector<1xi32>
    %squeeze3A_901 = vector.extract %slice3A_900[0] : i32 from vector<1xi32>
    %shift_right_logical3A_902 = arith.constant 7 : i32
    %shift_right_logical3A_903 = arith.shrui %squeeze3A_901, %shift_right_logical3A_902 : i32
    %mul3A_904 = arith.constant 128 : i32
    %mul3A_905 = arith.muli %shift_right_logical3A_903, %mul3A_904 : i32
    %min3A_906 = arith.constant 999808 : i32
    %min3A_907 = arith.minsi %mul3A_905, %min3A_906 : i32
    %sub3A_908 = arith.subi %squeeze3A_901, %min3A_907 : i32
    %min3A_909 = arith.constant 127 : i32
    %min3A_910 = arith.minsi %sub3A_908, %min3A_909 : i32
    %broadcast_in_dim3A_911 = arith.constant 0 : i32
    %broadcast_in_dim3A_912 = vector.broadcast %broadcast_in_dim3A_911 : i32 to vector<16xi32>
    %add3A_913 = vector.broadcast %min3A_910 : i32 to vector<16xi32>
    %add3A_914 = arith.addi %broadcast_in_dim3A_912, %add3A_913 : vector<16xi32>
    %broadcast_in_dim3A_915 = arith.constant 0 : i32
    %broadcast_in_dim3A_916 = vector.broadcast %broadcast_in_dim3A_915 : i32 to vector<16xi32>
    %add3A_917 = arith.constant 511 : i32
    %add3A_918 = vector.broadcast %add3A_917 : i32 to vector<16xi32>
    %add3A_919 = arith.addi %broadcast_in_dim3A_916, %add3A_918 : vector<16xi32>
    %gather3A_920 = arith.constant 5 : i32
    %gather3A_921 = arith.constant 0 : i32
    %gather3A_922 = arith.constant 0 : i32
    %gather3A_923 = tpu.memref_slice %arg6[%gather3A_920, %gather3A_921, %gather3A_922] : memref<11x64x128xf32, #tpu.memory_space<vmem>> -> memref<1x64x128xf32, #tpu.memory_space<vmem>>
    %gather3A_924 = tpu.memref_squeeze %gather3A_923 : memref<1x64x128xf32, #tpu.memory_space<vmem>> -> memref<64x128xf32, #tpu.memory_space<vmem>>
    %gather3A_925 = tpu.vector_load_idx %gather3A_924[%iota3A, %add3A_914] : memref<64x128xf32, #tpu.memory_space<vmem>>[vector<16xi32>, vector<16xi32>], vector<16xf32>,
    tpu.vector_store_idx %arg7[%iota3A, %add3A_919], %gather3A_925 : memref<64x512xf32, #tpu.memory_space<vmem>>[vector<16xi32>, vector<16xi32>], vector<16xf32>,
    %gather3A_926 = arith.constant 5 : i32
    %gather3A_927 = arith.constant 0 : i32
    %gather3A_928 = arith.constant 0 : i32
    %gather3A_929 = tpu.memref_slice %arg6[%gather3A_926, %gather3A_927, %gather3A_928] : memref<11x64x128xf32, #tpu.memory_space<vmem>> -> memref<1x64x128xf32, #tpu.memory_space<vmem>>
    %gather3A_930 = tpu.memref_squeeze %gather3A_929 : memref<1x64x128xf32, #tpu.memory_space<vmem>> -> memref<64x128xf32, #tpu.memory_space<vmem>>
    %gather3A_931 = tpu.vector_load_idx %gather3A_930[%add3A_4, %add3A_914] : memref<64x128xf32, #tpu.memory_space<vmem>>[vector<16xi32>, vector<16xi32>], vector<16xf32>,
    tpu.vector_store_idx %arg7[%add3A_4, %add3A_919], %gather3A_931 : memref<64x512xf32, #tpu.memory_space<vmem>>[vector<16xi32>, vector<16xi32>], vector<16xf32>,
    %gather3A_932 = arith.constant 5 : i32
    %gather3A_933 = arith.constant 0 : i32
    %gather3A_934 = arith.constant 0 : i32
    %gather3A_935 = tpu.memref_slice %arg6[%gather3A_932, %gather3A_933, %gather3A_934] : memref<11x64x128xf32, #tpu.memory_space<vmem>> -> memref<1x64x128xf32, #tpu.memory_space<vmem>>
    %gather3A_936 = tpu.memref_squeeze %gather3A_935 : memref<1x64x128xf32, #tpu.memory_space<vmem>> -> memref<64x128xf32, #tpu.memory_space<vmem>>
    %gather3A_937 = tpu.vector_load_idx %gather3A_936[%add3A_8, %add3A_914] : memref<64x128xf32, #tpu.memory_space<vmem>>[vector<16xi32>, vector<16xi32>], vector<16xf32>,
    tpu.vector_store_idx %arg7[%add3A_8, %add3A_919], %gather3A_937 : memref<64x512xf32, #tpu.memory_space<vmem>>[vector<16xi32>, vector<16xi32>], vector<16xf32>,
    %gather3A_938 = arith.constant 5 : i32
    %gather3A_939 = arith.constant 0 : i32
    %gather3A_940 = arith.constant 0 : i32
    %gather3A_941 = tpu.memref_slice %arg6[%gather3A_938, %gather3A_939, %gather3A_940] : memref<11x64x128xf32, #tpu.memory_space<vmem>> -> memref<1x64x128xf32, #tpu.memory_space<vmem>>
    %gather3A_942 = tpu.memref_squeeze %gather3A_941 : memref<1x64x128xf32, #tpu.memory_space<vmem>> -> memref<64x128xf32, #tpu.memory_space<vmem>>
    %gather3A_943 = tpu.vector_load_idx %gather3A_942[%add3A_12, %add3A_914] : memref<64x128xf32, #tpu.memory_space<vmem>>[vector<16xi32>, vector<16xi32>], vector<16xf32>,
    tpu.vector_store_idx %arg7[%add3A_12, %add3A_919], %gather3A_943 : memref<64x512xf32, #tpu.memory_space<vmem>>[vector<16xi32>, vector<16xi32>], vector<16xf32>,
    %mul3A_944 = arith.constant 512 : i32
    %mul3A_945 = arith.muli %add3A, %mul3A_944 : i32
    %multiple_of3A_946 = tpu.assume_multiple %mul3A_945, 128 : i32
    "tpu.region"() ({
      %run_scoped3A = tpu.sem_alloc : memref<!tpu.dma_semaphore, #tpu.memory_space<semaphore_mem>>
      %dma_start3A_947 = arith.constant 0 : i32
      %dma_start3A_948 = tpu.memref_slice %arg4[%dma_start3A_947, %multiple_of3A_946] : memref<64x16384xf32, #tpu.memory_space<hbm>> -> memref<64x512xf32, #tpu.memory_space<hbm>>
      %dma_start3A_949 = arith.constant 0 : i32
      %dma_start3A_950 = tpu.memref_slice %arg4[%dma_start3A_949, %multiple_of3A_946] : memref<64x16384xf32, #tpu.memory_space<hbm>> -> memref<64x512xf32, #tpu.memory_space<hbm>>
      tpu.enqueue_dma source(%arg7 : memref<64x512xf32, #tpu.memory_space<vmem>>) target(%dma_start3A_950 : memref<64x512xf32, #tpu.memory_space<hbm>>) target_semaphore(%run_scoped3A : memref<!tpu.dma_semaphore, #tpu.memory_space<semaphore_mem>>)
      %dma_wait3A_951 = arith.constant 0 : i32
      %dma_wait3A_952 = tpu.memref_slice %arg4[%dma_wait3A_951, %multiple_of3A_946] : memref<64x16384xf32, #tpu.memory_space<hbm>> -> memref<64x512xf32, #tpu.memory_space<hbm>>
      %dma_wait3A_953 = arith.constant 0 : i32
      %dma_wait3A_954 = tpu.memref_slice %arg4[%dma_wait3A_953, %multiple_of3A_946] : memref<64x16384xf32, #tpu.memory_space<hbm>> -> memref<64x512xf32, #tpu.memory_space<hbm>>
      tpu.wait_dma2 semaphore(%run_scoped3A : memref<!tpu.dma_semaphore, #tpu.memory_space<semaphore_mem>>) src(%arg7 : memref<64x512xf32, #tpu.memory_space<vmem>>) dst(%dma_wait3A_954 : memref<64x512xf32, #tpu.memory_space<hbm>>)
      tpu.yield
    }) : () -> ()
    return
  }
}

module attributes {stable_mosaic.version = 14 : i64} {
  func.func @body(%arg0: i32, %arg1: memref<64x4096xf32, #tpu.memory_space<vmem>>, %arg2: memref<1x4096xi32, #tpu.memory_space<vmem>>, %arg3: memref<64x64xf32, #tpu.memory_space<vmem>>, %arg4: memref<64x256xf32, #tpu.memory_space<vmem>>, %arg5: memref<1x256xf32, #tpu.memory_space<vmem>>, %arg6: memref<4x64xf32, #tpu.memory_space<vmem>>, %arg7: memref<4x1xf32, #tpu.memory_space<vmem>>, %arg8: memref<4x4096xf32, #tpu.memory_space<vmem>>) attributes {dimension_semantics = [#tpu.dimension_semantics<arbitrary>], iteration_bounds = array<i64: 4>, scalar_prefetch = 0 : i64, scratch_operands = 0 : i64, tpu.core_type = #tpu.core_type<tc>, window_params = [{transform_indices = @transform_0, window_bounds = array<i64: 64, 4096>}, {transform_indices = @transform_1, window_bounds = array<i64: 1, 4096>}, {pipeline_mode = #tpu.pipeline_mode<synchronous>, transform_indices = @transform_2, window_bounds = array<i64: 64, 64>}, {pipeline_mode = #tpu.pipeline_mode<synchronous>, transform_indices = @transform_3, window_bounds = array<i64: 64, 256>}, {pipeline_mode = #tpu.pipeline_mode<synchronous>, transform_indices = @transform_4, window_bounds = array<i64: 1, 256>}, {pipeline_mode = #tpu.pipeline_mode<synchronous>, transform_indices = @transform_5, window_bounds = array<i64: 4, 64>}, {pipeline_mode = #tpu.pipeline_mode<synchronous>, transform_indices = @transform_6, window_bounds = array<i64: 4, 1>}, {transform_indices = @transform_7, window_bounds = array<i64: 4, 4096>}]} {
    %get3A = arith.constant 0 : index
    %get3A_0 = arith.constant 0 : index
    %get3A_1 = vector.load %arg1[%get3A, %get3A_0] : memref<64x4096xf32, #tpu.memory_space<vmem>>, vector<64x4096xf32>
    %get3A_2 = arith.constant 0 : index
    %get3A_3 = arith.constant 0 : index
    %get3A_4 = vector.load %arg2[%get3A_2, %get3A_3] : memref<1x4096xi32, #tpu.memory_space<vmem>>, vector<1x4096xi32>
    %get3A_5 = vector.shape_cast %get3A_4 : vector<1x4096xi32> to vector<4096xi32>
    %sub3A = arith.constant 999936 : i32
    %sub3A_6 = vector.broadcast %sub3A : i32 to vector<4096xi32>
    %sub3A_7 = arith.subi %get3A_5, %sub3A_6 : vector<4096xi32>
    %iota3A = tpu.iota {dimensions = array<i32: 0>} : vector<64x4096xi32>
    %broadcast_in_dim3A = vector.shape_cast %sub3A_7 : vector<4096xi32> to vector<1x4096xi32>
    %eq3A = vector.broadcast %broadcast_in_dim3A : vector<1x4096xi32> to vector<64x4096xi32>
    %eq3A_8 = arith.cmpi eq, %iota3A, %eq3A : vector<64x4096xi32>
    %jit3A = arith.constant 1.000000e+00 : f32
    %jit3A_9 = arith.constant 0.000000e+00 : f32
    %broadcast_in_dim3A_10 = vector.broadcast %jit3A : f32 to vector<64x4096xf32>
    %broadcast_in_dim3A_11 = vector.broadcast %jit3A_9 : f32 to vector<64x4096xf32>
    %select_n3A = arith.select %eq3A_8, %broadcast_in_dim3A_10, %broadcast_in_dim3A_11 : vector<64x4096xi1>, vector<64x4096xf32>
    %get3A_12 = arith.constant 0 : index
    %get3A_13 = arith.constant 0 : index
    %get3A_14 = vector.load %arg3[%get3A_12, %get3A_13] : memref<64x64xf32, #tpu.memory_space<vmem>>, vector<64x64xf32>
    %dot_general3A = arith.constant dense<0.000000e+00> : vector<64x4096xf32>
    %dot_general3A_15 = tpu.matmul %get3A_14, %select_n3A, %dot_general3A {dimension_numbers = #tpu.dot_dimension_numbers<[0], [0], [1], [1], [0, 1, 1, 1], [], []>, transpose_lhs_hint = false} : vector<64x64xf32>, vector<64x4096xf32>, vector<64x4096xf32> -> vector<64x4096xf32>
    %ge3A = arith.constant 0 : i32
    %ge3A_16 = vector.broadcast %ge3A : i32 to vector<4096xi32>
    %ge3A_17 = arith.cmpi sge, %sub3A_7, %ge3A_16 : vector<4096xi32>
    %broadcast_in_dim3A_18 = vector.shape_cast %ge3A_17 : vector<4096xi1> to vector<1x4096xi1>
    %broadcast_in_dim3A_19 = vector.shape_cast %broadcast_in_dim3A_18 : vector<1x4096xi1> to vector<1x4096xi1>
    %broadcast_in_dim3A_20 = vector.broadcast %broadcast_in_dim3A_19 : vector<1x4096xi1> to vector<64x4096xi1>
    %select_n3A_21 = arith.select %broadcast_in_dim3A_20, %dot_general3A_15, %get3A_1 : vector<64x4096xi1>, vector<64x4096xf32>
    %reduce_sum3A = arith.constant dense<0.000000e+00> : vector<4096xf32>
    %reduce_sum3A_22 = vector.multi_reduction <add>, %select_n3A_21, %reduce_sum3A [0] : vector<64x4096xf32> to vector<4096xf32>
    %broadcast_in_dim3A_23 = vector.shape_cast %reduce_sum3A_22 : vector<4096xf32> to vector<1x4096xf32>
    %div3A = arith.constant 6.400000e+01 : f32
    %div3A_24 = vector.broadcast %div3A : f32 to vector<1x4096xf32>
    %div3A_25 = arith.divf %broadcast_in_dim3A_23, %div3A_24 : vector<1x4096xf32>
    %sub3A_26 = vector.broadcast %div3A_25 : vector<1x4096xf32> to vector<64x4096xf32>
    %sub3A_27 = arith.subf %select_n3A_21, %sub3A_26 : vector<64x4096xf32>
    %mul3A = arith.mulf %sub3A_27, %sub3A_27 : vector<64x4096xf32>
    %reduce_sum3A_28 = arith.constant dense<0.000000e+00> : vector<4096xf32>
    %reduce_sum3A_29 = vector.multi_reduction <add>, %mul3A, %reduce_sum3A_28 [0] : vector<64x4096xf32> to vector<4096xf32>
    %broadcast_in_dim3A_30 = vector.shape_cast %reduce_sum3A_29 : vector<4096xf32> to vector<1x4096xf32>
    %div3A_31 = arith.constant 6.400000e+01 : f32
    %div3A_32 = vector.broadcast %div3A_31 : f32 to vector<1x4096xf32>
    %div3A_33 = arith.divf %broadcast_in_dim3A_30, %div3A_32 : vector<1x4096xf32>
    %add3A = arith.constant 9.99999974E-6 : f32
    %add3A_34 = vector.broadcast %add3A : f32 to vector<1x4096xf32>
    %add3A_35 = arith.addf %div3A_33, %add3A_34 : vector<1x4096xf32>
    %rsqrt3A = math.rsqrt %add3A_35 : vector<1x4096xf32>
    %mul3A_36 = vector.broadcast %rsqrt3A : vector<1x4096xf32> to vector<64x4096xf32>
    %mul3A_37 = arith.mulf %sub3A_27, %mul3A_36 : vector<64x4096xf32>
    %get3A_38 = arith.constant 0 : index
    %get3A_39 = arith.constant 0 : index
    %get3A_40 = vector.load %arg4[%get3A_38, %get3A_39] : memref<64x256xf32, #tpu.memory_space<vmem>>, vector<64x256xf32>
    %dot_general3A_41 = arith.constant dense<0.000000e+00> : vector<256x4096xf32>
    %dot_general3A_42 = tpu.matmul %get3A_40, %mul3A_37, %dot_general3A_41 {dimension_numbers = #tpu.dot_dimension_numbers<[0], [0], [1], [1], [0, 1, 1, 1], [], []>, transpose_lhs_hint = false} : vector<64x256xf32>, vector<64x4096xf32>, vector<256x4096xf32> -> vector<256x4096xf32>
    %get3A_43 = arith.constant 0 : index
    %get3A_44 = arith.constant 0 : index
    %get3A_45 = vector.load %arg5[%get3A_43, %get3A_44] : memref<1x256xf32, #tpu.memory_space<vmem>>, vector<1x256xf32>
    %get3A_46 = vector.shape_cast %get3A_45 : vector<1x256xf32> to vector<256xf32>
    %broadcast_in_dim3A_47 = vector.shape_cast %get3A_46 : vector<256xf32> to vector<256x1xf32>
    %add3A_48 = vector.broadcast %broadcast_in_dim3A_47 : vector<256x1xf32> to vector<256x4096xf32>
    %add3A_49 = arith.addf %dot_general3A_42, %add3A_48 : vector<256x4096xf32>
    %max3A = arith.constant 0.000000e+00 : f32
    %max3A_50 = vector.broadcast %max3A : f32 to vector<256x4096xf32>
    %max3A_51 = arith.maximumf %add3A_49, %max3A_50 : vector<256x4096xf32>
    %reshape3A = vector.shape_cast %max3A_51 : vector<256x4096xf32> to vector<4x64x4096xf32>
    %get3A_52 = arith.constant 0 : index
    %get3A_53 = arith.constant 0 : index
    %get3A_54 = vector.load %arg6[%get3A_52, %get3A_53] : memref<4x64xf32, #tpu.memory_space<vmem>>, vector<4x64xf32>
    %broadcast_in_dim3A_55 = vector.shape_cast %get3A_54 : vector<4x64xf32> to vector<4x64x1xf32>
    %mul3A_56 = vector.broadcast %broadcast_in_dim3A_55 : vector<4x64x1xf32> to vector<4x64x4096xf32>
    %mul3A_57 = arith.mulf %reshape3A, %mul3A_56 : vector<4x64x4096xf32>
    %reduce_sum3A_58 = arith.constant dense<0.000000e+00> : vector<4x4096xf32>
    %reduce_sum3A_59 = vector.multi_reduction <add>, %mul3A_57, %reduce_sum3A_58 [1] : vector<4x64x4096xf32> to vector<4x4096xf32>
    %get3A_60 = arith.constant 0 : index
    %get3A_61 = arith.constant 0 : index
    %get3A_62 = vector.load %arg7[%get3A_60, %get3A_61] : memref<4x1xf32, #tpu.memory_space<vmem>>, vector<4x1xf32>
    %add3A_63 = vector.broadcast %get3A_62 : vector<4x1xf32> to vector<4x4096xf32>
    %add3A_64 = arith.addf %reduce_sum3A_59, %add3A_63 : vector<4x4096xf32>
    %logistic3A = arith.negf %add3A_64 : vector<4x4096xf32>
    %logistic3A_65 = math.exp %logistic3A : vector<4x4096xf32>
    %logistic3A_66 = arith.constant 1.000000e+00 : f32
    %logistic3A_67 = vector.broadcast %logistic3A_66 : f32 to vector<4x4096xf32>
    %logistic3A_68 = arith.addf %logistic3A_67, %logistic3A_65 : vector<4x4096xf32>
    %logistic3A_69 = arith.divf %logistic3A_67, %logistic3A_68 : vector<4x4096xf32>
    %swap3A = arith.constant 0 : index
    %swap3A_70 = arith.constant 0 : index
    %swap3A_71 = vector.load %arg8[%swap3A, %swap3A_70] : memref<4x4096xf32, #tpu.memory_space<vmem>>, vector<4x4096xf32>
    tpu.vector_store %arg8[%swap3A, %swap3A_70], %logistic3A_69 {strides = array<i32>} : memref<4x4096xf32, #tpu.memory_space<vmem>>, vector<4x4096xf32>,
    return
  }
  func.func @transform_0(%arg0: i32) -> (i32, i32) {
    %c0_i32 = arith.constant 0 : i32
    %c0_i32_0 = arith.constant 0 : i32
    return %c0_i32, %arg0 : i32, i32
  }
  func.func @transform_1(%arg0: i32) -> (i32, i32) {
    %c0_i32 = arith.constant 0 : i32
    %c0_i32_0 = arith.constant 0 : i32
    return %c0_i32, %arg0 : i32, i32
  }
  func.func @transform_2(%arg0: i32) -> (i32, i32) {
    %c0_i32 = arith.constant 0 : i32
    %c0_i32_0 = arith.constant 0 : i32
    %c0_i32_1 = arith.constant 0 : i32
    return %c0_i32, %c0_i32_0 : i32, i32
  }
  func.func @transform_3(%arg0: i32) -> (i32, i32) {
    %c0_i32 = arith.constant 0 : i32
    %c0_i32_0 = arith.constant 0 : i32
    %c0_i32_1 = arith.constant 0 : i32
    return %c0_i32, %c0_i32_0 : i32, i32
  }
  func.func @transform_4(%arg0: i32) -> (i32, i32) {
    %c0_i32 = arith.constant 0 : i32
    %c0_i32_0 = arith.constant 0 : i32
    %c0_i32_1 = arith.constant 0 : i32
    return %c0_i32, %c0_i32_0 : i32, i32
  }
  func.func @transform_5(%arg0: i32) -> (i32, i32) {
    %c0_i32 = arith.constant 0 : i32
    %c0_i32_0 = arith.constant 0 : i32
    %c0_i32_1 = arith.constant 0 : i32
    return %c0_i32, %c0_i32_0 : i32, i32
  }
  func.func @transform_6(%arg0: i32) -> (i32, i32) {
    %c0_i32 = arith.constant 0 : i32
    %c0_i32_0 = arith.constant 0 : i32
    %c0_i32_1 = arith.constant 0 : i32
    return %c0_i32, %c0_i32_0 : i32, i32
  }
  func.func @transform_7(%arg0: i32) -> (i32, i32) {
    %c0_i32 = arith.constant 0 : i32
    %c0_i32_0 = arith.constant 0 : i32
    return %c0_i32, %arg0 : i32, i32
  }
}

</mosaic_0001>

<sc_bundles>
// kernel: kernel.4.cloned.1.call-start
scs
__scs_entry_jumppad:
0x0: {  	(pc) =	sbr.rel $0x88, $3  }
0x1: {  	(tag) =	ssettag $0x0;
	lr =	simm.s32 $0x1  }
0x2: {  	[smem:$0x3F99] =	sst lr;
	_ =	strace $0xD0000000  }
0x3: {  	_ = 	snop  }
0x4: {  	_ = 	snop  }
0x5: {  	_ = 	snop  }
0x6: {  	_ = 	snop  }
0x7: {  	_ = 	snop  }
__scs_overlays_trampoline_lowered:
0x8: {  	[smem:$0x3FA8] =	sst s0  }
0x9: {  	[smem:$0x3FA9] =	sst s1  }
0xa: {  	[smem:$0x3FAA] =	sst s2  }
0xb: {  	[smem:$0x3FAB] =	sst s3  }
0xc: {  	[smem:$0x3FAC] =	sst s4  }
0xd: {  	[smem:$0x3FAD] =	sst s5  }
0xe: {  	[smem:$0x3FAE] =	sst s6  }
0xf: {  	[smem:$0x3FAF] =	sst s7  }
0x10: {  	[smem:$0x3FB0] =	sst s8  }
0x11: {  	[smem:$0x3FB1] =	sst s9;
	s0 =	simm.s32 @!p0 $0x0  }
0x12: {  	s1 =	sld [smem:$0x3F97];
	s0 =	simm.s32 @p0 $0x1  }
0x13: {  	[smem:$0x3FB2] =	sst s0;
	s0 =	simm.s32 @!p1 $0x0  }
0x14: {  	s2 =	sld [smem:$0x3F96];
	s0 =	simm.s32 @p1 $0x1  }
0x15: {  	[smem:$0x3FB3] =	sst s0;
	s0 =	simm.s32 @!p2 $0x0  }
0x16: {  	s3 =	sld [smem:$0x3FDB];
	s0 =	simm.s32 @p2 $0x1  }
0x17: {  	s4 =	simm.s32 $0x1BF5;
	[smem:$0x3FB5] =	sst s0  }
0x18: {  	s0 =	sld [smem:$0x3F98];
	_ =	swait.ge [sflag:s4], $0x0  }
0x19: {  	s7 =	sld [smem:$0x3F99]  }
0x1a: {  	s8 =	sadd.s32 $0xFFFFE003, lr  }
0x1b: {  	s9 =	sadd.s32 $0xFFFFFEF7, lr;
	s5 =	simm.s32 $0xFFFFFFFF;
	p2 =	slt.u32 s8, $0xFFFFF086  }
0x1c: {  	p1 =	slt.u32 s9, $0xF7A;
	s5 =	simm.s32 @!p2 $0x0  }
0x1d: {  	s5 =	simm.s32 @p1 $0x1;
	p0 =	seq.s32 s7, s2  }
0x1e: {  	s7 =	smul.u32 @!p0 $0xF7A, s2;
	p2 =	seq.s32 @!p0 s5, $0x0  }
0x1f: {  	s9 =	smul.u32 $0xF7A, s1;
	s8 =	simm.s32 @!p0 $0x1BF5;
	p2 =	por !p2, p0  }
0x20: {  	[sflag:s8] =	ssyncset.s32 @!p0 $0xFFFFF086;
	s6 =	sadd.s32 @!p0 s3, s7;
	s7 =	simm.s32 @!p0 $0x108  }
0x21: {  	s3 =	sadd.s32 s3, s9;
	s6 =	sadd.s32 @!p0 $0x88, s6;
	s7 =	simm.s32 @p2 $0x1082  }
0x22: {  	[simem:s7], [sflag:s8] =	dma.local @!p0 [hbm:s6], $0xF7A  }
0x23: {  	s9 =	sor.u32 $0xD0000000, s2;
	s6 =	simm.s32 $0x108;
	_ =	swait.ge @!p0 [sflag:s8], $0x0  }
0x24: {  	s3 =	sadd.s32 $0x88, s3;
	s6 =	simm.s32 @!p1 $0x1082;
	[sflag:s4] =	ssyncset.s32 $0xFFFFF086  }
0x25: {  	[simem:s6], [sflag:s4] =	dma.local [hbm:s3], $0xF7A  }
0x26: {  	[smem:$0x3F99] =	sst s1;
	(tag) =	ssettag s2;
	_ =	strace s9  }
0x27: {  	s1 =	sld [smem:$0x3FA9]  }
0x28: {  	s2 =	sld [smem:$0x3FAA]  }
0x29: {  	s4 =	sld [smem:$0x3FAC]  }
0x2a: {  	p0 =	seq.s32 s5, $0x0;
	s5 =	sld [smem:$0x3FAD]  }
0x2b: {  	s6 =	sld [smem:$0x3FAE]  }
0x2c: {  	s7 =	sld [smem:$0x3FAF]  }
0x2d: {  	s3 =	simm.s32 $0x108;
	s8 =	sld [smem:$0x3FB0]  }
0x2e: {  	s3 =	simm.s32 @!p0 $0x1082;
	s9 =	sld [smem:$0x3FB1]  }
0x2f: {  	lr =	sadd.s32 s0, s3;
	s0 =	sld [smem:$0x3FA8]  }
0x30: {  	s3 =	sld [smem:$0x3FAB]  }
0x31: {  	[smem:$0x3FB4] =	sst s10  }
0x32: {  	s10 =	sld [smem:$0x3FB2];
	_ =	sdelay $0x3  }
0x33: {  	p0 =	seq.s32 s10, $0x1;
	s10 =	sld [smem:$0x3FB4];
	_ =	sdelay $0x3  }
0x34: {  	[smem:$0x3FB4] =	sst s10  }
0x35: {  	s10 =	sld [smem:$0x3FB3];
	_ =	sdelay $0x3  }
0x36: {  	p1 =	seq.s32 s10, $0x1;
	s10 =	sld [smem:$0x3FB4];
	_ =	sdelay $0x3  }
0x37: {  	[smem:$0x3FB4] =	sst s10  }
0x38: {  	s10 =	sld [smem:$0x3FB5]  }
0x39: {  	_ = 	snop;
	(pc) =	sbr.ind lr, $3  }
0x3a: {  	_ = 	snop  }
0x3b: {  	_ = 	snop  }
0x3c: {  	p2 =	seq.s32 s10, $0x1;
	s10 =	sld [smem:$0x3FB4]  }
0x3d: {  	_ =	shalt  }
0x3e: {  	_ =	shalt  }
0x3f: {  	_ =	shalt  }
0x40: {  	_ =	shalt  }
0x41: {  	_ =	shalt  }
0x42: {  	_ =	shalt  }
0x43: {  	_ =	shalt  }
0x44: {  	_ =	shalt  }
0x45: {  	_ =	shalt  }
0x46: {  	_ =	shalt  }
0x47: {  	_ =	shalt  }
0x48: {  	_ =	shalt  }
0x49: {  	_ =	shalt  }
0x4a: {  	_ =	shalt  }
0x4b: {  	_ =	shalt  }
0x4c: {  	_ =	shalt  }
0x4d: {  	_ =	shalt  }
0x4e: {  	_ =	shalt  }
0x4f: {  	_ =	shalt  }
0x50: {  	_ =	shalt  }
0x51: {  	_ =	shalt  }
0x52: {  	_ =	shalt  }
0x53: {  	_ =	shalt  }
0x54: {  	_ =	shalt  }
0x55: {  	_ =	shalt  }
0x56: {  	_ =	shalt  }
0x57: {  	_ =	shalt  }
0x58: {  	_ =	shalt  }
0x59: {  	_ =	shalt  }
0x5a: {  	_ =	shalt  }
0x5b: {  	_ =	shalt  }
0x5c: {  	_ =	shalt  }
0x5d: {  	_ =	shalt  }
0x5e: {  	_ =	shalt  }
0x5f: {  	_ =	shalt  }
0x60: {  	_ =	shalt  }
0x61: {  	_ =	shalt  }
0x62: {  	_ =	shalt  }
0x63: {  	_ =	shalt  }
0x64: {  	_ =	shalt  }
0x65: {  	_ =	shalt  }
0x66: {  	_ =	shalt  }
0x67: {  	_ =	shalt  }
0x68: {  	_ =	shalt  }
0x69: {  	_ =	shalt  }
0x6a: {  	_ =	shalt  }
0x6b: {  	_ =	shalt  }
0x6c: {  	_ =	shalt  }
0x6d: {  	_ =	shalt  }
0x6e: {  	_ =	shalt  }
0x6f: {  	_ =	shalt  }
0x70: {  	_ =	shalt  }
0x71: {  	_ =	shalt  }
0x72: {  	_ =	shalt  }
0x73: {  	_ =	shalt  }
0x74: {  	_ =	shalt  }
0x75: {  	_ =	shalt  }
0x76: {  	_ =	shalt  }
0x77: {  	_ =	shalt  }
0x78: {  	_ =	shalt  }
0x79: {  	_ =	shalt  }
0x7a: {  	_ =	shalt  }
0x7b: {  	_ =	shalt  }
0x7c: {  	_ =	shalt  }
0x7d: {  	_ =	shalt  }
0x7e: {  	_ =	shalt  }
0x7f: {  	_ =	shalt  }
0x80: {  	_ =	shalt  }
0x81: {  	_ =	shalt  }
0x82: {  	_ =	shalt  }
0x83: {  	_ =	shalt  }
0x84: {  	_ =	shalt  }
0x85: {  	_ =	shalt  }
0x86: {  	_ =	shalt  }
0x87: {  	_ =	shalt  }
.Lfunc_end0:
.L_simem_size_0:
called_computation_lowered:
.L_overlay_start_0:
0x88: {  	s2 =	sld [smem:$0x3FD9]  }
0x89: {  	s3 =	sld [smem:$0x3FFE];
	_ =	sdelay $0x1  }
0x8a: {  	s1 =	srdreg.scid  }
0x8b: {  	s0 =	sand.u32 $0x1, s1  }
0x8c: {  	s17 =	sshll.u32 s0, $0xA;
	s2 =	sadd.s32 s3, s2  }
0x8d: {  	s2 =	sadd.s32 s2, s17  }
0x8e: {  	[smem:$0x3FC0] =	sst s2  }
0x8f: {  	_ = 	snop  }
0x90: {  	s2 =	sld [smem:$0x3FC8];
	(tm) =	ssettm $0x1  }
0x91: {  	s18 =	sld [smem:$0x3FFB];
	_ =	sdelay $0x3  }
0x92: {  	_ =	strace s18  }
0x93: {  	s3 =	sld [smem:$0x3FFC];
	_ =	sdelay $0x3  }
0x94: {  	_ =	strace s3  }
0x95: {  	s3 =	sld [smem:$0x3FFD];
	_ =	sdelay $0x3  }
0x96: {  	_ =	strace s3  }
0x97: {  	_ =	strace $0x8FFFFFFF  }
0x98: {  	s19 =	sld [smem:$0x3FDB];
	_ =	sdelay $0x1  }
0x99: {  	s4 =	simm.s32 $_scs_section_size  }
0x9a: {  	s5 =	simm.s32 $_size__tile_overlayer_lowered;
	s6 =	simm.s32 $_tile_overlayer_lowered  }
0x9b: {  	s22 =	simm.s32 $0x1BFF;
	s21 =	sshll.u32 s6, $0x1;
	s3 =	sadd.s32 s4, s19  }
0x9c: {  	s7 =	simm.s32 $0x0;
	s20 =	sshll.u32 s5, $0x1;
	s5 =	sadd.s32 s21, s3  }
0x9d: {  	[timem:s7], [sflag:s22] =	dma.local [hbm:s5], s20  }
0x9e: {  	_ =	swait.ge [sflag:s22], s20  }
0x9f: {  	s4 =	ssub.s32 $0x0, s20;
	[sflag:s22] =	ssyncset.done $0x0  }
0xa0: {  	[sflag:s22] =	ssyncadd.s32 s4;
	_ =	sdelay $0x1  }
0xa1: {  	s23 =	simm.s32 $0x1B8B  }
0xa2: {  	_ =	swait.ge [sflag:s23], $0x1  }
0xa3: {  	[sflag:s23] =	ssyncset.done $0x0  }
0xa4: {  	s25 =	simm.s32 $0x1B8E;
	s24 =	sld [smem:$0x3FFE];
	[sflag:s23] =	ssyncadd.s32 $0xFFFFFFFF  }
0xa5: {  	s26 =	simm.s32 $execute0_lowered;
	[smem:$0x3FD2] =	sst s25  }
0xa6: {  	s5 =	sshll.u32 s26, $0x1;
	_ =	strace $0x80000046;
	[dreg:$0x1] =	wrdreg $0xFFFFFFFF  }
0xa7: {  	s28 =	simm.s32 $_size_execute0_lowered;
	s3 =	sadd.s32 s3, s5;
	[dreg:$0x0] =	wrdreg $0x0  }
0xa8: {  	s5 =	sshll.u32 s28, $0x1;
	[dreg:$0x2] =	wrdreg s3  }
0xa9: {  	[dreg:$0x3] =	wrdreg s5  }
0xaa: {  	[dreg:$0x4] =	wrdreg $0xC0  }
0xab: {  	_ =	task [dreg:s7], $0x5FFFF  }
0xac: {  	[dreg:$0x1] =	wrdreg $0xFFFFFFFF  }
0xad: {  	[dreg:$0x0] =	wrdreg $0x60  }
0xae: {  	[dreg:$0x2] =	wrdreg s24  }
0xaf: {  	[dreg:$0x3] =	wrdreg s2  }
0xb0: {  	[dreg:$0x4] =	wrdreg $0x9  }
0xb1: {  	_ =	task.clear_ibuf [dreg:s7], $0x5FFFF;
	_ =	strace $0x90000046  }
0xb2: {  	s29 =	simm.s32 $0x9;
	_ =	strace $0x80000048  }
0xb3: {  	_ =	swait.ge [sflag:s29], $0x1  }
0xb4: {  	[sflag:s29] =	ssyncadd.s32 $0xFFFFFFFF  }
0xb5: {  	_ =	strace $0x90000048  }
0xb6: {  	_ =	sfence  }
0xb7: {  	s30 =	sld [smem:$0x0];
	_ =	sdelay $0x2  }
0xb8: {  	s31 =	sshll.u32 s1, $0xD;
	s1 =	sshrl.u32 s1, $0x2  }
0xb9: {  	s3 =	sand.u32 $0x4000, s31;
	s1 =	sadd.s32 s1, s30  }
0xba: {  	s0 =	sor.u32 s3, s0;
	s1 =	sshll.u32 s1, $0x11  }
0xbb: {  	s0 =	sor.u32 s1, s0  }
0xbc: {  	s0 =	sadd.s32 $0x8F2B, s0  }
0xbd: {  	[sflag:s0] =	ssyncadd.remote.s32 $0x1  }
0xbe: {  	_ =	sfence.sel $0xFFFF  }
0xbf: {  	[dreg:$0x0] =	wrdreg $0xFFFFFFFF;
	(pc) =	sbr.abs _section_cstart, $3  }
0xc0: {  	[dreg:$0x1] =	wrdreg $0xFFFFFFFF  }
0xc1: {  	_ =	task.clear_ibuf [dreg:s7], $0x2FFFF;
	_ =	strace $0x9FFFFFFF  }
0xc2: {  	(tm) =	ssettm $0x7FFFFFFF  }
0xc3: {  	_ =	shalt  }
tec
execute0_lowered:
.L_overlay_start_1:
0x0: {  	(tag) =	ssettag $0x1  }
0x1: {  	v0 =	vimm.s32 $0x1380  }
0x2: {  	vm14 =	vcmask $0x300;
	vm13 =	vcmask $0x704;
	vm12 =	vcmask $0xB08  }
0x3: {  	vm11 =	vcmask $0xF0C;
	vm10 =	vcmask $0x1310;
	vm9 =	vcmask $0x1714  }
0x4: {  	vm8 =	vcmask $0x1B18;
	vm7 =	vcmask $0x1F1C;
	vm6 =	vcmask $0x2320  }
0x5: {  	vm5 =	vcmask $0x2724;
	vm4 =	vcmask $0x2B28;
	vm2 =	vcmask $0x2F2C  }
0x6: {  	v11 =	vlaneseq.u32;
	vm3 =	vcmask $0x3330;
	vm1 =	vcmask $0x3734  }
0x7: {  	vm0 =	vcmask $0x3B38;
	v14 =	vimm.s32 $0x5380;
	v15 =	vimm.s32 $0x7380  }
0x8: {  	v18 =	vimm.s32 $0x1FFA;
	v20 =	vimm.s32 $0x3FFA;
	v21 =	vimm.s32 $0x5FFA  }
0x9: {  	v22 =	vimm.s32 $0x7FFA;
	v23 =	vimm.s32 $0x1FFB;
	v24 =	vimm.s32 $0x3FFB  }
0xa: {  	v27 =	vimm.s32 $0x7FFB;
	v28 =	vimm.s32 $0x1FFC;
	v30 =	vimm.s32 $0x3FFC  }
0xb: {  	v31 =	vimm.s32 $0x5FFC;
	v32 =	vimm.s32 $0x7FFC;
	v34 =	vimm.s32 $0x1FFD  }
0xc: {  	v33 =	vimm.s32 $0xF8D;
	v35 =	vimm.s32 $0x3FFD;
	v36 =	vimm.s32 $0x5FFD  }
0xd: {  	v37 =	vimm.s32 $0x7FFD;
	v38 =	vimm.s32 $0x1FFE;
	v39 =	vimm.s32 $0x3FFE  }
0xe: {  	v63 =	vimm.s32 $0x5FFE;
	v42 =	vimm.s32 $0x7FFE;
	v43 =	vimm.s32 $0x1FFF  }
0xf: {  	v45 =	vimm.s32 $0x3FFF;
	v46 =	vimm.s32 $0x5FFF;
	v47 =	vimm.s32 $0x7FFF  }
0x10: {  	v1 =	vsel vm14, $0x0, v0;
	v0 =	vimm.s32 $0x1;
	v14 =	vsel vm14, $0x4000, v14  }
0x11: {  	v15 =	vsel vm14, $0x6000, v15;
	v19 =	vsel vm14, $0xC7A, v18;
	v18 =	vimm.s32 $0xF8A  }
0x12: {  	v20 =	vsel vm14, $0x2C7A, v20;
	v21 =	vsel vm14, $0x4C7A, v21;
	v22 =	vsel vm14, $0x6C7A, v22  }
0x13: {  	v23 =	vsel vm14, $0xC7B, v23;
	v24 =	vsel vm14, $0x2C7B, v24;
	v27 =	vsel vm14, $0x6C7B, v27  }
0x14: {  	v28 =	vsel vm14, $0xC7C, v28;
	v30 =	vsel vm14, $0x2C7C, v30;
	v31 =	vsel vm14, $0x4C7C, v31  }
0x15: {  	v32 =	vsel vm14, $0x6C7C, v32;
	v34 =	vsel vm14, $0xC7D, v34;
	v35 =	vsel vm14, $0x2C7D, v35  }
0x16: {  	v36 =	vsel vm14, $0x4C7D, v36;
	v37 =	vsel vm14, $0x6C7D, v37;
	v38 =	vsel vm14, $0xC7E, v38  }
0x17: {  	v39 =	vsel vm14, $0x2C7E, v39;
	v42 =	vsel vm14, $0x6C7E, v42;
	v43 =	vsel vm14, $0xC7F, v43  }
0x18: {  	v45 =	vsel vm14, $0x2C7F, v45;
	v46 =	vsel vm14, $0x4C7F, v46;
	v47 =	vsel vm14, $0x6C7F, v47  }
0x19: {  	v2 =	vsel vm13, $0x80, v1;
	v1 =	vimm.s32 $0x2;
	v14 =	vsel vm13, $0x4080, v14  }
0x1a: {  	v15 =	vsel vm13, $0x6080, v15;
	v19 =	vsel vm13, $0xCFA, v19;
	v20 =	vsel vm13, $0x2CFA, v20  }
0x1b: {  	v21 =	vsel vm13, $0x4CFA, v21;
	v22 =	vsel vm13, $0x6CFA, v22;
	v23 =	vsel vm13, $0xCFB, v23  }
0x1c: {  	v24 =	vsel vm13, $0x2CFB, v24;
	v27 =	vsel vm13, $0x6CFB, v27;
	v28 =	vsel vm13, $0xCFC, v28  }
0x1d: {  	v30 =	vsel vm13, $0x2CFC, v30;
	v31 =	vsel vm13, $0x4CFC, v31;
	v32 =	vsel vm13, $0x6CFC, v32  }
0x1e: {  	v34 =	vsel vm13, $0xCFD, v34;
	v35 =	vsel vm13, $0x2CFD, v35;
	v36 =	vsel vm13, $0x4CFD, v36  }
0x1f: {  	v37 =	vsel vm13, $0x6CFD, v37;
	v38 =	vsel vm13, $0xCFE, v38;
	v39 =	vsel vm13, $0x2CFE, v39  }
0x20: {  	v42 =	vsel vm13, $0x6CFE, v42;
	v43 =	vsel vm13, $0xCFF, v43;
	v45 =	vsel vm13, $0x2CFF, v45  }
0x21: {  	v46 =	vsel vm13, $0x4CFF, v46;
	v47 =	vsel vm13, $0x6CFF, v47;
	v3 =	vsel vm12, $0x100, v2  }
0x22: {  	v2 =	vimm.s32 $0x3;
	v14 =	vsel vm12, $0x4100, v14;
	v15 =	vsel vm12, $0x6100, v15  }
0x23: {  	v19 =	vsel vm12, $0xD7A, v19;
	v20 =	vsel vm12, $0x2D7A, v20;
	v21 =	vsel vm12, $0x4D7A, v21  }
0x24: {  	v22 =	vsel vm12, $0x6D7A, v22;
	v23 =	vsel vm12, $0xD7B, v23;
	v24 =	vsel vm12, $0x2D7B, v24  }
0x25: {  	v27 =	vsel vm12, $0x6D7B, v27;
	v28 =	vsel vm12, $0xD7C, v28;
	v30 =	vsel vm12, $0x2D7C, v30  }
0x26: {  	v31 =	vsel vm12, $0x4D7C, v31;
	v32 =	vsel vm12, $0x6D7C, v32;
	v34 =	vsel vm12, $0xD7D, v34  }
0x27: {  	v35 =	vsel vm12, $0x2D7D, v35;
	v36 =	vsel vm12, $0x4D7D, v36;
	v37 =	vsel vm12, $0x6D7D, v37  }
0x28: {  	v38 =	vsel vm12, $0xD7E, v38;
	v39 =	vsel vm12, $0x2D7E, v39;
	v42 =	vsel vm12, $0x6D7E, v42  }
0x29: {  	v43 =	vsel vm12, $0xD7F, v43;
	v45 =	vsel vm12, $0x2D7F, v45;
	v46 =	vsel vm12, $0x4D7F, v46  }
0x2a: {  	v47 =	vsel vm12, $0x6D7F, v47;
	v4 =	vsel vm11, $0x180, v3;
	v3 =	vimm.s32 $0x4  }
0x2b: {  	v14 =	vsel vm11, $0x4180, v14;
	v15 =	vsel vm11, $0x6180, v15;
	v19 =	vsel vm11, $0xDFA, v19  }
0x2c: {  	v20 =	vsel vm11, $0x2DFA, v20;
	v21 =	vsel vm11, $0x4DFA, v21;
	v22 =	vsel vm11, $0x6DFA, v22  }
0x2d: {  	v23 =	vsel vm11, $0xDFB, v23;
	v24 =	vsel vm11, $0x2DFB, v24;
	v27 =	vsel vm11, $0x6DFB, v27  }
0x2e: {  	v28 =	vsel vm11, $0xDFC, v28;
	v30 =	vsel vm11, $0x2DFC, v30;
	v31 =	vsel vm11, $0x4DFC, v31  }
0x2f: {  	v32 =	vsel vm11, $0x6DFC, v32;
	v34 =	vsel vm11, $0xDFD, v34;
	v35 =	vsel vm11, $0x2DFD, v35  }
0x30: {  	v36 =	vsel vm11, $0x4DFD, v36;
	v37 =	vsel vm11, $0x6DFD, v37;
	v38 =	vsel vm11, $0xDFE, v38  }
0x31: {  	v39 =	vsel vm11, $0x2DFE, v39;
	v42 =	vsel vm11, $0x6DFE, v42;
	v43 =	vsel vm11, $0xDFF, v43  }
0x32: {  	v45 =	vsel vm11, $0x2DFF, v45;
	v46 =	vsel vm11, $0x4DFF, v46;
	v47 =	vsel vm11, $0x6DFF, v47  }
0x33: {  	v5 =	vsel vm10, $0x200, v4;
	v4 =	vimm.s32 $0x5;
	v14 =	vsel vm10, $0x4200, v14  }
0x34: {  	v15 =	vsel vm10, $0x6200, v15;
	v19 =	vsel vm10, $0xE7A, v19;
	v20 =	vsel vm10, $0x2E7A, v20  }
0x35: {  	v21 =	vsel vm10, $0x4E7A, v21;
	v22 =	vsel vm10, $0x6E7A, v22;
	v23 =	vsel vm10, $0xE7B, v23  }
0x36: {  	v24 =	vsel vm10, $0x2E7B, v24;
	v27 =	vsel vm10, $0x6E7B, v27;
	v28 =	vsel vm10, $0xE7C, v28  }
0x37: {  	v30 =	vsel vm10, $0x2E7C, v30;
	v31 =	vsel vm10, $0x4E7C, v31;
	v32 =	vsel vm10, $0x6E7C, v32  }
0x38: {  	v34 =	vsel vm10, $0xE7D, v34;
	v35 =	vsel vm10, $0x2E7D, v35;
	v36 =	vsel vm10, $0x4E7D, v36  }
0x39: {  	v37 =	vsel vm10, $0x6E7D, v37;
	v38 =	vsel vm10, $0xE7E, v38;
	v39 =	vsel vm10, $0x2E7E, v39  }
0x3a: {  	v42 =	vsel vm10, $0x6E7E, v42;
	v43 =	vsel vm10, $0xE7F, v43;
	v45 =	vsel vm10, $0x2E7F, v45  }
0x3b: {  	v46 =	vsel vm10, $0x4E7F, v46;
	v47 =	vsel vm10, $0x6E7F, v47;
	v6 =	vsel vm9, $0x280, v5  }
0x3c: {  	v5 =	vimm.s32 $0x6;
	v14 =	vsel vm9, $0x4280, v14;
	v15 =	vsel vm9, $0x6280, v15  }
0x3d: {  	v19 =	vsel vm9, $0xEFA, v19;
	v20 =	vsel vm9, $0x2EFA, v20;
	v21 =	vsel vm9, $0x4EFA, v21  }
0x3e: {  	v22 =	vsel vm9, $0x6EFA, v22;
	v23 =	vsel vm9, $0xEFB, v23;
	v24 =	vsel vm9, $0x2EFB, v24  }
0x3f: {  	v27 =	vsel vm9, $0x6EFB, v27;
	v28 =	vsel vm9, $0xEFC, v28;
	v30 =	vsel vm9, $0x2EFC, v30  }
0x40: {  	v31 =	vsel vm9, $0x4EFC, v31;
	v32 =	vsel vm9, $0x6EFC, v32;
	v34 =	vsel vm9, $0xEFD, v34  }
0x41: {  	v35 =	vsel vm9, $0x2EFD, v35;
	v36 =	vsel vm9, $0x4EFD, v36;
	v37 =	vsel vm9, $0x6EFD, v37  }
0x42: {  	v38 =	vsel vm9, $0xEFE, v38;
	v39 =	vsel vm9, $0x2EFE, v39;
	v42 =	vsel vm9, $0x6EFE, v42  }
0x43: {  	v43 =	vsel vm9, $0xEFF, v43;
	v45 =	vsel vm9, $0x2EFF, v45;
	v46 =	vsel vm9, $0x4EFF, v46  }
0x44: {  	v47 =	vsel vm9, $0x6EFF, v47;
	v7 =	vsel vm8, $0x300, v6;
	v6 =	vimm.s32 $0x7  }
0x45: {  	v14 =	vsel vm8, $0x4300, v14;
	v15 =	vsel vm8, $0x6300, v15;
	v19 =	vsel vm8, $0xF7A, v19  }
0x46: {  	v20 =	vsel vm8, $0x2F7A, v20;
	v21 =	vsel vm8, $0x4F7A, v21;
	v22 =	vsel vm8, $0x6F7A, v22  }
0x47: {  	v23 =	vsel vm8, $0xF7B, v23;
	v24 =	vsel vm8, $0x2F7B, v24;
	v27 =	vsel vm8, $0x6F7B, v27  }
0x48: {  	v28 =	vsel vm8, $0xF7C, v28;
	v30 =	vsel vm8, $0x2F7C, v30;
	v31 =	vsel vm8, $0x4F7C, v31  }
0x49: {  	v32 =	vsel vm8, $0x6F7C, v32;
	v34 =	vsel vm8, $0xF7D, v34;
	v35 =	vsel vm8, $0x2F7D, v35  }
0x4a: {  	v36 =	vsel vm8, $0x4F7D, v36;
	v37 =	vsel vm8, $0x6F7D, v37;
	v38 =	vsel vm8, $0xF7E, v38  }
0x4b: {  	v39 =	vsel vm8, $0x2F7E, v39;
	v42 =	vsel vm8, $0x6F7E, v42;
	v43 =	vsel vm8, $0xF7F, v43  }
0x4c: {  	v45 =	vsel vm8, $0x2F7F, v45;
	v46 =	vsel vm8, $0x4F7F, v46;
	v47 =	vsel vm8, $0x6F7F, v47  }
0x4d: {  	v8 =	vsel vm7, $0x380, v7;
	v7 =	vimm.s32 $0x8;
	v14 =	vsel vm7, $0x4380, v14  }
0x4e: {  	v15 =	vsel vm7, $0x6380, v15;
	v19 =	vsel vm7, $0xFFA, v19;
	v20 =	vsel vm7, $0x2FFA, v20  }
0x4f: {  	v21 =	vsel vm7, $0x4FFA, v21;
	v22 =	vsel vm7, $0x6FFA, v22;
	v23 =	vsel vm7, $0xFFB, v23  }
0x50: {  	v24 =	vsel vm7, $0x2FFB, v24;
	v27 =	vsel vm7, $0x6FFB, v27;
	v28 =	vsel vm7, $0xFFC, v28  }
0x51: {  	v30 =	vsel vm7, $0x2FFC, v30;
	v31 =	vsel vm7, $0x4FFC, v31;
	v32 =	vsel vm7, $0x6FFC, v32  }
0x52: {  	v34 =	vsel vm7, $0xFFD, v34;
	v35 =	vsel vm7, $0x2FFD, v35;
	v36 =	vsel vm7, $0x4FFD, v36  }
0x53: {  	v37 =	vsel vm7, $0x6FFD, v37;
	v38 =	vsel vm7, $0xFFE, v38;
	v39 =	vsel vm7, $0x2FFE, v39  }
0x54: {  	v42 =	vsel vm7, $0x6FFE, v42;
	v43 =	vsel vm7, $0xFFF, v43;
	v45 =	vsel vm7, $0x2FFF, v45  }
0x55: {  	v46 =	vsel vm7, $0x4FFF, v46;
	v47 =	vsel vm7, $0x6FFF, v47;
	v9 =	vsel vm6, $0x1000, v8  }
0x56: {  	v8 =	vimm.s32 $0x9;
	v14 =	vsel vm6, $0x5000, v14;
	v15 =	vsel vm6, $0x7000, v15  }
0x57: {  	v19 =	vsel vm6, $0x1C7A, v19;
	v20 =	vsel vm6, $0x3C7A, v20;
	v21 =	vsel vm6, $0x5C7A, v21  }
0x58: {  	v22 =	vsel vm6, $0x7C7A, v22;
	v23 =	vsel vm6, $0x1C7B, v23;
	v24 =	vsel vm6, $0x3C7B, v24  }
0x59: {  	v27 =	vsel vm6, $0x7C7B, v27;
	v28 =	vsel vm6, $0x1C7C, v28;
	v30 =	vsel vm6, $0x3C7C, v30  }
0x5a: {  	v31 =	vsel vm6, $0x5C7C, v31;
	v32 =	vsel vm6, $0x7C7C, v32;
	v34 =	vsel vm6, $0x1C7D, v34  }
0x5b: {  	v35 =	vsel vm6, $0x3C7D, v35;
	v36 =	vsel vm6, $0x5C7D, v36;
	v37 =	vsel vm6, $0x7C7D, v37  }
0x5c: {  	v38 =	vsel vm6, $0x1C7E, v38;
	v39 =	vsel vm6, $0x3C7E, v39;
	v42 =	vsel vm6, $0x7C7E, v42  }
0x5d: {  	v43 =	vsel vm6, $0x1C7F, v43;
	v45 =	vsel vm6, $0x3C7F, v45;
	v46 =	vsel vm6, $0x5C7F, v46  }
0x5e: {  	v47 =	vsel vm6, $0x7C7F, v47;
	v10 =	vsel vm5, $0x1080, v9;
	v9 =	vimm.s32 $0xA  }
0x5f: {  	v14 =	vsel vm5, $0x5080, v14;
	v15 =	vsel vm5, $0x7080, v15;
	v19 =	vsel vm5, $0x1CFA, v19  }
0x60: {  	v20 =	vsel vm5, $0x3CFA, v20;
	v21 =	vsel vm5, $0x5CFA, v21;
	v22 =	vsel vm5, $0x7CFA, v22  }
0x61: {  	v23 =	vsel vm5, $0x1CFB, v23;
	v24 =	vsel vm5, $0x3CFB, v24;
	v27 =	vsel vm5, $0x7CFB, v27  }
0x62: {  	v28 =	vsel vm5, $0x1CFC, v28;
	v30 =	vsel vm5, $0x3CFC, v30;
	v31 =	vsel vm5, $0x5CFC, v31  }
0x63: {  	v32 =	vsel vm5, $0x7CFC, v32;
	v34 =	vsel vm5, $0x1CFD, v34;
	v35 =	vsel vm5, $0x3CFD, v35  }
0x64: {  	v36 =	vsel vm5, $0x5CFD, v36;
	v37 =	vsel vm5, $0x7CFD, v37;
	v38 =	vsel vm5, $0x1CFE, v38  }
0x65: {  	v39 =	vsel vm5, $0x3CFE, v39;
	v42 =	vsel vm5, $0x7CFE, v42;
	v43 =	vsel vm5, $0x1CFF, v43  }
0x66: {  	v45 =	vsel vm5, $0x3CFF, v45;
	v46 =	vsel vm5, $0x5CFF, v46;
	v47 =	vsel vm5, $0x7CFF, v47  }
0x67: {  	v10 =	vsel vm4, $0x1100, v10;
	v14 =	vsel vm4, $0x5100, v14;
	v15 =	vsel vm4, $0x7100, v15  }
0x68: {  	v19 =	vsel vm4, $0x1D7A, v19;
	v20 =	vsel vm4, $0x3D7A, v20;
	v21 =	vsel vm4, $0x5D7A, v21  }
0x69: {  	v22 =	vsel vm4, $0x7D7A, v22;
	v23 =	vsel vm4, $0x1D7B, v23;
	v24 =	vsel vm4, $0x3D7B, v24  }
0x6a: {  	v27 =	vsel vm4, $0x7D7B, v27;
	v28 =	vsel vm4, $0x1D7C, v28;
	v30 =	vsel vm4, $0x3D7C, v30  }
0x6b: {  	v31 =	vsel vm4, $0x5D7C, v31;
	v32 =	vsel vm4, $0x7D7C, v32;
	v34 =	vsel vm4, $0x1D7D, v34  }
0x6c: {  	v35 =	vsel vm4, $0x3D7D, v35;
	v36 =	vsel vm4, $0x5D7D, v36;
	v37 =	vsel vm4, $0x7D7D, v37  }
0x6d: {  	v38 =	vsel vm4, $0x1D7E, v38;
	v39 =	vsel vm4, $0x3D7E, v39;
	v42 =	vsel vm4, $0x7D7E, v42  }
0x6e: {  	v43 =	vsel vm4, $0x1D7F, v43;
	v45 =	vsel vm4, $0x3D7F, v45;
	v46 =	vsel vm4, $0x5D7F, v46  }
0x6f: {  	v47 =	vsel vm4, $0x7D7F, v47;
	v12 =	vsel vm2, $0x1180, v10;
	v10 =	vmul.u32 $0x80, v11  }
0x70: {  	v14 =	vsel vm2, $0x5180, v14;
	v17 =	vsel vm2, $0x7180, v15;
	v19 =	vsel vm2, $0x1DFA, v19  }
0x71: {  	v20 =	vsel vm2, $0x3DFA, v20;
	v21 =	vsel vm2, $0x5DFA, v21;
	v22 =	vsel vm2, $0x7DFA, v22  }
0x72: {  	v23 =	vsel vm2, $0x1DFB, v23;
	v26 =	vsel vm2, $0x3DFB, v24;
	v27 =	vsel vm2, $0x7DFB, v27  }
0x73: {  	v28 =	vsel vm2, $0x1DFC, v28;
	v30 =	vsel vm2, $0x3DFC, v30;
	v31 =	vsel vm2, $0x5DFC, v31  }
0x74: {  	v32 =	vsel vm2, $0x7DFC, v32;
	v34 =	vsel vm2, $0x1DFD, v34;
	v35 =	vsel vm2, $0x3DFD, v35  }
0x75: {  	v36 =	vsel vm2, $0x5DFD, v36;
	v37 =	vsel vm2, $0x7DFD, v37;
	v38 =	vsel vm2, $0x1DFE, v38  }
0x76: {  	v39 =	vsel vm2, $0x3DFE, v39;
	v42 =	vsel vm2, $0x7DFE, v42;
	v43 =	vsel vm2, $0x1DFF, v43  }
0x77: {  	v45 =	vsel vm2, $0x3DFF, v45;
	v46 =	vsel vm2, $0x5DFF, v46;
	v47 =	vsel vm2, $0x7DFF, v47  }
0x78: {  	v11 =	vsel vm3, $0x1200, v12;
	v12 =	vimm.s32 $0x3380;
	v14 =	vsel vm3, $0x5200, v14  }
0x79: {  	v17 =	vsel vm3, $0x7200, v17;
	v19 =	vsel vm3, $0x1E7A, v19;
	v20 =	vsel vm3, $0x3E7A, v20  }
0x7a: {  	v21 =	vsel vm3, $0x5E7A, v21;
	v22 =	vsel vm3, $0x7E7A, v22;
	v23 =	vsel vm3, $0x1E7B, v23  }
0x7b: {  	v27 =	vsel vm3, $0x7E7B, v27;
	v29 =	vsel vm3, $0x1E7C, v28;
	v28 =	vimm.s32 $0xF8C  }
0x7c: {  	v30 =	vsel vm3, $0x3E7C, v30;
	v31 =	vsel vm3, $0x5E7C, v31;
	v32 =	vsel vm3, $0x7E7C, v32  }
0x7d: {  	v34 =	vsel vm3, $0x1E7D, v34;
	v35 =	vsel vm3, $0x3E7D, v35;
	v36 =	vsel vm3, $0x5E7D, v36  }
0x7e: {  	v37 =	vsel vm3, $0x7E7D, v37;
	v40 =	vsel vm3, $0x1E7E, v38;
	v39 =	vsel vm3, $0x3E7E, v39  }
0x7f: {  	v38 =	vimm.s32 $0xF8E;
	v42 =	vsel vm3, $0x7E7E, v42;
	v43 =	vsel vm3, $0x1E7F, v43  }
0x80: {  	v45 =	vsel vm3, $0x3E7F, v45;
	v46 =	vsel vm3, $0x5E7F, v46;
	v47 =	vsel vm3, $0x7E7F, v47  }
0x81: {  	v11 =	vsel vm1, $0x1280, v11;
	v13 =	vsel vm14, $0x2000, v12;
	v12 =	vor.u32 $0x800, v10  }
0x82: {  	v16 =	vsel vm1, $0x5280, v14;
	v14 =	vor.u32 $0x1000, v10;
	v17 =	vsel vm1, $0x7280, v17  }
0x83: {  	v19 =	vsel vm1, $0x1EFA, v19;
	v20 =	vsel vm1, $0x3EFA, v20;
	v21 =	vsel vm1, $0x5EFA, v21  }
0x84: {  	v22 =	vsel vm1, $0x7EFA, v22;
	v25 =	vsel vm1, $0x1EFB, v23;
	v23 =	vimm.s32 $0xF8B  }
0x85: {  	v27 =	vsel vm1, $0x7EFB, v27;
	v29 =	vsel vm1, $0x1EFC, v29;
	v30 =	vsel vm1, $0x3EFC, v30  }
0x86: {  	v31 =	vsel vm1, $0x5EFC, v31;
	v32 =	vsel vm1, $0x7EFC, v32;
	v34 =	vsel vm1, $0x1EFD, v34  }
0x87: {  	v35 =	vsel vm1, $0x3EFD, v35;
	v36 =	vsel vm1, $0x5EFD, v36;
	v37 =	vsel vm1, $0x7EFD, v37  }
0x88: {  	v40 =	vsel vm1, $0x1EFE, v40;
	v41 =	vsel vm1, $0x3EFE, v39;
	v42 =	vsel vm1, $0x7EFE, v42  }
0x89: {  	v44 =	vsel vm1, $0x1EFF, v43;
	v43 =	vimm.s32 $0xF8F;
	v45 =	vsel vm1, $0x3EFF, v45  }
0x8a: {  	v46 =	vsel vm1, $0x5EFF, v46;
	v47 =	vsel vm1, $0x7EFF, v47;
	v11 =	vsel vm0, $0x1300, v11  }
0x8b: {  	v13 =	vsel vm13, $0x2080, v13;
	v15 =	vsel vm0, $0x5300, v16;
	v16 =	vor.u32 $0x1800, v10  }
0x8c: {  	v17 =	vsel vm0, $0x7300, v17;
	v19 =	vsel vm0, $0x1F7A, v19;
	v20 =	vsel vm0, $0x3F7A, v20  }
0x8d: {  	v21 =	vsel vm0, $0x5F7A, v21;
	v22 =	vsel vm0, $0x7F7A, v22;
	v24 =	vsel vm0, $0x1F7B, v25  }
0x8e: {  	v25 =	vsel vm3, $0x3E7B, v26;
	v26 =	vimm.s32 $0x5FFB;
	v27 =	vsel vm0, $0x7F7B, v27  }
0x8f: {  	v29 =	vsel vm0, $0x1F7C, v29;
	v30 =	vsel vm0, $0x3F7C, v30;
	v31 =	vsel vm0, $0x5F7C, v31  }
0x90: {  	v32 =	vsel vm0, $0x7F7C, v32;
	v34 =	vsel vm0, $0x1F7D, v34;
	v35 =	vsel vm0, $0x3F7D, v35  }
0x91: {  	v36 =	vsel vm0, $0x5F7D, v36;
	v37 =	vsel vm0, $0x7F7D, v37;
	v39 =	vsel vm0, $0x1F7E, v40  }
0x92: {  	s0 =	rddreg [dreg:$0x0];
	v40 =	vsel vm0, $0x3F7E, v41;
	v41 =	vsel vm14, $0x4C7E, v63;
	v42 =	vsel vm0, $0x7F7E, v42  }
0x93: {  	s1 =	srdreg.scid;
	s2 =	rddreg [dreg:$0x1];
	v44 =	vsel vm0, $0x1F7F, v44;
	v45 =	vsel vm0, $0x3F7F, v45;
	v46 =	vsel vm0, $0x5F7F, v46  }
0x94: {  	s3 =	stileid.u32;
	s7 =	simm.s32 $0x400;
	s9 =	simm.s32 $0x7A1400;
	v47 =	vsel vm0, $0x7F7F, v47;
	v13 =	vsel vm12, $0x2100, v13;
	v26 =	vsel vm14, $0x4C7B, v26  }
0x95: {  	s10 =	simm.s32 $0x1000;
	s11 =	simm.s32 $0x3000;
	s12 =	simm.s32 $0x5000;
	v25 =	vsel vm1, $0x3EFB, v25;
	v41 =	vsel vm13, $0x4CFE, v41;
	v26 =	vsel vm13, $0x4CFB, v26  }
0x96: {  	s13 =	simm.s32 $0x7000;
	s14 =	simm.s32 $0x9000;
	s15 =	simm.s32 $0xB000;
	v13 =	vsel vm11, $0x2180, v13;
	v41 =	vsel vm12, $0x4D7E, v41;
	v26 =	vsel vm12, $0x4D7B, v26  }
0x97: {  	s6 =	simm.s32 $0x11000;
	s30 =	simm.s32 $0x13000;
	s20 =	simm.s32 $0x15000;
	v25 =	vsel vm0, $0x3F7B, v25;
	v41 =	vsel vm11, $0x4DFE, v41;
	v26 =	vsel vm11, $0x4DFB, v26  }
0x98: {  	s29 =	simm.s32 $0x1;
	s22 =	simm.s32 $0x17000;
	s8 =	simm.s32 $0x0;
	v13 =	vsel vm10, $0x2200, v13;
	v41 =	vsel vm10, $0x4E7E, v41;
	v26 =	vsel vm10, $0x4E7B, v26  }
0x99: {  	s24 =	simm.s32 $0x2;
	s18 =	simm.s32 $0xF000;
	s21 =	simm.s32 $0x7;
	v13 =	vsel vm9, $0x2280, v13;
	v41 =	vsel vm9, $0x4EFE, v41;
	v26 =	vsel vm9, $0x4EFB, v26  }
0x9a: {  	s23 =	simm.s32 $0x8;
	s28 =	simm.s32 $0x9;
	s16 =	simm.s32 $0xA;
	v13 =	vsel vm8, $0x2300, v13;
	v41 =	vsel vm8, $0x4F7E, v41;
	v26 =	vsel vm8, $0x4F7B, v26  }
0x9b: {  	s17 =	simm.s32 $0xD000;
	s19 =	simm.s32 $0x11000;
	s1 =	sand.u32 $0x1, s1;
	v13 =	vsel vm7, $0x2380, v13;
	v41 =	vsel vm7, $0x4FFE, v41;
	v26 =	vsel vm7, $0x4FFB, v26  }
0x9c: {  	s4 =	sshll.u32 s3, $0xA;
	s3 =	simm.s32 $0x0;
	s5 =	sshll.u32 s1, $0x9;
	v13 =	vsel vm6, $0x3000, v13;
	v41 =	vsel vm6, $0x5C7E, v41;
	v26 =	vsel vm6, $0x5C7B, v26  }
0x9d: {  	s1 =	ssub.s32 $0x2, s1;
	[smem:$0x7FF] =	sst s3;
	s4 =	sor.u32 s5, s4;
	v13 =	vsel vm5, $0x3080, v13;
	v41 =	vsel vm5, $0x5CFE, v41;
	v26 =	vsel vm5, $0x5CFB, v26  }
0x9e: {  	s25 =	sshrl.u32 s1, $0x1;
	_ =	strace $0x80000047;
	s0 =	sadd.s32 s4, s0;
	v13 =	vsel vm4, $0x3100, v13;
	v41 =	vsel vm4, $0x5D7E, v41;
	v26 =	vsel vm4, $0x5D7B, v26  }
0x9f: {  	s5 =	simm.s32 $0xF000;
	s1 =	ssub.s32 s1, s25;
	s26 =	sadd.s32 $0x1400, s0;
	v13 =	vsel vm2, $0x3180, v13;
	v41 =	vsel vm2, $0x5DFE, v41;
	v26 =	vsel vm2, $0x5DFB, v26  }
0xa0: {  	s4 =	simm.s32 $0xC;
	s0 =	sadd.s32 $0x5400, s0;
	[dreg:$0x3] =	wrdreg s26;
	v13 =	vsel vm3, $0x3200, v13;
	v41 =	vsel vm3, $0x5E7E, v41;
	v26 =	vsel vm3, $0x5E7B, v26  }
0xa1: {  	s25 =	simm.s32 $0x3;
	s31 =	smax.u32 s1, $0x1;
	[dreg:$0x4] =	wrdreg s0;
	v13 =	vsel vm1, $0x3280, v13;
	v41 =	vsel vm1, $0x5EFE, v41;
	v26 =	vsel vm1, $0x5EFB, v26  }
0xa2: {  	s1 =	simm.s32 $0xD000;
	[dreg:$0x5] =	wrdreg s31;
	s26 =	simm.s32 $0x4;
	v13 =	vsel vm0, $0x3300, v13;
	v41 =	vsel vm0, $0x5F7E, v41;
	v26 =	vsel vm0, $0x5F7B, v26  }
.LBB2_1:
0xa3: {  	[dreg:$0x6] =	wrdreg s8  }
0xa4: {  	s0 =	rddreg [dreg:$0x3]  }
0xa5: {  	[tilespmem:s3], [sflag:$0xC] =	stream.linear.gather [hbm4b:s0+s3], $0x1000, $0x38;
	[tilespmem:$0x1F000] =	vst v63  }
0xa6: {  	_ =	swait.ge [sflag:s4], $0x1000  }
0xa7: {  	[sflag:s4] =	ssyncset.done $0x0  }
0xa8: {  	[sflag:s4] =	ssyncadd.s32 $0xFFFFF000  }
0xa9: {  	v48 =	vld.msk [tilespmem:s3+$0x0], $0xffff;
	_ =	sdelay $0x4  }
0xaa: {  	(v2sf) =	vpush v48, $0x0;
	_ =	sdelay $0xe  }
0xab: {  	s0 =	spop (v2sf)  }
0xac: {  	s4 =	sand.u32 $0xFFFFFF80, s0  }
0xad: {  	p0 =	slt.s32 s4, $0xF4180  }
0xae: {  	s4 =	simm.s32 @!p0 $0xF4180  }
0xaf: {  	s4 =	sadd.s32 s2, s4  }
0xb0: {  	[tilespmem:s10], [sflag:$0x1] =	stream.strided.gather [hbm4b:s4+s7], $0x2000, s9, s7, $0x38;
	[tilespmem:$0x1F000] =	vst v63  }
0xb1: {  	v54 =	vld.idx.msk [tilespmem:v0+s3+$0x0], $0xffff;
	_ =	sdelay $0x4  }
0xb2: {  	(v2sf) =	vpush v54, $0x0;
	_ =	sdelay $0xe  }
0xb3: {  	s8 =	spop (v2sf)  }
0xb4: {  	s4 =	sand.u32 $0xFFFFFF80, s8  }
0xb5: {  	p0 =	slt.s32 s4, $0xF4180  }
0xb6: {  	s4 =	simm.s32 @!p0 $0xF4180  }
0xb7: {  	s4 =	sadd.s32 s2, s4  }
0xb8: {  	[tilespmem:s11], [sflag:$0x2] =	stream.strided.gather [hbm4b:s4+s7], $0x2000, s9, s7, $0x38;
	[tilespmem:$0x1F000] =	vst v63  }
0xb9: {  	v55 =	vld.idx.msk [tilespmem:v1+s3+$0x0], $0xffff;
	_ =	sdelay $0x4  }
0xba: {  	(v2sf) =	vpush v55, $0x0;
	_ =	sdelay $0xe  }
0xbb: {  	s31 =	spop (v2sf)  }
0xbc: {  	s4 =	sand.u32 $0xFFFFFF80, s31  }
0xbd: {  	p0 =	slt.s32 s4, $0xF4180  }
0xbe: {  	s4 =	simm.s32 @!p0 $0xF4180  }
0xbf: {  	s4 =	sadd.s32 s2, s4  }
0xc0: {  	[tilespmem:s12], [sflag:$0x3] =	stream.strided.gather [hbm4b:s4+s7], $0x2000, s9, s7, $0x38;
	[tilespmem:$0x1F000] =	vst v63  }
0xc1: {  	v56 =	vld.idx.msk [tilespmem:v2+s3+$0x0], $0xffff;
	_ =	sdelay $0x4  }
0xc2: {  	(v2sf) =	vpush v56, $0x0;
	_ =	sdelay $0xe  }
0xc3: {  	s0 =	spop (v2sf)  }
0xc4: {  	s4 =	sand.u32 $0xFFFFFF80, s0  }
0xc5: {  	p0 =	slt.s32 s4, $0xF4180  }
0xc6: {  	s4 =	simm.s32 @!p0 $0xF4180  }
0xc7: {  	s4 =	sadd.s32 s2, s4  }
0xc8: {  	[tilespmem:s13], [sflag:$0x4] =	stream.strided.gather [hbm4b:s4+s7], $0x2000, s9, s7, $0x38;
	[tilespmem:$0x1F000] =	vst v63  }
0xc9: {  	v57 =	vld.idx.msk [tilespmem:v3+s3+$0x0], $0xffff;
	_ =	sdelay $0x4  }
0xca: {  	(v2sf) =	vpush v57, $0x0;
	_ =	sdelay $0xe  }
0xcb: {  	s8 =	spop (v2sf)  }
0xcc: {  	s4 =	sand.u32 $0xFFFFFF80, s8  }
0xcd: {  	p0 =	slt.s32 s4, $0xF4180  }
0xce: {  	s4 =	simm.s32 @!p0 $0xF4180  }
0xcf: {  	s4 =	sadd.s32 s2, s4  }
0xd0: {  	[tilespmem:s14], [sflag:$0x5] =	stream.strided.gather [hbm4b:s4+s7], $0x2000, s9, s7, $0x38;
	[tilespmem:$0x1F000] =	vst v63  }
0xd1: {  	v58 =	vld.idx.msk [tilespmem:v4+s3+$0x0], $0xffff;
	_ =	sdelay $0x4  }
0xd2: {  	(v2sf) =	vpush v58, $0x0;
	_ =	sdelay $0xe  }
0xd3: {  	s31 =	spop (v2sf)  }
0xd4: {  	s4 =	sand.u32 $0xFFFFFF80, s31  }
0xd5: {  	p0 =	slt.s32 s4, $0xF4180  }
0xd6: {  	s4 =	simm.s32 @!p0 $0xF4180  }
0xd7: {  	s4 =	sadd.s32 s2, s4  }
0xd8: {  	[tilespmem:s15], [sflag:$0x6] =	stream.strided.gather [hbm4b:s4+s7], $0x2000, s9, s7, $0x38;
	[tilespmem:$0x1F000] =	vst v63  }
0xd9: {  	v59 =	vld.idx.msk [tilespmem:v5+s3+$0x0], $0xffff;
	_ =	sdelay $0x4  }
0xda: {  	(v2sf) =	vpush v59, $0x0;
	_ =	sdelay $0xe  }
0xdb: {  	s0 =	spop (v2sf)  }
0xdc: {  	s4 =	sand.u32 $0xFFFFFF80, s0  }
0xdd: {  	p0 =	slt.s32 s4, $0xF4180  }
0xde: {  	s4 =	simm.s32 @!p0 $0xF4180  }
0xdf: {  	s4 =	sadd.s32 s2, s4  }
0xe0: {  	[tilespmem:s1], [sflag:$0x7] =	stream.strided.gather [hbm4b:s4+s7], $0x2000, s9, s7, $0x38;
	[tilespmem:$0x1F000] =	vst v63  }
0xe1: {  	v60 =	vld.idx.msk [tilespmem:v6+s3+$0x0], $0xffff;
	_ =	sdelay $0x4  }
0xe2: {  	(v2sf) =	vpush v60, $0x0;
	_ =	sdelay $0xe  }
0xe3: {  	s1 =	spop (v2sf)  }
0xe4: {  	s4 =	sand.u32 $0xFFFFFF80, s1  }
0xe5: {  	p0 =	slt.s32 s4, $0xF4180  }
0xe6: {  	s4 =	simm.s32 @!p0 $0xF4180  }
0xe7: {  	s4 =	sadd.s32 s2, s4  }
0xe8: {  	[tilespmem:s5], [sflag:$0x8] =	stream.strided.gather [hbm4b:s4+s7], $0x2000, s9, s7, $0x38;
	[tilespmem:$0x1F000] =	vst v63  }
0xe9: {  	v61 =	vld.idx.msk [tilespmem:v7+s3+$0x0], $0xffff;
	_ =	sdelay $0x4  }
0xea: {  	(v2sf) =	vpush v61, $0x0;
	_ =	sdelay $0xe  }
0xeb: {  	s5 =	spop (v2sf)  }
0xec: {  	s4 =	sand.u32 $0xFFFFFF80, s5  }
0xed: {  	p0 =	slt.s32 s4, $0xF4180  }
0xee: {  	s4 =	simm.s32 @!p0 $0xF4180  }
0xef: {  	s4 =	sadd.s32 s2, s4  }
0xf0: {  	[tilespmem:s6], [sflag:$0x9] =	stream.strided.gather [hbm4b:s4+s7], $0x2000, s9, s7, $0x38;
	[tilespmem:$0x1F000] =	vst v63  }
0xf1: {  	v62 =	vld.idx.msk [tilespmem:v8+s3+$0x0], $0xffff;
	_ =	sdelay $0x4  }
0xf2: {  	(v2sf) =	vpush v62, $0x0;
	_ =	sdelay $0xe  }
0xf3: {  	s8 =	spop (v2sf)  }
0xf4: {  	s4 =	sand.u32 $0xFFFFFF80, s8  }
0xf5: {  	p0 =	slt.s32 s4, $0xF4180  }
0xf6: {  	s4 =	simm.s32 @!p0 $0xF4180  }
0xf7: {  	s4 =	sadd.s32 s2, s4  }
0xf8: {  	[tilespmem:s30], [sflag:$0xA] =	stream.strided.gather [hbm4b:s4+s7], $0x2000, s9, s7, $0x38;
	[tilespmem:$0x1F000] =	vst v63  }
0xf9: {  	v63 =	vld.idx.msk [tilespmem:v9+s3+$0x0], $0xffff;
	_ =	sdelay $0x4  }
0xfa: {  	(v2sf) =	vpush v63, $0x0;
	_ =	sdelay $0xe  }
0xfb: {  	s31 =	spop (v2sf)  }
0xfc: {  	s4 =	sand.u32 $0xFFFFFF80, s31  }
0xfd: {  	p0 =	slt.s32 s4, $0xF4180  }
0xfe: {  	s4 =	simm.s32 @!p0 $0xF4180  }
0xff: {  	s5 =	simm.s32 $0x14;
	s4 =	sadd.s32 s2, s4  }
0x100: {  	[tilespmem:s20], [sflag:$0xB] =	stream.strided.gather [hbm4b:s4+s7], $0x2000, s9, s7, $0x38;
	[tilespmem:$0x1F000] =	vst v63  }
.LBB2_2:
0x101: {  	p0 =	seq.s32 s5, $0x14;
	s8 =	sadd.s32 $0xFFFFFFF6, s5  }
0x102: {  	s4 =	sshll.u32 @!p0 s8, $0x3  }
0x103: {  	s6 =	sand.u32 @!p0 $0xF, s8;
	s4 =	sand.u32 @!p0 $0xFFFFFF80, s4  }
0x104: {  	s4 =	sor.u32 @!p0 s6, s4  }
0x105: {  	v48 =	vmov @!p0 s4;
	_ =	sdelay $0x1  }
0x106: {  	_ =	swait.ge [sflag:s29], $0x2000  }
0x107: {  	[sflag:s29] =	ssyncset.done $0x0  }
0x108: {  	[sflag:s29] =	ssyncadd.s32 $0xFFFFE000;
	s4 =	simm.s32 @!p0 $0x0  }
0x109: {  	v48 =	vld.idx.msk @!p0 [tilespmem:v48+s4+$0x0], $0xffff;
	_ =	sdelay $0x4  }
0x10a: {  	(v2sf) =	vpush @!p0 v48, $0x0;
	_ =	sdelay $0xd  }
0x10b: {  	s4 =	sadd.s32 $0xFFFFFFEC, s5  }
0x10c: {  	s29 =	sshll.u32 s4, $0x3;
	s6 =	spop @!p0 (v2sf)  }
0x10d: {  	s29 =	sand.u32 $0xFFFFFF80, s29;
	s30 =	sand.u32 @!p0 $0xFFFFFF80, s6;
	s6 =	sand.u32 $0xF, s4  }
0x10e: {  	s29 =	sor.u32 s6, s29  }
0x10f: {  	p1 =	slt.s32 @!p0 s30, $0xF4180;
	v58 =	vmov s29  }
0x110: {  	p1 =	por !p1, p0  }
0x111: {  	s31 =	simm.s32 @!p0 $0x7A1400;
	s30 =	simm.s32 @p1 $0xF4180  }
0x112: {  	s1 =	simm.s32 @!p0 $0x15000;
	s29 =	sadd.s32 @!p0 s2, s30;
	s30 =	simm.s32 @!p0 $0x400  }
0x113: {  	[tilespmem:s1], [sflag:$0xB] =	stream.strided.gather @!p0 [hbm4b:s29+s30], $0x2000, s31, s30, $0x38;
	[tilespmem:$0x1F000] =	vst v63  }
0x114: {  	v48 =	vld.idx.msk [tilespmem:v58+s3+$0x0], $0xffff;
	_ =	sdelay $0x4  }
0x115: {  	(v2sf) =	vpush v48, $0x0;
	_ =	sdelay $0xe  }
0x116: {  	s0 =	spop (v2sf)  }
0x117: {  	s29 =	sand.u32 $0xFFFFFF80, s0  }
0x118: {  	p0 =	slt.s32 s29, $0xF4180  }
0x119: {  	s29 =	simm.s32 @!p0 $0xF4180  }
0x11a: {  	s1 =	ssub.s32 s0, s29  }
0x11b: {  	p0 =	slt.s32 s1, $0x7F  }
0x11c: {  	s1 =	simm.s32 @!p0 $0x7F  }
0x11d: {  	v59 =	vadd.s32 s1, v10  }
0x11e: {  	v49 =	vmov s4  }
0x11f: {  	v50 =	vshll.u32 v49, $0x3  }
0x120: {  	v49 =	vand.u32 $0x7F, v49;
	v50 =	vand.u32 $0x1C00, v50  }
0x121: {  	v49 =	vor.u32 v49, v50  }
0x122: {  	v50 =	vadd.s32 v11, v49;
	v48 =	vld.idx.msk [tilespmem:v59+s10+$0x0], $0xffff  }
0x123: {  	v51 =	vadd.s32 s1, v12;
	_ =	sdelay $0x3  }
0x124: {  	[tilespmem:v50+s22+$0x0] =	vst.idx.msk $0xffff, v48  }
0x125: {  	v60 =	vadd.s32 v13, v49;
	v48 =	vld.idx.msk [tilespmem:v51+s10+$0x0], $0xffff  }
0x126: {  	v61 =	vadd.s32 s1, v14;
	_ =	sdelay $0x3  }
0x127: {  	[tilespmem:v60+s22+$0x0] =	vst.idx.msk $0xffff, v48  }
0x128: {  	v62 =	vadd.s32 v15, v49;
	v48 =	vld.idx.msk [tilespmem:v61+s10+$0x0], $0xffff  }
0x129: {  	v63 =	vadd.s32 s1, v16;
	_ =	sdelay $0x3  }
0x12a: {  	[tilespmem:v62+s22+$0x0] =	vst.idx.msk $0xffff, v48  }
0x12b: {  	v49 =	vadd.s32 v17, v49;
	s4 =	sadd.s32 $0xFFFFFFF7, s5;
	v48 =	vld.idx.msk [tilespmem:v63+s10+$0x0], $0xffff  }
0x12c: {  	s31 =	sshll.u32 s4, $0x3  }
0x12d: {  	s1 =	sand.u32 $0xF, s4;
	s4 =	sand.u32 $0xFFFFFF80, s31  }
0x12e: {  	s1 =	sor.u32 s1, s4  }
0x12f: {  	v53 =	vmov s1  }
0x130: {  	[tilespmem:v49+s22+$0x0] =	vst.idx.msk $0xffff, v48  }
0x131: {  	_ =	swait.ge [sflag:s24], $0x2000  }
0x132: {  	[sflag:s24] =	ssyncset.done $0x0  }
0x133: {  	[sflag:s24] =	ssyncadd.s32 $0xFFFFE000  }
0x134: {  	v54 =	vld.idx.msk [tilespmem:v53+s3+$0x0], $0xffff;
	_ =	sdelay $0x4  }
0x135: {  	(v2sf) =	vpush v54, $0x0;
	_ =	sdelay $0xb  }
0x136: {  	s1 =	sadd.s32 $0xFFFFFFED, s5  }
0x137: {  	s0 =	sshll.u32 s1, $0x3  }
0x138: {  	s29 =	sand.u32 $0xF, s1;
	s4 =	sand.u32 $0xFFFFFF80, s0  }
0x139: {  	s4 =	sor.u32 s29, s4;
	s30 =	spop (v2sf)  }
0x13a: {  	v55 =	vmov s4;
	s29 =	sand.u32 $0xFFFFFF80, s30  }
0x13b: {  	p0 =	slt.s32 s29, $0xF4180  }
0x13c: {  	s29 =	simm.s32 @!p0 $0xF4180  }
0x13d: {  	s31 =	sadd.s32 s2, s29  }
0x13e: {  	[tilespmem:s10], [sflag:$0x1] =	stream.strided.gather [hbm4b:s31+s7], $0x2000, s9, s7, $0x38;
	[tilespmem:$0x1F000] =	vst v63  }
0x13f: {  	v48 =	vld.idx.msk [tilespmem:v55+s3+$0x0], $0xffff;
	_ =	sdelay $0x4  }
0x140: {  	(v2sf) =	vpush v48, $0x0;
	_ =	sdelay $0xe  }
0x141: {  	s0 =	spop (v2sf)  }
0x142: {  	s29 =	sand.u32 $0xFFFFFF80, s0  }
0x143: {  	p0 =	slt.s32 s29, $0xF4180  }
0x144: {  	s29 =	simm.s32 @!p0 $0xF4180  }
0x145: {  	s4 =	ssub.s32 s0, s29  }
0x146: {  	p0 =	slt.s32 s4, $0x7F  }
0x147: {  	s4 =	simm.s32 @!p0 $0x7F  }
0x148: {  	v56 =	vadd.s32 s4, v10  }
0x149: {  	v57 =	vmov s1  }
0x14a: {  	v58 =	vshll.u32 v57, $0x3  }
0x14b: {  	v50 =	vand.u32 $0x3C00, v58;
	v49 =	vand.u32 $0x7F, v57  }
0x14c: {  	v49 =	vor.u32 v49, v50  }
0x14d: {  	v50 =	vadd.s32 v11, v49;
	v48 =	vld.idx.msk [tilespmem:v56+s11+$0x0], $0xffff  }
0x14e: {  	v59 =	vadd.s32 s4, v12;
	_ =	sdelay $0x3  }
0x14f: {  	[tilespmem:v50+s22+$0x0] =	vst.idx.msk $0xffff, v48  }
0x150: {  	v60 =	vadd.s32 v13, v49;
	v48 =	vld.idx.msk [tilespmem:v59+s11+$0x0], $0xffff  }
0x151: {  	v61 =	vadd.s32 s4, v14;
	_ =	sdelay $0x3  }
0x152: {  	[tilespmem:v60+s22+$0x0] =	vst.idx.msk $0xffff, v48  }
0x153: {  	v62 =	vadd.s32 v15, v49;
	v48 =	vld.idx.msk [tilespmem:v61+s11+$0x0], $0xffff  }
0x154: {  	v63 =	vadd.s32 s4, v16;
	_ =	sdelay $0x3  }
0x155: {  	[tilespmem:v62+s22+$0x0] =	vst.idx.msk $0xffff, v48  }
0x156: {  	v49 =	vadd.s32 v17, v49;
	s4 =	sadd.s32 $0xFFFFFFF8, s5;
	v48 =	vld.idx.msk [tilespmem:v63+s11+$0x0], $0xffff  }
0x157: {  	s31 =	sshll.u32 s4, $0x3  }
0x158: {  	s1 =	sand.u32 $0xF, s4;
	s4 =	sand.u32 $0xFFFFFF80, s31  }
0x159: {  	s1 =	sor.u32 s1, s4  }
0x15a: {  	v53 =	vmov s1  }
0x15b: {  	[tilespmem:v49+s22+$0x0] =	vst.idx.msk $0xffff, v48  }
0x15c: {  	_ =	swait.ge [sflag:s25], $0x2000  }
0x15d: {  	[sflag:s25] =	ssyncset.done $0x0  }
0x15e: {  	[sflag:s25] =	ssyncadd.s32 $0xFFFFE000  }
0x15f: {  	v54 =	vld.idx.msk [tilespmem:v53+s3+$0x0], $0xffff;
	_ =	sdelay $0x4  }
0x160: {  	(v2sf) =	vpush v54, $0x0;
	_ =	sdelay $0xb  }
0x161: {  	s1 =	sadd.s32 $0xFFFFFFEE, s5  }
0x162: {  	s0 =	sshll.u32 s1, $0x3  }
0x163: {  	s29 =	sand.u32 $0xF, s1;
	s4 =	sand.u32 $0xFFFFFF80, s0  }
0x164: {  	s4 =	sor.u32 s29, s4;
	s30 =	spop (v2sf)  }
0x165: {  	v55 =	vmov s4;
	s29 =	sand.u32 $0xFFFFFF80, s30  }
0x166: {  	p0 =	slt.s32 s29, $0xF4180  }
0x167: {  	s29 =	simm.s32 @!p0 $0xF4180  }
0x168: {  	s31 =	sadd.s32 s2, s29  }
0x169: {  	[tilespmem:s11], [sflag:$0x2] =	stream.strided.gather [hbm4b:s31+s7], $0x2000, s9, s7, $0x38;
	[tilespmem:$0x1F000] =	vst v63  }
0x16a: {  	v48 =	vld.idx.msk [tilespmem:v55+s3+$0x0], $0xffff;
	_ =	sdelay $0x4  }
0x16b: {  	(v2sf) =	vpush v48, $0x0;
	_ =	sdelay $0xe  }
0x16c: {  	s0 =	spop (v2sf)  }
0x16d: {  	s29 =	sand.u32 $0xFFFFFF80, s0  }
0x16e: {  	p0 =	slt.s32 s29, $0xF4180  }
0x16f: {  	s29 =	simm.s32 @!p0 $0xF4180  }
0x170: {  	s4 =	ssub.s32 s0, s29  }
0x171: {  	p0 =	slt.s32 s4, $0x7F  }
0x172: {  	s4 =	simm.s32 @!p0 $0x7F  }
0x173: {  	v56 =	vadd.s32 s4, v10  }
0x174: {  	v57 =	vmov s1  }
0x175: {  	v58 =	vshll.u32 v57, $0x3  }
0x176: {  	v50 =	vand.u32 $0x3C00, v58;
	v49 =	vand.u32 $0x7F, v57  }
0x177: {  	v49 =	vor.u32 v49, v50  }
0x178: {  	v50 =	vadd.s32 v11, v49;
	v48 =	vld.idx.msk [tilespmem:v56+s12+$0x0], $0xffff  }
0x179: {  	v59 =	vadd.s32 s4, v12;
	_ =	sdelay $0x3  }
0x17a: {  	[tilespmem:v50+s22+$0x0] =	vst.idx.msk $0xffff, v48  }
0x17b: {  	v60 =	vadd.s32 v13, v49;
	v48 =	vld.idx.msk [tilespmem:v59+s12+$0x0], $0xffff  }
0x17c: {  	v61 =	vadd.s32 s4, v14;
	_ =	sdelay $0x3  }
0x17d: {  	[tilespmem:v60+s22+$0x0] =	vst.idx.msk $0xffff, v48  }
0x17e: {  	v62 =	vadd.s32 v15, v49;
	v48 =	vld.idx.msk [tilespmem:v61+s12+$0x0], $0xffff  }
0x17f: {  	v63 =	vadd.s32 s4, v16;
	_ =	sdelay $0x3  }
0x180: {  	[tilespmem:v62+s22+$0x0] =	vst.idx.msk $0xffff, v48  }
0x181: {  	v49 =	vadd.s32 v17, v49;
	s4 =	sadd.s32 $0xFFFFFFF9, s5;
	v48 =	vld.idx.msk [tilespmem:v63+s12+$0x0], $0xffff  }
0x182: {  	s31 =	sshll.u32 s4, $0x3  }
0x183: {  	s1 =	sand.u32 $0xF, s4;
	s4 =	sand.u32 $0xFFFFFF80, s31  }
0x184: {  	s1 =	sor.u32 s1, s4  }
0x185: {  	v54 =	vmov s1  }
0x186: {  	[tilespmem:v49+s22+$0x0] =	vst.idx.msk $0xffff, v48  }
0x187: {  	_ =	swait.ge [sflag:s26], $0x2000  }
0x188: {  	[sflag:s26] =	ssyncset.done $0x0  }
0x189: {  	[sflag:s26] =	ssyncadd.s32 $0xFFFFE000  }
0x18a: {  	v55 =	vld.idx.msk [tilespmem:v54+s3+$0x0], $0xffff;
	_ =	sdelay $0x4  }
0x18b: {  	(v2sf) =	vpush v55, $0x0;
	_ =	sdelay $0xb  }
0x18c: {  	s1 =	sadd.s32 $0xFFFFFFEF, s5  }
0x18d: {  	s0 =	sshll.u32 s1, $0x3  }
0x18e: {  	s29 =	sand.u32 $0xF, s1;
	s4 =	sand.u32 $0xFFFFFF80, s0  }
0x18f: {  	s4 =	sor.u32 s29, s4;
	s30 =	spop (v2sf)  }
0x190: {  	v56 =	vmov s4;
	s29 =	sand.u32 $0xFFFFFF80, s30  }
0x191: {  	p0 =	slt.s32 s29, $0xF4180  }
0x192: {  	s29 =	simm.s32 @!p0 $0xF4180  }
0x193: {  	s31 =	sadd.s32 s2, s29  }
0x194: {  	[tilespmem:s12], [sflag:$0x3] =	stream.strided.gather [hbm4b:s31+s7], $0x2000, s9, s7, $0x38;
	[tilespmem:$0x1F000] =	vst v63  }
0x195: {  	v48 =	vld.idx.msk [tilespmem:v56+s3+$0x0], $0xffff;
	_ =	sdelay $0x4  }
0x196: {  	(v2sf) =	vpush v48, $0x0;
	_ =	sdelay $0xe  }
0x197: {  	s0 =	spop (v2sf)  }
0x198: {  	s29 =	sand.u32 $0xFFFFFF80, s0  }
0x199: {  	p0 =	slt.s32 s29, $0xF4180  }
0x19a: {  	s29 =	simm.s32 @!p0 $0xF4180  }
0x19b: {  	s4 =	ssub.s32 s0, s29  }
0x19c: {  	p0 =	slt.s32 s4, $0x7F  }
0x19d: {  	s4 =	simm.s32 @!p0 $0x7F  }
0x19e: {  	v57 =	vadd.s32 s4, v10  }
0x19f: {  	v58 =	vmov s1  }
0x1a0: {  	v59 =	vshll.u32 v58, $0x3  }
0x1a1: {  	v50 =	vand.u32 $0x3C00, v59;
	v49 =	vand.u32 $0x7F, v58  }
0x1a2: {  	v49 =	vor.u32 v49, v50  }
0x1a3: {  	v50 =	vadd.s32 v11, v49;
	v48 =	vld.idx.msk [tilespmem:v57+s13+$0x0], $0xffff  }
0x1a4: {  	v60 =	vadd.s32 s4, v12;
	_ =	sdelay $0x3  }
0x1a5: {  	[tilespmem:v50+s22+$0x0] =	vst.idx.msk $0xffff, v48  }
0x1a6: {  	v61 =	vadd.s32 v13, v49;
	v48 =	vld.idx.msk [tilespmem:v60+s13+$0x0], $0xffff  }
0x1a7: {  	v62 =	vadd.s32 s4, v14;
	_ =	sdelay $0x3  }
0x1a8: {  	[tilespmem:v61+s22+$0x0] =	vst.idx.msk $0xffff, v48  }
0x1a9: {  	v63 =	vadd.s32 v15, v49;
	v48 =	vld.idx.msk [tilespmem:v62+s13+$0x0], $0xffff  }
0x1aa: {  	v54 =	vadd.s32 s4, v16;
	_ =	sdelay $0x3  }
0x1ab: {  	[tilespmem:v63+s22+$0x0] =	vst.idx.msk $0xffff, v48  }
0x1ac: {  	v49 =	vadd.s32 v17, v49;
	s4 =	sadd.s32 $0xFFFFFFFA, s5;
	v48 =	vld.idx.msk [tilespmem:v54+s13+$0x0], $0xffff  }
0x1ad: {  	s31 =	sshll.u32 s4, $0x3  }
0x1ae: {  	s1 =	sand.u32 $0xF, s4;
	s4 =	sand.u32 $0xFFFFFF80, s31  }
0x1af: {  	s1 =	sor.u32 s1, s4  }
0x1b0: {  	v55 =	vmov s1  }
0x1b1: {  	s0 =	simm.s32 $0x5;
	[tilespmem:v49+s22+$0x0] =	vst.idx.msk $0xffff, v48  }
0x1b2: {  	_ =	swait.ge [sflag:s0], $0x2000  }
0x1b3: {  	[sflag:s0] =	ssyncset.done $0x0  }
0x1b4: {  	[sflag:s0] =	ssyncadd.s32 $0xFFFFE000  }
0x1b5: {  	v56 =	vld.idx.msk [tilespmem:v55+s3+$0x0], $0xffff;
	_ =	sdelay $0x4  }
0x1b6: {  	(v2sf) =	vpush v56, $0x0;
	_ =	sdelay $0xb  }
0x1b7: {  	s1 =	sadd.s32 $0xFFFFFFF0, s5  }
0x1b8: {  	s0 =	sshll.u32 s1, $0x3  }
0x1b9: {  	s29 =	sand.u32 $0xF, s1;
	s4 =	sand.u32 $0xFFFFFF80, s0  }
0x1ba: {  	s4 =	sor.u32 s29, s4;
	s30 =	spop (v2sf)  }
0x1bb: {  	v57 =	vmov s4;
	s29 =	sand.u32 $0xFFFFFF80, s30  }
0x1bc: {  	p0 =	slt.s32 s29, $0xF4180  }
0x1bd: {  	s29 =	simm.s32 @!p0 $0xF4180  }
0x1be: {  	s31 =	sadd.s32 s2, s29  }
0x1bf: {  	[tilespmem:s13], [sflag:$0x4] =	stream.strided.gather [hbm4b:s31+s7], $0x2000, s9, s7, $0x38;
	[tilespmem:$0x1F000] =	vst v63  }
0x1c0: {  	v48 =	vld.idx.msk [tilespmem:v57+s3+$0x0], $0xffff;
	_ =	sdelay $0x4  }
0x1c1: {  	(v2sf) =	vpush v48, $0x0;
	_ =	sdelay $0xe  }
0x1c2: {  	s0 =	spop (v2sf)  }
0x1c3: {  	s29 =	sand.u32 $0xFFFFFF80, s0  }
0x1c4: {  	p0 =	slt.s32 s29, $0xF4180  }
0x1c5: {  	s29 =	simm.s32 @!p0 $0xF4180  }
0x1c6: {  	s4 =	ssub.s32 s0, s29  }
0x1c7: {  	p0 =	slt.s32 s4, $0x7F  }
0x1c8: {  	s4 =	simm.s32 @!p0 $0x7F  }
0x1c9: {  	v58 =	vadd.s32 s4, v10  }
0x1ca: {  	v59 =	vmov s1  }
0x1cb: {  	v60 =	vshll.u32 v59, $0x3  }
0x1cc: {  	v50 =	vand.u32 $0x3C00, v60;
	v49 =	vand.u32 $0x7F, v59  }
0x1cd: {  	v49 =	vor.u32 v49, v50  }
0x1ce: {  	v50 =	vadd.s32 v11, v49;
	v48 =	vld.idx.msk [tilespmem:v58+s14+$0x0], $0xffff  }
0x1cf: {  	v61 =	vadd.s32 s4, v12;
	_ =	sdelay $0x3  }
0x1d0: {  	[tilespmem:v50+s22+$0x0] =	vst.idx.msk $0xffff, v48  }
0x1d1: {  	v62 =	vadd.s32 v13, v49;
	v48 =	vld.idx.msk [tilespmem:v61+s14+$0x0], $0xffff  }
0x1d2: {  	v63 =	vadd.s32 s4, v14;
	_ =	sdelay $0x3  }
0x1d3: {  	[tilespmem:v62+s22+$0x0] =	vst.idx.msk $0xffff, v48  }
0x1d4: {  	v54 =	vadd.s32 v15, v49;
	v48 =	vld.idx.msk [tilespmem:v63+s14+$0x0], $0xffff  }
0x1d5: {  	v55 =	vadd.s32 s4, v16;
	_ =	sdelay $0x3  }
0x1d6: {  	[tilespmem:v54+s22+$0x0] =	vst.idx.msk $0xffff, v48  }
0x1d7: {  	v49 =	vadd.s32 v17, v49;
	s31 =	sadd.s32 $0xFFFFFFFB, s5;
	v48 =	vld.idx.msk [tilespmem:v55+s14+$0x0], $0xffff  }
0x1d8: {  	s0 =	sshll.u32 s31, $0x3  }
0x1d9: {  	s1 =	sand.u32 $0xF, s31;
	s4 =	sand.u32 $0xFFFFFF80, s0  }
0x1da: {  	s1 =	sor.u32 s1, s4  }
0x1db: {  	v56 =	vmov s1  }
0x1dc: {  	s31 =	simm.s32 $0x6;
	[tilespmem:v49+s22+$0x0] =	vst.idx.msk $0xffff, v48  }
0x1dd: {  	_ =	swait.ge [sflag:s31], $0x2000  }
0x1de: {  	[sflag:s31] =	ssyncset.done $0x0  }
0x1df: {  	[sflag:s31] =	ssyncadd.s32 $0xFFFFE000  }
0x1e0: {  	v57 =	vld.idx.msk [tilespmem:v56+s3+$0x0], $0xffff;
	_ =	sdelay $0x4  }
0x1e1: {  	(v2sf) =	vpush v57, $0x0;
	_ =	sdelay $0xb  }
0x1e2: {  	s1 =	sadd.s32 $0xFFFFFFF1, s5  }
0x1e3: {  	s0 =	sshll.u32 s1, $0x3  }
0x1e4: {  	s29 =	sand.u32 $0xF, s1;
	s4 =	sand.u32 $0xFFFFFF80, s0  }
0x1e5: {  	s4 =	sor.u32 s29, s4;
	s30 =	spop (v2sf)  }
0x1e6: {  	v58 =	vmov s4;
	s29 =	sand.u32 $0xFFFFFF80, s30  }
0x1e7: {  	p0 =	slt.s32 s29, $0xF4180  }
0x1e8: {  	s29 =	simm.s32 @!p0 $0xF4180  }
0x1e9: {  	s31 =	sadd.s32 s2, s29  }
0x1ea: {  	[tilespmem:s14], [sflag:$0x5] =	stream.strided.gather [hbm4b:s31+s7], $0x2000, s9, s7, $0x38;
	[tilespmem:$0x1F000] =	vst v63  }
0x1eb: {  	v48 =	vld.idx.msk [tilespmem:v58+s3+$0x0], $0xffff;
	_ =	sdelay $0x4  }
0x1ec: {  	(v2sf) =	vpush v48, $0x0;
	_ =	sdelay $0xe  }
0x1ed: {  	s0 =	spop (v2sf)  }
0x1ee: {  	s29 =	sand.u32 $0xFFFFFF80, s0  }
0x1ef: {  	p0 =	slt.s32 s29, $0xF4180  }
0x1f0: {  	s29 =	simm.s32 @!p0 $0xF4180  }
0x1f1: {  	s4 =	ssub.s32 s0, s29  }
0x1f2: {  	p0 =	slt.s32 s4, $0x7F  }
0x1f3: {  	s4 =	simm.s32 @!p0 $0x7F  }
0x1f4: {  	v59 =	vadd.s32 s4, v10  }
0x1f5: {  	v60 =	vmov s1  }
0x1f6: {  	v61 =	vshll.u32 v60, $0x3  }
0x1f7: {  	v50 =	vand.u32 $0x3C00, v61;
	v49 =	vand.u32 $0x7F, v60  }
0x1f8: {  	v49 =	vor.u32 v49, v50  }
0x1f9: {  	v50 =	vadd.s32 v11, v49;
	v48 =	vld.idx.msk [tilespmem:v59+s15+$0x0], $0xffff  }
0x1fa: {  	v62 =	vadd.s32 s4, v12;
	_ =	sdelay $0x3  }
0x1fb: {  	[tilespmem:v50+s22+$0x0] =	vst.idx.msk $0xffff, v48  }
0x1fc: {  	v63 =	vadd.s32 v13, v49;
	v48 =	vld.idx.msk [tilespmem:v62+s15+$0x0], $0xffff  }
0x1fd: {  	v54 =	vadd.s32 s4, v14;
	_ =	sdelay $0x3  }
0x1fe: {  	[tilespmem:v63+s22+$0x0] =	vst.idx.msk $0xffff, v48  }
0x1ff: {  	v55 =	vadd.s32 v15, v49;
	v48 =	vld.idx.msk [tilespmem:v54+s15+$0x0], $0xffff  }
0x200: {  	v56 =	vadd.s32 s4, v16;
	_ =	sdelay $0x3  }
0x201: {  	[tilespmem:v55+s22+$0x0] =	vst.idx.msk $0xffff, v48  }
0x202: {  	v49 =	vadd.s32 v17, v49;
	s4 =	sshll.u32 s5, $0x3;
	v48 =	vld.idx.msk [tilespmem:v56+s15+$0x0], $0xffff  }
0x203: {  	s1 =	sadd.s32 $0xFFFFFFE0, s4  }
0x204: {  	s1 =	sand.u32 $0xFFFFFF80, s1  }
0x205: {  	s1 =	sor.u32 s6, s1  }
0x206: {  	v57 =	vmov s1  }
0x207: {  	[tilespmem:v49+s22+$0x0] =	vst.idx.msk $0xffff, v48  }
0x208: {  	_ =	swait.ge [sflag:s21], $0x2000  }
0x209: {  	[sflag:s21] =	ssyncset.done $0x0  }
0x20a: {  	[sflag:s21] =	ssyncadd.s32 $0xFFFFE000  }
0x20b: {  	v58 =	vld.idx.msk [tilespmem:v57+s3+$0x0], $0xffff;
	_ =	sdelay $0x4  }
0x20c: {  	(v2sf) =	vpush v58, $0x0;
	_ =	sdelay $0xb  }
0x20d: {  	s1 =	sadd.s32 $0xFFFFFFF2, s5  }
0x20e: {  	s31 =	sshll.u32 s1, $0x3  }
0x20f: {  	s0 =	sand.u32 $0xF, s1;
	s4 =	sand.u32 $0xFFFFFF80, s31  }
0x210: {  	s4 =	sor.u32 s0, s4;
	s29 =	spop (v2sf)  }
0x211: {  	v59 =	vmov s4;
	s6 =	sand.u32 $0xFFFFFF80, s29  }
0x212: {  	p0 =	slt.s32 s6, $0xF4180  }
0x213: {  	s6 =	simm.s32 @!p0 $0xF4180  }
0x214: {  	s6 =	sadd.s32 s2, s6  }
0x215: {  	[tilespmem:s15], [sflag:$0x6] =	stream.strided.gather [hbm4b:s6+s7], $0x2000, s9, s7, $0x38;
	[tilespmem:$0x1F000] =	vst v63  }
0x216: {  	v48 =	vld.idx.msk [tilespmem:v59+s3+$0x0], $0xffff;
	_ =	sdelay $0x4  }
0x217: {  	(v2sf) =	vpush v48, $0x0;
	_ =	sdelay $0xe  }
0x218: {  	s31 =	spop (v2sf)  }
0x219: {  	s6 =	sand.u32 $0xFFFFFF80, s31  }
0x21a: {  	p0 =	slt.s32 s6, $0xF4180  }
0x21b: {  	s6 =	simm.s32 @!p0 $0xF4180  }
0x21c: {  	s4 =	ssub.s32 s31, s6  }
0x21d: {  	p0 =	slt.s32 s4, $0x7F  }
0x21e: {  	s4 =	simm.s32 @!p0 $0x7F  }
0x21f: {  	v60 =	vadd.s32 s4, v10  }
0x220: {  	v61 =	vmov s1  }
0x221: {  	v62 =	vshll.u32 v61, $0x3  }
0x222: {  	v50 =	vand.u32 $0x3C00, v62;
	v49 =	vand.u32 $0x7F, v61  }
0x223: {  	v49 =	vor.u32 v49, v50  }
0x224: {  	v50 =	vadd.s32 v11, v49;
	v48 =	vld.idx.msk [tilespmem:v60+s17+$0x0], $0xffff  }
0x225: {  	v63 =	vadd.s32 s4, v12;
	_ =	sdelay $0x3  }
0x226: {  	[tilespmem:v50+s22+$0x0] =	vst.idx.msk $0xffff, v48  }
0x227: {  	v54 =	vadd.s32 v13, v49;
	v48 =	vld.idx.msk [tilespmem:v63+s17+$0x0], $0xffff  }
0x228: {  	v55 =	vadd.s32 s4, v14;
	_ =	sdelay $0x3  }
0x229: {  	[tilespmem:v54+s22+$0x0] =	vst.idx.msk $0xffff, v48  }
0x22a: {  	v56 =	vadd.s32 v15, v49;
	v48 =	vld.idx.msk [tilespmem:v55+s17+$0x0], $0xffff  }
0x22b: {  	v57 =	vadd.s32 s4, v16;
	_ =	sdelay $0x3  }
0x22c: {  	p0 =	seq.s32 s5, $0x203;
	[tilespmem:v56+s22+$0x0] =	vst.idx.msk $0xffff, v48  }
0x22d: {  	v49 =	vadd.s32 v17, v49;
	s1 =	sadd.s32 @!p0 $0xFFFFFFFD, s5;
	v48 =	vld.idx.msk [tilespmem:v57+s17+$0x0], $0xffff  }
0x22e: {  	s4 =	sshll.u32 @!p0 s1, $0x3  }
0x22f: {  	s1 =	sand.u32 @!p0 $0xF, s1;
	s4 =	sand.u32 @!p0 $0xFFFFFF80, s4  }
0x230: {  	s1 =	sor.u32 @!p0 s1, s4  }
0x231: {  	v50 =	vmov @!p0 s1  }
0x232: {  	[tilespmem:v49+s22+$0x0] =	vst.idx.msk $0xffff, v48  }
0x233: {  	_ =	swait.ge [sflag:s23], $0x2000  }
0x234: {  	[sflag:s23] =	ssyncset.done $0x0  }
0x235: {  	s6 =	simm.s32 @!p0 $0x0;
	[sflag:s23] =	ssyncadd.s32 $0xFFFFE000  }
0x236: {  	v48 =	vld.idx.msk @!p0 [tilespmem:v50+s6+$0x0], $0xffff;
	_ =	sdelay $0x4  }
0x237: {  	(v2sf) =	vpush @!p0 v48, $0x0;
	_ =	sdelay $0xc  }
0x238: {  	s0 =	sadd.s32 $0xFFFFFFF3, s5  }
0x239: {  	s29 =	sshll.u32 s0, $0x3  }
0x23a: {  	s30 =	sand.u32 $0xF, s0;
	s29 =	sand.u32 $0xFFFFFF80, s29;
	s4 =	spop @!p0 (v2sf)  }
0x23b: {  	s29 =	sor.u32 s30, s29;
	s4 =	sand.u32 @!p0 $0xFFFFFF80, s4  }
0x23c: {  	v58 =	vmov s29;
	p1 =	slt.s32 @!p0 s4, $0xF4180  }
0x23d: {  	p1 =	por !p1, p0  }
0x23e: {  	s29 =	simm.s32 @!p0 $0x7A1400;
	s4 =	simm.s32 @p1 $0xF4180  }
0x23f: {  	s31 =	simm.s32 @!p0 $0xD000;
	s30 =	sadd.s32 @!p0 s2, s4;
	s4 =	simm.s32 @!p0 $0x400  }
0x240: {  	[tilespmem:s31], [sflag:$0x7] =	stream.strided.gather @!p0 [hbm4b:s30+s4], $0x2000, s29, s4, $0x38;
	[tilespmem:$0x1F000] =	vst v63  }
0x241: {  	v48 =	vld.idx.msk [tilespmem:v58+s3+$0x0], $0xffff;
	_ =	sdelay $0x4  }
0x242: {  	(v2sf) =	vpush v48, $0x0;
	_ =	sdelay $0xe  }
0x243: {  	s30 =	spop (v2sf)  }
0x244: {  	s31 =	sand.u32 $0xFFFFFF80, s30  }
0x245: {  	p1 =	slt.s32 s31, $0xF4180  }
0x246: {  	s31 =	simm.s32 @!p1 $0xF4180  }
0x247: {  	s30 =	ssub.s32 s30, s31  }
0x248: {  	p1 =	slt.s32 s30, $0x7F  }
0x249: {  	s30 =	simm.s32 @!p1 $0x7F  }
0x24a: {  	v59 =	vadd.s32 s30, v10  }
0x24b: {  	v60 =	vmov s0  }
0x24c: {  	v61 =	vshll.u32 v60, $0x3  }
0x24d: {  	v49 =	vand.u32 $0x7F, v60;
	v50 =	vand.u32 $0x3C00, v61  }
0x24e: {  	v49 =	vor.u32 v49, v50  }
0x24f: {  	v50 =	vadd.s32 v11, v49;
	v48 =	vld.idx.msk [tilespmem:v59+s18+$0x0], $0xffff  }
0x250: {  	v62 =	vadd.s32 s30, v12;
	_ =	sdelay $0x3  }
0x251: {  	[tilespmem:v50+s22+$0x0] =	vst.idx.msk $0xffff, v48  }
0x252: {  	v63 =	vadd.s32 v13, v49;
	v48 =	vld.idx.msk [tilespmem:v62+s18+$0x0], $0xffff  }
0x253: {  	v54 =	vadd.s32 s30, v14;
	_ =	sdelay $0x3  }
0x254: {  	[tilespmem:v63+s22+$0x0] =	vst.idx.msk $0xffff, v48  }
0x255: {  	v55 =	vadd.s32 v15, v49;
	v48 =	vld.idx.msk [tilespmem:v54+s18+$0x0], $0xffff  }
0x256: {  	v56 =	vadd.s32 s30, v16;
	_ =	sdelay $0x3  }
0x257: {  	[tilespmem:v55+s22+$0x0] =	vst.idx.msk $0xffff, v48  }
0x258: {  	s1 =	sadd.s32 @!p0 $0xFFFFFFFE, s5;
	v49 =	vadd.s32 v17, v49;
	v48 =	vld.idx.msk [tilespmem:v56+s18+$0x0], $0xffff  }
0x259: {  	s30 =	sshll.u32 @!p0 s1, $0x3  }
0x25a: {  	s1 =	sand.u32 @!p0 $0xF, s1;
	s30 =	sand.u32 @!p0 $0xFFFFFF80, s30  }
0x25b: {  	s1 =	sor.u32 @!p0 s1, s30  }
0x25c: {  	v50 =	vmov @!p0 s1  }
0x25d: {  	[tilespmem:v49+s22+$0x0] =	vst.idx.msk $0xffff, v48  }
0x25e: {  	_ =	swait.ge [sflag:s28], $0x2000  }
0x25f: {  	[sflag:s28] =	ssyncset.done $0x0  }
0x260: {  	[sflag:s28] =	ssyncadd.s32 $0xFFFFE000  }
0x261: {  	v48 =	vld.idx.msk @!p0 [tilespmem:v50+s6+$0x0], $0xffff;
	_ =	sdelay $0x4  }
0x262: {  	(v2sf) =	vpush @!p0 v48, $0x0;
	_ =	sdelay $0xc  }
0x263: {  	s1 =	sadd.s32 $0xFFFFFFF4, s5  }
0x264: {  	s30 =	sshll.u32 s1, $0x3  }
0x265: {  	s0 =	sand.u32 $0xF, s1;
	s30 =	sand.u32 $0xFFFFFF80, s30;
	s31 =	spop @!p0 (v2sf)  }
0x266: {  	s0 =	sor.u32 s0, s30;
	s31 =	sand.u32 @!p0 $0xFFFFFF80, s31  }
0x267: {  	v57 =	vmov s0;
	p1 =	slt.s32 @!p0 s31, $0xF4180  }
0x268: {  	p1 =	por !p1, p0  }
0x269: {  	s31 =	simm.s32 @p1 $0xF4180  }
0x26a: {  	s30 =	simm.s32 @!p0 $0xF000;
	s0 =	sadd.s32 @!p0 s2, s31  }
0x26b: {  	[tilespmem:s30], [sflag:$0x8] =	stream.strided.gather @!p0 [hbm4b:s0+s4], $0x2000, s29, s4, $0x38;
	[tilespmem:$0x1F000] =	vst v63  }
0x26c: {  	v48 =	vld.idx.msk [tilespmem:v57+s3+$0x0], $0xffff;
	_ =	sdelay $0x4  }
0x26d: {  	(v2sf) =	vpush v48, $0x0;
	_ =	sdelay $0xe  }
0x26e: {  	s31 =	spop (v2sf)  }
0x26f: {  	s30 =	sand.u32 $0xFFFFFF80, s31  }
0x270: {  	p1 =	slt.s32 s30, $0xF4180  }
0x271: {  	s30 =	simm.s32 @!p1 $0xF4180  }
0x272: {  	s0 =	ssub.s32 s31, s30  }
0x273: {  	p1 =	slt.s32 s0, $0x7F  }
0x274: {  	s0 =	simm.s32 @!p1 $0x7F  }
0x275: {  	v58 =	vadd.s32 s0, v10  }
0x276: {  	v59 =	vmov s1  }
0x277: {  	v60 =	vshll.u32 v59, $0x3  }
0x278: {  	v49 =	vand.u32 $0x7F, v59;
	v50 =	vand.u32 $0x3C00, v60  }
0x279: {  	v49 =	vor.u32 v49, v50  }
0x27a: {  	v50 =	vadd.s32 v11, v49;
	v48 =	vld.idx.msk [tilespmem:v58+s19+$0x0], $0xffff  }
0x27b: {  	v61 =	vadd.s32 s0, v12;
	_ =	sdelay $0x3  }
0x27c: {  	[tilespmem:v50+s22+$0x0] =	vst.idx.msk $0xffff, v48  }
0x27d: {  	v62 =	vadd.s32 v13, v49;
	v48 =	vld.idx.msk [tilespmem:v61+s19+$0x0], $0xffff  }
0x27e: {  	v63 =	vadd.s32 s0, v14;
	_ =	sdelay $0x3  }
0x27f: {  	[tilespmem:v62+s22+$0x0] =	vst.idx.msk $0xffff, v48  }
0x280: {  	v54 =	vadd.s32 v15, v49;
	v48 =	vld.idx.msk [tilespmem:v63+s19+$0x0], $0xffff  }
0x281: {  	v55 =	vadd.s32 s0, v16;
	_ =	sdelay $0x3  }
0x282: {  	[tilespmem:v54+s22+$0x0] =	vst.idx.msk $0xffff, v48  }
0x283: {  	v49 =	vadd.s32 v17, v49;
	s0 =	sadd.s32 @!p0 $0xFFFFFFFF, s5;
	v48 =	vld.idx.msk [tilespmem:v55+s19+$0x0], $0xffff  }
0x284: {  	s1 =	sshll.u32 @!p0 s0, $0x3  }
0x285: {  	s0 =	sand.u32 @!p0 $0xF, s0;
	s1 =	sand.u32 @!p0 $0xFFFFFF80, s1  }
0x286: {  	s0 =	sor.u32 @!p0 s0, s1  }
0x287: {  	v50 =	vmov @!p0 s0  }
0x288: {  	[tilespmem:v49+s22+$0x0] =	vst.idx.msk $0xffff, v48  }
0x289: {  	_ =	swait.ge [sflag:s16], $0x2000  }
0x28a: {  	[sflag:s16] =	ssyncset.done $0x0  }
0x28b: {  	[sflag:s16] =	ssyncadd.s32 $0xFFFFE000  }
0x28c: {  	v48 =	vld.idx.msk @!p0 [tilespmem:v50+s6+$0x0], $0xffff;
	_ =	sdelay $0x4  }
0x28d: {  	(v2sf) =	vpush @!p0 v48, $0x0;
	_ =	sdelay $0xc  }
0x28e: {  	s0 =	sadd.s32 $0xFFFFFFF5, s5  }
0x28f: {  	s1 =	sshll.u32 s0, $0x3  }
0x290: {  	s31 =	sand.u32 $0xF, s0;
	s1 =	sand.u32 $0xFFFFFF80, s1;
	s30 =	spop @!p0 (v2sf)  }
0x291: {  	s1 =	sor.u32 s31, s1;
	s30 =	sand.u32 @!p0 $0xFFFFFF80, s30  }
0x292: {  	v56 =	vmov s1;
	p1 =	slt.s32 @!p0 s30, $0xF4180  }
0x293: {  	p1 =	por !p1, p0  }
0x294: {  	s30 =	simm.s32 @p1 $0xF4180  }
0x295: {  	s1 =	sadd.s32 @!p0 s2, s30;
	s30 =	simm.s32 @!p0 $0x11000  }
0x296: {  	[tilespmem:s30], [sflag:$0x9] =	stream.strided.gather @!p0 [hbm4b:s1+s4], $0x2000, s29, s4, $0x38;
	[tilespmem:$0x1F000] =	vst v63  }
0x297: {  	v48 =	vld.idx.msk [tilespmem:v56+s3+$0x0], $0xffff;
	_ =	sdelay $0x4  }
0x298: {  	(v2sf) =	vpush v48, $0x0;
	_ =	sdelay $0xe  }
0x299: {  	s1 =	spop (v2sf)  }
0x29a: {  	s30 =	sand.u32 $0xFFFFFF80, s1  }
0x29b: {  	p1 =	slt.s32 s30, $0xF4180  }
0x29c: {  	s30 =	simm.s32 @!p1 $0xF4180  }
0x29d: {  	s1 =	ssub.s32 s1, s30  }
0x29e: {  	p1 =	slt.s32 s1, $0x7F  }
0x29f: {  	s1 =	simm.s32 @!p1 $0x7F  }
0x2a0: {  	v57 =	vadd.s32 s1, v10  }
0x2a1: {  	v58 =	vmov s0  }
0x2a2: {  	v59 =	vshll.u32 v58, $0x3  }
0x2a3: {  	v49 =	vand.u32 $0x7F, v58;
	v50 =	vand.u32 $0x3C00, v59  }
0x2a4: {  	v49 =	vor.u32 v49, v50;
	s30 =	simm.s32 $0x13000  }
0x2a5: {  	v50 =	vadd.s32 v11, v49;
	v48 =	vld.idx.msk [tilespmem:v57+s30+$0x0], $0xffff  }
0x2a6: {  	v60 =	vadd.s32 s1, v12;
	_ =	sdelay $0x3  }
0x2a7: {  	[tilespmem:v50+s22+$0x0] =	vst.idx.msk $0xffff, v48  }
0x2a8: {  	v61 =	vadd.s32 v13, v49;
	v48 =	vld.idx.msk [tilespmem:v60+s30+$0x0], $0xffff  }
0x2a9: {  	v62 =	vadd.s32 s1, v14;
	_ =	sdelay $0x3  }
0x2aa: {  	[tilespmem:v61+s22+$0x0] =	vst.idx.msk $0xffff, v48  }
0x2ab: {  	v63 =	vadd.s32 v15, v49;
	v48 =	vld.idx.msk [tilespmem:v62+s30+$0x0], $0xffff  }
0x2ac: {  	v54 =	vadd.s32 s1, v16;
	_ =	sdelay $0x3  }
0x2ad: {  	[tilespmem:v63+s22+$0x0] =	vst.idx.msk $0xffff, v48  }
0x2ae: {  	v49 =	vadd.s32 v17, v49;
	v48 =	vld.idx.msk [tilespmem:v54+s30+$0x0], $0xffff  }
0x2af: {  	s0 =	sshll.u32 @!p0 s5, $0x3  }
0x2b0: {  	s0 =	sand.u32 @!p0 $0xFFFFFF80, s0;
	s1 =	sand.u32 @!p0 $0xF, s5  }
0x2b1: {  	s0 =	sor.u32 @!p0 s1, s0  }
0x2b2: {  	v50 =	vmov @!p0 s0  }
0x2b3: {  	s31 =	simm.s32 $0xB;
	[tilespmem:v49+s22+$0x0] =	vst.idx.msk $0xffff, v48  }
0x2b4: {  	_ =	swait.ge [sflag:s31], $0x2000  }
0x2b5: {  	[sflag:s31] =	ssyncset.done $0x0  }
0x2b6: {  	[sflag:s31] =	ssyncadd.s32 $0xFFFFE000  }
0x2b7: {  	v48 =	vld.idx.msk @!p0 [tilespmem:v50+s6+$0x0], $0xffff;
	_ =	sdelay $0x4  }
0x2b8: {  	(v2sf) =	vpush @!p0 v48, $0x0;
	_ =	sdelay $0xd  }
0x2b9: {  	s6 =	sshll.u32 s8, $0x3  }
0x2ba: {  	s31 =	sand.u32 $0xF, s8;
	s0 =	sand.u32 $0xFFFFFF80, s6;
	s1 =	spop @!p0 (v2sf)  }
0x2bb: {  	s0 =	sor.u32 s31, s0;
	s1 =	sand.u32 @!p0 $0xFFFFFF80, s1  }
0x2bc: {  	v55 =	vmov s0;
	p1 =	slt.s32 @!p0 s1, $0xF4180  }
0x2bd: {  	p1 =	por !p1, p0  }
0x2be: {  	s1 =	simm.s32 @p1 $0xF4180  }
0x2bf: {  	s0 =	sadd.s32 @!p0 s2, s1;
	s1 =	simm.s32 @!p0 $0x13000  }
0x2c0: {  	[tilespmem:s1], [sflag:$0xA] =	stream.strided.gather @!p0 [hbm4b:s0+s4], $0x2000, s29, s4, $0x38;
	[tilespmem:$0x1F000] =	vst v63  }
0x2c1: {  	v48 =	vld.idx.msk [tilespmem:v55+s3+$0x0], $0xffff;
	_ =	sdelay $0x4  }
0x2c2: {  	(v2sf) =	vpush v48, $0x0;
	_ =	sdelay $0xe  }
0x2c3: {  	s31 =	spop (v2sf)  }
0x2c4: {  	s1 =	sand.u32 $0xFFFFFF80, s31  }
0x2c5: {  	p0 =	slt.s32 s1, $0xF4180  }
0x2c6: {  	s1 =	simm.s32 @!p0 $0xF4180  }
0x2c7: {  	s0 =	ssub.s32 s31, s1  }
0x2c8: {  	p0 =	slt.s32 s0, $0x7F  }
0x2c9: {  	s0 =	simm.s32 @!p0 $0x7F  }
0x2ca: {  	v56 =	vadd.s32 s0, v10  }
0x2cb: {  	v57 =	vmov s8  }
0x2cc: {  	v58 =	vshll.u32 v57, $0x3  }
0x2cd: {  	v49 =	vand.u32 $0x7F, v57;
	v50 =	vand.u32 $0x3C00, v58  }
0x2ce: {  	v49 =	vor.u32 v49, v50  }
0x2cf: {  	v50 =	vadd.s32 v11, v49;
	v48 =	vld.idx.msk [tilespmem:v56+s20+$0x0], $0xffff  }
0x2d0: {  	v59 =	vadd.s32 s0, v12;
	_ =	sdelay $0x3  }
0x2d1: {  	[tilespmem:v50+s22+$0x0] =	vst.idx.msk $0xffff, v48  }
0x2d2: {  	v60 =	vadd.s32 v13, v49;
	v48 =	vld.idx.msk [tilespmem:v59+s20+$0x0], $0xffff  }
0x2d3: {  	v61 =	vadd.s32 s0, v14;
	_ =	sdelay $0x3  }
0x2d4: {  	[tilespmem:v60+s22+$0x0] =	vst.idx.msk $0xffff, v48  }
0x2d5: {  	v62 =	vadd.s32 v15, v49;
	v48 =	vld.idx.msk [tilespmem:v61+s20+$0x0], $0xffff  }
0x2d6: {  	v63 =	vadd.s32 s0, v16;
	_ =	sdelay $0x3  }
0x2d7: {  	s5 =	sadd.s32 $0xB, s5;
	[tilespmem:v62+s22+$0x0] =	vst.idx.msk $0xffff, v48  }
0x2d8: {  	v49 =	vadd.s32 v17, v49;
	p0 =	sne.s32 s5, $0x20E;
	v48 =	vld.idx.msk [tilespmem:v63+s20+$0x0], $0xffff  }
.Ltmp0:
0x2d9: {  	_ = 	snop;
	(pc) =	sbr.rel @p0 .LBB2_2-.Ltmp0, $2  }
0x2da: {  	_ =	sdelay $0x2  }
0x2db: {  	s29 =	simm.s32 $0x1;
	[tilespmem:v49+s22+$0x0] =	vst.idx.msk $0xffff, v48  }
0x2dc: {  	_ = 	snop  }
0x2dd: {  	_ =	swait.ge [sflag:s29], $0x2000  }
0x2de: {  	[sflag:s29] =	ssyncset.done $0x0  }
0x2df: {  	[sflag:s29] =	ssyncadd.s32 $0xFFFFE000  }
0x2e0: {  	v48 =	vld.idx.msk [tilespmem:v18+s3+$0x0], $0xffff;
	_ =	sdelay $0x4  }
0x2e1: {  	(v2sf) =	vpush v48, $0x0;
	_ =	sdelay $0xe  }
0x2e2: {  	s0 =	spop (v2sf)  }
0x2e3: {  	s1 =	sand.u32 $0xFFFFFF80, s0  }
0x2e4: {  	p0 =	slt.s32 s1, $0xF4180  }
0x2e5: {  	s1 =	simm.s32 @!p0 $0xF4180  }
0x2e6: {  	s0 =	ssub.s32 s0, s1  }
0x2e7: {  	p0 =	slt.s32 s0, $0x7F  }
0x2e8: {  	s0 =	simm.s32 @!p0 $0x7F  }
0x2e9: {  	v60 =	vadd.s32 s0, v10;
	_ =	sdelay $0x4  }
0x2ea: {  	v48 =	vld.idx.msk [tilespmem:v60+s10+$0x0], $0xffff  }
0x2eb: {  	v49 =	vadd.s32 s0, v12;
	_ =	sdelay $0x3  }
0x2ec: {  	[tilespmem:v19+s22+$0x0] =	vst.idx.msk $0xffff, v48  }
0x2ed: {  	v48 =	vld.idx.msk [tilespmem:v49+s10+$0x0], $0xffff  }
0x2ee: {  	v61 =	vadd.s32 s0, v14;
	_ =	sdelay $0x3  }
0x2ef: {  	[tilespmem:v20+s22+$0x0] =	vst.idx.msk $0xffff, v48  }
0x2f0: {  	v48 =	vld.idx.msk [tilespmem:v61+s10+$0x0], $0xffff  }
0x2f1: {  	v62 =	vadd.s32 s0, v16;
	_ =	sdelay $0x3  }
0x2f2: {  	[tilespmem:v21+s22+$0x0] =	vst.idx.msk $0xffff, v48  }
0x2f3: {  	v48 =	vld.idx.msk [tilespmem:v62+s10+$0x0], $0xffff;
	_ =	sdelay $0x4  }
0x2f4: {  	[tilespmem:v22+s22+$0x0] =	vst.idx.msk $0xffff, v48  }
0x2f5: {  	_ =	swait.ge [sflag:s24], $0x2000  }
0x2f6: {  	[sflag:s24] =	ssyncset.done $0x0  }
0x2f7: {  	[sflag:s24] =	ssyncadd.s32 $0xFFFFE000  }
0x2f8: {  	v63 =	vld.idx.msk [tilespmem:v23+s3+$0x0], $0xffff;
	_ =	sdelay $0x4  }
0x2f9: {  	(v2sf) =	vpush v63, $0x0;
	_ =	sdelay $0xe  }
0x2fa: {  	s4 =	spop (v2sf)  }
0x2fb: {  	s1 =	sand.u32 $0xFFFFFF80, s4  }
0x2fc: {  	p0 =	slt.s32 s1, $0xF4180  }
0x2fd: {  	s1 =	simm.s32 @!p0 $0xF4180  }
0x2fe: {  	s0 =	ssub.s32 s4, s1  }
0x2ff: {  	p0 =	slt.s32 s0, $0x7F  }
0x300: {  	s0 =	simm.s32 @!p0 $0x7F  }
0x301: {  	v52 =	vadd.s32 s0, v10;
	_ =	sdelay $0x4  }
0x302: {  	v48 =	vld.idx.msk [tilespmem:v52+s11+$0x0], $0xffff  }
0x303: {  	v53 =	vadd.s32 s0, v12;
	_ =	sdelay $0x3  }
0x304: {  	[tilespmem:v24+s22+$0x0] =	vst.idx.msk $0xffff, v48  }
0x305: {  	v48 =	vld.idx.msk [tilespmem:v53+s11+$0x0], $0xffff  }
0x306: {  	v54 =	vadd.s32 s0, v14;
	_ =	sdelay $0x3  }
0x307: {  	[tilespmem:v25+s22+$0x0] =	vst.idx.msk $0xffff, v48  }
0x308: {  	v48 =	vld.idx.msk [tilespmem:v54+s11+$0x0], $0xffff  }
0x309: {  	v55 =	vadd.s32 s0, v16;
	_ =	sdelay $0x3  }
0x30a: {  	[tilespmem:v26+s22+$0x0] =	vst.idx.msk $0xffff, v48  }
0x30b: {  	v48 =	vld.idx.msk [tilespmem:v55+s11+$0x0], $0xffff;
	_ =	sdelay $0x4  }
0x30c: {  	[tilespmem:v27+s22+$0x0] =	vst.idx.msk $0xffff, v48  }
0x30d: {  	_ =	swait.ge [sflag:s25], $0x2000  }
0x30e: {  	[sflag:s25] =	ssyncset.done $0x0  }
0x30f: {  	[sflag:s25] =	ssyncadd.s32 $0xFFFFE000  }
0x310: {  	v56 =	vld.idx.msk [tilespmem:v28+s3+$0x0], $0xffff;
	_ =	sdelay $0x4  }
0x311: {  	(v2sf) =	vpush v56, $0x0;
	_ =	sdelay $0xe  }
0x312: {  	s5 =	spop (v2sf)  }
0x313: {  	s1 =	sand.u32 $0xFFFFFF80, s5  }
0x314: {  	p0 =	slt.s32 s1, $0xF4180  }
0x315: {  	s1 =	simm.s32 @!p0 $0xF4180  }
0x316: {  	s0 =	ssub.s32 s5, s1  }
0x317: {  	p0 =	slt.s32 s0, $0x7F  }
0x318: {  	s0 =	simm.s32 @!p0 $0x7F  }
0x319: {  	v57 =	vadd.s32 s0, v10;
	_ =	sdelay $0x4  }
0x31a: {  	v48 =	vld.idx.msk [tilespmem:v57+s12+$0x0], $0xffff  }
0x31b: {  	v58 =	vadd.s32 s0, v12;
	_ =	sdelay $0x3  }
0x31c: {  	[tilespmem:v29+s22+$0x0] =	vst.idx.msk $0xffff, v48  }
0x31d: {  	v48 =	vld.idx.msk [tilespmem:v58+s12+$0x0], $0xffff  }
0x31e: {  	v59 =	vadd.s32 s0, v14;
	_ =	sdelay $0x3  }
0x31f: {  	[tilespmem:v30+s22+$0x0] =	vst.idx.msk $0xffff, v48  }
0x320: {  	v48 =	vld.idx.msk [tilespmem:v59+s12+$0x0], $0xffff  }
0x321: {  	v60 =	vadd.s32 s0, v16;
	_ =	sdelay $0x3  }
0x322: {  	[tilespmem:v31+s22+$0x0] =	vst.idx.msk $0xffff, v48  }
0x323: {  	v48 =	vld.idx.msk [tilespmem:v60+s12+$0x0], $0xffff;
	_ =	sdelay $0x4  }
0x324: {  	[tilespmem:v32+s22+$0x0] =	vst.idx.msk $0xffff, v48  }
0x325: {  	_ =	swait.ge [sflag:s26], $0x2000  }
0x326: {  	[sflag:s26] =	ssyncset.done $0x0  }
0x327: {  	[sflag:s26] =	ssyncadd.s32 $0xFFFFE000  }
0x328: {  	v61 =	vld.idx.msk [tilespmem:v33+s3+$0x0], $0xffff;
	_ =	sdelay $0x4  }
0x329: {  	(v2sf) =	vpush v61, $0x0;
	_ =	sdelay $0xe  }
0x32a: {  	s6 =	spop (v2sf)  }
0x32b: {  	s1 =	sand.u32 $0xFFFFFF80, s6  }
0x32c: {  	p0 =	slt.s32 s1, $0xF4180  }
0x32d: {  	s1 =	simm.s32 @!p0 $0xF4180  }
0x32e: {  	s0 =	ssub.s32 s6, s1  }
0x32f: {  	p0 =	slt.s32 s0, $0x7F  }
0x330: {  	s0 =	simm.s32 @!p0 $0x7F  }
0x331: {  	v62 =	vadd.s32 s0, v10;
	_ =	sdelay $0x4  }
0x332: {  	v48 =	vld.idx.msk [tilespmem:v62+s13+$0x0], $0xffff  }
0x333: {  	v63 =	vadd.s32 s0, v12;
	_ =	sdelay $0x3  }
0x334: {  	[tilespmem:v34+s22+$0x0] =	vst.idx.msk $0xffff, v48  }
0x335: {  	v48 =	vld.idx.msk [tilespmem:v63+s13+$0x0], $0xffff  }
0x336: {  	v52 =	vadd.s32 s0, v14;
	_ =	sdelay $0x3  }
0x337: {  	[tilespmem:v35+s22+$0x0] =	vst.idx.msk $0xffff, v48  }
0x338: {  	v48 =	vld.idx.msk [tilespmem:v52+s13+$0x0], $0xffff  }
0x339: {  	v53 =	vadd.s32 s0, v16;
	_ =	sdelay $0x3  }
0x33a: {  	[tilespmem:v36+s22+$0x0] =	vst.idx.msk $0xffff, v48  }
0x33b: {  	v48 =	vld.idx.msk [tilespmem:v53+s13+$0x0], $0xffff;
	_ =	sdelay $0x4  }
0x33c: {  	s8 =	simm.s32 $0x5;
	[tilespmem:v37+s22+$0x0] =	vst.idx.msk $0xffff, v48  }
0x33d: {  	_ =	swait.ge [sflag:s8], $0x2000  }
0x33e: {  	[sflag:s8] =	ssyncset.done $0x0  }
0x33f: {  	[sflag:s8] =	ssyncadd.s32 $0xFFFFE000  }
0x340: {  	v54 =	vld.idx.msk [tilespmem:v38+s3+$0x0], $0xffff;
	_ =	sdelay $0x4  }
0x341: {  	(v2sf) =	vpush v54, $0x0;
	_ =	sdelay $0xe  }
0x342: {  	s31 =	spop (v2sf)  }
0x343: {  	s1 =	sand.u32 $0xFFFFFF80, s31  }
0x344: {  	p0 =	slt.s32 s1, $0xF4180  }
0x345: {  	s1 =	simm.s32 @!p0 $0xF4180  }
0x346: {  	s0 =	ssub.s32 s31, s1  }
0x347: {  	p0 =	slt.s32 s0, $0x7F  }
0x348: {  	s0 =	simm.s32 @!p0 $0x7F  }
0x349: {  	v55 =	vadd.s32 s0, v10;
	_ =	sdelay $0x4  }
0x34a: {  	v48 =	vld.idx.msk [tilespmem:v55+s14+$0x0], $0xffff  }
0x34b: {  	v56 =	vadd.s32 s0, v12;
	_ =	sdelay $0x3  }
0x34c: {  	[tilespmem:v39+s22+$0x0] =	vst.idx.msk $0xffff, v48  }
0x34d: {  	v48 =	vld.idx.msk [tilespmem:v56+s14+$0x0], $0xffff  }
0x34e: {  	v57 =	vadd.s32 s0, v14;
	_ =	sdelay $0x3  }
0x34f: {  	[tilespmem:v40+s22+$0x0] =	vst.idx.msk $0xffff, v48  }
0x350: {  	v48 =	vld.idx.msk [tilespmem:v57+s14+$0x0], $0xffff  }
0x351: {  	v58 =	vadd.s32 s0, v16;
	_ =	sdelay $0x3  }
0x352: {  	[tilespmem:v41+s22+$0x0] =	vst.idx.msk $0xffff, v48  }
0x353: {  	v48 =	vld.idx.msk [tilespmem:v58+s14+$0x0], $0xffff;
	_ =	sdelay $0x4  }
0x354: {  	s4 =	simm.s32 $0x6;
	[tilespmem:v42+s22+$0x0] =	vst.idx.msk $0xffff, v48  }
0x355: {  	_ =	swait.ge [sflag:s4], $0x2000  }
0x356: {  	[sflag:s4] =	ssyncset.done $0x0  }
0x357: {  	[sflag:s4] =	ssyncadd.s32 $0xFFFFE000  }
0x358: {  	v59 =	vld.idx.msk [tilespmem:v43+s3+$0x0], $0xffff;
	_ =	sdelay $0x4  }
0x359: {  	(v2sf) =	vpush v59, $0x0;
	_ =	sdelay $0xe  }
0x35a: {  	s5 =	spop (v2sf)  }
0x35b: {  	s1 =	sand.u32 $0xFFFFFF80, s5  }
0x35c: {  	p0 =	slt.s32 s1, $0xF4180  }
0x35d: {  	s1 =	simm.s32 @!p0 $0xF4180  }
0x35e: {  	s0 =	ssub.s32 s5, s1  }
0x35f: {  	p0 =	slt.s32 s0, $0x7F  }
0x360: {  	s0 =	simm.s32 @!p0 $0x7F  }
0x361: {  	v60 =	vadd.s32 s0, v10;
	_ =	sdelay $0x4  }
0x362: {  	v48 =	vld.idx.msk [tilespmem:v60+s15+$0x0], $0xffff  }
0x363: {  	v61 =	vadd.s32 s0, v12;
	_ =	sdelay $0x3  }
0x364: {  	[tilespmem:v44+s22+$0x0] =	vst.idx.msk $0xffff, v48  }
0x365: {  	v48 =	vld.idx.msk [tilespmem:v61+s15+$0x0], $0xffff  }
0x366: {  	v62 =	vadd.s32 s0, v14;
	_ =	sdelay $0x3  }
0x367: {  	[tilespmem:v45+s22+$0x0] =	vst.idx.msk $0xffff, v48  }
0x368: {  	v48 =	vld.idx.msk [tilespmem:v62+s15+$0x0], $0xffff  }
0x369: {  	v63 =	vadd.s32 s0, v16;
	_ =	sdelay $0x3  }
0x36a: {  	[tilespmem:v46+s22+$0x0] =	vst.idx.msk $0xffff, v48  }
0x36b: {  	v48 =	vld.idx.msk [tilespmem:v63+s15+$0x0], $0xffff;
	_ =	sdelay $0x4  }
0x36c: {  	s8 =	simm.s32 $0x20000;
	s6 =	rddreg [dreg:$0x4];
	s4 =	simm.s32 $0xC;
	[tilespmem:v47+s22+$0x0] =	vst.idx.msk $0xffff, v48  }
0x36d: {  	[hbm4b:s6+s10] =	stream.strided.scatter [tilespmem:s22], [sflag:$0xC], $0x8000, s8, s10, $0x38;
	[tilespmem:$0x1F000] =	vst v63  }
0x36e: {  	_ =	swait.ge [sflag:s4], $0x8000  }
0x36f: {  	s8 =	rddreg [dreg:$0x6]  }
0x370: {  	s31 =	rddreg [dreg:$0x5];
	s8 =	sadd.s32 $0x1, s8  }
0x371: {  	p0 =	sne.s32 s8, s31  }
.Ltmp1:
0x372: {  	_ = 	snop;
	(pc) =	sbr.rel @p0 .LBB2_1-.Ltmp1, $3  }
0x373: {  	_ =	sdelay $0x1  }
0x374: {  	s1 =	simm.s32 $0xD000;
	[sflag:s4] =	ssyncset.done $0x0  }
0x375: {  	s5 =	simm.s32 $0xF000;
	s6 =	simm.s32 $0x11000;
	[sflag:s4] =	ssyncadd.s32 $0xFFFF8000  }
0x376: {  	_ =	sfence.sel $0x180000  }
0x377: {  	[bflag:$0x0] =	sbarrier.arrive $0xFFFF  }
0x378: {  	_ =	strace $0x90000047  }
0x379: {  	s0 =	stileid.u32;
	[bflag:$0x2] =	sbarrier.arrive $0xFFFF  }
0x37a: {  	p0 =	sne.s32 s0, $0x0;
	s0 =	rddreg [dreg:$0x2]  }
0x37b: {  	s0 =	sadd.s32 @!p0 $0x100000, s0  }
0x37c: {  	[sflag:s0] =	ssyncadd.tile.s32 @!p0 $0x1;
	_ =	shalt  }
.Lfunc_end2:
_tile_overlayer_lowered:
.L_overlay_start_2:
0x37d: {  	(tag) =	ssettag $0x2  }
0x37e: {  	s0 =	rddreg [dreg:$0x0];
	s2 =	stileid.u32  }
0x37f: {  	s1 =	rddreg [dreg:$0x1];
	p0 =	sne.s32 s2, $0x0  }
0x380: {  	s3 =	rddreg [dreg:$0x2];
	[bflag:$0x3] =	sbarrier.arrive $0xFFFF;
	s2 =	simm.s32 @!p0 $0x1C0C  }
0x381: {  	[timem:s3], [sflag:s2] =	dma.local @!p0 [hbm:s0], s1  }
0x382: {  	s0 =	simm.s32 @!p0 $0xC  }
0x383: {  	_ =	swait.ge @!p0 [sflag:s0], s1  }
0x384: {  	s1 =	ssub.s32 @!p0 $0x0, s1;
	[sflag:s0] =	ssyncset.done @!p0 $0x0  }
0x385: {  	[sflag:s0] =	ssyncadd.s32 @!p0 s1  }
0x386: {  	[bflag:$0x3] =	sbarrier.arrive $0xFFFF  }
0x387: {  	_ =	shalt  }

</sc_bundles>
